<compile_context>
chip_gen: v7x
topology: tpu7x:2x2x1
jax: 0.10.2.dev20260603
libtpu: 0.0.44.dev20260713+nightly
codegen_flags: <defaults>
</compile_context>

<pallas_src>
import jax
import jax.numpy as jnp
from jax import lax
from jax.experimental import pallas as pl
from jax.experimental.pallas import tpu as pltpu
from jax.experimental.pallas import tpu_sc as plsc

_B = 1024
_V = 100000
_CC = 2560
_NK = 38
_VSC = _CC * _NK
_NW = 32
_RW = _B // _NW
_WPC = _CC // 4
_NT = _CC // 16


def _sc_body(logits_hbm, mask_hbm, out_hbm,
             dbuf0, dbuf1, mbuf0, mbuf1,
             dsem0, dsem1, msem0, msem1, osem0, osem1):
    wid = lax.axis_index("s") * 2 + lax.axis_index("c")
    row0 = pl.multiple_of(wid * _RW, 32)

    dbufs = (dbuf0, dbuf1)
    mbufs = (mbuf0, mbuf1)
    dsems = (dsem0, dsem1)
    msems = (msem0, msem1)
    osems = (osem0, osem1)

    def start_mask(k, p):
        c0 = pl.multiple_of(k * _CC, 128)
        for j in range(4):
            src = (mask_hbm
                   .at[pl.ds(row0, 32), pl.ds(c0 + 640 * j, _CC)]
                   .bitcast(jnp.int32)
                   .at[pl.ds(0, 8), pl.ds(0, _WPC)])
            pltpu.async_copy(src, mbufs[p].at[:, pl.ds(640 * j, _WPC)],
                             msems[p])

    def wait_mask(p):
        for j in range(4):
            pltpu.make_async_copy(
                mask_hbm.at[pl.ds(0, 32), pl.ds(0, _CC)]
                .bitcast(jnp.int32).at[pl.ds(0, 8), pl.ds(0, _WPC)],
                mbufs[p].at[:, pl.ds(640 * j, _WPC)], msems[p]).wait()

    def start_data(k, a, p):
        r = pl.multiple_of(row0 + 8 * a, 8)
        c0 = pl.multiple_of(k * _CC, 128)
        pltpu.async_copy(logits_hbm.at[pl.ds(r, 8), pl.ds(c0, _CC)],
                         dbufs[p], dsems[p])

    def wait_data(p):
        pltpu.make_async_copy(logits_hbm.at[pl.ds(0, 8), pl.ds(0, _CC)],
                              dbufs[p], dsems[p]).wait()

    def start_out(k, a, p):
        r = pl.multiple_of(row0 + 8 * a, 8)
        c0 = pl.multiple_of(k * _CC, 128)
        pltpu.async_copy(dbufs[p], out_hbm.at[pl.ds(r, 8), pl.ds(c0, _CC)],
                         osems[p])

    def wait_out(p):
        pltpu.make_async_copy(dbufs[p], out_hbm.at[pl.ds(0, 8), pl.ds(0, _CC)],
                              osems[p]).wait()

    def compute(a, pd, pm):
        lb = dbufs[pd]
        mb = mbufs[pm]

        def win(t, carry):
            ct = t * 16
            for qh in range(2):
                mw = mb[2 * a + qh, pl.ds(ct, 16)]
                for kk in range(4):
                    keep = jnp.left_shift(mw, 31 - 8 * kk) < 0
                    ri = 4 * qh + kk
                    x = lb[ri, pl.ds(ct, 16)]
                    lb[ri, pl.ds(ct, 16)] = jnp.where(keep, x, 0.0)
            return carry

        lax.fori_loop(0, _NT, win, 0, unroll=2)

    def chunk(k, kc):
        @pl.when(k + 1 < _NK)
        def _():
            start_mask(k + 1, kc ^ 1)
        wait_mask(kc)
        for a in range(4):
            pa = a & 1
            if a == 0:
                @pl.when(k >= 1)
                def _():
                    wait_out(1)
                start_data(k, 1, 1)
            elif a < 3:
                wait_out(pa ^ 1)
                start_data(k, a + 1, pa ^ 1)
            else:
                @pl.when(k + 1 < _NK)
                def _():
                    wait_out(pa ^ 1)
                    start_data(k + 1, 0, pa ^ 1)
            wait_data(pa)
            compute(a, pa, kc)
            start_out(k, a, pa)

    start_mask(0, 0)
    start_data(0, 0, 0)

    def pairs(k2, carry):
        k = 2 * k2
        chunk(k, 0)
        chunk(k + 1, 1)
        return carry

    lax.fori_loop(0, _NK // 2, pairs, 0)

    wait_out(0)
    wait_out(1)


def _make_sc():
    mesh = plsc.VectorSubcoreMesh(core_axis_name="c", subcore_axis_name="s")
    return pl.kernel(
        _sc_body,
        out_type=jax.ShapeDtypeStruct((_B, _V), jnp.float32),
        mesh=mesh,
        scratch_types=[
            pltpu.VMEM((8, _CC), jnp.float32),
            pltpu.VMEM((8, _CC), jnp.float32),
            pltpu.VMEM((8, _CC), jnp.int32),
            pltpu.VMEM((8, _CC), jnp.int32),
            pltpu.SemaphoreType.DMA,
            pltpu.SemaphoreType.DMA,
            pltpu.SemaphoreType.DMA,
            pltpu.SemaphoreType.DMA,
            pltpu.SemaphoreType.DMA,
            pltpu.SemaphoreType.DMA,
        ],
    )


def _tc_tail_body(acc_ref, l_ref, m_ref, o_ref):
    del acc_ref
    o_ref[...] = jnp.where(m_ref[...], l_ref[...], 0.0)


def _tc_tail(acc, logits, mask):
    return pl.pallas_call(
        _tc_tail_body,
        grid=(8, 2),
        in_specs=[
            pl.BlockSpec(memory_space=pl.ANY),
            pl.BlockSpec((128, _CC), lambda i, j: (i, _NK + j)),
            pl.BlockSpec((128, _CC), lambda i, j: (i, _NK + j)),
        ],
        out_specs=pl.BlockSpec((128, _CC), lambda i, j: (i, _NK + j)),
        out_shape=jax.ShapeDtypeStruct((_B, _V), jnp.float32),
        input_output_aliases={0: 0},
    )(acc, logits, mask)


def kernel(logits, mask):
    sc_out = _make_sc()(logits, mask.view(jnp.uint8))
    return _tc_tail(sc_out, logits, mask)

# --- scband reference (transcript-rebuilt; emitter-appended) ---
"""Pipeline reference for scband-logits-mask-to-softmax-62663572849350 (READ-ONLY COPY).

The authoritative reference and input builder live on the scoring server;
editing this copy changes nothing except your own understanding.
"""

import jax, jax.numpy as jnp
import numpy as np


def setup_inputs(seed: int = 0) -> dict:
    key = jax.random.key(seed)
    k1, k2 = jax.random.split(key)
    logits = jax.random.normal(k1, (1024, 100000), dtype=jnp.float32)
    mask = jax.random.randint(k2, (1024, 100000), 0, 2, dtype=jnp.int32).astype(jnp.bool_)
    return {"logits": logits, "mask": mask}


def reference(logits, mask):
    # Original TF layer receives (logits, mask) as a tuple; zip(*args) wraps each
    # tensor in a 1-tuple, which TF stacks into a leading dim of size 1:
    #   logits -> [1, B, V], mask -> [1, B, V]
    # tf.boolean_mask gathers logits at True positions (flat [nnz]),
    # tf.scatter_nd(tf.where(mask), masked, shape(mask)) scatters them back into
    # zeros of shape [1, B, V], then squeeze(axis=0) -> [B, V].
    # Net effect (exact same math): keep logits where mask is True, zero elsewhere.
    lg = logits[None, ...]
    mk = mask[None, ...]
    probs = jnp.where(mk, lg, jnp.zeros_like(lg))
    probs = jnp.squeeze(probs, axis=0)
    return probs

if __name__ == "__main__":
    import jax
    _d = setup_inputs()
    print(jax.jit(kernel)(*tuple(_d.values())))

</pallas_src>

<mosaic_0001>
#map = affine_map<(d0, d1) -> (0, 0)>
module attributes {stable_mosaic.version = 14 : i64} {
  func.func @_sc_body(%arg0: i32, %arg1: i32, %arg2: memref<1024x100000xf32, #tpu.memory_space<hbm>>, %arg3: memref<1024x100000xi8, #tpu.memory_space<hbm>>, %arg4: memref<1024x100000xf32, #tpu.memory_space<hbm>>, %arg5: memref<8x2560xf32, #tpu.memory_space<vmem>>, %arg6: memref<8x2560xf32, #tpu.memory_space<vmem>>, %arg7: memref<8x2560xi32, #tpu.memory_space<vmem>>, %arg8: memref<8x2560xi32, #tpu.memory_space<vmem>>, %arg9: memref<!tpu.dma_semaphore, #tpu.memory_space<semaphore_mem>>, %arg10: memref<!tpu.dma_semaphore, #tpu.memory_space<semaphore_mem>>, %arg11: memref<!tpu.dma_semaphore, #tpu.memory_space<semaphore_mem>>, %arg12: memref<!tpu.dma_semaphore, #tpu.memory_space<semaphore_mem>>, %arg13: memref<!tpu.dma_semaphore, #tpu.memory_space<semaphore_mem>>, %arg14: memref<!tpu.dma_semaphore, #tpu.memory_space<semaphore_mem>>) attributes {dimension_semantics = [#tpu.dimension_semantics<core_parallel>, #tpu.dimension_semantics<subcore_parallel>], iteration_bounds = array<i64: 2, 16>, scalar_prefetch = 0 : i64, scratch_operands = 10 : i64, tpu.core_type = #tpu.core_type<sc_vector_subcore>, window_params = [{transform_indices = #map}, {transform_indices = #map}, {transform_indices = #map}]} {
    %mul3A = arith.constant 2 : i32
    %mul3A_0 = arith.muli %arg1, %mul3A : i32
    %add3A = arith.addi %mul3A_0, %arg0 : i32
    %mul3A_1 = arith.constant 32 : i32
    %mul3A_2 = arith.muli %add3A, %mul3A_1 : i32
    %multiple_of3A = tpu.assume_multiple %mul3A_2, 32 : i32
    %multiple_of3A_3 = arith.constant 0 : i32
    %multiple_of3A_4 = tpu.assume_multiple %multiple_of3A_3, 128 : i32
    %add3A_5 = arith.constant 0 : i32
    %add3A_6 = arith.addi %multiple_of3A_4, %add3A_5 : i32
    %dma_start3A = arith.constant 0 : i32
    %dma_start3A_7 = arith.constant 0 : i32
    %dma_start3A_8 = tpu.memref_slice %arg7[%dma_start3A, %dma_start3A_7] : memref<8x2560xi32, #tpu.memory_space<vmem>> -> memref<8x640xi32, #tpu.memory_space<vmem>>
    %dma_start3A_9 = tpu.memref_slice %arg3[%multiple_of3A, %add3A_6] : memref<1024x100000xi8, #tpu.memory_space<hbm>> -> memref<32x2560xi8, #tpu.memory_space<hbm>>
    %dma_start3A_10 = tpu.memref_bitcast %dma_start3A_9 : memref<32x2560xi8, #tpu.memory_space<hbm>> -> memref<8x2560xi32, #tpu.memory_space<hbm>>
    %dma_start3A_11 = arith.constant 0 : i32
    %dma_start3A_12 = arith.constant 0 : i32
    %dma_start3A_13 = tpu.memref_slice %dma_start3A_10[%dma_start3A_11, %dma_start3A_12] : memref<8x2560xi32, #tpu.memory_space<hbm>> -> memref<8x640xi32, #tpu.memory_space<hbm>>
    %dma_start3A_14 = arith.constant 0 : i32
    %dma_start3A_15 = arith.constant 0 : i32
    %dma_start3A_16 = tpu.memref_slice %arg7[%dma_start3A_14, %dma_start3A_15] : memref<8x2560xi32, #tpu.memory_space<vmem>> -> memref<8x640xi32, #tpu.memory_space<vmem>>
    %dma_start3A_17 = tpu.memref_slice %arg3[%multiple_of3A, %add3A_6] : memref<1024x100000xi8, #tpu.memory_space<hbm>> -> memref<32x2560xi8, #tpu.memory_space<hbm>>
    %dma_start3A_18 = tpu.memref_bitcast %dma_start3A_17 : memref<32x2560xi8, #tpu.memory_space<hbm>> -> memref<8x2560xi32, #tpu.memory_space<hbm>>
    %dma_start3A_19 = arith.constant 0 : i32
    %dma_start3A_20 = arith.constant 0 : i32
    %dma_start3A_21 = tpu.memref_slice %dma_start3A_18[%dma_start3A_19, %dma_start3A_20] : memref<8x2560xi32, #tpu.memory_space<hbm>> -> memref<8x640xi32, #tpu.memory_space<hbm>>
    tpu.enqueue_dma source(%dma_start3A_21 : memref<8x640xi32, #tpu.memory_space<hbm>>) target(%dma_start3A_16 : memref<8x640xi32, #tpu.memory_space<vmem>>) target_semaphore(%arg11 : memref<!tpu.dma_semaphore, #tpu.memory_space<semaphore_mem>>)
    %add3A_22 = arith.constant 640 : i32
    %add3A_23 = arith.addi %multiple_of3A_4, %add3A_22 : i32
    %dma_start3A_24 = arith.constant 0 : i32
    %dma_start3A_25 = arith.constant 640 : i32
    %dma_start3A_26 = tpu.memref_slice %arg7[%dma_start3A_24, %dma_start3A_25] : memref<8x2560xi32, #tpu.memory_space<vmem>> -> memref<8x640xi32, #tpu.memory_space<vmem>>
    %dma_start3A_27 = tpu.memref_slice %arg3[%multiple_of3A, %add3A_23] : memref<1024x100000xi8, #tpu.memory_space<hbm>> -> memref<32x2560xi8, #tpu.memory_space<hbm>>
    %dma_start3A_28 = tpu.memref_bitcast %dma_start3A_27 : memref<32x2560xi8, #tpu.memory_space<hbm>> -> memref<8x2560xi32, #tpu.memory_space<hbm>>
    %dma_start3A_29 = arith.constant 0 : i32
    %dma_start3A_30 = arith.constant 0 : i32
    %dma_start3A_31 = tpu.memref_slice %dma_start3A_28[%dma_start3A_29, %dma_start3A_30] : memref<8x2560xi32, #tpu.memory_space<hbm>> -> memref<8x640xi32, #tpu.memory_space<hbm>>
    %dma_start3A_32 = arith.constant 0 : i32
    %dma_start3A_33 = arith.constant 640 : i32
    %dma_start3A_34 = tpu.memref_slice %arg7[%dma_start3A_32, %dma_start3A_33] : memref<8x2560xi32, #tpu.memory_space<vmem>> -> memref<8x640xi32, #tpu.memory_space<vmem>>
    %dma_start3A_35 = tpu.memref_slice %arg3[%multiple_of3A, %add3A_23] : memref<1024x100000xi8, #tpu.memory_space<hbm>> -> memref<32x2560xi8, #tpu.memory_space<hbm>>
    %dma_start3A_36 = tpu.memref_bitcast %dma_start3A_35 : memref<32x2560xi8, #tpu.memory_space<hbm>> -> memref<8x2560xi32, #tpu.memory_space<hbm>>
    %dma_start3A_37 = arith.constant 0 : i32
    %dma_start3A_38 = arith.constant 0 : i32
    %dma_start3A_39 = tpu.memref_slice %dma_start3A_36[%dma_start3A_37, %dma_start3A_38] : memref<8x2560xi32, #tpu.memory_space<hbm>> -> memref<8x640xi32, #tpu.memory_space<hbm>>
    tpu.enqueue_dma source(%dma_start3A_39 : memref<8x640xi32, #tpu.memory_space<hbm>>) target(%dma_start3A_34 : memref<8x640xi32, #tpu.memory_space<vmem>>) target_semaphore(%arg11 : memref<!tpu.dma_semaphore, #tpu.memory_space<semaphore_mem>>)
    %add3A_40 = arith.constant 1280 : i32
    %add3A_41 = arith.addi %multiple_of3A_4, %add3A_40 : i32
    %dma_start3A_42 = arith.constant 0 : i32
    %dma_start3A_43 = arith.constant 1280 : i32
    %dma_start3A_44 = tpu.memref_slice %arg7[%dma_start3A_42, %dma_start3A_43] : memref<8x2560xi32, #tpu.memory_space<vmem>> -> memref<8x640xi32, #tpu.memory_space<vmem>>
    %dma_start3A_45 = tpu.memref_slice %arg3[%multiple_of3A, %add3A_41] : memref<1024x100000xi8, #tpu.memory_space<hbm>> -> memref<32x2560xi8, #tpu.memory_space<hbm>>
    %dma_start3A_46 = tpu.memref_bitcast %dma_start3A_45 : memref<32x2560xi8, #tpu.memory_space<hbm>> -> memref<8x2560xi32, #tpu.memory_space<hbm>>
    %dma_start3A_47 = arith.constant 0 : i32
    %dma_start3A_48 = arith.constant 0 : i32
    %dma_start3A_49 = tpu.memref_slice %dma_start3A_46[%dma_start3A_47, %dma_start3A_48] : memref<8x2560xi32, #tpu.memory_space<hbm>> -> memref<8x640xi32, #tpu.memory_space<hbm>>
    %dma_start3A_50 = arith.constant 0 : i32
    %dma_start3A_51 = arith.constant 1280 : i32
    %dma_start3A_52 = tpu.memref_slice %arg7[%dma_start3A_50, %dma_start3A_51] : memref<8x2560xi32, #tpu.memory_space<vmem>> -> memref<8x640xi32, #tpu.memory_space<vmem>>
    %dma_start3A_53 = tpu.memref_slice %arg3[%multiple_of3A, %add3A_41] : memref<1024x100000xi8, #tpu.memory_space<hbm>> -> memref<32x2560xi8, #tpu.memory_space<hbm>>
    %dma_start3A_54 = tpu.memref_bitcast %dma_start3A_53 : memref<32x2560xi8, #tpu.memory_space<hbm>> -> memref<8x2560xi32, #tpu.memory_space<hbm>>
    %dma_start3A_55 = arith.constant 0 : i32
    %dma_start3A_56 = arith.constant 0 : i32
    %dma_start3A_57 = tpu.memref_slice %dma_start3A_54[%dma_start3A_55, %dma_start3A_56] : memref<8x2560xi32, #tpu.memory_space<hbm>> -> memref<8x640xi32, #tpu.memory_space<hbm>>
    tpu.enqueue_dma source(%dma_start3A_57 : memref<8x640xi32, #tpu.memory_space<hbm>>) target(%dma_start3A_52 : memref<8x640xi32, #tpu.memory_space<vmem>>) target_semaphore(%arg11 : memref<!tpu.dma_semaphore, #tpu.memory_space<semaphore_mem>>)
    %add3A_58 = arith.constant 1920 : i32
    %add3A_59 = arith.addi %multiple_of3A_4, %add3A_58 : i32
    %dma_start3A_60 = arith.constant 0 : i32
    %dma_start3A_61 = arith.constant 1920 : i32
    %dma_start3A_62 = tpu.memref_slice %arg7[%dma_start3A_60, %dma_start3A_61] : memref<8x2560xi32, #tpu.memory_space<vmem>> -> memref<8x640xi32, #tpu.memory_space<vmem>>
    %dma_start3A_63 = tpu.memref_slice %arg3[%multiple_of3A, %add3A_59] : memref<1024x100000xi8, #tpu.memory_space<hbm>> -> memref<32x2560xi8, #tpu.memory_space<hbm>>
    %dma_start3A_64 = tpu.memref_bitcast %dma_start3A_63 : memref<32x2560xi8, #tpu.memory_space<hbm>> -> memref<8x2560xi32, #tpu.memory_space<hbm>>
    %dma_start3A_65 = arith.constant 0 : i32
    %dma_start3A_66 = arith.constant 0 : i32
    %dma_start3A_67 = tpu.memref_slice %dma_start3A_64[%dma_start3A_65, %dma_start3A_66] : memref<8x2560xi32, #tpu.memory_space<hbm>> -> memref<8x640xi32, #tpu.memory_space<hbm>>
    %dma_start3A_68 = arith.constant 0 : i32
    %dma_start3A_69 = arith.constant 1920 : i32
    %dma_start3A_70 = tpu.memref_slice %arg7[%dma_start3A_68, %dma_start3A_69] : memref<8x2560xi32, #tpu.memory_space<vmem>> -> memref<8x640xi32, #tpu.memory_space<vmem>>
    %dma_start3A_71 = tpu.memref_slice %arg3[%multiple_of3A, %add3A_59] : memref<1024x100000xi8, #tpu.memory_space<hbm>> -> memref<32x2560xi8, #tpu.memory_space<hbm>>
    %dma_start3A_72 = tpu.memref_bitcast %dma_start3A_71 : memref<32x2560xi8, #tpu.memory_space<hbm>> -> memref<8x2560xi32, #tpu.memory_space<hbm>>
    %dma_start3A_73 = arith.constant 0 : i32
    %dma_start3A_74 = arith.constant 0 : i32
    %dma_start3A_75 = tpu.memref_slice %dma_start3A_72[%dma_start3A_73, %dma_start3A_74] : memref<8x2560xi32, #tpu.memory_space<hbm>> -> memref<8x640xi32, #tpu.memory_space<hbm>>
    tpu.enqueue_dma source(%dma_start3A_75 : memref<8x640xi32, #tpu.memory_space<hbm>>) target(%dma_start3A_70 : memref<8x640xi32, #tpu.memory_space<vmem>>) target_semaphore(%arg11 : memref<!tpu.dma_semaphore, #tpu.memory_space<semaphore_mem>>)
    %add3A_76 = arith.constant 0 : i32
    %add3A_77 = arith.addi %multiple_of3A, %add3A_76 : i32
    %multiple_of3A_78 = tpu.assume_multiple %add3A_77, 8 : i32
    %multiple_of3A_79 = arith.constant 0 : i32
    %multiple_of3A_80 = tpu.assume_multiple %multiple_of3A_79, 128 : i32
    %dma_start3A_81 = tpu.memref_slice %arg2[%multiple_of3A_78, %multiple_of3A_80] : memref<1024x100000xf32, #tpu.memory_space<hbm>> -> memref<8x2560xf32, #tpu.memory_space<hbm>>
    %dma_start3A_82 = tpu.memref_slice %arg2[%multiple_of3A_78, %multiple_of3A_80] : memref<1024x100000xf32, #tpu.memory_space<hbm>> -> memref<8x2560xf32, #tpu.memory_space<hbm>>
    tpu.enqueue_dma source(%dma_start3A_82 : memref<8x2560xf32, #tpu.memory_space<hbm>>) target(%arg5 : memref<8x2560xf32, #tpu.memory_space<vmem>>) target_semaphore(%arg9 : memref<!tpu.dma_semaphore, #tpu.memory_space<semaphore_mem>>)
    %scan3A = arith.constant 0 : i32
    %scan3A_83 = arith.constant 0 : i32
    %scan3A_84 = arith.constant 19 : i32
    %scan3A_85 = arith.addi %scan3A_83, %scan3A_84 : i32
    %scan3A_86 = arith.constant 1 : i32
    scf.for %scan3A_99 = %scan3A_83 to %scan3A_85 step %scan3A_86  : i32 {
      %mul3A_100 = arith.constant 2 : i32
      %mul3A_101 = arith.muli %mul3A_100, %scan3A_99 : i32
      %add3A_102 = arith.constant 1 : i32
      %add3A_103 = arith.addi %mul3A_101, %add3A_102 : i32
      %lt3A = arith.constant 38 : i32
      %lt3A_104 = arith.cmpi slt, %add3A_103, %lt3A : i32
      %convert_element_type3A = arith.extui %lt3A_104 : i1 to i32
      %cond3A = arith.constant 0 : i32
      %cond3A_105 = arith.cmpi ne, %convert_element_type3A, %cond3A : i32
      scf.if %cond3A_105 {
        %add3A_530 = arith.constant 1 : i32
        %add3A_531 = arith.addi %mul3A_101, %add3A_530 : i32
        %mul3A_532 = arith.constant 2560 : i32
        %mul3A_533 = arith.muli %add3A_531, %mul3A_532 : i32
        %multiple_of3A_534 = tpu.assume_multiple %mul3A_533, 128 : i32
        %add3A_535 = arith.constant 0 : i32
        %add3A_536 = arith.addi %multiple_of3A_534, %add3A_535 : i32
        %dma_start3A_537 = arith.constant 0 : i32
        %dma_start3A_538 = arith.constant 0 : i32
        %dma_start3A_539 = tpu.memref_slice %arg8[%dma_start3A_537, %dma_start3A_538] : memref<8x2560xi32, #tpu.memory_space<vmem>> -> memref<8x640xi32, #tpu.memory_space<vmem>>
        %dma_start3A_540 = tpu.memref_slice %arg3[%multiple_of3A, %add3A_536] : memref<1024x100000xi8, #tpu.memory_space<hbm>> -> memref<32x2560xi8, #tpu.memory_space<hbm>>
        %dma_start3A_541 = tpu.memref_bitcast %dma_start3A_540 : memref<32x2560xi8, #tpu.memory_space<hbm>> -> memref<8x2560xi32, #tpu.memory_space<hbm>>
        %dma_start3A_542 = arith.constant 0 : i32
        %dma_start3A_543 = arith.constant 0 : i32
        %dma_start3A_544 = tpu.memref_slice %dma_start3A_541[%dma_start3A_542, %dma_start3A_543] : memref<8x2560xi32, #tpu.memory_space<hbm>> -> memref<8x640xi32, #tpu.memory_space<hbm>>
        %dma_start3A_545 = arith.constant 0 : i32
        %dma_start3A_546 = arith.constant 0 : i32
        %dma_start3A_547 = tpu.memref_slice %arg8[%dma_start3A_545, %dma_start3A_546] : memref<8x2560xi32, #tpu.memory_space<vmem>> -> memref<8x640xi32, #tpu.memory_space<vmem>>
        %dma_start3A_548 = tpu.memref_slice %arg3[%multiple_of3A, %add3A_536] : memref<1024x100000xi8, #tpu.memory_space<hbm>> -> memref<32x2560xi8, #tpu.memory_space<hbm>>
        %dma_start3A_549 = tpu.memref_bitcast %dma_start3A_548 : memref<32x2560xi8, #tpu.memory_space<hbm>> -> memref<8x2560xi32, #tpu.memory_space<hbm>>
        %dma_start3A_550 = arith.constant 0 : i32
        %dma_start3A_551 = arith.constant 0 : i32
        %dma_start3A_552 = tpu.memref_slice %dma_start3A_549[%dma_start3A_550, %dma_start3A_551] : memref<8x2560xi32, #tpu.memory_space<hbm>> -> memref<8x640xi32, #tpu.memory_space<hbm>>
        tpu.enqueue_dma source(%dma_start3A_552 : memref<8x640xi32, #tpu.memory_space<hbm>>) target(%dma_start3A_547 : memref<8x640xi32, #tpu.memory_space<vmem>>) target_semaphore(%arg12 : memref<!tpu.dma_semaphore, #tpu.memory_space<semaphore_mem>>)
        %add3A_553 = arith.constant 640 : i32
        %add3A_554 = arith.addi %multiple_of3A_534, %add3A_553 : i32
        %dma_start3A_555 = arith.constant 0 : i32
        %dma_start3A_556 = arith.constant 640 : i32
        %dma_start3A_557 = tpu.memref_slice %arg8[%dma_start3A_555, %dma_start3A_556] : memref<8x2560xi32, #tpu.memory_space<vmem>> -> memref<8x640xi32, #tpu.memory_space<vmem>>
        %dma_start3A_558 = tpu.memref_slice %arg3[%multiple_of3A, %add3A_554] : memref<1024x100000xi8, #tpu.memory_space<hbm>> -> memref<32x2560xi8, #tpu.memory_space<hbm>>
        %dma_start3A_559 = tpu.memref_bitcast %dma_start3A_558 : memref<32x2560xi8, #tpu.memory_space<hbm>> -> memref<8x2560xi32, #tpu.memory_space<hbm>>
        %dma_start3A_560 = arith.constant 0 : i32
        %dma_start3A_561 = arith.constant 0 : i32
        %dma_start3A_562 = tpu.memref_slice %dma_start3A_559[%dma_start3A_560, %dma_start3A_561] : memref<8x2560xi32, #tpu.memory_space<hbm>> -> memref<8x640xi32, #tpu.memory_space<hbm>>
        %dma_start3A_563 = arith.constant 0 : i32
        %dma_start3A_564 = arith.constant 640 : i32
        %dma_start3A_565 = tpu.memref_slice %arg8[%dma_start3A_563, %dma_start3A_564] : memref<8x2560xi32, #tpu.memory_space<vmem>> -> memref<8x640xi32, #tpu.memory_space<vmem>>
        %dma_start3A_566 = tpu.memref_slice %arg3[%multiple_of3A, %add3A_554] : memref<1024x100000xi8, #tpu.memory_space<hbm>> -> memref<32x2560xi8, #tpu.memory_space<hbm>>
        %dma_start3A_567 = tpu.memref_bitcast %dma_start3A_566 : memref<32x2560xi8, #tpu.memory_space<hbm>> -> memref<8x2560xi32, #tpu.memory_space<hbm>>
        %dma_start3A_568 = arith.constant 0 : i32
        %dma_start3A_569 = arith.constant 0 : i32
        %dma_start3A_570 = tpu.memref_slice %dma_start3A_567[%dma_start3A_568, %dma_start3A_569] : memref<8x2560xi32, #tpu.memory_space<hbm>> -> memref<8x640xi32, #tpu.memory_space<hbm>>
        tpu.enqueue_dma source(%dma_start3A_570 : memref<8x640xi32, #tpu.memory_space<hbm>>) target(%dma_start3A_565 : memref<8x640xi32, #tpu.memory_space<vmem>>) target_semaphore(%arg12 : memref<!tpu.dma_semaphore, #tpu.memory_space<semaphore_mem>>)
        %add3A_571 = arith.constant 1280 : i32
        %add3A_572 = arith.addi %multiple_of3A_534, %add3A_571 : i32
        %dma_start3A_573 = arith.constant 0 : i32
        %dma_start3A_574 = arith.constant 1280 : i32
        %dma_start3A_575 = tpu.memref_slice %arg8[%dma_start3A_573, %dma_start3A_574] : memref<8x2560xi32, #tpu.memory_space<vmem>> -> memref<8x640xi32, #tpu.memory_space<vmem>>
        %dma_start3A_576 = tpu.memref_slice %arg3[%multiple_of3A, %add3A_572] : memref<1024x100000xi8, #tpu.memory_space<hbm>> -> memref<32x2560xi8, #tpu.memory_space<hbm>>
        %dma_start3A_577 = tpu.memref_bitcast %dma_start3A_576 : memref<32x2560xi8, #tpu.memory_space<hbm>> -> memref<8x2560xi32, #tpu.memory_space<hbm>>
        %dma_start3A_578 = arith.constant 0 : i32
        %dma_start3A_579 = arith.constant 0 : i32
        %dma_start3A_580 = tpu.memref_slice %dma_start3A_577[%dma_start3A_578, %dma_start3A_579] : memref<8x2560xi32, #tpu.memory_space<hbm>> -> memref<8x640xi32, #tpu.memory_space<hbm>>
        %dma_start3A_581 = arith.constant 0 : i32
        %dma_start3A_582 = arith.constant 1280 : i32
        %dma_start3A_583 = tpu.memref_slice %arg8[%dma_start3A_581, %dma_start3A_582] : memref<8x2560xi32, #tpu.memory_space<vmem>> -> memref<8x640xi32, #tpu.memory_space<vmem>>
        %dma_start3A_584 = tpu.memref_slice %arg3[%multiple_of3A, %add3A_572] : memref<1024x100000xi8, #tpu.memory_space<hbm>> -> memref<32x2560xi8, #tpu.memory_space<hbm>>
        %dma_start3A_585 = tpu.memref_bitcast %dma_start3A_584 : memref<32x2560xi8, #tpu.memory_space<hbm>> -> memref<8x2560xi32, #tpu.memory_space<hbm>>
        %dma_start3A_586 = arith.constant 0 : i32
        %dma_start3A_587 = arith.constant 0 : i32
        %dma_start3A_588 = tpu.memref_slice %dma_start3A_585[%dma_start3A_586, %dma_start3A_587] : memref<8x2560xi32, #tpu.memory_space<hbm>> -> memref<8x640xi32, #tpu.memory_space<hbm>>
        tpu.enqueue_dma source(%dma_start3A_588 : memref<8x640xi32, #tpu.memory_space<hbm>>) target(%dma_start3A_583 : memref<8x640xi32, #tpu.memory_space<vmem>>) target_semaphore(%arg12 : memref<!tpu.dma_semaphore, #tpu.memory_space<semaphore_mem>>)
        %add3A_589 = arith.constant 1920 : i32
        %add3A_590 = arith.addi %multiple_of3A_534, %add3A_589 : i32
        %dma_start3A_591 = arith.constant 0 : i32
        %dma_start3A_592 = arith.constant 1920 : i32
        %dma_start3A_593 = tpu.memref_slice %arg8[%dma_start3A_591, %dma_start3A_592] : memref<8x2560xi32, #tpu.memory_space<vmem>> -> memref<8x640xi32, #tpu.memory_space<vmem>>
        %dma_start3A_594 = tpu.memref_slice %arg3[%multiple_of3A, %add3A_590] : memref<1024x100000xi8, #tpu.memory_space<hbm>> -> memref<32x2560xi8, #tpu.memory_space<hbm>>
        %dma_start3A_595 = tpu.memref_bitcast %dma_start3A_594 : memref<32x2560xi8, #tpu.memory_space<hbm>> -> memref<8x2560xi32, #tpu.memory_space<hbm>>
        %dma_start3A_596 = arith.constant 0 : i32
        %dma_start3A_597 = arith.constant 0 : i32
        %dma_start3A_598 = tpu.memref_slice %dma_start3A_595[%dma_start3A_596, %dma_start3A_597] : memref<8x2560xi32, #tpu.memory_space<hbm>> -> memref<8x640xi32, #tpu.memory_space<hbm>>
        %dma_start3A_599 = arith.constant 0 : i32
        %dma_start3A_600 = arith.constant 1920 : i32
        %dma_start3A_601 = tpu.memref_slice %arg8[%dma_start3A_599, %dma_start3A_600] : memref<8x2560xi32, #tpu.memory_space<vmem>> -> memref<8x640xi32, #tpu.memory_space<vmem>>
        %dma_start3A_602 = tpu.memref_slice %arg3[%multiple_of3A, %add3A_590] : memref<1024x100000xi8, #tpu.memory_space<hbm>> -> memref<32x2560xi8, #tpu.memory_space<hbm>>
        %dma_start3A_603 = tpu.memref_bitcast %dma_start3A_602 : memref<32x2560xi8, #tpu.memory_space<hbm>> -> memref<8x2560xi32, #tpu.memory_space<hbm>>
        %dma_start3A_604 = arith.constant 0 : i32
        %dma_start3A_605 = arith.constant 0 : i32
        %dma_start3A_606 = tpu.memref_slice %dma_start3A_603[%dma_start3A_604, %dma_start3A_605] : memref<8x2560xi32, #tpu.memory_space<hbm>> -> memref<8x640xi32, #tpu.memory_space<hbm>>
        tpu.enqueue_dma source(%dma_start3A_606 : memref<8x640xi32, #tpu.memory_space<hbm>>) target(%dma_start3A_601 : memref<8x640xi32, #tpu.memory_space<vmem>>) target_semaphore(%arg12 : memref<!tpu.dma_semaphore, #tpu.memory_space<semaphore_mem>>)
      } else {
      }
      %dma_wait3A_106 = arith.constant 0 : i32
      %dma_wait3A_107 = arith.constant 0 : i32
      %dma_wait3A_108 = tpu.memref_slice %arg7[%dma_wait3A_106, %dma_wait3A_107] : memref<8x2560xi32, #tpu.memory_space<vmem>> -> memref<8x640xi32, #tpu.memory_space<vmem>>
      %dma_wait3A_109 = arith.constant 0 : i32
      %dma_wait3A_110 = arith.constant 0 : i32
      %dma_wait3A_111 = tpu.memref_slice %arg3[%dma_wait3A_109, %dma_wait3A_110] : memref<1024x100000xi8, #tpu.memory_space<hbm>> -> memref<32x2560xi8, #tpu.memory_space<hbm>>
      %dma_wait3A_112 = tpu.memref_bitcast %dma_wait3A_111 : memref<32x2560xi8, #tpu.memory_space<hbm>> -> memref<8x2560xi32, #tpu.memory_space<hbm>>
      %dma_wait3A_113 = arith.constant 0 : i32
      %dma_wait3A_114 = arith.constant 0 : i32
      %dma_wait3A_115 = tpu.memref_slice %dma_wait3A_112[%dma_wait3A_113, %dma_wait3A_114] : memref<8x2560xi32, #tpu.memory_space<hbm>> -> memref<8x640xi32, #tpu.memory_space<hbm>>
      %dma_wait3A_116 = arith.constant 0 : i32
      %dma_wait3A_117 = arith.constant 0 : i32
      %dma_wait3A_118 = tpu.memref_slice %arg7[%dma_wait3A_116, %dma_wait3A_117] : memref<8x2560xi32, #tpu.memory_space<vmem>> -> memref<8x640xi32, #tpu.memory_space<vmem>>
      %dma_wait3A_119 = arith.constant 0 : i32
      %dma_wait3A_120 = arith.constant 0 : i32
      %dma_wait3A_121 = tpu.memref_slice %arg3[%dma_wait3A_119, %dma_wait3A_120] : memref<1024x100000xi8, #tpu.memory_space<hbm>> -> memref<32x2560xi8, #tpu.memory_space<hbm>>
      %dma_wait3A_122 = tpu.memref_bitcast %dma_wait3A_121 : memref<32x2560xi8, #tpu.memory_space<hbm>> -> memref<8x2560xi32, #tpu.memory_space<hbm>>
      %dma_wait3A_123 = arith.constant 0 : i32
      %dma_wait3A_124 = arith.constant 0 : i32
      %dma_wait3A_125 = tpu.memref_slice %dma_wait3A_122[%dma_wait3A_123, %dma_wait3A_124] : memref<8x2560xi32, #tpu.memory_space<hbm>> -> memref<8x640xi32, #tpu.memory_space<hbm>>
      tpu.wait_dma2 semaphore(%arg11 : memref<!tpu.dma_semaphore, #tpu.memory_space<semaphore_mem>>) src(%dma_wait3A_125 : memref<8x640xi32, #tpu.memory_space<hbm>>) dst(%dma_wait3A_118 : memref<8x640xi32, #tpu.memory_space<vmem>>)
      %dma_wait3A_126 = arith.constant 0 : i32
      %dma_wait3A_127 = arith.constant 640 : i32
      %dma_wait3A_128 = tpu.memref_slice %arg7[%dma_wait3A_126, %dma_wait3A_127] : memref<8x2560xi32, #tpu.memory_space<vmem>> -> memref<8x640xi32, #tpu.memory_space<vmem>>
      %dma_wait3A_129 = arith.constant 0 : i32
      %dma_wait3A_130 = arith.constant 0 : i32
      %dma_wait3A_131 = tpu.memref_slice %arg3[%dma_wait3A_129, %dma_wait3A_130] : memref<1024x100000xi8, #tpu.memory_space<hbm>> -> memref<32x2560xi8, #tpu.memory_space<hbm>>
      %dma_wait3A_132 = tpu.memref_bitcast %dma_wait3A_131 : memref<32x2560xi8, #tpu.memory_space<hbm>> -> memref<8x2560xi32, #tpu.memory_space<hbm>>
      %dma_wait3A_133 = arith.constant 0 : i32
      %dma_wait3A_134 = arith.constant 0 : i32
      %dma_wait3A_135 = tpu.memref_slice %dma_wait3A_132[%dma_wait3A_133, %dma_wait3A_134] : memref<8x2560xi32, #tpu.memory_space<hbm>> -> memref<8x640xi32, #tpu.memory_space<hbm>>
      %dma_wait3A_136 = arith.constant 0 : i32
      %dma_wait3A_137 = arith.constant 640 : i32
      %dma_wait3A_138 = tpu.memref_slice %arg7[%dma_wait3A_136, %dma_wait3A_137] : memref<8x2560xi32, #tpu.memory_space<vmem>> -> memref<8x640xi32, #tpu.memory_space<vmem>>
      %dma_wait3A_139 = arith.constant 0 : i32
      %dma_wait3A_140 = arith.constant 0 : i32
      %dma_wait3A_141 = tpu.memref_slice %arg3[%dma_wait3A_139, %dma_wait3A_140] : memref<1024x100000xi8, #tpu.memory_space<hbm>> -> memref<32x2560xi8, #tpu.memory_space<hbm>>
      %dma_wait3A_142 = tpu.memref_bitcast %dma_wait3A_141 : memref<32x2560xi8, #tpu.memory_space<hbm>> -> memref<8x2560xi32, #tpu.memory_space<hbm>>
      %dma_wait3A_143 = arith.constant 0 : i32
      %dma_wait3A_144 = arith.constant 0 : i32
      %dma_wait3A_145 = tpu.memref_slice %dma_wait3A_142[%dma_wait3A_143, %dma_wait3A_144] : memref<8x2560xi32, #tpu.memory_space<hbm>> -> memref<8x640xi32, #tpu.memory_space<hbm>>
      tpu.wait_dma2 semaphore(%arg11 : memref<!tpu.dma_semaphore, #tpu.memory_space<semaphore_mem>>) src(%dma_wait3A_145 : memref<8x640xi32, #tpu.memory_space<hbm>>) dst(%dma_wait3A_138 : memref<8x640xi32, #tpu.memory_space<vmem>>)
      %dma_wait3A_146 = arith.constant 0 : i32
      %dma_wait3A_147 = arith.constant 1280 : i32
      %dma_wait3A_148 = tpu.memref_slice %arg7[%dma_wait3A_146, %dma_wait3A_147] : memref<8x2560xi32, #tpu.memory_space<vmem>> -> memref<8x640xi32, #tpu.memory_space<vmem>>
      %dma_wait3A_149 = arith.constant 0 : i32
      %dma_wait3A_150 = arith.constant 0 : i32
      %dma_wait3A_151 = tpu.memref_slice %arg3[%dma_wait3A_149, %dma_wait3A_150] : memref<1024x100000xi8, #tpu.memory_space<hbm>> -> memref<32x2560xi8, #tpu.memory_space<hbm>>
      %dma_wait3A_152 = tpu.memref_bitcast %dma_wait3A_151 : memref<32x2560xi8, #tpu.memory_space<hbm>> -> memref<8x2560xi32, #tpu.memory_space<hbm>>
      %dma_wait3A_153 = arith.constant 0 : i32
      %dma_wait3A_154 = arith.constant 0 : i32
      %dma_wait3A_155 = tpu.memref_slice %dma_wait3A_152[%dma_wait3A_153, %dma_wait3A_154] : memref<8x2560xi32, #tpu.memory_space<hbm>> -> memref<8x640xi32, #tpu.memory_space<hbm>>
      %dma_wait3A_156 = arith.constant 0 : i32
      %dma_wait3A_157 = arith.constant 1280 : i32
      %dma_wait3A_158 = tpu.memref_slice %arg7[%dma_wait3A_156, %dma_wait3A_157] : memref<8x2560xi32, #tpu.memory_space<vmem>> -> memref<8x640xi32, #tpu.memory_space<vmem>>
      %dma_wait3A_159 = arith.constant 0 : i32
      %dma_wait3A_160 = arith.constant 0 : i32
      %dma_wait3A_161 = tpu.memref_slice %arg3[%dma_wait3A_159, %dma_wait3A_160] : memref<1024x100000xi8, #tpu.memory_space<hbm>> -> memref<32x2560xi8, #tpu.memory_space<hbm>>
      %dma_wait3A_162 = tpu.memref_bitcast %dma_wait3A_161 : memref<32x2560xi8, #tpu.memory_space<hbm>> -> memref<8x2560xi32, #tpu.memory_space<hbm>>
      %dma_wait3A_163 = arith.constant 0 : i32
      %dma_wait3A_164 = arith.constant 0 : i32
      %dma_wait3A_165 = tpu.memref_slice %dma_wait3A_162[%dma_wait3A_163, %dma_wait3A_164] : memref<8x2560xi32, #tpu.memory_space<hbm>> -> memref<8x640xi32, #tpu.memory_space<hbm>>
      tpu.wait_dma2 semaphore(%arg11 : memref<!tpu.dma_semaphore, #tpu.memory_space<semaphore_mem>>) src(%dma_wait3A_165 : memref<8x640xi32, #tpu.memory_space<hbm>>) dst(%dma_wait3A_158 : memref<8x640xi32, #tpu.memory_space<vmem>>)
      %dma_wait3A_166 = arith.constant 0 : i32
      %dma_wait3A_167 = arith.constant 1920 : i32
      %dma_wait3A_168 = tpu.memref_slice %arg7[%dma_wait3A_166, %dma_wait3A_167] : memref<8x2560xi32, #tpu.memory_space<vmem>> -> memref<8x640xi32, #tpu.memory_space<vmem>>
      %dma_wait3A_169 = arith.constant 0 : i32
      %dma_wait3A_170 = arith.constant 0 : i32
      %dma_wait3A_171 = tpu.memref_slice %arg3[%dma_wait3A_169, %dma_wait3A_170] : memref<1024x100000xi8, #tpu.memory_space<hbm>> -> memref<32x2560xi8, #tpu.memory_space<hbm>>
      %dma_wait3A_172 = tpu.memref_bitcast %dma_wait3A_171 : memref<32x2560xi8, #tpu.memory_space<hbm>> -> memref<8x2560xi32, #tpu.memory_space<hbm>>
      %dma_wait3A_173 = arith.constant 0 : i32
      %dma_wait3A_174 = arith.constant 0 : i32
      %dma_wait3A_175 = tpu.memref_slice %dma_wait3A_172[%dma_wait3A_173, %dma_wait3A_174] : memref<8x2560xi32, #tpu.memory_space<hbm>> -> memref<8x640xi32, #tpu.memory_space<hbm>>
      %dma_wait3A_176 = arith.constant 0 : i32
      %dma_wait3A_177 = arith.constant 1920 : i32
      %dma_wait3A_178 = tpu.memref_slice %arg7[%dma_wait3A_176, %dma_wait3A_177] : memref<8x2560xi32, #tpu.memory_space<vmem>> -> memref<8x640xi32, #tpu.memory_space<vmem>>
      %dma_wait3A_179 = arith.constant 0 : i32
      %dma_wait3A_180 = arith.constant 0 : i32
      %dma_wait3A_181 = tpu.memref_slice %arg3[%dma_wait3A_179, %dma_wait3A_180] : memref<1024x100000xi8, #tpu.memory_space<hbm>> -> memref<32x2560xi8, #tpu.memory_space<hbm>>
      %dma_wait3A_182 = tpu.memref_bitcast %dma_wait3A_181 : memref<32x2560xi8, #tpu.memory_space<hbm>> -> memref<8x2560xi32, #tpu.memory_space<hbm>>
      %dma_wait3A_183 = arith.constant 0 : i32
      %dma_wait3A_184 = arith.constant 0 : i32
      %dma_wait3A_185 = tpu.memref_slice %dma_wait3A_182[%dma_wait3A_183, %dma_wait3A_184] : memref<8x2560xi32, #tpu.memory_space<hbm>> -> memref<8x640xi32, #tpu.memory_space<hbm>>
      tpu.wait_dma2 semaphore(%arg11 : memref<!tpu.dma_semaphore, #tpu.memory_space<semaphore_mem>>) src(%dma_wait3A_185 : memref<8x640xi32, #tpu.memory_space<hbm>>) dst(%dma_wait3A_178 : memref<8x640xi32, #tpu.memory_space<vmem>>)
      %ge3A = arith.constant 1 : i32
      %ge3A_186 = arith.cmpi sge, %mul3A_101, %ge3A : i32
      %convert_element_type3A_187 = arith.extui %ge3A_186 : i1 to i32
      %cond3A_188 = arith.constant 0 : i32
      %cond3A_189 = arith.cmpi ne, %convert_element_type3A_187, %cond3A_188 : i32
      scf.if %cond3A_189 {
        %dma_wait3A_530 = arith.constant 0 : i32
        %dma_wait3A_531 = arith.constant 0 : i32
        %dma_wait3A_532 = tpu.memref_slice %arg4[%dma_wait3A_530, %dma_wait3A_531] : memref<1024x100000xf32, #tpu.memory_space<hbm>> -> memref<8x2560xf32, #tpu.memory_space<hbm>>
        %dma_wait3A_533 = arith.constant 0 : i32
        %dma_wait3A_534 = arith.constant 0 : i32
        %dma_wait3A_535 = tpu.memref_slice %arg4[%dma_wait3A_533, %dma_wait3A_534] : memref<1024x100000xf32, #tpu.memory_space<hbm>> -> memref<8x2560xf32, #tpu.memory_space<hbm>>
        tpu.wait_dma2 semaphore(%arg14 : memref<!tpu.dma_semaphore, #tpu.memory_space<semaphore_mem>>) src(%arg6 : memref<8x2560xf32, #tpu.memory_space<vmem>>) dst(%dma_wait3A_535 : memref<8x2560xf32, #tpu.memory_space<hbm>>)
      } else {
      }
      %add3A_190 = arith.constant 8 : i32
      %add3A_191 = arith.addi %multiple_of3A, %add3A_190 : i32
      %multiple_of3A_192 = tpu.assume_multiple %add3A_191, 8 : i32
      %mul3A_193 = arith.constant 2560 : i32
      %mul3A_194 = arith.muli %mul3A_101, %mul3A_193 : i32
      %multiple_of3A_195 = tpu.assume_multiple %mul3A_194, 128 : i32
      %dma_start3A_196 = tpu.memref_slice %arg2[%multiple_of3A_192, %multiple_of3A_195] : memref<1024x100000xf32, #tpu.memory_space<hbm>> -> memref<8x2560xf32, #tpu.memory_space<hbm>>
      %dma_start3A_197 = tpu.memref_slice %arg2[%multiple_of3A_192, %multiple_of3A_195] : memref<1024x100000xf32, #tpu.memory_space<hbm>> -> memref<8x2560xf32, #tpu.memory_space<hbm>>
      tpu.enqueue_dma source(%dma_start3A_197 : memref<8x2560xf32, #tpu.memory_space<hbm>>) target(%arg6 : memref<8x2560xf32, #tpu.memory_space<vmem>>) target_semaphore(%arg10 : memref<!tpu.dma_semaphore, #tpu.memory_space<semaphore_mem>>)
      %dma_wait3A_198 = arith.constant 0 : i32
      %dma_wait3A_199 = arith.constant 0 : i32
      %dma_wait3A_200 = tpu.memref_slice %arg2[%dma_wait3A_198, %dma_wait3A_199] : memref<1024x100000xf32, #tpu.memory_space<hbm>> -> memref<8x2560xf32, #tpu.memory_space<hbm>>
      %dma_wait3A_201 = arith.constant 0 : i32
      %dma_wait3A_202 = arith.constant 0 : i32
      %dma_wait3A_203 = tpu.memref_slice %arg2[%dma_wait3A_201, %dma_wait3A_202] : memref<1024x100000xf32, #tpu.memory_space<hbm>> -> memref<8x2560xf32, #tpu.memory_space<hbm>>
      tpu.wait_dma2 semaphore(%arg9 : memref<!tpu.dma_semaphore, #tpu.memory_space<semaphore_mem>>) src(%dma_wait3A_203 : memref<8x2560xf32, #tpu.memory_space<hbm>>) dst(%arg5 : memref<8x2560xf32, #tpu.memory_space<vmem>>)
      %scan3A_204 = arith.constant 0 : i32
      %scan3A_205 = arith.constant 0 : i32
      %scan3A_206 = arith.constant 160 : i32
      %scan3A_207 = arith.addi %scan3A_205, %scan3A_206 : i32
      %scan3A_208 = arith.constant 2 : i32
      scf.for %scan3A_530 = %scan3A_205 to %scan3A_207 step %scan3A_208  : i32 {
        %mul3A_531 = arith.constant 16 : i32
        %mul3A_532 = arith.muli %scan3A_530, %mul3A_531 : i32
        %get3A = arith.constant 0 : i32
        %get3A_533 = arith.index_cast %get3A : i32 to index
        %get3A_534 = arith.index_cast %mul3A_532 : i32 to index
        %get3A_535 = tpu.vector_load %arg7[%get3A_533, %get3A_534] {strides = array<i32>} : memref<8x2560xi32, #tpu.memory_space<vmem>>, vector<1x16xi32>,
        %get3A_536 = vector.shape_cast %get3A_535 : vector<1x16xi32> to vector<16xi32>
        %shift_left3A = arith.constant 31 : i32
        %shift_left3A_537 = vector.broadcast %shift_left3A : i32 to vector<16xi32>
        %shift_left3A_538 = arith.shli %get3A_536, %shift_left3A_537 : vector<16xi32>
        %lt3A_539 = arith.constant 0 : i32
        %lt3A_540 = vector.broadcast %lt3A_539 : i32 to vector<16xi32>
        %lt3A_541 = arith.cmpi slt, %shift_left3A_538, %lt3A_540 : vector<16xi32>
        %get3A_542 = arith.constant 0 : i32
        %get3A_543 = arith.index_cast %get3A_542 : i32 to index
        %get3A_544 = arith.index_cast %mul3A_532 : i32 to index
        %get3A_545 = tpu.vector_load %arg5[%get3A_543, %get3A_544] {strides = array<i32>} : memref<8x2560xf32, #tpu.memory_space<vmem>>, vector<1x16xf32>,
        %get3A_546 = vector.shape_cast %get3A_545 : vector<1x16xf32> to vector<16xf32>
        %jit3A = arith.constant 0.000000e+00 : f32
        %broadcast_in_dim3A = vector.broadcast %jit3A : f32 to vector<16xf32>
        %select_n3A = arith.select %lt3A_541, %get3A_546, %broadcast_in_dim3A : vector<16xi1>, vector<16xf32>
        %swap3A = arith.constant 0 : i32
        %swap3A_547 = arith.index_cast %swap3A : i32 to index
        %swap3A_548 = arith.index_cast %mul3A_532 : i32 to index
        %swap3A_549 = tpu.vector_load %arg5[%swap3A_547, %swap3A_548] {strides = array<i32>} : memref<8x2560xf32, #tpu.memory_space<vmem>>, vector<1x16xf32>,
        %swap3A_550 = vector.shape_cast %swap3A_549 : vector<1x16xf32> to vector<16xf32>
        %swap3A_551 = vector.shape_cast %select_n3A : vector<16xf32> to vector<1x16xf32>
        tpu.vector_store %arg5[%swap3A_547, %swap3A_548], %swap3A_551 {strides = array<i32>} : memref<8x2560xf32, #tpu.memory_space<vmem>>, vector<1x16xf32>,
        %shift_left3A_552 = arith.constant 23 : i32
        %shift_left3A_553 = vector.broadcast %shift_left3A_552 : i32 to vector<16xi32>
        %shift_left3A_554 = arith.shli %get3A_536, %shift_left3A_553 : vector<16xi32>
        %lt3A_555 = arith.constant 0 : i32
        %lt3A_556 = vector.broadcast %lt3A_555 : i32 to vector<16xi32>
        %lt3A_557 = arith.cmpi slt, %shift_left3A_554, %lt3A_556 : vector<16xi32>
        %get3A_558 = arith.constant 1 : i32
        %get3A_559 = arith.index_cast %get3A_558 : i32 to index
        %get3A_560 = arith.index_cast %mul3A_532 : i32 to index
        %get3A_561 = tpu.vector_load %arg5[%get3A_559, %get3A_560] {strides = array<i32>} : memref<8x2560xf32, #tpu.memory_space<vmem>>, vector<1x16xf32>,
        %get3A_562 = vector.shape_cast %get3A_561 : vector<1x16xf32> to vector<16xf32>
        %jit3A_563 = arith.constant 0.000000e+00 : f32
        %broadcast_in_dim3A_564 = vector.broadcast %jit3A_563 : f32 to vector<16xf32>
        %select_n3A_565 = arith.select %lt3A_557, %get3A_562, %broadcast_in_dim3A_564 : vector<16xi1>, vector<16xf32>
        %swap3A_566 = arith.constant 1 : i32
        %swap3A_567 = arith.index_cast %swap3A_566 : i32 to index
        %swap3A_568 = arith.index_cast %mul3A_532 : i32 to index
        %swap3A_569 = tpu.vector_load %arg5[%swap3A_567, %swap3A_568] {strides = array<i32>} : memref<8x2560xf32, #tpu.memory_space<vmem>>, vector<1x16xf32>,
        %swap3A_570 = vector.shape_cast %swap3A_569 : vector<1x16xf32> to vector<16xf32>
        %swap3A_571 = vector.shape_cast %select_n3A_565 : vector<16xf32> to vector<1x16xf32>
        tpu.vector_store %arg5[%swap3A_567, %swap3A_568], %swap3A_571 {strides = array<i32>} : memref<8x2560xf32, #tpu.memory_space<vmem>>, vector<1x16xf32>,
        %shift_left3A_572 = arith.constant 15 : i32
        %shift_left3A_573 = vector.broadcast %shift_left3A_572 : i32 to vector<16xi32>
        %shift_left3A_574 = arith.shli %get3A_536, %shift_left3A_573 : vector<16xi32>
        %lt3A_575 = arith.constant 0 : i32
        %lt3A_576 = vector.broadcast %lt3A_575 : i32 to vector<16xi32>
        %lt3A_577 = arith.cmpi slt, %shift_left3A_574, %lt3A_576 : vector<16xi32>
        %get3A_578 = arith.constant 2 : i32
        %get3A_579 = arith.index_cast %get3A_578 : i32 to index
        %get3A_580 = arith.index_cast %mul3A_532 : i32 to index
        %get3A_581 = tpu.vector_load %arg5[%get3A_579, %get3A_580] {strides = array<i32>} : memref<8x2560xf32, #tpu.memory_space<vmem>>, vector<1x16xf32>,
        %get3A_582 = vector.shape_cast %get3A_581 : vector<1x16xf32> to vector<16xf32>
        %jit3A_583 = arith.constant 0.000000e+00 : f32
        %broadcast_in_dim3A_584 = vector.broadcast %jit3A_583 : f32 to vector<16xf32>
        %select_n3A_585 = arith.select %lt3A_577, %get3A_582, %broadcast_in_dim3A_584 : vector<16xi1>, vector<16xf32>
        %swap3A_586 = arith.constant 2 : i32
        %swap3A_587 = arith.index_cast %swap3A_586 : i32 to index
        %swap3A_588 = arith.index_cast %mul3A_532 : i32 to index
        %swap3A_589 = tpu.vector_load %arg5[%swap3A_587, %swap3A_588] {strides = array<i32>} : memref<8x2560xf32, #tpu.memory_space<vmem>>, vector<1x16xf32>,
        %swap3A_590 = vector.shape_cast %swap3A_589 : vector<1x16xf32> to vector<16xf32>
        %swap3A_591 = vector.shape_cast %select_n3A_585 : vector<16xf32> to vector<1x16xf32>
        tpu.vector_store %arg5[%swap3A_587, %swap3A_588], %swap3A_591 {strides = array<i32>} : memref<8x2560xf32, #tpu.memory_space<vmem>>, vector<1x16xf32>,
        %shift_left3A_592 = arith.constant 7 : i32
        %shift_left3A_593 = vector.broadcast %shift_left3A_592 : i32 to vector<16xi32>
        %shift_left3A_594 = arith.shli %get3A_536, %shift_left3A_593 : vector<16xi32>
        %lt3A_595 = arith.constant 0 : i32
        %lt3A_596 = vector.broadcast %lt3A_595 : i32 to vector<16xi32>
        %lt3A_597 = arith.cmpi slt, %shift_left3A_594, %lt3A_596 : vector<16xi32>
        %get3A_598 = arith.constant 3 : i32
        %get3A_599 = arith.index_cast %get3A_598 : i32 to index
        %get3A_600 = arith.index_cast %mul3A_532 : i32 to index
        %get3A_601 = tpu.vector_load %arg5[%get3A_599, %get3A_600] {strides = array<i32>} : memref<8x2560xf32, #tpu.memory_space<vmem>>, vector<1x16xf32>,
        %get3A_602 = vector.shape_cast %get3A_601 : vector<1x16xf32> to vector<16xf32>
        %jit3A_603 = arith.constant 0.000000e+00 : f32
        %broadcast_in_dim3A_604 = vector.broadcast %jit3A_603 : f32 to vector<16xf32>
        %select_n3A_605 = arith.select %lt3A_597, %get3A_602, %broadcast_in_dim3A_604 : vector<16xi1>, vector<16xf32>
        %swap3A_606 = arith.constant 3 : i32
        %swap3A_607 = arith.index_cast %swap3A_606 : i32 to index
        %swap3A_608 = arith.index_cast %mul3A_532 : i32 to index
        %swap3A_609 = tpu.vector_load %arg5[%swap3A_607, %swap3A_608] {strides = array<i32>} : memref<8x2560xf32, #tpu.memory_space<vmem>>, vector<1x16xf32>,
        %swap3A_610 = vector.shape_cast %swap3A_609 : vector<1x16xf32> to vector<16xf32>
        %swap3A_611 = vector.shape_cast %select_n3A_605 : vector<16xf32> to vector<1x16xf32>
        tpu.vector_store %arg5[%swap3A_607, %swap3A_608], %swap3A_611 {strides = array<i32>} : memref<8x2560xf32, #tpu.memory_space<vmem>>, vector<1x16xf32>,
        %get3A_612 = arith.constant 1 : i32
        %get3A_613 = arith.index_cast %get3A_612 : i32 to index
        %get3A_614 = arith.index_cast %mul3A_532 : i32 to index
        %get3A_615 = tpu.vector_load %arg7[%get3A_613, %get3A_614] {strides = array<i32>} : memref<8x2560xi32, #tpu.memory_space<vmem>>, vector<1x16xi32>,
        %get3A_616 = vector.shape_cast %get3A_615 : vector<1x16xi32> to vector<16xi32>
        %shift_left3A_617 = arith.constant 31 : i32
        %shift_left3A_618 = vector.broadcast %shift_left3A_617 : i32 to vector<16xi32>
        %shift_left3A_619 = arith.shli %get3A_616, %shift_left3A_618 : vector<16xi32>
        %lt3A_620 = arith.constant 0 : i32
        %lt3A_621 = vector.broadcast %lt3A_620 : i32 to vector<16xi32>
        %lt3A_622 = arith.cmpi slt, %shift_left3A_619, %lt3A_621 : vector<16xi32>
        %get3A_623 = arith.constant 4 : i32
        %get3A_624 = arith.index_cast %get3A_623 : i32 to index
        %get3A_625 = arith.index_cast %mul3A_532 : i32 to index
        %get3A_626 = tpu.vector_load %arg5[%get3A_624, %get3A_625] {strides = array<i32>} : memref<8x2560xf32, #tpu.memory_space<vmem>>, vector<1x16xf32>,
        %get3A_627 = vector.shape_cast %get3A_626 : vector<1x16xf32> to vector<16xf32>
        %jit3A_628 = arith.constant 0.000000e+00 : f32
        %broadcast_in_dim3A_629 = vector.broadcast %jit3A_628 : f32 to vector<16xf32>
        %select_n3A_630 = arith.select %lt3A_622, %get3A_627, %broadcast_in_dim3A_629 : vector<16xi1>, vector<16xf32>
        %swap3A_631 = arith.constant 4 : i32
        %swap3A_632 = arith.index_cast %swap3A_631 : i32 to index
        %swap3A_633 = arith.index_cast %mul3A_532 : i32 to index
        %swap3A_634 = tpu.vector_load %arg5[%swap3A_632, %swap3A_633] {strides = array<i32>} : memref<8x2560xf32, #tpu.memory_space<vmem>>, vector<1x16xf32>,
        %swap3A_635 = vector.shape_cast %swap3A_634 : vector<1x16xf32> to vector<16xf32>
        %swap3A_636 = vector.shape_cast %select_n3A_630 : vector<16xf32> to vector<1x16xf32>
        tpu.vector_store %arg5[%swap3A_632, %swap3A_633], %swap3A_636 {strides = array<i32>} : memref<8x2560xf32, #tpu.memory_space<vmem>>, vector<1x16xf32>,
        %shift_left3A_637 = arith.constant 23 : i32
        %shift_left3A_638 = vector.broadcast %shift_left3A_637 : i32 to vector<16xi32>
        %shift_left3A_639 = arith.shli %get3A_616, %shift_left3A_638 : vector<16xi32>
        %lt3A_640 = arith.constant 0 : i32
        %lt3A_641 = vector.broadcast %lt3A_640 : i32 to vector<16xi32>
        %lt3A_642 = arith.cmpi slt, %shift_left3A_639, %lt3A_641 : vector<16xi32>
        %get3A_643 = arith.constant 5 : i32
        %get3A_644 = arith.index_cast %get3A_643 : i32 to index
        %get3A_645 = arith.index_cast %mul3A_532 : i32 to index
        %get3A_646 = tpu.vector_load %arg5[%get3A_644, %get3A_645] {strides = array<i32>} : memref<8x2560xf32, #tpu.memory_space<vmem>>, vector<1x16xf32>,
        %get3A_647 = vector.shape_cast %get3A_646 : vector<1x16xf32> to vector<16xf32>
        %jit3A_648 = arith.constant 0.000000e+00 : f32
        %broadcast_in_dim3A_649 = vector.broadcast %jit3A_648 : f32 to vector<16xf32>
        %select_n3A_650 = arith.select %lt3A_642, %get3A_647, %broadcast_in_dim3A_649 : vector<16xi1>, vector<16xf32>
        %swap3A_651 = arith.constant 5 : i32
        %swap3A_652 = arith.index_cast %swap3A_651 : i32 to index
        %swap3A_653 = arith.index_cast %mul3A_532 : i32 to index
        %swap3A_654 = tpu.vector_load %arg5[%swap3A_652, %swap3A_653] {strides = array<i32>} : memref<8x2560xf32, #tpu.memory_space<vmem>>, vector<1x16xf32>,
        %swap3A_655 = vector.shape_cast %swap3A_654 : vector<1x16xf32> to vector<16xf32>
        %swap3A_656 = vector.shape_cast %select_n3A_650 : vector<16xf32> to vector<1x16xf32>
        tpu.vector_store %arg5[%swap3A_652, %swap3A_653], %swap3A_656 {strides = array<i32>} : memref<8x2560xf32, #tpu.memory_space<vmem>>, vector<1x16xf32>,
        %shift_left3A_657 = arith.constant 15 : i32
        %shift_left3A_658 = vector.broadcast %shift_left3A_657 : i32 to vector<16xi32>
        %shift_left3A_659 = arith.shli %get3A_616, %shift_left3A_658 : vector<16xi32>
        %lt3A_660 = arith.constant 0 : i32
        %lt3A_661 = vector.broadcast %lt3A_660 : i32 to vector<16xi32>
        %lt3A_662 = arith.cmpi slt, %shift_left3A_659, %lt3A_661 : vector<16xi32>
        %get3A_663 = arith.constant 6 : i32
        %get3A_664 = arith.index_cast %get3A_663 : i32 to index
        %get3A_665 = arith.index_cast %mul3A_532 : i32 to index
        %get3A_666 = tpu.vector_load %arg5[%get3A_664, %get3A_665] {strides = array<i32>} : memref<8x2560xf32, #tpu.memory_space<vmem>>, vector<1x16xf32>,
        %get3A_667 = vector.shape_cast %get3A_666 : vector<1x16xf32> to vector<16xf32>
        %jit3A_668 = arith.constant 0.000000e+00 : f32
        %broadcast_in_dim3A_669 = vector.broadcast %jit3A_668 : f32 to vector<16xf32>
        %select_n3A_670 = arith.select %lt3A_662, %get3A_667, %broadcast_in_dim3A_669 : vector<16xi1>, vector<16xf32>
        %swap3A_671 = arith.constant 6 : i32
        %swap3A_672 = arith.index_cast %swap3A_671 : i32 to index
        %swap3A_673 = arith.index_cast %mul3A_532 : i32 to index
        %swap3A_674 = tpu.vector_load %arg5[%swap3A_672, %swap3A_673] {strides = array<i32>} : memref<8x2560xf32, #tpu.memory_space<vmem>>, vector<1x16xf32>,
        %swap3A_675 = vector.shape_cast %swap3A_674 : vector<1x16xf32> to vector<16xf32>
        %swap3A_676 = vector.shape_cast %select_n3A_670 : vector<16xf32> to vector<1x16xf32>
        tpu.vector_store %arg5[%swap3A_672, %swap3A_673], %swap3A_676 {strides = array<i32>} : memref<8x2560xf32, #tpu.memory_space<vmem>>, vector<1x16xf32>,
        %shift_left3A_677 = arith.constant 7 : i32
        %shift_left3A_678 = vector.broadcast %shift_left3A_677 : i32 to vector<16xi32>
        %shift_left3A_679 = arith.shli %get3A_616, %shift_left3A_678 : vector<16xi32>
        %lt3A_680 = arith.constant 0 : i32
        %lt3A_681 = vector.broadcast %lt3A_680 : i32 to vector<16xi32>
        %lt3A_682 = arith.cmpi slt, %shift_left3A_679, %lt3A_681 : vector<16xi32>
        %get3A_683 = arith.constant 7 : i32
        %get3A_684 = arith.index_cast %get3A_683 : i32 to index
        %get3A_685 = arith.index_cast %mul3A_532 : i32 to index
        %get3A_686 = tpu.vector_load %arg5[%get3A_684, %get3A_685] {strides = array<i32>} : memref<8x2560xf32, #tpu.memory_space<vmem>>, vector<1x16xf32>,
        %get3A_687 = vector.shape_cast %get3A_686 : vector<1x16xf32> to vector<16xf32>
        %jit3A_688 = arith.constant 0.000000e+00 : f32
        %broadcast_in_dim3A_689 = vector.broadcast %jit3A_688 : f32 to vector<16xf32>
        %select_n3A_690 = arith.select %lt3A_682, %get3A_687, %broadcast_in_dim3A_689 : vector<16xi1>, vector<16xf32>
        %swap3A_691 = arith.constant 7 : i32
        %swap3A_692 = arith.index_cast %swap3A_691 : i32 to index
        %swap3A_693 = arith.index_cast %mul3A_532 : i32 to index
        %swap3A_694 = tpu.vector_load %arg5[%swap3A_692, %swap3A_693] {strides = array<i32>} : memref<8x2560xf32, #tpu.memory_space<vmem>>, vector<1x16xf32>,
        %swap3A_695 = vector.shape_cast %swap3A_694 : vector<1x16xf32> to vector<16xf32>
        %swap3A_696 = vector.shape_cast %select_n3A_690 : vector<16xf32> to vector<1x16xf32>
        tpu.vector_store %arg5[%swap3A_692, %swap3A_693], %swap3A_696 {strides = array<i32>} : memref<8x2560xf32, #tpu.memory_space<vmem>>, vector<1x16xf32>,
        %scan3A_697 = arith.constant 1 : i32
        %scan3A_698 = arith.addi %scan3A_530, %scan3A_697 : i32
        %mul3A_699 = arith.constant 16 : i32
        %mul3A_700 = arith.muli %scan3A_698, %mul3A_699 : i32
        %get3A_701 = arith.constant 0 : i32
        %get3A_702 = arith.index_cast %get3A_701 : i32 to index
        %get3A_703 = arith.index_cast %mul3A_700 : i32 to index
        %get3A_704 = tpu.vector_load %arg7[%get3A_702, %get3A_703] {strides = array<i32>} : memref<8x2560xi32, #tpu.memory_space<vmem>>, vector<1x16xi32>,
        %get3A_705 = vector.shape_cast %get3A_704 : vector<1x16xi32> to vector<16xi32>
        %shift_left3A_706 = arith.constant 31 : i32
        %shift_left3A_707 = vector.broadcast %shift_left3A_706 : i32 to vector<16xi32>
        %shift_left3A_708 = arith.shli %get3A_705, %shift_left3A_707 : vector<16xi32>
        %lt3A_709 = arith.constant 0 : i32
        %lt3A_710 = vector.broadcast %lt3A_709 : i32 to vector<16xi32>
        %lt3A_711 = arith.cmpi slt, %shift_left3A_708, %lt3A_710 : vector<16xi32>
        %get3A_712 = arith.constant 0 : i32
        %get3A_713 = arith.index_cast %get3A_712 : i32 to index
        %get3A_714 = arith.index_cast %mul3A_700 : i32 to index
        %get3A_715 = tpu.vector_load %arg5[%get3A_713, %get3A_714] {strides = array<i32>} : memref<8x2560xf32, #tpu.memory_space<vmem>>, vector<1x16xf32>,
        %get3A_716 = vector.shape_cast %get3A_715 : vector<1x16xf32> to vector<16xf32>
        %jit3A_717 = arith.constant 0.000000e+00 : f32
        %broadcast_in_dim3A_718 = vector.broadcast %jit3A_717 : f32 to vector<16xf32>
        %select_n3A_719 = arith.select %lt3A_711, %get3A_716, %broadcast_in_dim3A_718 : vector<16xi1>, vector<16xf32>
        %swap3A_720 = arith.constant 0 : i32
        %swap3A_721 = arith.index_cast %swap3A_720 : i32 to index
        %swap3A_722 = arith.index_cast %mul3A_700 : i32 to index
        %swap3A_723 = tpu.vector_load %arg5[%swap3A_721, %swap3A_722] {strides = array<i32>} : memref<8x2560xf32, #tpu.memory_space<vmem>>, vector<1x16xf32>,
        %swap3A_724 = vector.shape_cast %swap3A_723 : vector<1x16xf32> to vector<16xf32>
        %swap3A_725 = vector.shape_cast %select_n3A_719 : vector<16xf32> to vector<1x16xf32>
        tpu.vector_store %arg5[%swap3A_721, %swap3A_722], %swap3A_725 {strides = array<i32>} : memref<8x2560xf32, #tpu.memory_space<vmem>>, vector<1x16xf32>,
        %shift_left3A_726 = arith.constant 23 : i32
        %shift_left3A_727 = vector.broadcast %shift_left3A_726 : i32 to vector<16xi32>
        %shift_left3A_728 = arith.shli %get3A_705, %shift_left3A_727 : vector<16xi32>
        %lt3A_729 = arith.constant 0 : i32
        %lt3A_730 = vector.broadcast %lt3A_729 : i32 to vector<16xi32>
        %lt3A_731 = arith.cmpi slt, %shift_left3A_728, %lt3A_730 : vector<16xi32>
        %get3A_732 = arith.constant 1 : i32
        %get3A_733 = arith.index_cast %get3A_732 : i32 to index
        %get3A_734 = arith.index_cast %mul3A_700 : i32 to index
        %get3A_735 = tpu.vector_load %arg5[%get3A_733, %get3A_734] {strides = array<i32>} : memref<8x2560xf32, #tpu.memory_space<vmem>>, vector<1x16xf32>,
        %get3A_736 = vector.shape_cast %get3A_735 : vector<1x16xf32> to vector<16xf32>
        %jit3A_737 = arith.constant 0.000000e+00 : f32
        %broadcast_in_dim3A_738 = vector.broadcast %jit3A_737 : f32 to vector<16xf32>
        %select_n3A_739 = arith.select %lt3A_731, %get3A_736, %broadcast_in_dim3A_738 : vector<16xi1>, vector<16xf32>
        %swap3A_740 = arith.constant 1 : i32
        %swap3A_741 = arith.index_cast %swap3A_740 : i32 to index
        %swap3A_742 = arith.index_cast %mul3A_700 : i32 to index
        %swap3A_743 = tpu.vector_load %arg5[%swap3A_741, %swap3A_742] {strides = array<i32>} : memref<8x2560xf32, #tpu.memory_space<vmem>>, vector<1x16xf32>,
        %swap3A_744 = vector.shape_cast %swap3A_743 : vector<1x16xf32> to vector<16xf32>
        %swap3A_745 = vector.shape_cast %select_n3A_739 : vector<16xf32> to vector<1x16xf32>
        tpu.vector_store %arg5[%swap3A_741, %swap3A_742], %swap3A_745 {strides = array<i32>} : memref<8x2560xf32, #tpu.memory_space<vmem>>, vector<1x16xf32>,
        %shift_left3A_746 = arith.constant 15 : i32
        %shift_left3A_747 = vector.broadcast %shift_left3A_746 : i32 to vector<16xi32>
        %shift_left3A_748 = arith.shli %get3A_705, %shift_left3A_747 : vector<16xi32>
        %lt3A_749 = arith.constant 0 : i32
        %lt3A_750 = vector.broadcast %lt3A_749 : i32 to vector<16xi32>
        %lt3A_751 = arith.cmpi slt, %shift_left3A_748, %lt3A_750 : vector<16xi32>
        %get3A_752 = arith.constant 2 : i32
        %get3A_753 = arith.index_cast %get3A_752 : i32 to index
        %get3A_754 = arith.index_cast %mul3A_700 : i32 to index
        %get3A_755 = tpu.vector_load %arg5[%get3A_753, %get3A_754] {strides = array<i32>} : memref<8x2560xf32, #tpu.memory_space<vmem>>, vector<1x16xf32>,
        %get3A_756 = vector.shape_cast %get3A_755 : vector<1x16xf32> to vector<16xf32>
        %jit3A_757 = arith.constant 0.000000e+00 : f32
        %broadcast_in_dim3A_758 = vector.broadcast %jit3A_757 : f32 to vector<16xf32>
        %select_n3A_759 = arith.select %lt3A_751, %get3A_756, %broadcast_in_dim3A_758 : vector<16xi1>, vector<16xf32>
        %swap3A_760 = arith.constant 2 : i32
        %swap3A_761 = arith.index_cast %swap3A_760 : i32 to index
        %swap3A_762 = arith.index_cast %mul3A_700 : i32 to index
        %swap3A_763 = tpu.vector_load %arg5[%swap3A_761, %swap3A_762] {strides = array<i32>} : memref<8x2560xf32, #tpu.memory_space<vmem>>, vector<1x16xf32>,
        %swap3A_764 = vector.shape_cast %swap3A_763 : vector<1x16xf32> to vector<16xf32>
        %swap3A_765 = vector.shape_cast %select_n3A_759 : vector<16xf32> to vector<1x16xf32>
        tpu.vector_store %arg5[%swap3A_761, %swap3A_762], %swap3A_765 {strides = array<i32>} : memref<8x2560xf32, #tpu.memory_space<vmem>>, vector<1x16xf32>,
        %shift_left3A_766 = arith.constant 7 : i32
        %shift_left3A_767 = vector.broadcast %shift_left3A_766 : i32 to vector<16xi32>
        %shift_left3A_768 = arith.shli %get3A_705, %shift_left3A_767 : vector<16xi32>
        %lt3A_769 = arith.constant 0 : i32
        %lt3A_770 = vector.broadcast %lt3A_769 : i32 to vector<16xi32>
        %lt3A_771 = arith.cmpi slt, %shift_left3A_768, %lt3A_770 : vector<16xi32>
        %get3A_772 = arith.constant 3 : i32
        %get3A_773 = arith.index_cast %get3A_772 : i32 to index
        %get3A_774 = arith.index_cast %mul3A_700 : i32 to index
        %get3A_775 = tpu.vector_load %arg5[%get3A_773, %get3A_774] {strides = array<i32>} : memref<8x2560xf32, #tpu.memory_space<vmem>>, vector<1x16xf32>,
        %get3A_776 = vector.shape_cast %get3A_775 : vector<1x16xf32> to vector<16xf32>
        %jit3A_777 = arith.constant 0.000000e+00 : f32
        %broadcast_in_dim3A_778 = vector.broadcast %jit3A_777 : f32 to vector<16xf32>
        %select_n3A_779 = arith.select %lt3A_771, %get3A_776, %broadcast_in_dim3A_778 : vector<16xi1>, vector<16xf32>
        %swap3A_780 = arith.constant 3 : i32
        %swap3A_781 = arith.index_cast %swap3A_780 : i32 to index
        %swap3A_782 = arith.index_cast %mul3A_700 : i32 to index
        %swap3A_783 = tpu.vector_load %arg5[%swap3A_781, %swap3A_782] {strides = array<i32>} : memref<8x2560xf32, #tpu.memory_space<vmem>>, vector<1x16xf32>,
        %swap3A_784 = vector.shape_cast %swap3A_783 : vector<1x16xf32> to vector<16xf32>
        %swap3A_785 = vector.shape_cast %select_n3A_779 : vector<16xf32> to vector<1x16xf32>
        tpu.vector_store %arg5[%swap3A_781, %swap3A_782], %swap3A_785 {strides = array<i32>} : memref<8x2560xf32, #tpu.memory_space<vmem>>, vector<1x16xf32>,
        %get3A_786 = arith.constant 1 : i32
        %get3A_787 = arith.index_cast %get3A_786 : i32 to index
        %get3A_788 = arith.index_cast %mul3A_700 : i32 to index
        %get3A_789 = tpu.vector_load %arg7[%get3A_787, %get3A_788] {strides = array<i32>} : memref<8x2560xi32, #tpu.memory_space<vmem>>, vector<1x16xi32>,
        %get3A_790 = vector.shape_cast %get3A_789 : vector<1x16xi32> to vector<16xi32>
        %shift_left3A_791 = arith.constant 31 : i32
        %shift_left3A_792 = vector.broadcast %shift_left3A_791 : i32 to vector<16xi32>
        %shift_left3A_793 = arith.shli %get3A_790, %shift_left3A_792 : vector<16xi32>
        %lt3A_794 = arith.constant 0 : i32
        %lt3A_795 = vector.broadcast %lt3A_794 : i32 to vector<16xi32>
        %lt3A_796 = arith.cmpi slt, %shift_left3A_793, %lt3A_795 : vector<16xi32>
        %get3A_797 = arith.constant 4 : i32
        %get3A_798 = arith.index_cast %get3A_797 : i32 to index
        %get3A_799 = arith.index_cast %mul3A_700 : i32 to index
        %get3A_800 = tpu.vector_load %arg5[%get3A_798, %get3A_799] {strides = array<i32>} : memref<8x2560xf32, #tpu.memory_space<vmem>>, vector<1x16xf32>,
        %get3A_801 = vector.shape_cast %get3A_800 : vector<1x16xf32> to vector<16xf32>
        %jit3A_802 = arith.constant 0.000000e+00 : f32
        %broadcast_in_dim3A_803 = vector.broadcast %jit3A_802 : f32 to vector<16xf32>
        %select_n3A_804 = arith.select %lt3A_796, %get3A_801, %broadcast_in_dim3A_803 : vector<16xi1>, vector<16xf32>
        %swap3A_805 = arith.constant 4 : i32
        %swap3A_806 = arith.index_cast %swap3A_805 : i32 to index
        %swap3A_807 = arith.index_cast %mul3A_700 : i32 to index
        %swap3A_808 = tpu.vector_load %arg5[%swap3A_806, %swap3A_807] {strides = array<i32>} : memref<8x2560xf32, #tpu.memory_space<vmem>>, vector<1x16xf32>,
        %swap3A_809 = vector.shape_cast %swap3A_808 : vector<1x16xf32> to vector<16xf32>
        %swap3A_810 = vector.shape_cast %select_n3A_804 : vector<16xf32> to vector<1x16xf32>
        tpu.vector_store %arg5[%swap3A_806, %swap3A_807], %swap3A_810 {strides = array<i32>} : memref<8x2560xf32, #tpu.memory_space<vmem>>, vector<1x16xf32>,
        %shift_left3A_811 = arith.constant 23 : i32
        %shift_left3A_812 = vector.broadcast %shift_left3A_811 : i32 to vector<16xi32>
        %shift_left3A_813 = arith.shli %get3A_790, %shift_left3A_812 : vector<16xi32>
        %lt3A_814 = arith.constant 0 : i32
        %lt3A_815 = vector.broadcast %lt3A_814 : i32 to vector<16xi32>
        %lt3A_816 = arith.cmpi slt, %shift_left3A_813, %lt3A_815 : vector<16xi32>
        %get3A_817 = arith.constant 5 : i32
        %get3A_818 = arith.index_cast %get3A_817 : i32 to index
        %get3A_819 = arith.index_cast %mul3A_700 : i32 to index
        %get3A_820 = tpu.vector_load %arg5[%get3A_818, %get3A_819] {strides = array<i32>} : memref<8x2560xf32, #tpu.memory_space<vmem>>, vector<1x16xf32>,
        %get3A_821 = vector.shape_cast %get3A_820 : vector<1x16xf32> to vector<16xf32>
        %jit3A_822 = arith.constant 0.000000e+00 : f32
        %broadcast_in_dim3A_823 = vector.broadcast %jit3A_822 : f32 to vector<16xf32>
        %select_n3A_824 = arith.select %lt3A_816, %get3A_821, %broadcast_in_dim3A_823 : vector<16xi1>, vector<16xf32>
        %swap3A_825 = arith.constant 5 : i32
        %swap3A_826 = arith.index_cast %swap3A_825 : i32 to index
        %swap3A_827 = arith.index_cast %mul3A_700 : i32 to index
        %swap3A_828 = tpu.vector_load %arg5[%swap3A_826, %swap3A_827] {strides = array<i32>} : memref<8x2560xf32, #tpu.memory_space<vmem>>, vector<1x16xf32>,
        %swap3A_829 = vector.shape_cast %swap3A_828 : vector<1x16xf32> to vector<16xf32>
        %swap3A_830 = vector.shape_cast %select_n3A_824 : vector<16xf32> to vector<1x16xf32>
        tpu.vector_store %arg5[%swap3A_826, %swap3A_827], %swap3A_830 {strides = array<i32>} : memref<8x2560xf32, #tpu.memory_space<vmem>>, vector<1x16xf32>,
        %shift_left3A_831 = arith.constant 15 : i32
        %shift_left3A_832 = vector.broadcast %shift_left3A_831 : i32 to vector<16xi32>
        %shift_left3A_833 = arith.shli %get3A_790, %shift_left3A_832 : vector<16xi32>
        %lt3A_834 = arith.constant 0 : i32
        %lt3A_835 = vector.broadcast %lt3A_834 : i32 to vector<16xi32>
        %lt3A_836 = arith.cmpi slt, %shift_left3A_833, %lt3A_835 : vector<16xi32>
        %get3A_837 = arith.constant 6 : i32
        %get3A_838 = arith.index_cast %get3A_837 : i32 to index
        %get3A_839 = arith.index_cast %mul3A_700 : i32 to index
        %get3A_840 = tpu.vector_load %arg5[%get3A_838, %get3A_839] {strides = array<i32>} : memref<8x2560xf32, #tpu.memory_space<vmem>>, vector<1x16xf32>,
        %get3A_841 = vector.shape_cast %get3A_840 : vector<1x16xf32> to vector<16xf32>
        %jit3A_842 = arith.constant 0.000000e+00 : f32
        %broadcast_in_dim3A_843 = vector.broadcast %jit3A_842 : f32 to vector<16xf32>
        %select_n3A_844 = arith.select %lt3A_836, %get3A_841, %broadcast_in_dim3A_843 : vector<16xi1>, vector<16xf32>
        %swap3A_845 = arith.constant 6 : i32
        %swap3A_846 = arith.index_cast %swap3A_845 : i32 to index
        %swap3A_847 = arith.index_cast %mul3A_700 : i32 to index
        %swap3A_848 = tpu.vector_load %arg5[%swap3A_846, %swap3A_847] {strides = array<i32>} : memref<8x2560xf32, #tpu.memory_space<vmem>>, vector<1x16xf32>,
        %swap3A_849 = vector.shape_cast %swap3A_848 : vector<1x16xf32> to vector<16xf32>
        %swap3A_850 = vector.shape_cast %select_n3A_844 : vector<16xf32> to vector<1x16xf32>
        tpu.vector_store %arg5[%swap3A_846, %swap3A_847], %swap3A_850 {strides = array<i32>} : memref<8x2560xf32, #tpu.memory_space<vmem>>, vector<1x16xf32>,
        %shift_left3A_851 = arith.constant 7 : i32
        %shift_left3A_852 = vector.broadcast %shift_left3A_851 : i32 to vector<16xi32>
        %shift_left3A_853 = arith.shli %get3A_790, %shift_left3A_852 : vector<16xi32>
        %lt3A_854 = arith.constant 0 : i32
        %lt3A_855 = vector.broadcast %lt3A_854 : i32 to vector<16xi32>
        %lt3A_856 = arith.cmpi slt, %shift_left3A_853, %lt3A_855 : vector<16xi32>
        %get3A_857 = arith.constant 7 : i32
        %get3A_858 = arith.index_cast %get3A_857 : i32 to index
        %get3A_859 = arith.index_cast %mul3A_700 : i32 to index
        %get3A_860 = tpu.vector_load %arg5[%get3A_858, %get3A_859] {strides = array<i32>} : memref<8x2560xf32, #tpu.memory_space<vmem>>, vector<1x16xf32>,
        %get3A_861 = vector.shape_cast %get3A_860 : vector<1x16xf32> to vector<16xf32>
        %jit3A_862 = arith.constant 0.000000e+00 : f32
        %broadcast_in_dim3A_863 = vector.broadcast %jit3A_862 : f32 to vector<16xf32>
        %select_n3A_864 = arith.select %lt3A_856, %get3A_861, %broadcast_in_dim3A_863 : vector<16xi1>, vector<16xf32>
        %swap3A_865 = arith.constant 7 : i32
        %swap3A_866 = arith.index_cast %swap3A_865 : i32 to index
        %swap3A_867 = arith.index_cast %mul3A_700 : i32 to index
        %swap3A_868 = tpu.vector_load %arg5[%swap3A_866, %swap3A_867] {strides = array<i32>} : memref<8x2560xf32, #tpu.memory_space<vmem>>, vector<1x16xf32>,
        %swap3A_869 = vector.shape_cast %swap3A_868 : vector<1x16xf32> to vector<16xf32>
        %swap3A_870 = vector.shape_cast %select_n3A_864 : vector<16xf32> to vector<1x16xf32>
        tpu.vector_store %arg5[%swap3A_866, %swap3A_867], %swap3A_870 {strides = array<i32>} : memref<8x2560xf32, #tpu.memory_space<vmem>>, vector<1x16xf32>,
      }
      %scan3A_209 = arith.constant 160 : i32
      %add3A_210 = arith.constant 0 : i32
      %add3A_211 = arith.addi %multiple_of3A, %add3A_210 : i32
      %multiple_of3A_212 = tpu.assume_multiple %add3A_211, 8 : i32
      %mul3A_213 = arith.constant 2560 : i32
      %mul3A_214 = arith.muli %mul3A_101, %mul3A_213 : i32
      %multiple_of3A_215 = tpu.assume_multiple %mul3A_214, 128 : i32
      %dma_start3A_216 = tpu.memref_slice %arg4[%multiple_of3A_212, %multiple_of3A_215] : memref<1024x100000xf32, #tpu.memory_space<hbm>> -> memref<8x2560xf32, #tpu.memory_space<hbm>>
      %dma_start3A_217 = tpu.memref_slice %arg4[%multiple_of3A_212, %multiple_of3A_215] : memref<1024x100000xf32, #tpu.memory_space<hbm>> -> memref<8x2560xf32, #tpu.memory_space<hbm>>
      tpu.enqueue_dma source(%arg5 : memref<8x2560xf32, #tpu.memory_space<vmem>>) target(%dma_start3A_217 : memref<8x2560xf32, #tpu.memory_space<hbm>>) target_semaphore(%arg13 : memref<!tpu.dma_semaphore, #tpu.memory_space<semaphore_mem>>)
      %dma_wait3A_218 = arith.constant 0 : i32
      %dma_wait3A_219 = arith.constant 0 : i32
      %dma_wait3A_220 = tpu.memref_slice %arg4[%dma_wait3A_218, %dma_wait3A_219] : memref<1024x100000xf32, #tpu.memory_space<hbm>> -> memref<8x2560xf32, #tpu.memory_space<hbm>>
      %dma_wait3A_221 = arith.constant 0 : i32
      %dma_wait3A_222 = arith.constant 0 : i32
      %dma_wait3A_223 = tpu.memref_slice %arg4[%dma_wait3A_221, %dma_wait3A_222] : memref<1024x100000xf32, #tpu.memory_space<hbm>> -> memref<8x2560xf32, #tpu.memory_space<hbm>>
      tpu.wait_dma2 semaphore(%arg13 : memref<!tpu.dma_semaphore, #tpu.memory_space<semaphore_mem>>) src(%arg5 : memref<8x2560xf32, #tpu.memory_space<vmem>>) dst(%dma_wait3A_223 : memref<8x2560xf32, #tpu.memory_space<hbm>>)
      %add3A_224 = arith.constant 16 : i32
      %add3A_225 = arith.addi %multiple_of3A, %add3A_224 : i32
      %multiple_of3A_226 = tpu.assume_multiple %add3A_225, 8 : i32
      %mul3A_227 = arith.constant 2560 : i32
      %mul3A_228 = arith.muli %mul3A_101, %mul3A_227 : i32
      %multiple_of3A_229 = tpu.assume_multiple %mul3A_228, 128 : i32
      %dma_start3A_230 = tpu.memref_slice %arg2[%multiple_of3A_226, %multiple_of3A_229] : memref<1024x100000xf32, #tpu.memory_space<hbm>> -> memref<8x2560xf32, #tpu.memory_space<hbm>>
      %dma_start3A_231 = tpu.memref_slice %arg2[%multiple_of3A_226, %multiple_of3A_229] : memref<1024x100000xf32, #tpu.memory_space<hbm>> -> memref<8x2560xf32, #tpu.memory_space<hbm>>
      tpu.enqueue_dma source(%dma_start3A_231 : memref<8x2560xf32, #tpu.memory_space<hbm>>) target(%arg5 : memref<8x2560xf32, #tpu.memory_space<vmem>>) target_semaphore(%arg9 : memref<!tpu.dma_semaphore, #tpu.memory_space<semaphore_mem>>)
      %dma_wait3A_232 = arith.constant 0 : i32
      %dma_wait3A_233 = arith.constant 0 : i32
      %dma_wait3A_234 = tpu.memref_slice %arg2[%dma_wait3A_232, %dma_wait3A_233] : memref<1024x100000xf32, #tpu.memory_space<hbm>> -> memref<8x2560xf32, #tpu.memory_space<hbm>>
      %dma_wait3A_235 = arith.constant 0 : i32
      %dma_wait3A_236 = arith.constant 0 : i32
      %dma_wait3A_237 = tpu.memref_slice %arg2[%dma_wait3A_235, %dma_wait3A_236] : memref<1024x100000xf32, #tpu.memory_space<hbm>> -> memref<8x2560xf32, #tpu.memory_space<hbm>>
      tpu.wait_dma2 semaphore(%arg10 : memref<!tpu.dma_semaphore, #tpu.memory_space<semaphore_mem>>) src(%dma_wait3A_237 : memref<8x2560xf32, #tpu.memory_space<hbm>>) dst(%arg6 : memref<8x2560xf32, #tpu.memory_space<vmem>>)
      %scan3A_238 = arith.constant 0 : i32
      %scan3A_239 = arith.constant 0 : i32
      %scan3A_240 = arith.constant 160 : i32
      %scan3A_241 = arith.addi %scan3A_239, %scan3A_240 : i32
      %scan3A_242 = arith.constant 2 : i32
      scf.for %scan3A_530 = %scan3A_239 to %scan3A_241 step %scan3A_242  : i32 {
        %mul3A_531 = arith.constant 16 : i32
        %mul3A_532 = arith.muli %scan3A_530, %mul3A_531 : i32
        %get3A = arith.constant 2 : i32
        %get3A_533 = arith.index_cast %get3A : i32 to index
        %get3A_534 = arith.index_cast %mul3A_532 : i32 to index
        %get3A_535 = tpu.vector_load %arg7[%get3A_533, %get3A_534] {strides = array<i32>} : memref<8x2560xi32, #tpu.memory_space<vmem>>, vector<1x16xi32>,
        %get3A_536 = vector.shape_cast %get3A_535 : vector<1x16xi32> to vector<16xi32>
        %shift_left3A = arith.constant 31 : i32
        %shift_left3A_537 = vector.broadcast %shift_left3A : i32 to vector<16xi32>
        %shift_left3A_538 = arith.shli %get3A_536, %shift_left3A_537 : vector<16xi32>
        %lt3A_539 = arith.constant 0 : i32
        %lt3A_540 = vector.broadcast %lt3A_539 : i32 to vector<16xi32>
        %lt3A_541 = arith.cmpi slt, %shift_left3A_538, %lt3A_540 : vector<16xi32>
        %get3A_542 = arith.constant 0 : i32
        %get3A_543 = arith.index_cast %get3A_542 : i32 to index
        %get3A_544 = arith.index_cast %mul3A_532 : i32 to index
        %get3A_545 = tpu.vector_load %arg6[%get3A_543, %get3A_544] {strides = array<i32>} : memref<8x2560xf32, #tpu.memory_space<vmem>>, vector<1x16xf32>,
        %get3A_546 = vector.shape_cast %get3A_545 : vector<1x16xf32> to vector<16xf32>
        %jit3A = arith.constant 0.000000e+00 : f32
        %broadcast_in_dim3A = vector.broadcast %jit3A : f32 to vector<16xf32>
        %select_n3A = arith.select %lt3A_541, %get3A_546, %broadcast_in_dim3A : vector<16xi1>, vector<16xf32>
        %swap3A = arith.constant 0 : i32
        %swap3A_547 = arith.index_cast %swap3A : i32 to index
        %swap3A_548 = arith.index_cast %mul3A_532 : i32 to index
        %swap3A_549 = tpu.vector_load %arg6[%swap3A_547, %swap3A_548] {strides = array<i32>} : memref<8x2560xf32, #tpu.memory_space<vmem>>, vector<1x16xf32>,
        %swap3A_550 = vector.shape_cast %swap3A_549 : vector<1x16xf32> to vector<16xf32>
        %swap3A_551 = vector.shape_cast %select_n3A : vector<16xf32> to vector<1x16xf32>
        tpu.vector_store %arg6[%swap3A_547, %swap3A_548], %swap3A_551 {strides = array<i32>} : memref<8x2560xf32, #tpu.memory_space<vmem>>, vector<1x16xf32>,
        %shift_left3A_552 = arith.constant 23 : i32
        %shift_left3A_553 = vector.broadcast %shift_left3A_552 : i32 to vector<16xi32>
        %shift_left3A_554 = arith.shli %get3A_536, %shift_left3A_553 : vector<16xi32>
        %lt3A_555 = arith.constant 0 : i32
        %lt3A_556 = vector.broadcast %lt3A_555 : i32 to vector<16xi32>
        %lt3A_557 = arith.cmpi slt, %shift_left3A_554, %lt3A_556 : vector<16xi32>
        %get3A_558 = arith.constant 1 : i32
        %get3A_559 = arith.index_cast %get3A_558 : i32 to index
        %get3A_560 = arith.index_cast %mul3A_532 : i32 to index
        %get3A_561 = tpu.vector_load %arg6[%get3A_559, %get3A_560] {strides = array<i32>} : memref<8x2560xf32, #tpu.memory_space<vmem>>, vector<1x16xf32>,
        %get3A_562 = vector.shape_cast %get3A_561 : vector<1x16xf32> to vector<16xf32>
        %jit3A_563 = arith.constant 0.000000e+00 : f32
        %broadcast_in_dim3A_564 = vector.broadcast %jit3A_563 : f32 to vector<16xf32>
        %select_n3A_565 = arith.select %lt3A_557, %get3A_562, %broadcast_in_dim3A_564 : vector<16xi1>, vector<16xf32>
        %swap3A_566 = arith.constant 1 : i32
        %swap3A_567 = arith.index_cast %swap3A_566 : i32 to index
        %swap3A_568 = arith.index_cast %mul3A_532 : i32 to index
        %swap3A_569 = tpu.vector_load %arg6[%swap3A_567, %swap3A_568] {strides = array<i32>} : memref<8x2560xf32, #tpu.memory_space<vmem>>, vector<1x16xf32>,
        %swap3A_570 = vector.shape_cast %swap3A_569 : vector<1x16xf32> to vector<16xf32>
        %swap3A_571 = vector.shape_cast %select_n3A_565 : vector<16xf32> to vector<1x16xf32>
        tpu.vector_store %arg6[%swap3A_567, %swap3A_568], %swap3A_571 {strides = array<i32>} : memref<8x2560xf32, #tpu.memory_space<vmem>>, vector<1x16xf32>,
        %shift_left3A_572 = arith.constant 15 : i32
        %shift_left3A_573 = vector.broadcast %shift_left3A_572 : i32 to vector<16xi32>
        %shift_left3A_574 = arith.shli %get3A_536, %shift_left3A_573 : vector<16xi32>
        %lt3A_575 = arith.constant 0 : i32
        %lt3A_576 = vector.broadcast %lt3A_575 : i32 to vector<16xi32>
        %lt3A_577 = arith.cmpi slt, %shift_left3A_574, %lt3A_576 : vector<16xi32>
        %get3A_578 = arith.constant 2 : i32
        %get3A_579 = arith.index_cast %get3A_578 : i32 to index
        %get3A_580 = arith.index_cast %mul3A_532 : i32 to index
        %get3A_581 = tpu.vector_load %arg6[%get3A_579, %get3A_580] {strides = array<i32>} : memref<8x2560xf32, #tpu.memory_space<vmem>>, vector<1x16xf32>,
        %get3A_582 = vector.shape_cast %get3A_581 : vector<1x16xf32> to vector<16xf32>
        %jit3A_583 = arith.constant 0.000000e+00 : f32
        %broadcast_in_dim3A_584 = vector.broadcast %jit3A_583 : f32 to vector<16xf32>
        %select_n3A_585 = arith.select %lt3A_577, %get3A_582, %broadcast_in_dim3A_584 : vector<16xi1>, vector<16xf32>
        %swap3A_586 = arith.constant 2 : i32
        %swap3A_587 = arith.index_cast %swap3A_586 : i32 to index
        %swap3A_588 = arith.index_cast %mul3A_532 : i32 to index
        %swap3A_589 = tpu.vector_load %arg6[%swap3A_587, %swap3A_588] {strides = array<i32>} : memref<8x2560xf32, #tpu.memory_space<vmem>>, vector<1x16xf32>,
        %swap3A_590 = vector.shape_cast %swap3A_589 : vector<1x16xf32> to vector<16xf32>
        %swap3A_591 = vector.shape_cast %select_n3A_585 : vector<16xf32> to vector<1x16xf32>
        tpu.vector_store %arg6[%swap3A_587, %swap3A_588], %swap3A_591 {strides = array<i32>} : memref<8x2560xf32, #tpu.memory_space<vmem>>, vector<1x16xf32>,
        %shift_left3A_592 = arith.constant 7 : i32
        %shift_left3A_593 = vector.broadcast %shift_left3A_592 : i32 to vector<16xi32>
        %shift_left3A_594 = arith.shli %get3A_536, %shift_left3A_593 : vector<16xi32>
        %lt3A_595 = arith.constant 0 : i32
        %lt3A_596 = vector.broadcast %lt3A_595 : i32 to vector<16xi32>
        %lt3A_597 = arith.cmpi slt, %shift_left3A_594, %lt3A_596 : vector<16xi32>
        %get3A_598 = arith.constant 3 : i32
        %get3A_599 = arith.index_cast %get3A_598 : i32 to index
        %get3A_600 = arith.index_cast %mul3A_532 : i32 to index
        %get3A_601 = tpu.vector_load %arg6[%get3A_599, %get3A_600] {strides = array<i32>} : memref<8x2560xf32, #tpu.memory_space<vmem>>, vector<1x16xf32>,
        %get3A_602 = vector.shape_cast %get3A_601 : vector<1x16xf32> to vector<16xf32>
        %jit3A_603 = arith.constant 0.000000e+00 : f32
        %broadcast_in_dim3A_604 = vector.broadcast %jit3A_603 : f32 to vector<16xf32>
        %select_n3A_605 = arith.select %lt3A_597, %get3A_602, %broadcast_in_dim3A_604 : vector<16xi1>, vector<16xf32>
        %swap3A_606 = arith.constant 3 : i32
        %swap3A_607 = arith.index_cast %swap3A_606 : i32 to index
        %swap3A_608 = arith.index_cast %mul3A_532 : i32 to index
        %swap3A_609 = tpu.vector_load %arg6[%swap3A_607, %swap3A_608] {strides = array<i32>} : memref<8x2560xf32, #tpu.memory_space<vmem>>, vector<1x16xf32>,
        %swap3A_610 = vector.shape_cast %swap3A_609 : vector<1x16xf32> to vector<16xf32>
        %swap3A_611 = vector.shape_cast %select_n3A_605 : vector<16xf32> to vector<1x16xf32>
        tpu.vector_store %arg6[%swap3A_607, %swap3A_608], %swap3A_611 {strides = array<i32>} : memref<8x2560xf32, #tpu.memory_space<vmem>>, vector<1x16xf32>,
        %get3A_612 = arith.constant 3 : i32
        %get3A_613 = arith.index_cast %get3A_612 : i32 to index
        %get3A_614 = arith.index_cast %mul3A_532 : i32 to index
        %get3A_615 = tpu.vector_load %arg7[%get3A_613, %get3A_614] {strides = array<i32>} : memref<8x2560xi32, #tpu.memory_space<vmem>>, vector<1x16xi32>,
        %get3A_616 = vector.shape_cast %get3A_615 : vector<1x16xi32> to vector<16xi32>
        %shift_left3A_617 = arith.constant 31 : i32
        %shift_left3A_618 = vector.broadcast %shift_left3A_617 : i32 to vector<16xi32>
        %shift_left3A_619 = arith.shli %get3A_616, %shift_left3A_618 : vector<16xi32>
        %lt3A_620 = arith.constant 0 : i32
        %lt3A_621 = vector.broadcast %lt3A_620 : i32 to vector<16xi32>
        %lt3A_622 = arith.cmpi slt, %shift_left3A_619, %lt3A_621 : vector<16xi32>
        %get3A_623 = arith.constant 4 : i32
        %get3A_624 = arith.index_cast %get3A_623 : i32 to index
        %get3A_625 = arith.index_cast %mul3A_532 : i32 to index
        %get3A_626 = tpu.vector_load %arg6[%get3A_624, %get3A_625] {strides = array<i32>} : memref<8x2560xf32, #tpu.memory_space<vmem>>, vector<1x16xf32>,
        %get3A_627 = vector.shape_cast %get3A_626 : vector<1x16xf32> to vector<16xf32>
        %jit3A_628 = arith.constant 0.000000e+00 : f32
        %broadcast_in_dim3A_629 = vector.broadcast %jit3A_628 : f32 to vector<16xf32>
        %select_n3A_630 = arith.select %lt3A_622, %get3A_627, %broadcast_in_dim3A_629 : vector<16xi1>, vector<16xf32>
        %swap3A_631 = arith.constant 4 : i32
        %swap3A_632 = arith.index_cast %swap3A_631 : i32 to index
        %swap3A_633 = arith.index_cast %mul3A_532 : i32 to index
        %swap3A_634 = tpu.vector_load %arg6[%swap3A_632, %swap3A_633] {strides = array<i32>} : memref<8x2560xf32, #tpu.memory_space<vmem>>, vector<1x16xf32>,
        %swap3A_635 = vector.shape_cast %swap3A_634 : vector<1x16xf32> to vector<16xf32>
        %swap3A_636 = vector.shape_cast %select_n3A_630 : vector<16xf32> to vector<1x16xf32>
        tpu.vector_store %arg6[%swap3A_632, %swap3A_633], %swap3A_636 {strides = array<i32>} : memref<8x2560xf32, #tpu.memory_space<vmem>>, vector<1x16xf32>,
        %shift_left3A_637 = arith.constant 23 : i32
        %shift_left3A_638 = vector.broadcast %shift_left3A_637 : i32 to vector<16xi32>
        %shift_left3A_639 = arith.shli %get3A_616, %shift_left3A_638 : vector<16xi32>
        %lt3A_640 = arith.constant 0 : i32
        %lt3A_641 = vector.broadcast %lt3A_640 : i32 to vector<16xi32>
        %lt3A_642 = arith.cmpi slt, %shift_left3A_639, %lt3A_641 : vector<16xi32>
        %get3A_643 = arith.constant 5 : i32
        %get3A_644 = arith.index_cast %get3A_643 : i32 to index
        %get3A_645 = arith.index_cast %mul3A_532 : i32 to index
        %get3A_646 = tpu.vector_load %arg6[%get3A_644, %get3A_645] {strides = array<i32>} : memref<8x2560xf32, #tpu.memory_space<vmem>>, vector<1x16xf32>,
        %get3A_647 = vector.shape_cast %get3A_646 : vector<1x16xf32> to vector<16xf32>
        %jit3A_648 = arith.constant 0.000000e+00 : f32
        %broadcast_in_dim3A_649 = vector.broadcast %jit3A_648 : f32 to vector<16xf32>
        %select_n3A_650 = arith.select %lt3A_642, %get3A_647, %broadcast_in_dim3A_649 : vector<16xi1>, vector<16xf32>
        %swap3A_651 = arith.constant 5 : i32
        %swap3A_652 = arith.index_cast %swap3A_651 : i32 to index
        %swap3A_653 = arith.index_cast %mul3A_532 : i32 to index
        %swap3A_654 = tpu.vector_load %arg6[%swap3A_652, %swap3A_653] {strides = array<i32>} : memref<8x2560xf32, #tpu.memory_space<vmem>>, vector<1x16xf32>,
        %swap3A_655 = vector.shape_cast %swap3A_654 : vector<1x16xf32> to vector<16xf32>
        %swap3A_656 = vector.shape_cast %select_n3A_650 : vector<16xf32> to vector<1x16xf32>
        tpu.vector_store %arg6[%swap3A_652, %swap3A_653], %swap3A_656 {strides = array<i32>} : memref<8x2560xf32, #tpu.memory_space<vmem>>, vector<1x16xf32>,
        %shift_left3A_657 = arith.constant 15 : i32
        %shift_left3A_658 = vector.broadcast %shift_left3A_657 : i32 to vector<16xi32>
        %shift_left3A_659 = arith.shli %get3A_616, %shift_left3A_658 : vector<16xi32>
        %lt3A_660 = arith.constant 0 : i32
        %lt3A_661 = vector.broadcast %lt3A_660 : i32 to vector<16xi32>
        %lt3A_662 = arith.cmpi slt, %shift_left3A_659, %lt3A_661 : vector<16xi32>
        %get3A_663 = arith.constant 6 : i32
        %get3A_664 = arith.index_cast %get3A_663 : i32 to index
        %get3A_665 = arith.index_cast %mul3A_532 : i32 to index
        %get3A_666 = tpu.vector_load %arg6[%get3A_664, %get3A_665] {strides = array<i32>} : memref<8x2560xf32, #tpu.memory_space<vmem>>, vector<1x16xf32>,
        %get3A_667 = vector.shape_cast %get3A_666 : vector<1x16xf32> to vector<16xf32>
        %jit3A_668 = arith.constant 0.000000e+00 : f32
        %broadcast_in_dim3A_669 = vector.broadcast %jit3A_668 : f32 to vector<16xf32>
        %select_n3A_670 = arith.select %lt3A_662, %get3A_667, %broadcast_in_dim3A_669 : vector<16xi1>, vector<16xf32>
        %swap3A_671 = arith.constant 6 : i32
        %swap3A_672 = arith.index_cast %swap3A_671 : i32 to index
        %swap3A_673 = arith.index_cast %mul3A_532 : i32 to index
        %swap3A_674 = tpu.vector_load %arg6[%swap3A_672, %swap3A_673] {strides = array<i32>} : memref<8x2560xf32, #tpu.memory_space<vmem>>, vector<1x16xf32>,
        %swap3A_675 = vector.shape_cast %swap3A_674 : vector<1x16xf32> to vector<16xf32>
        %swap3A_676 = vector.shape_cast %select_n3A_670 : vector<16xf32> to vector<1x16xf32>
        tpu.vector_store %arg6[%swap3A_672, %swap3A_673], %swap3A_676 {strides = array<i32>} : memref<8x2560xf32, #tpu.memory_space<vmem>>, vector<1x16xf32>,
        %shift_left3A_677 = arith.constant 7 : i32
        %shift_left3A_678 = vector.broadcast %shift_left3A_677 : i32 to vector<16xi32>
        %shift_left3A_679 = arith.shli %get3A_616, %shift_left3A_678 : vector<16xi32>
        %lt3A_680 = arith.constant 0 : i32
        %lt3A_681 = vector.broadcast %lt3A_680 : i32 to vector<16xi32>
        %lt3A_682 = arith.cmpi slt, %shift_left3A_679, %lt3A_681 : vector<16xi32>
        %get3A_683 = arith.constant 7 : i32
        %get3A_684 = arith.index_cast %get3A_683 : i32 to index
        %get3A_685 = arith.index_cast %mul3A_532 : i32 to index
        %get3A_686 = tpu.vector_load %arg6[%get3A_684, %get3A_685] {strides = array<i32>} : memref<8x2560xf32, #tpu.memory_space<vmem>>, vector<1x16xf32>,
        %get3A_687 = vector.shape_cast %get3A_686 : vector<1x16xf32> to vector<16xf32>
        %jit3A_688 = arith.constant 0.000000e+00 : f32
        %broadcast_in_dim3A_689 = vector.broadcast %jit3A_688 : f32 to vector<16xf32>
        %select_n3A_690 = arith.select %lt3A_682, %get3A_687, %broadcast_in_dim3A_689 : vector<16xi1>, vector<16xf32>
        %swap3A_691 = arith.constant 7 : i32
        %swap3A_692 = arith.index_cast %swap3A_691 : i32 to index
        %swap3A_693 = arith.index_cast %mul3A_532 : i32 to index
        %swap3A_694 = tpu.vector_load %arg6[%swap3A_692, %swap3A_693] {strides = array<i32>} : memref<8x2560xf32, #tpu.memory_space<vmem>>, vector<1x16xf32>,
        %swap3A_695 = vector.shape_cast %swap3A_694 : vector<1x16xf32> to vector<16xf32>
        %swap3A_696 = vector.shape_cast %select_n3A_690 : vector<16xf32> to vector<1x16xf32>
        tpu.vector_store %arg6[%swap3A_692, %swap3A_693], %swap3A_696 {strides = array<i32>} : memref<8x2560xf32, #tpu.memory_space<vmem>>, vector<1x16xf32>,
        %scan3A_697 = arith.constant 1 : i32
        %scan3A_698 = arith.addi %scan3A_530, %scan3A_697 : i32
        %mul3A_699 = arith.constant 16 : i32
        %mul3A_700 = arith.muli %scan3A_698, %mul3A_699 : i32
        %get3A_701 = arith.constant 2 : i32
        %get3A_702 = arith.index_cast %get3A_701 : i32 to index
        %get3A_703 = arith.index_cast %mul3A_700 : i32 to index
        %get3A_704 = tpu.vector_load %arg7[%get3A_702, %get3A_703] {strides = array<i32>} : memref<8x2560xi32, #tpu.memory_space<vmem>>, vector<1x16xi32>,
        %get3A_705 = vector.shape_cast %get3A_704 : vector<1x16xi32> to vector<16xi32>
        %shift_left3A_706 = arith.constant 31 : i32
        %shift_left3A_707 = vector.broadcast %shift_left3A_706 : i32 to vector<16xi32>
        %shift_left3A_708 = arith.shli %get3A_705, %shift_left3A_707 : vector<16xi32>
        %lt3A_709 = arith.constant 0 : i32
        %lt3A_710 = vector.broadcast %lt3A_709 : i32 to vector<16xi32>
        %lt3A_711 = arith.cmpi slt, %shift_left3A_708, %lt3A_710 : vector<16xi32>
        %get3A_712 = arith.constant 0 : i32
        %get3A_713 = arith.index_cast %get3A_712 : i32 to index
        %get3A_714 = arith.index_cast %mul3A_700 : i32 to index
        %get3A_715 = tpu.vector_load %arg6[%get3A_713, %get3A_714] {strides = array<i32>} : memref<8x2560xf32, #tpu.memory_space<vmem>>, vector<1x16xf32>,
        %get3A_716 = vector.shape_cast %get3A_715 : vector<1x16xf32> to vector<16xf32>
        %jit3A_717 = arith.constant 0.000000e+00 : f32
        %broadcast_in_dim3A_718 = vector.broadcast %jit3A_717 : f32 to vector<16xf32>
        %select_n3A_719 = arith.select %lt3A_711, %get3A_716, %broadcast_in_dim3A_718 : vector<16xi1>, vector<16xf32>
        %swap3A_720 = arith.constant 0 : i32
        %swap3A_721 = arith.index_cast %swap3A_720 : i32 to index
        %swap3A_722 = arith.index_cast %mul3A_700 : i32 to index
        %swap3A_723 = tpu.vector_load %arg6[%swap3A_721, %swap3A_722] {strides = array<i32>} : memref<8x2560xf32, #tpu.memory_space<vmem>>, vector<1x16xf32>,
        %swap3A_724 = vector.shape_cast %swap3A_723 : vector<1x16xf32> to vector<16xf32>
        %swap3A_725 = vector.shape_cast %select_n3A_719 : vector<16xf32> to vector<1x16xf32>
        tpu.vector_store %arg6[%swap3A_721, %swap3A_722], %swap3A_725 {strides = array<i32>} : memref<8x2560xf32, #tpu.memory_space<vmem>>, vector<1x16xf32>,
        %shift_left3A_726 = arith.constant 23 : i32
        %shift_left3A_727 = vector.broadcast %shift_left3A_726 : i32 to vector<16xi32>
        %shift_left3A_728 = arith.shli %get3A_705, %shift_left3A_727 : vector<16xi32>
        %lt3A_729 = arith.constant 0 : i32
        %lt3A_730 = vector.broadcast %lt3A_729 : i32 to vector<16xi32>
        %lt3A_731 = arith.cmpi slt, %shift_left3A_728, %lt3A_730 : vector<16xi32>
        %get3A_732 = arith.constant 1 : i32
        %get3A_733 = arith.index_cast %get3A_732 : i32 to index
        %get3A_734 = arith.index_cast %mul3A_700 : i32 to index
        %get3A_735 = tpu.vector_load %arg6[%get3A_733, %get3A_734] {strides = array<i32>} : memref<8x2560xf32, #tpu.memory_space<vmem>>, vector<1x16xf32>,
        %get3A_736 = vector.shape_cast %get3A_735 : vector<1x16xf32> to vector<16xf32>
        %jit3A_737 = arith.constant 0.000000e+00 : f32
        %broadcast_in_dim3A_738 = vector.broadcast %jit3A_737 : f32 to vector<16xf32>
        %select_n3A_739 = arith.select %lt3A_731, %get3A_736, %broadcast_in_dim3A_738 : vector<16xi1>, vector<16xf32>
        %swap3A_740 = arith.constant 1 : i32
        %swap3A_741 = arith.index_cast %swap3A_740 : i32 to index
        %swap3A_742 = arith.index_cast %mul3A_700 : i32 to index
        %swap3A_743 = tpu.vector_load %arg6[%swap3A_741, %swap3A_742] {strides = array<i32>} : memref<8x2560xf32, #tpu.memory_space<vmem>>, vector<1x16xf32>,
        %swap3A_744 = vector.shape_cast %swap3A_743 : vector<1x16xf32> to vector<16xf32>
        %swap3A_745 = vector.shape_cast %select_n3A_739 : vector<16xf32> to vector<1x16xf32>
        tpu.vector_store %arg6[%swap3A_741, %swap3A_742], %swap3A_745 {strides = array<i32>} : memref<8x2560xf32, #tpu.memory_space<vmem>>, vector<1x16xf32>,
        %shift_left3A_746 = arith.constant 15 : i32
        %shift_left3A_747 = vector.broadcast %shift_left3A_746 : i32 to vector<16xi32>
        %shift_left3A_748 = arith.shli %get3A_705, %shift_left3A_747 : vector<16xi32>
        %lt3A_749 = arith.constant 0 : i32
        %lt3A_750 = vector.broadcast %lt3A_749 : i32 to vector<16xi32>
        %lt3A_751 = arith.cmpi slt, %shift_left3A_748, %lt3A_750 : vector<16xi32>
        %get3A_752 = arith.constant 2 : i32
        %get3A_753 = arith.index_cast %get3A_752 : i32 to index
        %get3A_754 = arith.index_cast %mul3A_700 : i32 to index
        %get3A_755 = tpu.vector_load %arg6[%get3A_753, %get3A_754] {strides = array<i32>} : memref<8x2560xf32, #tpu.memory_space<vmem>>, vector<1x16xf32>,
        %get3A_756 = vector.shape_cast %get3A_755 : vector<1x16xf32> to vector<16xf32>
        %jit3A_757 = arith.constant 0.000000e+00 : f32
        %broadcast_in_dim3A_758 = vector.broadcast %jit3A_757 : f32 to vector<16xf32>
        %select_n3A_759 = arith.select %lt3A_751, %get3A_756, %broadcast_in_dim3A_758 : vector<16xi1>, vector<16xf32>
        %swap3A_760 = arith.constant 2 : i32
        %swap3A_761 = arith.index_cast %swap3A_760 : i32 to index
        %swap3A_762 = arith.index_cast %mul3A_700 : i32 to index
        %swap3A_763 = tpu.vector_load %arg6[%swap3A_761, %swap3A_762] {strides = array<i32>} : memref<8x2560xf32, #tpu.memory_space<vmem>>, vector<1x16xf32>,
        %swap3A_764 = vector.shape_cast %swap3A_763 : vector<1x16xf32> to vector<16xf32>
        %swap3A_765 = vector.shape_cast %select_n3A_759 : vector<16xf32> to vector<1x16xf32>
        tpu.vector_store %arg6[%swap3A_761, %swap3A_762], %swap3A_765 {strides = array<i32>} : memref<8x2560xf32, #tpu.memory_space<vmem>>, vector<1x16xf32>,
        %shift_left3A_766 = arith.constant 7 : i32
        %shift_left3A_767 = vector.broadcast %shift_left3A_766 : i32 to vector<16xi32>
        %shift_left3A_768 = arith.shli %get3A_705, %shift_left3A_767 : vector<16xi32>
        %lt3A_769 = arith.constant 0 : i32
        %lt3A_770 = vector.broadcast %lt3A_769 : i32 to vector<16xi32>
        %lt3A_771 = arith.cmpi slt, %shift_left3A_768, %lt3A_770 : vector<16xi32>
        %get3A_772 = arith.constant 3 : i32
        %get3A_773 = arith.index_cast %get3A_772 : i32 to index
        %get3A_774 = arith.index_cast %mul3A_700 : i32 to index
        %get3A_775 = tpu.vector_load %arg6[%get3A_773, %get3A_774] {strides = array<i32>} : memref<8x2560xf32, #tpu.memory_space<vmem>>, vector<1x16xf32>,
        %get3A_776 = vector.shape_cast %get3A_775 : vector<1x16xf32> to vector<16xf32>
        %jit3A_777 = arith.constant 0.000000e+00 : f32
        %broadcast_in_dim3A_778 = vector.broadcast %jit3A_777 : f32 to vector<16xf32>
        %select_n3A_779 = arith.select %lt3A_771, %get3A_776, %broadcast_in_dim3A_778 : vector<16xi1>, vector<16xf32>
        %swap3A_780 = arith.constant 3 : i32
        %swap3A_781 = arith.index_cast %swap3A_780 : i32 to index
        %swap3A_782 = arith.index_cast %mul3A_700 : i32 to index
        %swap3A_783 = tpu.vector_load %arg6[%swap3A_781, %swap3A_782] {strides = array<i32>} : memref<8x2560xf32, #tpu.memory_space<vmem>>, vector<1x16xf32>,
        %swap3A_784 = vector.shape_cast %swap3A_783 : vector<1x16xf32> to vector<16xf32>
        %swap3A_785 = vector.shape_cast %select_n3A_779 : vector<16xf32> to vector<1x16xf32>
        tpu.vector_store %arg6[%swap3A_781, %swap3A_782], %swap3A_785 {strides = array<i32>} : memref<8x2560xf32, #tpu.memory_space<vmem>>, vector<1x16xf32>,
        %get3A_786 = arith.constant 3 : i32
        %get3A_787 = arith.index_cast %get3A_786 : i32 to index
        %get3A_788 = arith.index_cast %mul3A_700 : i32 to index
        %get3A_789 = tpu.vector_load %arg7[%get3A_787, %get3A_788] {strides = array<i32>} : memref<8x2560xi32, #tpu.memory_space<vmem>>, vector<1x16xi32>,
        %get3A_790 = vector.shape_cast %get3A_789 : vector<1x16xi32> to vector<16xi32>
        %shift_left3A_791 = arith.constant 31 : i32
        %shift_left3A_792 = vector.broadcast %shift_left3A_791 : i32 to vector<16xi32>
        %shift_left3A_793 = arith.shli %get3A_790, %shift_left3A_792 : vector<16xi32>
        %lt3A_794 = arith.constant 0 : i32
        %lt3A_795 = vector.broadcast %lt3A_794 : i32 to vector<16xi32>
        %lt3A_796 = arith.cmpi slt, %shift_left3A_793, %lt3A_795 : vector<16xi32>
        %get3A_797 = arith.constant 4 : i32
        %get3A_798 = arith.index_cast %get3A_797 : i32 to index
        %get3A_799 = arith.index_cast %mul3A_700 : i32 to index
        %get3A_800 = tpu.vector_load %arg6[%get3A_798, %get3A_799] {strides = array<i32>} : memref<8x2560xf32, #tpu.memory_space<vmem>>, vector<1x16xf32>,
        %get3A_801 = vector.shape_cast %get3A_800 : vector<1x16xf32> to vector<16xf32>
        %jit3A_802 = arith.constant 0.000000e+00 : f32
        %broadcast_in_dim3A_803 = vector.broadcast %jit3A_802 : f32 to vector<16xf32>
        %select_n3A_804 = arith.select %lt3A_796, %get3A_801, %broadcast_in_dim3A_803 : vector<16xi1>, vector<16xf32>
        %swap3A_805 = arith.constant 4 : i32
        %swap3A_806 = arith.index_cast %swap3A_805 : i32 to index
        %swap3A_807 = arith.index_cast %mul3A_700 : i32 to index
        %swap3A_808 = tpu.vector_load %arg6[%swap3A_806, %swap3A_807] {strides = array<i32>} : memref<8x2560xf32, #tpu.memory_space<vmem>>, vector<1x16xf32>,
        %swap3A_809 = vector.shape_cast %swap3A_808 : vector<1x16xf32> to vector<16xf32>
        %swap3A_810 = vector.shape_cast %select_n3A_804 : vector<16xf32> to vector<1x16xf32>
        tpu.vector_store %arg6[%swap3A_806, %swap3A_807], %swap3A_810 {strides = array<i32>} : memref<8x2560xf32, #tpu.memory_space<vmem>>, vector<1x16xf32>,
        %shift_left3A_811 = arith.constant 23 : i32
        %shift_left3A_812 = vector.broadcast %shift_left3A_811 : i32 to vector<16xi32>
        %shift_left3A_813 = arith.shli %get3A_790, %shift_left3A_812 : vector<16xi32>
        %lt3A_814 = arith.constant 0 : i32
        %lt3A_815 = vector.broadcast %lt3A_814 : i32 to vector<16xi32>
        %lt3A_816 = arith.cmpi slt, %shift_left3A_813, %lt3A_815 : vector<16xi32>
        %get3A_817 = arith.constant 5 : i32
        %get3A_818 = arith.index_cast %get3A_817 : i32 to index
        %get3A_819 = arith.index_cast %mul3A_700 : i32 to index
        %get3A_820 = tpu.vector_load %arg6[%get3A_818, %get3A_819] {strides = array<i32>} : memref<8x2560xf32, #tpu.memory_space<vmem>>, vector<1x16xf32>,
        %get3A_821 = vector.shape_cast %get3A_820 : vector<1x16xf32> to vector<16xf32>
        %jit3A_822 = arith.constant 0.000000e+00 : f32
        %broadcast_in_dim3A_823 = vector.broadcast %jit3A_822 : f32 to vector<16xf32>
        %select_n3A_824 = arith.select %lt3A_816, %get3A_821, %broadcast_in_dim3A_823 : vector<16xi1>, vector<16xf32>
        %swap3A_825 = arith.constant 5 : i32
        %swap3A_826 = arith.index_cast %swap3A_825 : i32 to index
        %swap3A_827 = arith.index_cast %mul3A_700 : i32 to index
        %swap3A_828 = tpu.vector_load %arg6[%swap3A_826, %swap3A_827] {strides = array<i32>} : memref<8x2560xf32, #tpu.memory_space<vmem>>, vector<1x16xf32>,
        %swap3A_829 = vector.shape_cast %swap3A_828 : vector<1x16xf32> to vector<16xf32>
        %swap3A_830 = vector.shape_cast %select_n3A_824 : vector<16xf32> to vector<1x16xf32>
        tpu.vector_store %arg6[%swap3A_826, %swap3A_827], %swap3A_830 {strides = array<i32>} : memref<8x2560xf32, #tpu.memory_space<vmem>>, vector<1x16xf32>,
        %shift_left3A_831 = arith.constant 15 : i32
        %shift_left3A_832 = vector.broadcast %shift_left3A_831 : i32 to vector<16xi32>
        %shift_left3A_833 = arith.shli %get3A_790, %shift_left3A_832 : vector<16xi32>
        %lt3A_834 = arith.constant 0 : i32
        %lt3A_835 = vector.broadcast %lt3A_834 : i32 to vector<16xi32>
        %lt3A_836 = arith.cmpi slt, %shift_left3A_833, %lt3A_835 : vector<16xi32>
        %get3A_837 = arith.constant 6 : i32
        %get3A_838 = arith.index_cast %get3A_837 : i32 to index
        %get3A_839 = arith.index_cast %mul3A_700 : i32 to index
        %get3A_840 = tpu.vector_load %arg6[%get3A_838, %get3A_839] {strides = array<i32>} : memref<8x2560xf32, #tpu.memory_space<vmem>>, vector<1x16xf32>,
        %get3A_841 = vector.shape_cast %get3A_840 : vector<1x16xf32> to vector<16xf32>
        %jit3A_842 = arith.constant 0.000000e+00 : f32
        %broadcast_in_dim3A_843 = vector.broadcast %jit3A_842 : f32 to vector<16xf32>
        %select_n3A_844 = arith.select %lt3A_836, %get3A_841, %broadcast_in_dim3A_843 : vector<16xi1>, vector<16xf32>
        %swap3A_845 = arith.constant 6 : i32
        %swap3A_846 = arith.index_cast %swap3A_845 : i32 to index
        %swap3A_847 = arith.index_cast %mul3A_700 : i32 to index
        %swap3A_848 = tpu.vector_load %arg6[%swap3A_846, %swap3A_847] {strides = array<i32>} : memref<8x2560xf32, #tpu.memory_space<vmem>>, vector<1x16xf32>,
        %swap3A_849 = vector.shape_cast %swap3A_848 : vector<1x16xf32> to vector<16xf32>
        %swap3A_850 = vector.shape_cast %select_n3A_844 : vector<16xf32> to vector<1x16xf32>
        tpu.vector_store %arg6[%swap3A_846, %swap3A_847], %swap3A_850 {strides = array<i32>} : memref<8x2560xf32, #tpu.memory_space<vmem>>, vector<1x16xf32>,
        %shift_left3A_851 = arith.constant 7 : i32
        %shift_left3A_852 = vector.broadcast %shift_left3A_851 : i32 to vector<16xi32>
        %shift_left3A_853 = arith.shli %get3A_790, %shift_left3A_852 : vector<16xi32>
        %lt3A_854 = arith.constant 0 : i32
        %lt3A_855 = vector.broadcast %lt3A_854 : i32 to vector<16xi32>
        %lt3A_856 = arith.cmpi slt, %shift_left3A_853, %lt3A_855 : vector<16xi32>
        %get3A_857 = arith.constant 7 : i32
        %get3A_858 = arith.index_cast %get3A_857 : i32 to index
        %get3A_859 = arith.index_cast %mul3A_700 : i32 to index
        %get3A_860 = tpu.vector_load %arg6[%get3A_858, %get3A_859] {strides = array<i32>} : memref<8x2560xf32, #tpu.memory_space<vmem>>, vector<1x16xf32>,
        %get3A_861 = vector.shape_cast %get3A_860 : vector<1x16xf32> to vector<16xf32>
        %jit3A_862 = arith.constant 0.000000e+00 : f32
        %broadcast_in_dim3A_863 = vector.broadcast %jit3A_862 : f32 to vector<16xf32>
        %select_n3A_864 = arith.select %lt3A_856, %get3A_861, %broadcast_in_dim3A_863 : vector<16xi1>, vector<16xf32>
        %swap3A_865 = arith.constant 7 : i32
        %swap3A_866 = arith.index_cast %swap3A_865 : i32 to index
        %swap3A_867 = arith.index_cast %mul3A_700 : i32 to index
        %swap3A_868 = tpu.vector_load %arg6[%swap3A_866, %swap3A_867] {strides = array<i32>} : memref<8x2560xf32, #tpu.memory_space<vmem>>, vector<1x16xf32>,
        %swap3A_869 = vector.shape_cast %swap3A_868 : vector<1x16xf32> to vector<16xf32>
        %swap3A_870 = vector.shape_cast %select_n3A_864 : vector<16xf32> to vector<1x16xf32>
        tpu.vector_store %arg6[%swap3A_866, %swap3A_867], %swap3A_870 {strides = array<i32>} : memref<8x2560xf32, #tpu.memory_space<vmem>>, vector<1x16xf32>,
      }
      %scan3A_243 = arith.constant 160 : i32
      %add3A_244 = arith.constant 8 : i32
      %add3A_245 = arith.addi %multiple_of3A, %add3A_244 : i32
      %multiple_of3A_246 = tpu.assume_multiple %add3A_245, 8 : i32
      %mul3A_247 = arith.constant 2560 : i32
      %mul3A_248 = arith.muli %mul3A_101, %mul3A_247 : i32
      %multiple_of3A_249 = tpu.assume_multiple %mul3A_248, 128 : i32
      %dma_start3A_250 = tpu.memref_slice %arg4[%multiple_of3A_246, %multiple_of3A_249] : memref<1024x100000xf32, #tpu.memory_space<hbm>> -> memref<8x2560xf32, #tpu.memory_space<hbm>>
      %dma_start3A_251 = tpu.memref_slice %arg4[%multiple_of3A_246, %multiple_of3A_249] : memref<1024x100000xf32, #tpu.memory_space<hbm>> -> memref<8x2560xf32, #tpu.memory_space<hbm>>
      tpu.enqueue_dma source(%arg6 : memref<8x2560xf32, #tpu.memory_space<vmem>>) target(%dma_start3A_251 : memref<8x2560xf32, #tpu.memory_space<hbm>>) target_semaphore(%arg14 : memref<!tpu.dma_semaphore, #tpu.memory_space<semaphore_mem>>)
      %dma_wait3A_252 = arith.constant 0 : i32
      %dma_wait3A_253 = arith.constant 0 : i32
      %dma_wait3A_254 = tpu.memref_slice %arg4[%dma_wait3A_252, %dma_wait3A_253] : memref<1024x100000xf32, #tpu.memory_space<hbm>> -> memref<8x2560xf32, #tpu.memory_space<hbm>>
      %dma_wait3A_255 = arith.constant 0 : i32
      %dma_wait3A_256 = arith.constant 0 : i32
      %dma_wait3A_257 = tpu.memref_slice %arg4[%dma_wait3A_255, %dma_wait3A_256] : memref<1024x100000xf32, #tpu.memory_space<hbm>> -> memref<8x2560xf32, #tpu.memory_space<hbm>>
      tpu.wait_dma2 semaphore(%arg14 : memref<!tpu.dma_semaphore, #tpu.memory_space<semaphore_mem>>) src(%arg6 : memref<8x2560xf32, #tpu.memory_space<vmem>>) dst(%dma_wait3A_257 : memref<8x2560xf32, #tpu.memory_space<hbm>>)
      %add3A_258 = arith.constant 24 : i32
      %add3A_259 = arith.addi %multiple_of3A, %add3A_258 : i32
      %multiple_of3A_260 = tpu.assume_multiple %add3A_259, 8 : i32
      %mul3A_261 = arith.constant 2560 : i32
      %mul3A_262 = arith.muli %mul3A_101, %mul3A_261 : i32
      %multiple_of3A_263 = tpu.assume_multiple %mul3A_262, 128 : i32
      %dma_start3A_264 = tpu.memref_slice %arg2[%multiple_of3A_260, %multiple_of3A_263] : memref<1024x100000xf32, #tpu.memory_space<hbm>> -> memref<8x2560xf32, #tpu.memory_space<hbm>>
      %dma_start3A_265 = tpu.memref_slice %arg2[%multiple_of3A_260, %multiple_of3A_263] : memref<1024x100000xf32, #tpu.memory_space<hbm>> -> memref<8x2560xf32, #tpu.memory_space<hbm>>
      tpu.enqueue_dma source(%dma_start3A_265 : memref<8x2560xf32, #tpu.memory_space<hbm>>) target(%arg6 : memref<8x2560xf32, #tpu.memory_space<vmem>>) target_semaphore(%arg10 : memref<!tpu.dma_semaphore, #tpu.memory_space<semaphore_mem>>)
      %dma_wait3A_266 = arith.constant 0 : i32
      %dma_wait3A_267 = arith.constant 0 : i32
      %dma_wait3A_268 = tpu.memref_slice %arg2[%dma_wait3A_266, %dma_wait3A_267] : memref<1024x100000xf32, #tpu.memory_space<hbm>> -> memref<8x2560xf32, #tpu.memory_space<hbm>>
      %dma_wait3A_269 = arith.constant 0 : i32
      %dma_wait3A_270 = arith.constant 0 : i32
      %dma_wait3A_271 = tpu.memref_slice %arg2[%dma_wait3A_269, %dma_wait3A_270] : memref<1024x100000xf32, #tpu.memory_space<hbm>> -> memref<8x2560xf32, #tpu.memory_space<hbm>>
      tpu.wait_dma2 semaphore(%arg9 : memref<!tpu.dma_semaphore, #tpu.memory_space<semaphore_mem>>) src(%dma_wait3A_271 : memref<8x2560xf32, #tpu.memory_space<hbm>>) dst(%arg5 : memref<8x2560xf32, #tpu.memory_space<vmem>>)
      %scan3A_272 = arith.constant 0 : i32
      %scan3A_273 = arith.constant 0 : i32
      %scan3A_274 = arith.constant 160 : i32
      %scan3A_275 = arith.addi %scan3A_273, %scan3A_274 : i32
      %scan3A_276 = arith.constant 2 : i32
      scf.for %scan3A_530 = %scan3A_273 to %scan3A_275 step %scan3A_276  : i32 {
        %mul3A_531 = arith.constant 16 : i32
        %mul3A_532 = arith.muli %scan3A_530, %mul3A_531 : i32
        %get3A = arith.constant 4 : i32
        %get3A_533 = arith.index_cast %get3A : i32 to index
        %get3A_534 = arith.index_cast %mul3A_532 : i32 to index
        %get3A_535 = tpu.vector_load %arg7[%get3A_533, %get3A_534] {strides = array<i32>} : memref<8x2560xi32, #tpu.memory_space<vmem>>, vector<1x16xi32>,
        %get3A_536 = vector.shape_cast %get3A_535 : vector<1x16xi32> to vector<16xi32>
        %shift_left3A = arith.constant 31 : i32
        %shift_left3A_537 = vector.broadcast %shift_left3A : i32 to vector<16xi32>
        %shift_left3A_538 = arith.shli %get3A_536, %shift_left3A_537 : vector<16xi32>
        %lt3A_539 = arith.constant 0 : i32
        %lt3A_540 = vector.broadcast %lt3A_539 : i32 to vector<16xi32>
        %lt3A_541 = arith.cmpi slt, %shift_left3A_538, %lt3A_540 : vector<16xi32>
        %get3A_542 = arith.constant 0 : i32
        %get3A_543 = arith.index_cast %get3A_542 : i32 to index
        %get3A_544 = arith.index_cast %mul3A_532 : i32 to index
        %get3A_545 = tpu.vector_load %arg5[%get3A_543, %get3A_544] {strides = array<i32>} : memref<8x2560xf32, #tpu.memory_space<vmem>>, vector<1x16xf32>,
        %get3A_546 = vector.shape_cast %get3A_545 : vector<1x16xf32> to vector<16xf32>
        %jit3A = arith.constant 0.000000e+00 : f32
        %broadcast_in_dim3A = vector.broadcast %jit3A : f32 to vector<16xf32>
        %select_n3A = arith.select %lt3A_541, %get3A_546, %broadcast_in_dim3A : vector<16xi1>, vector<16xf32>
        %swap3A = arith.constant 0 : i32
        %swap3A_547 = arith.index_cast %swap3A : i32 to index
        %swap3A_548 = arith.index_cast %mul3A_532 : i32 to index
        %swap3A_549 = tpu.vector_load %arg5[%swap3A_547, %swap3A_548] {strides = array<i32>} : memref<8x2560xf32, #tpu.memory_space<vmem>>, vector<1x16xf32>,
        %swap3A_550 = vector.shape_cast %swap3A_549 : vector<1x16xf32> to vector<16xf32>
        %swap3A_551 = vector.shape_cast %select_n3A : vector<16xf32> to vector<1x16xf32>
        tpu.vector_store %arg5[%swap3A_547, %swap3A_548], %swap3A_551 {strides = array<i32>} : memref<8x2560xf32, #tpu.memory_space<vmem>>, vector<1x16xf32>,
        %shift_left3A_552 = arith.constant 23 : i32
        %shift_left3A_553 = vector.broadcast %shift_left3A_552 : i32 to vector<16xi32>
        %shift_left3A_554 = arith.shli %get3A_536, %shift_left3A_553 : vector<16xi32>
        %lt3A_555 = arith.constant 0 : i32
        %lt3A_556 = vector.broadcast %lt3A_555 : i32 to vector<16xi32>
        %lt3A_557 = arith.cmpi slt, %shift_left3A_554, %lt3A_556 : vector<16xi32>
        %get3A_558 = arith.constant 1 : i32
        %get3A_559 = arith.index_cast %get3A_558 : i32 to index
        %get3A_560 = arith.index_cast %mul3A_532 : i32 to index
        %get3A_561 = tpu.vector_load %arg5[%get3A_559, %get3A_560] {strides = array<i32>} : memref<8x2560xf32, #tpu.memory_space<vmem>>, vector<1x16xf32>,
        %get3A_562 = vector.shape_cast %get3A_561 : vector<1x16xf32> to vector<16xf32>
        %jit3A_563 = arith.constant 0.000000e+00 : f32
        %broadcast_in_dim3A_564 = vector.broadcast %jit3A_563 : f32 to vector<16xf32>
        %select_n3A_565 = arith.select %lt3A_557, %get3A_562, %broadcast_in_dim3A_564 : vector<16xi1>, vector<16xf32>
        %swap3A_566 = arith.constant 1 : i32
        %swap3A_567 = arith.index_cast %swap3A_566 : i32 to index
        %swap3A_568 = arith.index_cast %mul3A_532 : i32 to index
        %swap3A_569 = tpu.vector_load %arg5[%swap3A_567, %swap3A_568] {strides = array<i32>} : memref<8x2560xf32, #tpu.memory_space<vmem>>, vector<1x16xf32>,
        %swap3A_570 = vector.shape_cast %swap3A_569 : vector<1x16xf32> to vector<16xf32>
        %swap3A_571 = vector.shape_cast %select_n3A_565 : vector<16xf32> to vector<1x16xf32>
        tpu.vector_store %arg5[%swap3A_567, %swap3A_568], %swap3A_571 {strides = array<i32>} : memref<8x2560xf32, #tpu.memory_space<vmem>>, vector<1x16xf32>,
        %shift_left3A_572 = arith.constant 15 : i32
        %shift_left3A_573 = vector.broadcast %shift_left3A_572 : i32 to vector<16xi32>
        %shift_left3A_574 = arith.shli %get3A_536, %shift_left3A_573 : vector<16xi32>
        %lt3A_575 = arith.constant 0 : i32
        %lt3A_576 = vector.broadcast %lt3A_575 : i32 to vector<16xi32>
        %lt3A_577 = arith.cmpi slt, %shift_left3A_574, %lt3A_576 : vector<16xi32>
        %get3A_578 = arith.constant 2 : i32
        %get3A_579 = arith.index_cast %get3A_578 : i32 to index
        %get3A_580 = arith.index_cast %mul3A_532 : i32 to index
        %get3A_581 = tpu.vector_load %arg5[%get3A_579, %get3A_580] {strides = array<i32>} : memref<8x2560xf32, #tpu.memory_space<vmem>>, vector<1x16xf32>,
        %get3A_582 = vector.shape_cast %get3A_581 : vector<1x16xf32> to vector<16xf32>
        %jit3A_583 = arith.constant 0.000000e+00 : f32
        %broadcast_in_dim3A_584 = vector.broadcast %jit3A_583 : f32 to vector<16xf32>
        %select_n3A_585 = arith.select %lt3A_577, %get3A_582, %broadcast_in_dim3A_584 : vector<16xi1>, vector<16xf32>
        %swap3A_586 = arith.constant 2 : i32
        %swap3A_587 = arith.index_cast %swap3A_586 : i32 to index
        %swap3A_588 = arith.index_cast %mul3A_532 : i32 to index
        %swap3A_589 = tpu.vector_load %arg5[%swap3A_587, %swap3A_588] {strides = array<i32>} : memref<8x2560xf32, #tpu.memory_space<vmem>>, vector<1x16xf32>,
        %swap3A_590 = vector.shape_cast %swap3A_589 : vector<1x16xf32> to vector<16xf32>
        %swap3A_591 = vector.shape_cast %select_n3A_585 : vector<16xf32> to vector<1x16xf32>
        tpu.vector_store %arg5[%swap3A_587, %swap3A_588], %swap3A_591 {strides = array<i32>} : memref<8x2560xf32, #tpu.memory_space<vmem>>, vector<1x16xf32>,
        %shift_left3A_592 = arith.constant 7 : i32
        %shift_left3A_593 = vector.broadcast %shift_left3A_592 : i32 to vector<16xi32>
        %shift_left3A_594 = arith.shli %get3A_536, %shift_left3A_593 : vector<16xi32>
        %lt3A_595 = arith.constant 0 : i32
        %lt3A_596 = vector.broadcast %lt3A_595 : i32 to vector<16xi32>
        %lt3A_597 = arith.cmpi slt, %shift_left3A_594, %lt3A_596 : vector<16xi32>
        %get3A_598 = arith.constant 3 : i32
        %get3A_599 = arith.index_cast %get3A_598 : i32 to index
        %get3A_600 = arith.index_cast %mul3A_532 : i32 to index
        %get3A_601 = tpu.vector_load %arg5[%get3A_599, %get3A_600] {strides = array<i32>} : memref<8x2560xf32, #tpu.memory_space<vmem>>, vector<1x16xf32>,
        %get3A_602 = vector.shape_cast %get3A_601 : vector<1x16xf32> to vector<16xf32>
        %jit3A_603 = arith.constant 0.000000e+00 : f32
        %broadcast_in_dim3A_604 = vector.broadcast %jit3A_603 : f32 to vector<16xf32>
        %select_n3A_605 = arith.select %lt3A_597, %get3A_602, %broadcast_in_dim3A_604 : vector<16xi1>, vector<16xf32>
        %swap3A_606 = arith.constant 3 : i32
        %swap3A_607 = arith.index_cast %swap3A_606 : i32 to index
        %swap3A_608 = arith.index_cast %mul3A_532 : i32 to index
        %swap3A_609 = tpu.vector_load %arg5[%swap3A_607, %swap3A_608] {strides = array<i32>} : memref<8x2560xf32, #tpu.memory_space<vmem>>, vector<1x16xf32>,
        %swap3A_610 = vector.shape_cast %swap3A_609 : vector<1x16xf32> to vector<16xf32>
        %swap3A_611 = vector.shape_cast %select_n3A_605 : vector<16xf32> to vector<1x16xf32>
        tpu.vector_store %arg5[%swap3A_607, %swap3A_608], %swap3A_611 {strides = array<i32>} : memref<8x2560xf32, #tpu.memory_space<vmem>>, vector<1x16xf32>,
        %get3A_612 = arith.constant 5 : i32
        %get3A_613 = arith.index_cast %get3A_612 : i32 to index
        %get3A_614 = arith.index_cast %mul3A_532 : i32 to index
        %get3A_615 = tpu.vector_load %arg7[%get3A_613, %get3A_614] {strides = array<i32>} : memref<8x2560xi32, #tpu.memory_space<vmem>>, vector<1x16xi32>,
        %get3A_616 = vector.shape_cast %get3A_615 : vector<1x16xi32> to vector<16xi32>
        %shift_left3A_617 = arith.constant 31 : i32
        %shift_left3A_618 = vector.broadcast %shift_left3A_617 : i32 to vector<16xi32>
        %shift_left3A_619 = arith.shli %get3A_616, %shift_left3A_618 : vector<16xi32>
        %lt3A_620 = arith.constant 0 : i32
        %lt3A_621 = vector.broadcast %lt3A_620 : i32 to vector<16xi32>
        %lt3A_622 = arith.cmpi slt, %shift_left3A_619, %lt3A_621 : vector<16xi32>
        %get3A_623 = arith.constant 4 : i32
        %get3A_624 = arith.index_cast %get3A_623 : i32 to index
        %get3A_625 = arith.index_cast %mul3A_532 : i32 to index
        %get3A_626 = tpu.vector_load %arg5[%get3A_624, %get3A_625] {strides = array<i32>} : memref<8x2560xf32, #tpu.memory_space<vmem>>, vector<1x16xf32>,
        %get3A_627 = vector.shape_cast %get3A_626 : vector<1x16xf32> to vector<16xf32>
        %jit3A_628 = arith.constant 0.000000e+00 : f32
        %broadcast_in_dim3A_629 = vector.broadcast %jit3A_628 : f32 to vector<16xf32>
        %select_n3A_630 = arith.select %lt3A_622, %get3A_627, %broadcast_in_dim3A_629 : vector<16xi1>, vector<16xf32>
        %swap3A_631 = arith.constant 4 : i32
        %swap3A_632 = arith.index_cast %swap3A_631 : i32 to index
        %swap3A_633 = arith.index_cast %mul3A_532 : i32 to index
        %swap3A_634 = tpu.vector_load %arg5[%swap3A_632, %swap3A_633] {strides = array<i32>} : memref<8x2560xf32, #tpu.memory_space<vmem>>, vector<1x16xf32>,
        %swap3A_635 = vector.shape_cast %swap3A_634 : vector<1x16xf32> to vector<16xf32>
        %swap3A_636 = vector.shape_cast %select_n3A_630 : vector<16xf32> to vector<1x16xf32>
        tpu.vector_store %arg5[%swap3A_632, %swap3A_633], %swap3A_636 {strides = array<i32>} : memref<8x2560xf32, #tpu.memory_space<vmem>>, vector<1x16xf32>,
        %shift_left3A_637 = arith.constant 23 : i32
        %shift_left3A_638 = vector.broadcast %shift_left3A_637 : i32 to vector<16xi32>
        %shift_left3A_639 = arith.shli %get3A_616, %shift_left3A_638 : vector<16xi32>
        %lt3A_640 = arith.constant 0 : i32
        %lt3A_641 = vector.broadcast %lt3A_640 : i32 to vector<16xi32>
        %lt3A_642 = arith.cmpi slt, %shift_left3A_639, %lt3A_641 : vector<16xi32>
        %get3A_643 = arith.constant 5 : i32
        %get3A_644 = arith.index_cast %get3A_643 : i32 to index
        %get3A_645 = arith.index_cast %mul3A_532 : i32 to index
        %get3A_646 = tpu.vector_load %arg5[%get3A_644, %get3A_645] {strides = array<i32>} : memref<8x2560xf32, #tpu.memory_space<vmem>>, vector<1x16xf32>,
        %get3A_647 = vector.shape_cast %get3A_646 : vector<1x16xf32> to vector<16xf32>
        %jit3A_648 = arith.constant 0.000000e+00 : f32
        %broadcast_in_dim3A_649 = vector.broadcast %jit3A_648 : f32 to vector<16xf32>
        %select_n3A_650 = arith.select %lt3A_642, %get3A_647, %broadcast_in_dim3A_649 : vector<16xi1>, vector<16xf32>
        %swap3A_651 = arith.constant 5 : i32
        %swap3A_652 = arith.index_cast %swap3A_651 : i32 to index
        %swap3A_653 = arith.index_cast %mul3A_532 : i32 to index
        %swap3A_654 = tpu.vector_load %arg5[%swap3A_652, %swap3A_653] {strides = array<i32>} : memref<8x2560xf32, #tpu.memory_space<vmem>>, vector<1x16xf32>,
        %swap3A_655 = vector.shape_cast %swap3A_654 : vector<1x16xf32> to vector<16xf32>
        %swap3A_656 = vector.shape_cast %select_n3A_650 : vector<16xf32> to vector<1x16xf32>
        tpu.vector_store %arg5[%swap3A_652, %swap3A_653], %swap3A_656 {strides = array<i32>} : memref<8x2560xf32, #tpu.memory_space<vmem>>, vector<1x16xf32>,
        %shift_left3A_657 = arith.constant 15 : i32
        %shift_left3A_658 = vector.broadcast %shift_left3A_657 : i32 to vector<16xi32>
        %shift_left3A_659 = arith.shli %get3A_616, %shift_left3A_658 : vector<16xi32>
        %lt3A_660 = arith.constant 0 : i32
        %lt3A_661 = vector.broadcast %lt3A_660 : i32 to vector<16xi32>
        %lt3A_662 = arith.cmpi slt, %shift_left3A_659, %lt3A_661 : vector<16xi32>
        %get3A_663 = arith.constant 6 : i32
        %get3A_664 = arith.index_cast %get3A_663 : i32 to index
        %get3A_665 = arith.index_cast %mul3A_532 : i32 to index
        %get3A_666 = tpu.vector_load %arg5[%get3A_664, %get3A_665] {strides = array<i32>} : memref<8x2560xf32, #tpu.memory_space<vmem>>, vector<1x16xf32>,
        %get3A_667 = vector.shape_cast %get3A_666 : vector<1x16xf32> to vector<16xf32>
        %jit3A_668 = arith.constant 0.000000e+00 : f32
        %broadcast_in_dim3A_669 = vector.broadcast %jit3A_668 : f32 to vector<16xf32>
        %select_n3A_670 = arith.select %lt3A_662, %get3A_667, %broadcast_in_dim3A_669 : vector<16xi1>, vector<16xf32>
        %swap3A_671 = arith.constant 6 : i32
        %swap3A_672 = arith.index_cast %swap3A_671 : i32 to index
        %swap3A_673 = arith.index_cast %mul3A_532 : i32 to index
        %swap3A_674 = tpu.vector_load %arg5[%swap3A_672, %swap3A_673] {strides = array<i32>} : memref<8x2560xf32, #tpu.memory_space<vmem>>, vector<1x16xf32>,
        %swap3A_675 = vector.shape_cast %swap3A_674 : vector<1x16xf32> to vector<16xf32>
        %swap3A_676 = vector.shape_cast %select_n3A_670 : vector<16xf32> to vector<1x16xf32>
        tpu.vector_store %arg5[%swap3A_672, %swap3A_673], %swap3A_676 {strides = array<i32>} : memref<8x2560xf32, #tpu.memory_space<vmem>>, vector<1x16xf32>,
        %shift_left3A_677 = arith.constant 7 : i32
        %shift_left3A_678 = vector.broadcast %shift_left3A_677 : i32 to vector<16xi32>
        %shift_left3A_679 = arith.shli %get3A_616, %shift_left3A_678 : vector<16xi32>
        %lt3A_680 = arith.constant 0 : i32
        %lt3A_681 = vector.broadcast %lt3A_680 : i32 to vector<16xi32>
        %lt3A_682 = arith.cmpi slt, %shift_left3A_679, %lt3A_681 : vector<16xi32>
        %get3A_683 = arith.constant 7 : i32
        %get3A_684 = arith.index_cast %get3A_683 : i32 to index
        %get3A_685 = arith.index_cast %mul3A_532 : i32 to index
        %get3A_686 = tpu.vector_load %arg5[%get3A_684, %get3A_685] {strides = array<i32>} : memref<8x2560xf32, #tpu.memory_space<vmem>>, vector<1x16xf32>,
        %get3A_687 = vector.shape_cast %get3A_686 : vector<1x16xf32> to vector<16xf32>
        %jit3A_688 = arith.constant 0.000000e+00 : f32
        %broadcast_in_dim3A_689 = vector.broadcast %jit3A_688 : f32 to vector<16xf32>
        %select_n3A_690 = arith.select %lt3A_682, %get3A_687, %broadcast_in_dim3A_689 : vector<16xi1>, vector<16xf32>
        %swap3A_691 = arith.constant 7 : i32
        %swap3A_692 = arith.index_cast %swap3A_691 : i32 to index
        %swap3A_693 = arith.index_cast %mul3A_532 : i32 to index
        %swap3A_694 = tpu.vector_load %arg5[%swap3A_692, %swap3A_693] {strides = array<i32>} : memref<8x2560xf32, #tpu.memory_space<vmem>>, vector<1x16xf32>,
        %swap3A_695 = vector.shape_cast %swap3A_694 : vector<1x16xf32> to vector<16xf32>
        %swap3A_696 = vector.shape_cast %select_n3A_690 : vector<16xf32> to vector<1x16xf32>
        tpu.vector_store %arg5[%swap3A_692, %swap3A_693], %swap3A_696 {strides = array<i32>} : memref<8x2560xf32, #tpu.memory_space<vmem>>, vector<1x16xf32>,
        %scan3A_697 = arith.constant 1 : i32
        %scan3A_698 = arith.addi %scan3A_530, %scan3A_697 : i32
        %mul3A_699 = arith.constant 16 : i32
        %mul3A_700 = arith.muli %scan3A_698, %mul3A_699 : i32
        %get3A_701 = arith.constant 4 : i32
        %get3A_702 = arith.index_cast %get3A_701 : i32 to index
        %get3A_703 = arith.index_cast %mul3A_700 : i32 to index
        %get3A_704 = tpu.vector_load %arg7[%get3A_702, %get3A_703] {strides = array<i32>} : memref<8x2560xi32, #tpu.memory_space<vmem>>, vector<1x16xi32>,
        %get3A_705 = vector.shape_cast %get3A_704 : vector<1x16xi32> to vector<16xi32>
        %shift_left3A_706 = arith.constant 31 : i32
        %shift_left3A_707 = vector.broadcast %shift_left3A_706 : i32 to vector<16xi32>
        %shift_left3A_708 = arith.shli %get3A_705, %shift_left3A_707 : vector<16xi32>
        %lt3A_709 = arith.constant 0 : i32
        %lt3A_710 = vector.broadcast %lt3A_709 : i32 to vector<16xi32>
        %lt3A_711 = arith.cmpi slt, %shift_left3A_708, %lt3A_710 : vector<16xi32>
        %get3A_712 = arith.constant 0 : i32
        %get3A_713 = arith.index_cast %get3A_712 : i32 to index
        %get3A_714 = arith.index_cast %mul3A_700 : i32 to index
        %get3A_715 = tpu.vector_load %arg5[%get3A_713, %get3A_714] {strides = array<i32>} : memref<8x2560xf32, #tpu.memory_space<vmem>>, vector<1x16xf32>,
        %get3A_716 = vector.shape_cast %get3A_715 : vector<1x16xf32> to vector<16xf32>
        %jit3A_717 = arith.constant 0.000000e+00 : f32
        %broadcast_in_dim3A_718 = vector.broadcast %jit3A_717 : f32 to vector<16xf32>
        %select_n3A_719 = arith.select %lt3A_711, %get3A_716, %broadcast_in_dim3A_718 : vector<16xi1>, vector<16xf32>
        %swap3A_720 = arith.constant 0 : i32
        %swap3A_721 = arith.index_cast %swap3A_720 : i32 to index
        %swap3A_722 = arith.index_cast %mul3A_700 : i32 to index
        %swap3A_723 = tpu.vector_load %arg5[%swap3A_721, %swap3A_722] {strides = array<i32>} : memref<8x2560xf32, #tpu.memory_space<vmem>>, vector<1x16xf32>,
        %swap3A_724 = vector.shape_cast %swap3A_723 : vector<1x16xf32> to vector<16xf32>
        %swap3A_725 = vector.shape_cast %select_n3A_719 : vector<16xf32> to vector<1x16xf32>
        tpu.vector_store %arg5[%swap3A_721, %swap3A_722], %swap3A_725 {strides = array<i32>} : memref<8x2560xf32, #tpu.memory_space<vmem>>, vector<1x16xf32>,
        %shift_left3A_726 = arith.constant 23 : i32
        %shift_left3A_727 = vector.broadcast %shift_left3A_726 : i32 to vector<16xi32>
        %shift_left3A_728 = arith.shli %get3A_705, %shift_left3A_727 : vector<16xi32>
        %lt3A_729 = arith.constant 0 : i32
        %lt3A_730 = vector.broadcast %lt3A_729 : i32 to vector<16xi32>
        %lt3A_731 = arith.cmpi slt, %shift_left3A_728, %lt3A_730 : vector<16xi32>
        %get3A_732 = arith.constant 1 : i32
        %get3A_733 = arith.index_cast %get3A_732 : i32 to index
        %get3A_734 = arith.index_cast %mul3A_700 : i32 to index
        %get3A_735 = tpu.vector_load %arg5[%get3A_733, %get3A_734] {strides = array<i32>} : memref<8x2560xf32, #tpu.memory_space<vmem>>, vector<1x16xf32>,
        %get3A_736 = vector.shape_cast %get3A_735 : vector<1x16xf32> to vector<16xf32>
        %jit3A_737 = arith.constant 0.000000e+00 : f32
        %broadcast_in_dim3A_738 = vector.broadcast %jit3A_737 : f32 to vector<16xf32>
        %select_n3A_739 = arith.select %lt3A_731, %get3A_736, %broadcast_in_dim3A_738 : vector<16xi1>, vector<16xf32>
        %swap3A_740 = arith.constant 1 : i32
        %swap3A_741 = arith.index_cast %swap3A_740 : i32 to index
        %swap3A_742 = arith.index_cast %mul3A_700 : i32 to index
        %swap3A_743 = tpu.vector_load %arg5[%swap3A_741, %swap3A_742] {strides = array<i32>} : memref<8x2560xf32, #tpu.memory_space<vmem>>, vector<1x16xf32>,
        %swap3A_744 = vector.shape_cast %swap3A_743 : vector<1x16xf32> to vector<16xf32>
        %swap3A_745 = vector.shape_cast %select_n3A_739 : vector<16xf32> to vector<1x16xf32>
        tpu.vector_store %arg5[%swap3A_741, %swap3A_742], %swap3A_745 {strides = array<i32>} : memref<8x2560xf32, #tpu.memory_space<vmem>>, vector<1x16xf32>,
        %shift_left3A_746 = arith.constant 15 : i32
        %shift_left3A_747 = vector.broadcast %shift_left3A_746 : i32 to vector<16xi32>
        %shift_left3A_748 = arith.shli %get3A_705, %shift_left3A_747 : vector<16xi32>
        %lt3A_749 = arith.constant 0 : i32
        %lt3A_750 = vector.broadcast %lt3A_749 : i32 to vector<16xi32>
        %lt3A_751 = arith.cmpi slt, %shift_left3A_748, %lt3A_750 : vector<16xi32>
        %get3A_752 = arith.constant 2 : i32
        %get3A_753 = arith.index_cast %get3A_752 : i32 to index
        %get3A_754 = arith.index_cast %mul3A_700 : i32 to index
        %get3A_755 = tpu.vector_load %arg5[%get3A_753, %get3A_754] {strides = array<i32>} : memref<8x2560xf32, #tpu.memory_space<vmem>>, vector<1x16xf32>,
        %get3A_756 = vector.shape_cast %get3A_755 : vector<1x16xf32> to vector<16xf32>
        %jit3A_757 = arith.constant 0.000000e+00 : f32
        %broadcast_in_dim3A_758 = vector.broadcast %jit3A_757 : f32 to vector<16xf32>
        %select_n3A_759 = arith.select %lt3A_751, %get3A_756, %broadcast_in_dim3A_758 : vector<16xi1>, vector<16xf32>
        %swap3A_760 = arith.constant 2 : i32
        %swap3A_761 = arith.index_cast %swap3A_760 : i32 to index
        %swap3A_762 = arith.index_cast %mul3A_700 : i32 to index
        %swap3A_763 = tpu.vector_load %arg5[%swap3A_761, %swap3A_762] {strides = array<i32>} : memref<8x2560xf32, #tpu.memory_space<vmem>>, vector<1x16xf32>,
        %swap3A_764 = vector.shape_cast %swap3A_763 : vector<1x16xf32> to vector<16xf32>
        %swap3A_765 = vector.shape_cast %select_n3A_759 : vector<16xf32> to vector<1x16xf32>
        tpu.vector_store %arg5[%swap3A_761, %swap3A_762], %swap3A_765 {strides = array<i32>} : memref<8x2560xf32, #tpu.memory_space<vmem>>, vector<1x16xf32>,
        %shift_left3A_766 = arith.constant 7 : i32
        %shift_left3A_767 = vector.broadcast %shift_left3A_766 : i32 to vector<16xi32>
        %shift_left3A_768 = arith.shli %get3A_705, %shift_left3A_767 : vector<16xi32>
        %lt3A_769 = arith.constant 0 : i32
        %lt3A_770 = vector.broadcast %lt3A_769 : i32 to vector<16xi32>
        %lt3A_771 = arith.cmpi slt, %shift_left3A_768, %lt3A_770 : vector<16xi32>
        %get3A_772 = arith.constant 3 : i32
        %get3A_773 = arith.index_cast %get3A_772 : i32 to index
        %get3A_774 = arith.index_cast %mul3A_700 : i32 to index
        %get3A_775 = tpu.vector_load %arg5[%get3A_773, %get3A_774] {strides = array<i32>} : memref<8x2560xf32, #tpu.memory_space<vmem>>, vector<1x16xf32>,
        %get3A_776 = vector.shape_cast %get3A_775 : vector<1x16xf32> to vector<16xf32>
        %jit3A_777 = arith.constant 0.000000e+00 : f32
        %broadcast_in_dim3A_778 = vector.broadcast %jit3A_777 : f32 to vector<16xf32>
        %select_n3A_779 = arith.select %lt3A_771, %get3A_776, %broadcast_in_dim3A_778 : vector<16xi1>, vector<16xf32>
        %swap3A_780 = arith.constant 3 : i32
        %swap3A_781 = arith.index_cast %swap3A_780 : i32 to index
        %swap3A_782 = arith.index_cast %mul3A_700 : i32 to index
        %swap3A_783 = tpu.vector_load %arg5[%swap3A_781, %swap3A_782] {strides = array<i32>} : memref<8x2560xf32, #tpu.memory_space<vmem>>, vector<1x16xf32>,
        %swap3A_784 = vector.shape_cast %swap3A_783 : vector<1x16xf32> to vector<16xf32>
        %swap3A_785 = vector.shape_cast %select_n3A_779 : vector<16xf32> to vector<1x16xf32>
        tpu.vector_store %arg5[%swap3A_781, %swap3A_782], %swap3A_785 {strides = array<i32>} : memref<8x2560xf32, #tpu.memory_space<vmem>>, vector<1x16xf32>,
        %get3A_786 = arith.constant 5 : i32
        %get3A_787 = arith.index_cast %get3A_786 : i32 to index
        %get3A_788 = arith.index_cast %mul3A_700 : i32 to index
        %get3A_789 = tpu.vector_load %arg7[%get3A_787, %get3A_788] {strides = array<i32>} : memref<8x2560xi32, #tpu.memory_space<vmem>>, vector<1x16xi32>,
        %get3A_790 = vector.shape_cast %get3A_789 : vector<1x16xi32> to vector<16xi32>
        %shift_left3A_791 = arith.constant 31 : i32
        %shift_left3A_792 = vector.broadcast %shift_left3A_791 : i32 to vector<16xi32>
        %shift_left3A_793 = arith.shli %get3A_790, %shift_left3A_792 : vector<16xi32>
        %lt3A_794 = arith.constant 0 : i32
        %lt3A_795 = vector.broadcast %lt3A_794 : i32 to vector<16xi32>
        %lt3A_796 = arith.cmpi slt, %shift_left3A_793, %lt3A_795 : vector<16xi32>
        %get3A_797 = arith.constant 4 : i32
        %get3A_798 = arith.index_cast %get3A_797 : i32 to index
        %get3A_799 = arith.index_cast %mul3A_700 : i32 to index
        %get3A_800 = tpu.vector_load %arg5[%get3A_798, %get3A_799] {strides = array<i32>} : memref<8x2560xf32, #tpu.memory_space<vmem>>, vector<1x16xf32>,
        %get3A_801 = vector.shape_cast %get3A_800 : vector<1x16xf32> to vector<16xf32>
        %jit3A_802 = arith.constant 0.000000e+00 : f32
        %broadcast_in_dim3A_803 = vector.broadcast %jit3A_802 : f32 to vector<16xf32>
        %select_n3A_804 = arith.select %lt3A_796, %get3A_801, %broadcast_in_dim3A_803 : vector<16xi1>, vector<16xf32>
        %swap3A_805 = arith.constant 4 : i32
        %swap3A_806 = arith.index_cast %swap3A_805 : i32 to index
        %swap3A_807 = arith.index_cast %mul3A_700 : i32 to index
        %swap3A_808 = tpu.vector_load %arg5[%swap3A_806, %swap3A_807] {strides = array<i32>} : memref<8x2560xf32, #tpu.memory_space<vmem>>, vector<1x16xf32>,
        %swap3A_809 = vector.shape_cast %swap3A_808 : vector<1x16xf32> to vector<16xf32>
        %swap3A_810 = vector.shape_cast %select_n3A_804 : vector<16xf32> to vector<1x16xf32>
        tpu.vector_store %arg5[%swap3A_806, %swap3A_807], %swap3A_810 {strides = array<i32>} : memref<8x2560xf32, #tpu.memory_space<vmem>>, vector<1x16xf32>,
        %shift_left3A_811 = arith.constant 23 : i32
        %shift_left3A_812 = vector.broadcast %shift_left3A_811 : i32 to vector<16xi32>
        %shift_left3A_813 = arith.shli %get3A_790, %shift_left3A_812 : vector<16xi32>
        %lt3A_814 = arith.constant 0 : i32
        %lt3A_815 = vector.broadcast %lt3A_814 : i32 to vector<16xi32>
        %lt3A_816 = arith.cmpi slt, %shift_left3A_813, %lt3A_815 : vector<16xi32>
        %get3A_817 = arith.constant 5 : i32
        %get3A_818 = arith.index_cast %get3A_817 : i32 to index
        %get3A_819 = arith.index_cast %mul3A_700 : i32 to index
        %get3A_820 = tpu.vector_load %arg5[%get3A_818, %get3A_819] {strides = array<i32>} : memref<8x2560xf32, #tpu.memory_space<vmem>>, vector<1x16xf32>,
        %get3A_821 = vector.shape_cast %get3A_820 : vector<1x16xf32> to vector<16xf32>
        %jit3A_822 = arith.constant 0.000000e+00 : f32
        %broadcast_in_dim3A_823 = vector.broadcast %jit3A_822 : f32 to vector<16xf32>
        %select_n3A_824 = arith.select %lt3A_816, %get3A_821, %broadcast_in_dim3A_823 : vector<16xi1>, vector<16xf32>
        %swap3A_825 = arith.constant 5 : i32
        %swap3A_826 = arith.index_cast %swap3A_825 : i32 to index
        %swap3A_827 = arith.index_cast %mul3A_700 : i32 to index
        %swap3A_828 = tpu.vector_load %arg5[%swap3A_826, %swap3A_827] {strides = array<i32>} : memref<8x2560xf32, #tpu.memory_space<vmem>>, vector<1x16xf32>,
        %swap3A_829 = vector.shape_cast %swap3A_828 : vector<1x16xf32> to vector<16xf32>
        %swap3A_830 = vector.shape_cast %select_n3A_824 : vector<16xf32> to vector<1x16xf32>
        tpu.vector_store %arg5[%swap3A_826, %swap3A_827], %swap3A_830 {strides = array<i32>} : memref<8x2560xf32, #tpu.memory_space<vmem>>, vector<1x16xf32>,
        %shift_left3A_831 = arith.constant 15 : i32
        %shift_left3A_832 = vector.broadcast %shift_left3A_831 : i32 to vector<16xi32>
        %shift_left3A_833 = arith.shli %get3A_790, %shift_left3A_832 : vector<16xi32>
        %lt3A_834 = arith.constant 0 : i32
        %lt3A_835 = vector.broadcast %lt3A_834 : i32 to vector<16xi32>
        %lt3A_836 = arith.cmpi slt, %shift_left3A_833, %lt3A_835 : vector<16xi32>
        %get3A_837 = arith.constant 6 : i32
        %get3A_838 = arith.index_cast %get3A_837 : i32 to index
        %get3A_839 = arith.index_cast %mul3A_700 : i32 to index
        %get3A_840 = tpu.vector_load %arg5[%get3A_838, %get3A_839] {strides = array<i32>} : memref<8x2560xf32, #tpu.memory_space<vmem>>, vector<1x16xf32>,
        %get3A_841 = vector.shape_cast %get3A_840 : vector<1x16xf32> to vector<16xf32>
        %jit3A_842 = arith.constant 0.000000e+00 : f32
        %broadcast_in_dim3A_843 = vector.broadcast %jit3A_842 : f32 to vector<16xf32>
        %select_n3A_844 = arith.select %lt3A_836, %get3A_841, %broadcast_in_dim3A_843 : vector<16xi1>, vector<16xf32>
        %swap3A_845 = arith.constant 6 : i32
        %swap3A_846 = arith.index_cast %swap3A_845 : i32 to index
        %swap3A_847 = arith.index_cast %mul3A_700 : i32 to index
        %swap3A_848 = tpu.vector_load %arg5[%swap3A_846, %swap3A_847] {strides = array<i32>} : memref<8x2560xf32, #tpu.memory_space<vmem>>, vector<1x16xf32>,
        %swap3A_849 = vector.shape_cast %swap3A_848 : vector<1x16xf32> to vector<16xf32>
        %swap3A_850 = vector.shape_cast %select_n3A_844 : vector<16xf32> to vector<1x16xf32>
        tpu.vector_store %arg5[%swap3A_846, %swap3A_847], %swap3A_850 {strides = array<i32>} : memref<8x2560xf32, #tpu.memory_space<vmem>>, vector<1x16xf32>,
        %shift_left3A_851 = arith.constant 7 : i32
        %shift_left3A_852 = vector.broadcast %shift_left3A_851 : i32 to vector<16xi32>
        %shift_left3A_853 = arith.shli %get3A_790, %shift_left3A_852 : vector<16xi32>
        %lt3A_854 = arith.constant 0 : i32
        %lt3A_855 = vector.broadcast %lt3A_854 : i32 to vector<16xi32>
        %lt3A_856 = arith.cmpi slt, %shift_left3A_853, %lt3A_855 : vector<16xi32>
        %get3A_857 = arith.constant 7 : i32
        %get3A_858 = arith.index_cast %get3A_857 : i32 to index
        %get3A_859 = arith.index_cast %mul3A_700 : i32 to index
        %get3A_860 = tpu.vector_load %arg5[%get3A_858, %get3A_859] {strides = array<i32>} : memref<8x2560xf32, #tpu.memory_space<vmem>>, vector<1x16xf32>,
        %get3A_861 = vector.shape_cast %get3A_860 : vector<1x16xf32> to vector<16xf32>
        %jit3A_862 = arith.constant 0.000000e+00 : f32
        %broadcast_in_dim3A_863 = vector.broadcast %jit3A_862 : f32 to vector<16xf32>
        %select_n3A_864 = arith.select %lt3A_856, %get3A_861, %broadcast_in_dim3A_863 : vector<16xi1>, vector<16xf32>
        %swap3A_865 = arith.constant 7 : i32
        %swap3A_866 = arith.index_cast %swap3A_865 : i32 to index
        %swap3A_867 = arith.index_cast %mul3A_700 : i32 to index
        %swap3A_868 = tpu.vector_load %arg5[%swap3A_866, %swap3A_867] {strides = array<i32>} : memref<8x2560xf32, #tpu.memory_space<vmem>>, vector<1x16xf32>,
        %swap3A_869 = vector.shape_cast %swap3A_868 : vector<1x16xf32> to vector<16xf32>
        %swap3A_870 = vector.shape_cast %select_n3A_864 : vector<16xf32> to vector<1x16xf32>
        tpu.vector_store %arg5[%swap3A_866, %swap3A_867], %swap3A_870 {strides = array<i32>} : memref<8x2560xf32, #tpu.memory_space<vmem>>, vector<1x16xf32>,
      }
      %scan3A_277 = arith.constant 160 : i32
      %add3A_278 = arith.constant 16 : i32
      %add3A_279 = arith.addi %multiple_of3A, %add3A_278 : i32
      %multiple_of3A_280 = tpu.assume_multiple %add3A_279, 8 : i32
      %mul3A_281 = arith.constant 2560 : i32
      %mul3A_282 = arith.muli %mul3A_101, %mul3A_281 : i32
      %multiple_of3A_283 = tpu.assume_multiple %mul3A_282, 128 : i32
      %dma_start3A_284 = tpu.memref_slice %arg4[%multiple_of3A_280, %multiple_of3A_283] : memref<1024x100000xf32, #tpu.memory_space<hbm>> -> memref<8x2560xf32, #tpu.memory_space<hbm>>
      %dma_start3A_285 = tpu.memref_slice %arg4[%multiple_of3A_280, %multiple_of3A_283] : memref<1024x100000xf32, #tpu.memory_space<hbm>> -> memref<8x2560xf32, #tpu.memory_space<hbm>>
      tpu.enqueue_dma source(%arg5 : memref<8x2560xf32, #tpu.memory_space<vmem>>) target(%dma_start3A_285 : memref<8x2560xf32, #tpu.memory_space<hbm>>) target_semaphore(%arg13 : memref<!tpu.dma_semaphore, #tpu.memory_space<semaphore_mem>>)
      %add3A_286 = arith.constant 1 : i32
      %add3A_287 = arith.addi %mul3A_101, %add3A_286 : i32
      %lt3A_288 = arith.constant 38 : i32
      %lt3A_289 = arith.cmpi slt, %add3A_287, %lt3A_288 : i32
      %convert_element_type3A_290 = arith.extui %lt3A_289 : i1 to i32
      %cond3A_291 = arith.constant 0 : i32
      %cond3A_292 = arith.cmpi ne, %convert_element_type3A_290, %cond3A_291 : i32
      scf.if %cond3A_292 {
        %dma_wait3A_530 = arith.constant 0 : i32
        %dma_wait3A_531 = arith.constant 0 : i32
        %dma_wait3A_532 = tpu.memref_slice %arg4[%dma_wait3A_530, %dma_wait3A_531] : memref<1024x100000xf32, #tpu.memory_space<hbm>> -> memref<8x2560xf32, #tpu.memory_space<hbm>>
        %dma_wait3A_533 = arith.constant 0 : i32
        %dma_wait3A_534 = arith.constant 0 : i32
        %dma_wait3A_535 = tpu.memref_slice %arg4[%dma_wait3A_533, %dma_wait3A_534] : memref<1024x100000xf32, #tpu.memory_space<hbm>> -> memref<8x2560xf32, #tpu.memory_space<hbm>>
        tpu.wait_dma2 semaphore(%arg13 : memref<!tpu.dma_semaphore, #tpu.memory_space<semaphore_mem>>) src(%arg5 : memref<8x2560xf32, #tpu.memory_space<vmem>>) dst(%dma_wait3A_535 : memref<8x2560xf32, #tpu.memory_space<hbm>>)
        %add3A_536 = arith.constant 1 : i32
        %add3A_537 = arith.addi %mul3A_101, %add3A_536 : i32
        %add3A_538 = arith.constant 0 : i32
        %add3A_539 = arith.addi %multiple_of3A, %add3A_538 : i32
        %multiple_of3A_540 = tpu.assume_multiple %add3A_539, 8 : i32
        %mul3A_541 = arith.constant 2560 : i32
        %mul3A_542 = arith.muli %add3A_537, %mul3A_541 : i32
        %multiple_of3A_543 = tpu.assume_multiple %mul3A_542, 128 : i32
        %dma_start3A_544 = tpu.memref_slice %arg2[%multiple_of3A_540, %multiple_of3A_543] : memref<1024x100000xf32, #tpu.memory_space<hbm>> -> memref<8x2560xf32, #tpu.memory_space<hbm>>
        %dma_start3A_545 = tpu.memref_slice %arg2[%multiple_of3A_540, %multiple_of3A_543] : memref<1024x100000xf32, #tpu.memory_space<hbm>> -> memref<8x2560xf32, #tpu.memory_space<hbm>>
        tpu.enqueue_dma source(%dma_start3A_545 : memref<8x2560xf32, #tpu.memory_space<hbm>>) target(%arg5 : memref<8x2560xf32, #tpu.memory_space<vmem>>) target_semaphore(%arg9 : memref<!tpu.dma_semaphore, #tpu.memory_space<semaphore_mem>>)
      } else {
      }
      %dma_wait3A_293 = arith.constant 0 : i32
      %dma_wait3A_294 = arith.constant 0 : i32
      %dma_wait3A_295 = tpu.memref_slice %arg2[%dma_wait3A_293, %dma_wait3A_294] : memref<1024x100000xf32, #tpu.memory_space<hbm>> -> memref<8x2560xf32, #tpu.memory_space<hbm>>
      %dma_wait3A_296 = arith.constant 0 : i32
      %dma_wait3A_297 = arith.constant 0 : i32
      %dma_wait3A_298 = tpu.memref_slice %arg2[%dma_wait3A_296, %dma_wait3A_297] : memref<1024x100000xf32, #tpu.memory_space<hbm>> -> memref<8x2560xf32, #tpu.memory_space<hbm>>
      tpu.wait_dma2 semaphore(%arg10 : memref<!tpu.dma_semaphore, #tpu.memory_space<semaphore_mem>>) src(%dma_wait3A_298 : memref<8x2560xf32, #tpu.memory_space<hbm>>) dst(%arg6 : memref<8x2560xf32, #tpu.memory_space<vmem>>)
      %scan3A_299 = arith.constant 0 : i32
      %scan3A_300 = arith.constant 0 : i32
      %scan3A_301 = arith.constant 160 : i32
      %scan3A_302 = arith.addi %scan3A_300, %scan3A_301 : i32
      %scan3A_303 = arith.constant 2 : i32
      scf.for %scan3A_530 = %scan3A_300 to %scan3A_302 step %scan3A_303  : i32 {
        %mul3A_531 = arith.constant 16 : i32
        %mul3A_532 = arith.muli %scan3A_530, %mul3A_531 : i32
        %get3A = arith.constant 6 : i32
        %get3A_533 = arith.index_cast %get3A : i32 to index
        %get3A_534 = arith.index_cast %mul3A_532 : i32 to index
        %get3A_535 = tpu.vector_load %arg7[%get3A_533, %get3A_534] {strides = array<i32>} : memref<8x2560xi32, #tpu.memory_space<vmem>>, vector<1x16xi32>,
        %get3A_536 = vector.shape_cast %get3A_535 : vector<1x16xi32> to vector<16xi32>
        %shift_left3A = arith.constant 31 : i32
        %shift_left3A_537 = vector.broadcast %shift_left3A : i32 to vector<16xi32>
        %shift_left3A_538 = arith.shli %get3A_536, %shift_left3A_537 : vector<16xi32>
        %lt3A_539 = arith.constant 0 : i32
        %lt3A_540 = vector.broadcast %lt3A_539 : i32 to vector<16xi32>
        %lt3A_541 = arith.cmpi slt, %shift_left3A_538, %lt3A_540 : vector<16xi32>
        %get3A_542 = arith.constant 0 : i32
        %get3A_543 = arith.index_cast %get3A_542 : i32 to index
        %get3A_544 = arith.index_cast %mul3A_532 : i32 to index
        %get3A_545 = tpu.vector_load %arg6[%get3A_543, %get3A_544] {strides = array<i32>} : memref<8x2560xf32, #tpu.memory_space<vmem>>, vector<1x16xf32>,
        %get3A_546 = vector.shape_cast %get3A_545 : vector<1x16xf32> to vector<16xf32>
        %jit3A = arith.constant 0.000000e+00 : f32
        %broadcast_in_dim3A = vector.broadcast %jit3A : f32 to vector<16xf32>
        %select_n3A = arith.select %lt3A_541, %get3A_546, %broadcast_in_dim3A : vector<16xi1>, vector<16xf32>
        %swap3A = arith.constant 0 : i32
        %swap3A_547 = arith.index_cast %swap3A : i32 to index
        %swap3A_548 = arith.index_cast %mul3A_532 : i32 to index
        %swap3A_549 = tpu.vector_load %arg6[%swap3A_547, %swap3A_548] {strides = array<i32>} : memref<8x2560xf32, #tpu.memory_space<vmem>>, vector<1x16xf32>,
        %swap3A_550 = vector.shape_cast %swap3A_549 : vector<1x16xf32> to vector<16xf32>
        %swap3A_551 = vector.shape_cast %select_n3A : vector<16xf32> to vector<1x16xf32>
        tpu.vector_store %arg6[%swap3A_547, %swap3A_548], %swap3A_551 {strides = array<i32>} : memref<8x2560xf32, #tpu.memory_space<vmem>>, vector<1x16xf32>,
        %shift_left3A_552 = arith.constant 23 : i32
        %shift_left3A_553 = vector.broadcast %shift_left3A_552 : i32 to vector<16xi32>
        %shift_left3A_554 = arith.shli %get3A_536, %shift_left3A_553 : vector<16xi32>
        %lt3A_555 = arith.constant 0 : i32
        %lt3A_556 = vector.broadcast %lt3A_555 : i32 to vector<16xi32>
        %lt3A_557 = arith.cmpi slt, %shift_left3A_554, %lt3A_556 : vector<16xi32>
        %get3A_558 = arith.constant 1 : i32
        %get3A_559 = arith.index_cast %get3A_558 : i32 to index
        %get3A_560 = arith.index_cast %mul3A_532 : i32 to index
        %get3A_561 = tpu.vector_load %arg6[%get3A_559, %get3A_560] {strides = array<i32>} : memref<8x2560xf32, #tpu.memory_space<vmem>>, vector<1x16xf32>,
        %get3A_562 = vector.shape_cast %get3A_561 : vector<1x16xf32> to vector<16xf32>
        %jit3A_563 = arith.constant 0.000000e+00 : f32
        %broadcast_in_dim3A_564 = vector.broadcast %jit3A_563 : f32 to vector<16xf32>
        %select_n3A_565 = arith.select %lt3A_557, %get3A_562, %broadcast_in_dim3A_564 : vector<16xi1>, vector<16xf32>
        %swap3A_566 = arith.constant 1 : i32
        %swap3A_567 = arith.index_cast %swap3A_566 : i32 to index
        %swap3A_568 = arith.index_cast %mul3A_532 : i32 to index
        %swap3A_569 = tpu.vector_load %arg6[%swap3A_567, %swap3A_568] {strides = array<i32>} : memref<8x2560xf32, #tpu.memory_space<vmem>>, vector<1x16xf32>,
        %swap3A_570 = vector.shape_cast %swap3A_569 : vector<1x16xf32> to vector<16xf32>
        %swap3A_571 = vector.shape_cast %select_n3A_565 : vector<16xf32> to vector<1x16xf32>
        tpu.vector_store %arg6[%swap3A_567, %swap3A_568], %swap3A_571 {strides = array<i32>} : memref<8x2560xf32, #tpu.memory_space<vmem>>, vector<1x16xf32>,
        %shift_left3A_572 = arith.constant 15 : i32
        %shift_left3A_573 = vector.broadcast %shift_left3A_572 : i32 to vector<16xi32>
        %shift_left3A_574 = arith.shli %get3A_536, %shift_left3A_573 : vector<16xi32>
        %lt3A_575 = arith.constant 0 : i32
        %lt3A_576 = vector.broadcast %lt3A_575 : i32 to vector<16xi32>
        %lt3A_577 = arith.cmpi slt, %shift_left3A_574, %lt3A_576 : vector<16xi32>
        %get3A_578 = arith.constant 2 : i32
        %get3A_579 = arith.index_cast %get3A_578 : i32 to index
        %get3A_580 = arith.index_cast %mul3A_532 : i32 to index
        %get3A_581 = tpu.vector_load %arg6[%get3A_579, %get3A_580] {strides = array<i32>} : memref<8x2560xf32, #tpu.memory_space<vmem>>, vector<1x16xf32>,
        %get3A_582 = vector.shape_cast %get3A_581 : vector<1x16xf32> to vector<16xf32>
        %jit3A_583 = arith.constant 0.000000e+00 : f32
        %broadcast_in_dim3A_584 = vector.broadcast %jit3A_583 : f32 to vector<16xf32>
        %select_n3A_585 = arith.select %lt3A_577, %get3A_582, %broadcast_in_dim3A_584 : vector<16xi1>, vector<16xf32>
        %swap3A_586 = arith.constant 2 : i32
        %swap3A_587 = arith.index_cast %swap3A_586 : i32 to index
        %swap3A_588 = arith.index_cast %mul3A_532 : i32 to index
        %swap3A_589 = tpu.vector_load %arg6[%swap3A_587, %swap3A_588] {strides = array<i32>} : memref<8x2560xf32, #tpu.memory_space<vmem>>, vector<1x16xf32>,
        %swap3A_590 = vector.shape_cast %swap3A_589 : vector<1x16xf32> to vector<16xf32>
        %swap3A_591 = vector.shape_cast %select_n3A_585 : vector<16xf32> to vector<1x16xf32>
        tpu.vector_store %arg6[%swap3A_587, %swap3A_588], %swap3A_591 {strides = array<i32>} : memref<8x2560xf32, #tpu.memory_space<vmem>>, vector<1x16xf32>,
        %shift_left3A_592 = arith.constant 7 : i32
        %shift_left3A_593 = vector.broadcast %shift_left3A_592 : i32 to vector<16xi32>
        %shift_left3A_594 = arith.shli %get3A_536, %shift_left3A_593 : vector<16xi32>
        %lt3A_595 = arith.constant 0 : i32
        %lt3A_596 = vector.broadcast %lt3A_595 : i32 to vector<16xi32>
        %lt3A_597 = arith.cmpi slt, %shift_left3A_594, %lt3A_596 : vector<16xi32>
        %get3A_598 = arith.constant 3 : i32
        %get3A_599 = arith.index_cast %get3A_598 : i32 to index
        %get3A_600 = arith.index_cast %mul3A_532 : i32 to index
        %get3A_601 = tpu.vector_load %arg6[%get3A_599, %get3A_600] {strides = array<i32>} : memref<8x2560xf32, #tpu.memory_space<vmem>>, vector<1x16xf32>,
        %get3A_602 = vector.shape_cast %get3A_601 : vector<1x16xf32> to vector<16xf32>
        %jit3A_603 = arith.constant 0.000000e+00 : f32
        %broadcast_in_dim3A_604 = vector.broadcast %jit3A_603 : f32 to vector<16xf32>
        %select_n3A_605 = arith.select %lt3A_597, %get3A_602, %broadcast_in_dim3A_604 : vector<16xi1>, vector<16xf32>
        %swap3A_606 = arith.constant 3 : i32
        %swap3A_607 = arith.index_cast %swap3A_606 : i32 to index
        %swap3A_608 = arith.index_cast %mul3A_532 : i32 to index
        %swap3A_609 = tpu.vector_load %arg6[%swap3A_607, %swap3A_608] {strides = array<i32>} : memref<8x2560xf32, #tpu.memory_space<vmem>>, vector<1x16xf32>,
        %swap3A_610 = vector.shape_cast %swap3A_609 : vector<1x16xf32> to vector<16xf32>
        %swap3A_611 = vector.shape_cast %select_n3A_605 : vector<16xf32> to vector<1x16xf32>
        tpu.vector_store %arg6[%swap3A_607, %swap3A_608], %swap3A_611 {strides = array<i32>} : memref<8x2560xf32, #tpu.memory_space<vmem>>, vector<1x16xf32>,
        %get3A_612 = arith.constant 7 : i32
        %get3A_613 = arith.index_cast %get3A_612 : i32 to index
        %get3A_614 = arith.index_cast %mul3A_532 : i32 to index
        %get3A_615 = tpu.vector_load %arg7[%get3A_613, %get3A_614] {strides = array<i32>} : memref<8x2560xi32, #tpu.memory_space<vmem>>, vector<1x16xi32>,
        %get3A_616 = vector.shape_cast %get3A_615 : vector<1x16xi32> to vector<16xi32>
        %shift_left3A_617 = arith.constant 31 : i32
        %shift_left3A_618 = vector.broadcast %shift_left3A_617 : i32 to vector<16xi32>
        %shift_left3A_619 = arith.shli %get3A_616, %shift_left3A_618 : vector<16xi32>
        %lt3A_620 = arith.constant 0 : i32
        %lt3A_621 = vector.broadcast %lt3A_620 : i32 to vector<16xi32>
        %lt3A_622 = arith.cmpi slt, %shift_left3A_619, %lt3A_621 : vector<16xi32>
        %get3A_623 = arith.constant 4 : i32
        %get3A_624 = arith.index_cast %get3A_623 : i32 to index
        %get3A_625 = arith.index_cast %mul3A_532 : i32 to index
        %get3A_626 = tpu.vector_load %arg6[%get3A_624, %get3A_625] {strides = array<i32>} : memref<8x2560xf32, #tpu.memory_space<vmem>>, vector<1x16xf32>,
        %get3A_627 = vector.shape_cast %get3A_626 : vector<1x16xf32> to vector<16xf32>
        %jit3A_628 = arith.constant 0.000000e+00 : f32
        %broadcast_in_dim3A_629 = vector.broadcast %jit3A_628 : f32 to vector<16xf32>
        %select_n3A_630 = arith.select %lt3A_622, %get3A_627, %broadcast_in_dim3A_629 : vector<16xi1>, vector<16xf32>
        %swap3A_631 = arith.constant 4 : i32
        %swap3A_632 = arith.index_cast %swap3A_631 : i32 to index
        %swap3A_633 = arith.index_cast %mul3A_532 : i32 to index
        %swap3A_634 = tpu.vector_load %arg6[%swap3A_632, %swap3A_633] {strides = array<i32>} : memref<8x2560xf32, #tpu.memory_space<vmem>>, vector<1x16xf32>,
        %swap3A_635 = vector.shape_cast %swap3A_634 : vector<1x16xf32> to vector<16xf32>
        %swap3A_636 = vector.shape_cast %select_n3A_630 : vector<16xf32> to vector<1x16xf32>
        tpu.vector_store %arg6[%swap3A_632, %swap3A_633], %swap3A_636 {strides = array<i32>} : memref<8x2560xf32, #tpu.memory_space<vmem>>, vector<1x16xf32>,
        %shift_left3A_637 = arith.constant 23 : i32
        %shift_left3A_638 = vector.broadcast %shift_left3A_637 : i32 to vector<16xi32>
        %shift_left3A_639 = arith.shli %get3A_616, %shift_left3A_638 : vector<16xi32>
        %lt3A_640 = arith.constant 0 : i32
        %lt3A_641 = vector.broadcast %lt3A_640 : i32 to vector<16xi32>
        %lt3A_642 = arith.cmpi slt, %shift_left3A_639, %lt3A_641 : vector<16xi32>
        %get3A_643 = arith.constant 5 : i32
        %get3A_644 = arith.index_cast %get3A_643 : i32 to index
        %get3A_645 = arith.index_cast %mul3A_532 : i32 to index
        %get3A_646 = tpu.vector_load %arg6[%get3A_644, %get3A_645] {strides = array<i32>} : memref<8x2560xf32, #tpu.memory_space<vmem>>, vector<1x16xf32>,
        %get3A_647 = vector.shape_cast %get3A_646 : vector<1x16xf32> to vector<16xf32>
        %jit3A_648 = arith.constant 0.000000e+00 : f32
        %broadcast_in_dim3A_649 = vector.broadcast %jit3A_648 : f32 to vector<16xf32>
        %select_n3A_650 = arith.select %lt3A_642, %get3A_647, %broadcast_in_dim3A_649 : vector<16xi1>, vector<16xf32>
        %swap3A_651 = arith.constant 5 : i32
        %swap3A_652 = arith.index_cast %swap3A_651 : i32 to index
        %swap3A_653 = arith.index_cast %mul3A_532 : i32 to index
        %swap3A_654 = tpu.vector_load %arg6[%swap3A_652, %swap3A_653] {strides = array<i32>} : memref<8x2560xf32, #tpu.memory_space<vmem>>, vector<1x16xf32>,
        %swap3A_655 = vector.shape_cast %swap3A_654 : vector<1x16xf32> to vector<16xf32>
        %swap3A_656 = vector.shape_cast %select_n3A_650 : vector<16xf32> to vector<1x16xf32>
        tpu.vector_store %arg6[%swap3A_652, %swap3A_653], %swap3A_656 {strides = array<i32>} : memref<8x2560xf32, #tpu.memory_space<vmem>>, vector<1x16xf32>,
        %shift_left3A_657 = arith.constant 15 : i32
        %shift_left3A_658 = vector.broadcast %shift_left3A_657 : i32 to vector<16xi32>
        %shift_left3A_659 = arith.shli %get3A_616, %shift_left3A_658 : vector<16xi32>
        %lt3A_660 = arith.constant 0 : i32
        %lt3A_661 = vector.broadcast %lt3A_660 : i32 to vector<16xi32>
        %lt3A_662 = arith.cmpi slt, %shift_left3A_659, %lt3A_661 : vector<16xi32>
        %get3A_663 = arith.constant 6 : i32
        %get3A_664 = arith.index_cast %get3A_663 : i32 to index
        %get3A_665 = arith.index_cast %mul3A_532 : i32 to index
        %get3A_666 = tpu.vector_load %arg6[%get3A_664, %get3A_665] {strides = array<i32>} : memref<8x2560xf32, #tpu.memory_space<vmem>>, vector<1x16xf32>,
        %get3A_667 = vector.shape_cast %get3A_666 : vector<1x16xf32> to vector<16xf32>
        %jit3A_668 = arith.constant 0.000000e+00 : f32
        %broadcast_in_dim3A_669 = vector.broadcast %jit3A_668 : f32 to vector<16xf32>
        %select_n3A_670 = arith.select %lt3A_662, %get3A_667, %broadcast_in_dim3A_669 : vector<16xi1>, vector<16xf32>
        %swap3A_671 = arith.constant 6 : i32
        %swap3A_672 = arith.index_cast %swap3A_671 : i32 to index
        %swap3A_673 = arith.index_cast %mul3A_532 : i32 to index
        %swap3A_674 = tpu.vector_load %arg6[%swap3A_672, %swap3A_673] {strides = array<i32>} : memref<8x2560xf32, #tpu.memory_space<vmem>>, vector<1x16xf32>,
        %swap3A_675 = vector.shape_cast %swap3A_674 : vector<1x16xf32> to vector<16xf32>
        %swap3A_676 = vector.shape_cast %select_n3A_670 : vector<16xf32> to vector<1x16xf32>
        tpu.vector_store %arg6[%swap3A_672, %swap3A_673], %swap3A_676 {strides = array<i32>} : memref<8x2560xf32, #tpu.memory_space<vmem>>, vector<1x16xf32>,
        %shift_left3A_677 = arith.constant 7 : i32
        %shift_left3A_678 = vector.broadcast %shift_left3A_677 : i32 to vector<16xi32>
        %shift_left3A_679 = arith.shli %get3A_616, %shift_left3A_678 : vector<16xi32>
        %lt3A_680 = arith.constant 0 : i32
        %lt3A_681 = vector.broadcast %lt3A_680 : i32 to vector<16xi32>
        %lt3A_682 = arith.cmpi slt, %shift_left3A_679, %lt3A_681 : vector<16xi32>
        %get3A_683 = arith.constant 7 : i32
        %get3A_684 = arith.index_cast %get3A_683 : i32 to index
        %get3A_685 = arith.index_cast %mul3A_532 : i32 to index
        %get3A_686 = tpu.vector_load %arg6[%get3A_684, %get3A_685] {strides = array<i32>} : memref<8x2560xf32, #tpu.memory_space<vmem>>, vector<1x16xf32>,
        %get3A_687 = vector.shape_cast %get3A_686 : vector<1x16xf32> to vector<16xf32>
        %jit3A_688 = arith.constant 0.000000e+00 : f32
        %broadcast_in_dim3A_689 = vector.broadcast %jit3A_688 : f32 to vector<16xf32>
        %select_n3A_690 = arith.select %lt3A_682, %get3A_687, %broadcast_in_dim3A_689 : vector<16xi1>, vector<16xf32>
        %swap3A_691 = arith.constant 7 : i32
        %swap3A_692 = arith.index_cast %swap3A_691 : i32 to index
        %swap3A_693 = arith.index_cast %mul3A_532 : i32 to index
        %swap3A_694 = tpu.vector_load %arg6[%swap3A_692, %swap3A_693] {strides = array<i32>} : memref<8x2560xf32, #tpu.memory_space<vmem>>, vector<1x16xf32>,
        %swap3A_695 = vector.shape_cast %swap3A_694 : vector<1x16xf32> to vector<16xf32>
        %swap3A_696 = vector.shape_cast %select_n3A_690 : vector<16xf32> to vector<1x16xf32>
        tpu.vector_store %arg6[%swap3A_692, %swap3A_693], %swap3A_696 {strides = array<i32>} : memref<8x2560xf32, #tpu.memory_space<vmem>>, vector<1x16xf32>,
        %scan3A_697 = arith.constant 1 : i32
        %scan3A_698 = arith.addi %scan3A_530, %scan3A_697 : i32
        %mul3A_699 = arith.constant 16 : i32
        %mul3A_700 = arith.muli %scan3A_698, %mul3A_699 : i32
        %get3A_701 = arith.constant 6 : i32
        %get3A_702 = arith.index_cast %get3A_701 : i32 to index
        %get3A_703 = arith.index_cast %mul3A_700 : i32 to index
        %get3A_704 = tpu.vector_load %arg7[%get3A_702, %get3A_703] {strides = array<i32>} : memref<8x2560xi32, #tpu.memory_space<vmem>>, vector<1x16xi32>,
        %get3A_705 = vector.shape_cast %get3A_704 : vector<1x16xi32> to vector<16xi32>
        %shift_left3A_706 = arith.constant 31 : i32
        %shift_left3A_707 = vector.broadcast %shift_left3A_706 : i32 to vector<16xi32>
        %shift_left3A_708 = arith.shli %get3A_705, %shift_left3A_707 : vector<16xi32>
        %lt3A_709 = arith.constant 0 : i32
        %lt3A_710 = vector.broadcast %lt3A_709 : i32 to vector<16xi32>
        %lt3A_711 = arith.cmpi slt, %shift_left3A_708, %lt3A_710 : vector<16xi32>
        %get3A_712 = arith.constant 0 : i32
        %get3A_713 = arith.index_cast %get3A_712 : i32 to index
        %get3A_714 = arith.index_cast %mul3A_700 : i32 to index
        %get3A_715 = tpu.vector_load %arg6[%get3A_713, %get3A_714] {strides = array<i32>} : memref<8x2560xf32, #tpu.memory_space<vmem>>, vector<1x16xf32>,
        %get3A_716 = vector.shape_cast %get3A_715 : vector<1x16xf32> to vector<16xf32>
        %jit3A_717 = arith.constant 0.000000e+00 : f32
        %broadcast_in_dim3A_718 = vector.broadcast %jit3A_717 : f32 to vector<16xf32>
        %select_n3A_719 = arith.select %lt3A_711, %get3A_716, %broadcast_in_dim3A_718 : vector<16xi1>, vector<16xf32>
        %swap3A_720 = arith.constant 0 : i32
        %swap3A_721 = arith.index_cast %swap3A_720 : i32 to index
        %swap3A_722 = arith.index_cast %mul3A_700 : i32 to index
        %swap3A_723 = tpu.vector_load %arg6[%swap3A_721, %swap3A_722] {strides = array<i32>} : memref<8x2560xf32, #tpu.memory_space<vmem>>, vector<1x16xf32>,
        %swap3A_724 = vector.shape_cast %swap3A_723 : vector<1x16xf32> to vector<16xf32>
        %swap3A_725 = vector.shape_cast %select_n3A_719 : vector<16xf32> to vector<1x16xf32>
        tpu.vector_store %arg6[%swap3A_721, %swap3A_722], %swap3A_725 {strides = array<i32>} : memref<8x2560xf32, #tpu.memory_space<vmem>>, vector<1x16xf32>,
        %shift_left3A_726 = arith.constant 23 : i32
        %shift_left3A_727 = vector.broadcast %shift_left3A_726 : i32 to vector<16xi32>
        %shift_left3A_728 = arith.shli %get3A_705, %shift_left3A_727 : vector<16xi32>
        %lt3A_729 = arith.constant 0 : i32
        %lt3A_730 = vector.broadcast %lt3A_729 : i32 to vector<16xi32>
        %lt3A_731 = arith.cmpi slt, %shift_left3A_728, %lt3A_730 : vector<16xi32>
        %get3A_732 = arith.constant 1 : i32
        %get3A_733 = arith.index_cast %get3A_732 : i32 to index
        %get3A_734 = arith.index_cast %mul3A_700 : i32 to index
        %get3A_735 = tpu.vector_load %arg6[%get3A_733, %get3A_734] {strides = array<i32>} : memref<8x2560xf32, #tpu.memory_space<vmem>>, vector<1x16xf32>,
        %get3A_736 = vector.shape_cast %get3A_735 : vector<1x16xf32> to vector<16xf32>
        %jit3A_737 = arith.constant 0.000000e+00 : f32
        %broadcast_in_dim3A_738 = vector.broadcast %jit3A_737 : f32 to vector<16xf32>
        %select_n3A_739 = arith.select %lt3A_731, %get3A_736, %broadcast_in_dim3A_738 : vector<16xi1>, vector<16xf32>
        %swap3A_740 = arith.constant 1 : i32
        %swap3A_741 = arith.index_cast %swap3A_740 : i32 to index
        %swap3A_742 = arith.index_cast %mul3A_700 : i32 to index
        %swap3A_743 = tpu.vector_load %arg6[%swap3A_741, %swap3A_742] {strides = array<i32>} : memref<8x2560xf32, #tpu.memory_space<vmem>>, vector<1x16xf32>,
        %swap3A_744 = vector.shape_cast %swap3A_743 : vector<1x16xf32> to vector<16xf32>
        %swap3A_745 = vector.shape_cast %select_n3A_739 : vector<16xf32> to vector<1x16xf32>
        tpu.vector_store %arg6[%swap3A_741, %swap3A_742], %swap3A_745 {strides = array<i32>} : memref<8x2560xf32, #tpu.memory_space<vmem>>, vector<1x16xf32>,
        %shift_left3A_746 = arith.constant 15 : i32
        %shift_left3A_747 = vector.broadcast %shift_left3A_746 : i32 to vector<16xi32>
        %shift_left3A_748 = arith.shli %get3A_705, %shift_left3A_747 : vector<16xi32>
        %lt3A_749 = arith.constant 0 : i32
        %lt3A_750 = vector.broadcast %lt3A_749 : i32 to vector<16xi32>
        %lt3A_751 = arith.cmpi slt, %shift_left3A_748, %lt3A_750 : vector<16xi32>
        %get3A_752 = arith.constant 2 : i32
        %get3A_753 = arith.index_cast %get3A_752 : i32 to index
        %get3A_754 = arith.index_cast %mul3A_700 : i32 to index
        %get3A_755 = tpu.vector_load %arg6[%get3A_753, %get3A_754] {strides = array<i32>} : memref<8x2560xf32, #tpu.memory_space<vmem>>, vector<1x16xf32>,
        %get3A_756 = vector.shape_cast %get3A_755 : vector<1x16xf32> to vector<16xf32>
        %jit3A_757 = arith.constant 0.000000e+00 : f32
        %broadcast_in_dim3A_758 = vector.broadcast %jit3A_757 : f32 to vector<16xf32>
        %select_n3A_759 = arith.select %lt3A_751, %get3A_756, %broadcast_in_dim3A_758 : vector<16xi1>, vector<16xf32>
        %swap3A_760 = arith.constant 2 : i32
        %swap3A_761 = arith.index_cast %swap3A_760 : i32 to index
        %swap3A_762 = arith.index_cast %mul3A_700 : i32 to index
        %swap3A_763 = tpu.vector_load %arg6[%swap3A_761, %swap3A_762] {strides = array<i32>} : memref<8x2560xf32, #tpu.memory_space<vmem>>, vector<1x16xf32>,
        %swap3A_764 = vector.shape_cast %swap3A_763 : vector<1x16xf32> to vector<16xf32>
        %swap3A_765 = vector.shape_cast %select_n3A_759 : vector<16xf32> to vector<1x16xf32>
        tpu.vector_store %arg6[%swap3A_761, %swap3A_762], %swap3A_765 {strides = array<i32>} : memref<8x2560xf32, #tpu.memory_space<vmem>>, vector<1x16xf32>,
        %shift_left3A_766 = arith.constant 7 : i32
        %shift_left3A_767 = vector.broadcast %shift_left3A_766 : i32 to vector<16xi32>
        %shift_left3A_768 = arith.shli %get3A_705, %shift_left3A_767 : vector<16xi32>
        %lt3A_769 = arith.constant 0 : i32
        %lt3A_770 = vector.broadcast %lt3A_769 : i32 to vector<16xi32>
        %lt3A_771 = arith.cmpi slt, %shift_left3A_768, %lt3A_770 : vector<16xi32>
        %get3A_772 = arith.constant 3 : i32
        %get3A_773 = arith.index_cast %get3A_772 : i32 to index
        %get3A_774 = arith.index_cast %mul3A_700 : i32 to index
        %get3A_775 = tpu.vector_load %arg6[%get3A_773, %get3A_774] {strides = array<i32>} : memref<8x2560xf32, #tpu.memory_space<vmem>>, vector<1x16xf32>,
        %get3A_776 = vector.shape_cast %get3A_775 : vector<1x16xf32> to vector<16xf32>
        %jit3A_777 = arith.constant 0.000000e+00 : f32
        %broadcast_in_dim3A_778 = vector.broadcast %jit3A_777 : f32 to vector<16xf32>
        %select_n3A_779 = arith.select %lt3A_771, %get3A_776, %broadcast_in_dim3A_778 : vector<16xi1>, vector<16xf32>
        %swap3A_780 = arith.constant 3 : i32
        %swap3A_781 = arith.index_cast %swap3A_780 : i32 to index
        %swap3A_782 = arith.index_cast %mul3A_700 : i32 to index
        %swap3A_783 = tpu.vector_load %arg6[%swap3A_781, %swap3A_782] {strides = array<i32>} : memref<8x2560xf32, #tpu.memory_space<vmem>>, vector<1x16xf32>,
        %swap3A_784 = vector.shape_cast %swap3A_783 : vector<1x16xf32> to vector<16xf32>
        %swap3A_785 = vector.shape_cast %select_n3A_779 : vector<16xf32> to vector<1x16xf32>
        tpu.vector_store %arg6[%swap3A_781, %swap3A_782], %swap3A_785 {strides = array<i32>} : memref<8x2560xf32, #tpu.memory_space<vmem>>, vector<1x16xf32>,
        %get3A_786 = arith.constant 7 : i32
        %get3A_787 = arith.index_cast %get3A_786 : i32 to index
        %get3A_788 = arith.index_cast %mul3A_700 : i32 to index
        %get3A_789 = tpu.vector_load %arg7[%get3A_787, %get3A_788] {strides = array<i32>} : memref<8x2560xi32, #tpu.memory_space<vmem>>, vector<1x16xi32>,
        %get3A_790 = vector.shape_cast %get3A_789 : vector<1x16xi32> to vector<16xi32>
        %shift_left3A_791 = arith.constant 31 : i32
        %shift_left3A_792 = vector.broadcast %shift_left3A_791 : i32 to vector<16xi32>
        %shift_left3A_793 = arith.shli %get3A_790, %shift_left3A_792 : vector<16xi32>
        %lt3A_794 = arith.constant 0 : i32
        %lt3A_795 = vector.broadcast %lt3A_794 : i32 to vector<16xi32>
        %lt3A_796 = arith.cmpi slt, %shift_left3A_793, %lt3A_795 : vector<16xi32>
        %get3A_797 = arith.constant 4 : i32
        %get3A_798 = arith.index_cast %get3A_797 : i32 to index
        %get3A_799 = arith.index_cast %mul3A_700 : i32 to index
        %get3A_800 = tpu.vector_load %arg6[%get3A_798, %get3A_799] {strides = array<i32>} : memref<8x2560xf32, #tpu.memory_space<vmem>>, vector<1x16xf32>,
        %get3A_801 = vector.shape_cast %get3A_800 : vector<1x16xf32> to vector<16xf32>
        %jit3A_802 = arith.constant 0.000000e+00 : f32
        %broadcast_in_dim3A_803 = vector.broadcast %jit3A_802 : f32 to vector<16xf32>
        %select_n3A_804 = arith.select %lt3A_796, %get3A_801, %broadcast_in_dim3A_803 : vector<16xi1>, vector<16xf32>
        %swap3A_805 = arith.constant 4 : i32
        %swap3A_806 = arith.index_cast %swap3A_805 : i32 to index
        %swap3A_807 = arith.index_cast %mul3A_700 : i32 to index
        %swap3A_808 = tpu.vector_load %arg6[%swap3A_806, %swap3A_807] {strides = array<i32>} : memref<8x2560xf32, #tpu.memory_space<vmem>>, vector<1x16xf32>,
        %swap3A_809 = vector.shape_cast %swap3A_808 : vector<1x16xf32> to vector<16xf32>
        %swap3A_810 = vector.shape_cast %select_n3A_804 : vector<16xf32> to vector<1x16xf32>
        tpu.vector_store %arg6[%swap3A_806, %swap3A_807], %swap3A_810 {strides = array<i32>} : memref<8x2560xf32, #tpu.memory_space<vmem>>, vector<1x16xf32>,
        %shift_left3A_811 = arith.constant 23 : i32
        %shift_left3A_812 = vector.broadcast %shift_left3A_811 : i32 to vector<16xi32>
        %shift_left3A_813 = arith.shli %get3A_790, %shift_left3A_812 : vector<16xi32>
        %lt3A_814 = arith.constant 0 : i32
        %lt3A_815 = vector.broadcast %lt3A_814 : i32 to vector<16xi32>
        %lt3A_816 = arith.cmpi slt, %shift_left3A_813, %lt3A_815 : vector<16xi32>
        %get3A_817 = arith.constant 5 : i32
        %get3A_818 = arith.index_cast %get3A_817 : i32 to index
        %get3A_819 = arith.index_cast %mul3A_700 : i32 to index
        %get3A_820 = tpu.vector_load %arg6[%get3A_818, %get3A_819] {strides = array<i32>} : memref<8x2560xf32, #tpu.memory_space<vmem>>, vector<1x16xf32>,
        %get3A_821 = vector.shape_cast %get3A_820 : vector<1x16xf32> to vector<16xf32>
        %jit3A_822 = arith.constant 0.000000e+00 : f32
        %broadcast_in_dim3A_823 = vector.broadcast %jit3A_822 : f32 to vector<16xf32>
        %select_n3A_824 = arith.select %lt3A_816, %get3A_821, %broadcast_in_dim3A_823 : vector<16xi1>, vector<16xf32>
        %swap3A_825 = arith.constant 5 : i32
        %swap3A_826 = arith.index_cast %swap3A_825 : i32 to index
        %swap3A_827 = arith.index_cast %mul3A_700 : i32 to index
        %swap3A_828 = tpu.vector_load %arg6[%swap3A_826, %swap3A_827] {strides = array<i32>} : memref<8x2560xf32, #tpu.memory_space<vmem>>, vector<1x16xf32>,
        %swap3A_829 = vector.shape_cast %swap3A_828 : vector<1x16xf32> to vector<16xf32>
        %swap3A_830 = vector.shape_cast %select_n3A_824 : vector<16xf32> to vector<1x16xf32>
        tpu.vector_store %arg6[%swap3A_826, %swap3A_827], %swap3A_830 {strides = array<i32>} : memref<8x2560xf32, #tpu.memory_space<vmem>>, vector<1x16xf32>,
        %shift_left3A_831 = arith.constant 15 : i32
        %shift_left3A_832 = vector.broadcast %shift_left3A_831 : i32 to vector<16xi32>
        %shift_left3A_833 = arith.shli %get3A_790, %shift_left3A_832 : vector<16xi32>
        %lt3A_834 = arith.constant 0 : i32
        %lt3A_835 = vector.broadcast %lt3A_834 : i32 to vector<16xi32>
        %lt3A_836 = arith.cmpi slt, %shift_left3A_833, %lt3A_835 : vector<16xi32>
        %get3A_837 = arith.constant 6 : i32
        %get3A_838 = arith.index_cast %get3A_837 : i32 to index
        %get3A_839 = arith.index_cast %mul3A_700 : i32 to index
        %get3A_840 = tpu.vector_load %arg6[%get3A_838, %get3A_839] {strides = array<i32>} : memref<8x2560xf32, #tpu.memory_space<vmem>>, vector<1x16xf32>,
        %get3A_841 = vector.shape_cast %get3A_840 : vector<1x16xf32> to vector<16xf32>
        %jit3A_842 = arith.constant 0.000000e+00 : f32
        %broadcast_in_dim3A_843 = vector.broadcast %jit3A_842 : f32 to vector<16xf32>
        %select_n3A_844 = arith.select %lt3A_836, %get3A_841, %broadcast_in_dim3A_843 : vector<16xi1>, vector<16xf32>
        %swap3A_845 = arith.constant 6 : i32
        %swap3A_846 = arith.index_cast %swap3A_845 : i32 to index
        %swap3A_847 = arith.index_cast %mul3A_700 : i32 to index
        %swap3A_848 = tpu.vector_load %arg6[%swap3A_846, %swap3A_847] {strides = array<i32>} : memref<8x2560xf32, #tpu.memory_space<vmem>>, vector<1x16xf32>,
        %swap3A_849 = vector.shape_cast %swap3A_848 : vector<1x16xf32> to vector<16xf32>
        %swap3A_850 = vector.shape_cast %select_n3A_844 : vector<16xf32> to vector<1x16xf32>
        tpu.vector_store %arg6[%swap3A_846, %swap3A_847], %swap3A_850 {strides = array<i32>} : memref<8x2560xf32, #tpu.memory_space<vmem>>, vector<1x16xf32>,
        %shift_left3A_851 = arith.constant 7 : i32
        %shift_left3A_852 = vector.broadcast %shift_left3A_851 : i32 to vector<16xi32>
        %shift_left3A_853 = arith.shli %get3A_790, %shift_left3A_852 : vector<16xi32>
        %lt3A_854 = arith.constant 0 : i32
        %lt3A_855 = vector.broadcast %lt3A_854 : i32 to vector<16xi32>
        %lt3A_856 = arith.cmpi slt, %shift_left3A_853, %lt3A_855 : vector<16xi32>
        %get3A_857 = arith.constant 7 : i32
        %get3A_858 = arith.index_cast %get3A_857 : i32 to index
        %get3A_859 = arith.index_cast %mul3A_700 : i32 to index
        %get3A_860 = tpu.vector_load %arg6[%get3A_858, %get3A_859] {strides = array<i32>} : memref<8x2560xf32, #tpu.memory_space<vmem>>, vector<1x16xf32>,
        %get3A_861 = vector.shape_cast %get3A_860 : vector<1x16xf32> to vector<16xf32>
        %jit3A_862 = arith.constant 0.000000e+00 : f32
        %broadcast_in_dim3A_863 = vector.broadcast %jit3A_862 : f32 to vector<16xf32>
        %select_n3A_864 = arith.select %lt3A_856, %get3A_861, %broadcast_in_dim3A_863 : vector<16xi1>, vector<16xf32>
        %swap3A_865 = arith.constant 7 : i32
        %swap3A_866 = arith.index_cast %swap3A_865 : i32 to index
        %swap3A_867 = arith.index_cast %mul3A_700 : i32 to index
        %swap3A_868 = tpu.vector_load %arg6[%swap3A_866, %swap3A_867] {strides = array<i32>} : memref<8x2560xf32, #tpu.memory_space<vmem>>, vector<1x16xf32>,
        %swap3A_869 = vector.shape_cast %swap3A_868 : vector<1x16xf32> to vector<16xf32>
        %swap3A_870 = vector.shape_cast %select_n3A_864 : vector<16xf32> to vector<1x16xf32>
        tpu.vector_store %arg6[%swap3A_866, %swap3A_867], %swap3A_870 {strides = array<i32>} : memref<8x2560xf32, #tpu.memory_space<vmem>>, vector<1x16xf32>,
      }
      %scan3A_304 = arith.constant 160 : i32
      %add3A_305 = arith.constant 24 : i32
      %add3A_306 = arith.addi %multiple_of3A, %add3A_305 : i32
      %multiple_of3A_307 = tpu.assume_multiple %add3A_306, 8 : i32
      %mul3A_308 = arith.constant 2560 : i32
      %mul3A_309 = arith.muli %mul3A_101, %mul3A_308 : i32
      %multiple_of3A_310 = tpu.assume_multiple %mul3A_309, 128 : i32
      %dma_start3A_311 = tpu.memref_slice %arg4[%multiple_of3A_307, %multiple_of3A_310] : memref<1024x100000xf32, #tpu.memory_space<hbm>> -> memref<8x2560xf32, #tpu.memory_space<hbm>>
      %dma_start3A_312 = tpu.memref_slice %arg4[%multiple_of3A_307, %multiple_of3A_310] : memref<1024x100000xf32, #tpu.memory_space<hbm>> -> memref<8x2560xf32, #tpu.memory_space<hbm>>
      tpu.enqueue_dma source(%arg6 : memref<8x2560xf32, #tpu.memory_space<vmem>>) target(%dma_start3A_312 : memref<8x2560xf32, #tpu.memory_space<hbm>>) target_semaphore(%arg14 : memref<!tpu.dma_semaphore, #tpu.memory_space<semaphore_mem>>)
      %add3A_313 = arith.constant 1 : i32
      %add3A_314 = arith.addi %mul3A_101, %add3A_313 : i32
      %add3A_315 = arith.constant 1 : i32
      %add3A_316 = arith.addi %add3A_314, %add3A_315 : i32
      %lt3A_317 = arith.constant 38 : i32
      %lt3A_318 = arith.cmpi slt, %add3A_316, %lt3A_317 : i32
      %convert_element_type3A_319 = arith.extui %lt3A_318 : i1 to i32
      %cond3A_320 = arith.constant 0 : i32
      %cond3A_321 = arith.cmpi ne, %convert_element_type3A_319, %cond3A_320 : i32
      scf.if %cond3A_321 {
        %add3A_530 = arith.constant 1 : i32
        %add3A_531 = arith.addi %add3A_314, %add3A_530 : i32
        %mul3A_532 = arith.constant 2560 : i32
        %mul3A_533 = arith.muli %add3A_531, %mul3A_532 : i32
        %multiple_of3A_534 = tpu.assume_multiple %mul3A_533, 128 : i32
        %add3A_535 = arith.constant 0 : i32
        %add3A_536 = arith.addi %multiple_of3A_534, %add3A_535 : i32
        %dma_start3A_537 = arith.constant 0 : i32
        %dma_start3A_538 = arith.constant 0 : i32
        %dma_start3A_539 = tpu.memref_slice %arg7[%dma_start3A_537, %dma_start3A_538] : memref<8x2560xi32, #tpu.memory_space<vmem>> -> memref<8x640xi32, #tpu.memory_space<vmem>>
        %dma_start3A_540 = tpu.memref_slice %arg3[%multiple_of3A, %add3A_536] : memref<1024x100000xi8, #tpu.memory_space<hbm>> -> memref<32x2560xi8, #tpu.memory_space<hbm>>
        %dma_start3A_541 = tpu.memref_bitcast %dma_start3A_540 : memref<32x2560xi8, #tpu.memory_space<hbm>> -> memref<8x2560xi32, #tpu.memory_space<hbm>>
        %dma_start3A_542 = arith.constant 0 : i32
        %dma_start3A_543 = arith.constant 0 : i32
        %dma_start3A_544 = tpu.memref_slice %dma_start3A_541[%dma_start3A_542, %dma_start3A_543] : memref<8x2560xi32, #tpu.memory_space<hbm>> -> memref<8x640xi32, #tpu.memory_space<hbm>>
        %dma_start3A_545 = arith.constant 0 : i32
        %dma_start3A_546 = arith.constant 0 : i32
        %dma_start3A_547 = tpu.memref_slice %arg7[%dma_start3A_545, %dma_start3A_546] : memref<8x2560xi32, #tpu.memory_space<vmem>> -> memref<8x640xi32, #tpu.memory_space<vmem>>
        %dma_start3A_548 = tpu.memref_slice %arg3[%multiple_of3A, %add3A_536] : memref<1024x100000xi8, #tpu.memory_space<hbm>> -> memref<32x2560xi8, #tpu.memory_space<hbm>>
        %dma_start3A_549 = tpu.memref_bitcast %dma_start3A_548 : memref<32x2560xi8, #tpu.memory_space<hbm>> -> memref<8x2560xi32, #tpu.memory_space<hbm>>
        %dma_start3A_550 = arith.constant 0 : i32
        %dma_start3A_551 = arith.constant 0 : i32
        %dma_start3A_552 = tpu.memref_slice %dma_start3A_549[%dma_start3A_550, %dma_start3A_551] : memref<8x2560xi32, #tpu.memory_space<hbm>> -> memref<8x640xi32, #tpu.memory_space<hbm>>
        tpu.enqueue_dma source(%dma_start3A_552 : memref<8x640xi32, #tpu.memory_space<hbm>>) target(%dma_start3A_547 : memref<8x640xi32, #tpu.memory_space<vmem>>) target_semaphore(%arg11 : memref<!tpu.dma_semaphore, #tpu.memory_space<semaphore_mem>>)
        %add3A_553 = arith.constant 640 : i32
        %add3A_554 = arith.addi %multiple_of3A_534, %add3A_553 : i32
        %dma_start3A_555 = arith.constant 0 : i32
        %dma_start3A_556 = arith.constant 640 : i32
        %dma_start3A_557 = tpu.memref_slice %arg7[%dma_start3A_555, %dma_start3A_556] : memref<8x2560xi32, #tpu.memory_space<vmem>> -> memref<8x640xi32, #tpu.memory_space<vmem>>
        %dma_start3A_558 = tpu.memref_slice %arg3[%multiple_of3A, %add3A_554] : memref<1024x100000xi8, #tpu.memory_space<hbm>> -> memref<32x2560xi8, #tpu.memory_space<hbm>>
        %dma_start3A_559 = tpu.memref_bitcast %dma_start3A_558 : memref<32x2560xi8, #tpu.memory_space<hbm>> -> memref<8x2560xi32, #tpu.memory_space<hbm>>
        %dma_start3A_560 = arith.constant 0 : i32
        %dma_start3A_561 = arith.constant 0 : i32
        %dma_start3A_562 = tpu.memref_slice %dma_start3A_559[%dma_start3A_560, %dma_start3A_561] : memref<8x2560xi32, #tpu.memory_space<hbm>> -> memref<8x640xi32, #tpu.memory_space<hbm>>
        %dma_start3A_563 = arith.constant 0 : i32
        %dma_start3A_564 = arith.constant 640 : i32
        %dma_start3A_565 = tpu.memref_slice %arg7[%dma_start3A_563, %dma_start3A_564] : memref<8x2560xi32, #tpu.memory_space<vmem>> -> memref<8x640xi32, #tpu.memory_space<vmem>>
        %dma_start3A_566 = tpu.memref_slice %arg3[%multiple_of3A, %add3A_554] : memref<1024x100000xi8, #tpu.memory_space<hbm>> -> memref<32x2560xi8, #tpu.memory_space<hbm>>
        %dma_start3A_567 = tpu.memref_bitcast %dma_start3A_566 : memref<32x2560xi8, #tpu.memory_space<hbm>> -> memref<8x2560xi32, #tpu.memory_space<hbm>>
        %dma_start3A_568 = arith.constant 0 : i32
        %dma_start3A_569 = arith.constant 0 : i32
        %dma_start3A_570 = tpu.memref_slice %dma_start3A_567[%dma_start3A_568, %dma_start3A_569] : memref<8x2560xi32, #tpu.memory_space<hbm>> -> memref<8x640xi32, #tpu.memory_space<hbm>>
        tpu.enqueue_dma source(%dma_start3A_570 : memref<8x640xi32, #tpu.memory_space<hbm>>) target(%dma_start3A_565 : memref<8x640xi32, #tpu.memory_space<vmem>>) target_semaphore(%arg11 : memref<!tpu.dma_semaphore, #tpu.memory_space<semaphore_mem>>)
        %add3A_571 = arith.constant 1280 : i32
        %add3A_572 = arith.addi %multiple_of3A_534, %add3A_571 : i32
        %dma_start3A_573 = arith.constant 0 : i32
        %dma_start3A_574 = arith.constant 1280 : i32
        %dma_start3A_575 = tpu.memref_slice %arg7[%dma_start3A_573, %dma_start3A_574] : memref<8x2560xi32, #tpu.memory_space<vmem>> -> memref<8x640xi32, #tpu.memory_space<vmem>>
        %dma_start3A_576 = tpu.memref_slice %arg3[%multiple_of3A, %add3A_572] : memref<1024x100000xi8, #tpu.memory_space<hbm>> -> memref<32x2560xi8, #tpu.memory_space<hbm>>
        %dma_start3A_577 = tpu.memref_bitcast %dma_start3A_576 : memref<32x2560xi8, #tpu.memory_space<hbm>> -> memref<8x2560xi32, #tpu.memory_space<hbm>>
        %dma_start3A_578 = arith.constant 0 : i32
        %dma_start3A_579 = arith.constant 0 : i32
        %dma_start3A_580 = tpu.memref_slice %dma_start3A_577[%dma_start3A_578, %dma_start3A_579] : memref<8x2560xi32, #tpu.memory_space<hbm>> -> memref<8x640xi32, #tpu.memory_space<hbm>>
        %dma_start3A_581 = arith.constant 0 : i32
        %dma_start3A_582 = arith.constant 1280 : i32
        %dma_start3A_583 = tpu.memref_slice %arg7[%dma_start3A_581, %dma_start3A_582] : memref<8x2560xi32, #tpu.memory_space<vmem>> -> memref<8x640xi32, #tpu.memory_space<vmem>>
        %dma_start3A_584 = tpu.memref_slice %arg3[%multiple_of3A, %add3A_572] : memref<1024x100000xi8, #tpu.memory_space<hbm>> -> memref<32x2560xi8, #tpu.memory_space<hbm>>
        %dma_start3A_585 = tpu.memref_bitcast %dma_start3A_584 : memref<32x2560xi8, #tpu.memory_space<hbm>> -> memref<8x2560xi32, #tpu.memory_space<hbm>>
        %dma_start3A_586 = arith.constant 0 : i32
        %dma_start3A_587 = arith.constant 0 : i32
        %dma_start3A_588 = tpu.memref_slice %dma_start3A_585[%dma_start3A_586, %dma_start3A_587] : memref<8x2560xi32, #tpu.memory_space<hbm>> -> memref<8x640xi32, #tpu.memory_space<hbm>>
        tpu.enqueue_dma source(%dma_start3A_588 : memref<8x640xi32, #tpu.memory_space<hbm>>) target(%dma_start3A_583 : memref<8x640xi32, #tpu.memory_space<vmem>>) target_semaphore(%arg11 : memref<!tpu.dma_semaphore, #tpu.memory_space<semaphore_mem>>)
        %add3A_589 = arith.constant 1920 : i32
        %add3A_590 = arith.addi %multiple_of3A_534, %add3A_589 : i32
        %dma_start3A_591 = arith.constant 0 : i32
        %dma_start3A_592 = arith.constant 1920 : i32
        %dma_start3A_593 = tpu.memref_slice %arg7[%dma_start3A_591, %dma_start3A_592] : memref<8x2560xi32, #tpu.memory_space<vmem>> -> memref<8x640xi32, #tpu.memory_space<vmem>>
        %dma_start3A_594 = tpu.memref_slice %arg3[%multiple_of3A, %add3A_590] : memref<1024x100000xi8, #tpu.memory_space<hbm>> -> memref<32x2560xi8, #tpu.memory_space<hbm>>
        %dma_start3A_595 = tpu.memref_bitcast %dma_start3A_594 : memref<32x2560xi8, #tpu.memory_space<hbm>> -> memref<8x2560xi32, #tpu.memory_space<hbm>>
        %dma_start3A_596 = arith.constant 0 : i32
        %dma_start3A_597 = arith.constant 0 : i32
        %dma_start3A_598 = tpu.memref_slice %dma_start3A_595[%dma_start3A_596, %dma_start3A_597] : memref<8x2560xi32, #tpu.memory_space<hbm>> -> memref<8x640xi32, #tpu.memory_space<hbm>>
        %dma_start3A_599 = arith.constant 0 : i32
        %dma_start3A_600 = arith.constant 1920 : i32
        %dma_start3A_601 = tpu.memref_slice %arg7[%dma_start3A_599, %dma_start3A_600] : memref<8x2560xi32, #tpu.memory_space<vmem>> -> memref<8x640xi32, #tpu.memory_space<vmem>>
        %dma_start3A_602 = tpu.memref_slice %arg3[%multiple_of3A, %add3A_590] : memref<1024x100000xi8, #tpu.memory_space<hbm>> -> memref<32x2560xi8, #tpu.memory_space<hbm>>
        %dma_start3A_603 = tpu.memref_bitcast %dma_start3A_602 : memref<32x2560xi8, #tpu.memory_space<hbm>> -> memref<8x2560xi32, #tpu.memory_space<hbm>>
        %dma_start3A_604 = arith.constant 0 : i32
        %dma_start3A_605 = arith.constant 0 : i32
        %dma_start3A_606 = tpu.memref_slice %dma_start3A_603[%dma_start3A_604, %dma_start3A_605] : memref<8x2560xi32, #tpu.memory_space<hbm>> -> memref<8x640xi32, #tpu.memory_space<hbm>>
        tpu.enqueue_dma source(%dma_start3A_606 : memref<8x640xi32, #tpu.memory_space<hbm>>) target(%dma_start3A_601 : memref<8x640xi32, #tpu.memory_space<vmem>>) target_semaphore(%arg11 : memref<!tpu.dma_semaphore, #tpu.memory_space<semaphore_mem>>)
      } else {
      }
      %dma_wait3A_322 = arith.constant 0 : i32
      %dma_wait3A_323 = arith.constant 0 : i32
      %dma_wait3A_324 = tpu.memref_slice %arg8[%dma_wait3A_322, %dma_wait3A_323] : memref<8x2560xi32, #tpu.memory_space<vmem>> -> memref<8x640xi32, #tpu.memory_space<vmem>>
      %dma_wait3A_325 = arith.constant 0 : i32
      %dma_wait3A_326 = arith.constant 0 : i32
      %dma_wait3A_327 = tpu.memref_slice %arg3[%dma_wait3A_325, %dma_wait3A_326] : memref<1024x100000xi8, #tpu.memory_space<hbm>> -> memref<32x2560xi8, #tpu.memory_space<hbm>>
      %dma_wait3A_328 = tpu.memref_bitcast %dma_wait3A_327 : memref<32x2560xi8, #tpu.memory_space<hbm>> -> memref<8x2560xi32, #tpu.memory_space<hbm>>
      %dma_wait3A_329 = arith.constant 0 : i32
      %dma_wait3A_330 = arith.constant 0 : i32
      %dma_wait3A_331 = tpu.memref_slice %dma_wait3A_328[%dma_wait3A_329, %dma_wait3A_330] : memref<8x2560xi32, #tpu.memory_space<hbm>> -> memref<8x640xi32, #tpu.memory_space<hbm>>
      %dma_wait3A_332 = arith.constant 0 : i32
      %dma_wait3A_333 = arith.constant 0 : i32
      %dma_wait3A_334 = tpu.memref_slice %arg8[%dma_wait3A_332, %dma_wait3A_333] : memref<8x2560xi32, #tpu.memory_space<vmem>> -> memref<8x640xi32, #tpu.memory_space<vmem>>
      %dma_wait3A_335 = arith.constant 0 : i32
      %dma_wait3A_336 = arith.constant 0 : i32
      %dma_wait3A_337 = tpu.memref_slice %arg3[%dma_wait3A_335, %dma_wait3A_336] : memref<1024x100000xi8, #tpu.memory_space<hbm>> -> memref<32x2560xi8, #tpu.memory_space<hbm>>
      %dma_wait3A_338 = tpu.memref_bitcast %dma_wait3A_337 : memref<32x2560xi8, #tpu.memory_space<hbm>> -> memref<8x2560xi32, #tpu.memory_space<hbm>>
      %dma_wait3A_339 = arith.constant 0 : i32
      %dma_wait3A_340 = arith.constant 0 : i32
      %dma_wait3A_341 = tpu.memref_slice %dma_wait3A_338[%dma_wait3A_339, %dma_wait3A_340] : memref<8x2560xi32, #tpu.memory_space<hbm>> -> memref<8x640xi32, #tpu.memory_space<hbm>>
      tpu.wait_dma2 semaphore(%arg12 : memref<!tpu.dma_semaphore, #tpu.memory_space<semaphore_mem>>) src(%dma_wait3A_341 : memref<8x640xi32, #tpu.memory_space<hbm>>) dst(%dma_wait3A_334 : memref<8x640xi32, #tpu.memory_space<vmem>>)
      %dma_wait3A_342 = arith.constant 0 : i32
      %dma_wait3A_343 = arith.constant 640 : i32
      %dma_wait3A_344 = tpu.memref_slice %arg8[%dma_wait3A_342, %dma_wait3A_343] : memref<8x2560xi32, #tpu.memory_space<vmem>> -> memref<8x640xi32, #tpu.memory_space<vmem>>
      %dma_wait3A_345 = arith.constant 0 : i32
      %dma_wait3A_346 = arith.constant 0 : i32
      %dma_wait3A_347 = tpu.memref_slice %arg3[%dma_wait3A_345, %dma_wait3A_346] : memref<1024x100000xi8, #tpu.memory_space<hbm>> -> memref<32x2560xi8, #tpu.memory_space<hbm>>
      %dma_wait3A_348 = tpu.memref_bitcast %dma_wait3A_347 : memref<32x2560xi8, #tpu.memory_space<hbm>> -> memref<8x2560xi32, #tpu.memory_space<hbm>>
      %dma_wait3A_349 = arith.constant 0 : i32
      %dma_wait3A_350 = arith.constant 0 : i32
      %dma_wait3A_351 = tpu.memref_slice %dma_wait3A_348[%dma_wait3A_349, %dma_wait3A_350] : memref<8x2560xi32, #tpu.memory_space<hbm>> -> memref<8x640xi32, #tpu.memory_space<hbm>>
      %dma_wait3A_352 = arith.constant 0 : i32
      %dma_wait3A_353 = arith.constant 640 : i32
      %dma_wait3A_354 = tpu.memref_slice %arg8[%dma_wait3A_352, %dma_wait3A_353] : memref<8x2560xi32, #tpu.memory_space<vmem>> -> memref<8x640xi32, #tpu.memory_space<vmem>>
      %dma_wait3A_355 = arith.constant 0 : i32
      %dma_wait3A_356 = arith.constant 0 : i32
      %dma_wait3A_357 = tpu.memref_slice %arg3[%dma_wait3A_355, %dma_wait3A_356] : memref<1024x100000xi8, #tpu.memory_space<hbm>> -> memref<32x2560xi8, #tpu.memory_space<hbm>>
      %dma_wait3A_358 = tpu.memref_bitcast %dma_wait3A_357 : memref<32x2560xi8, #tpu.memory_space<hbm>> -> memref<8x2560xi32, #tpu.memory_space<hbm>>
      %dma_wait3A_359 = arith.constant 0 : i32
      %dma_wait3A_360 = arith.constant 0 : i32
      %dma_wait3A_361 = tpu.memref_slice %dma_wait3A_358[%dma_wait3A_359, %dma_wait3A_360] : memref<8x2560xi32, #tpu.memory_space<hbm>> -> memref<8x640xi32, #tpu.memory_space<hbm>>
      tpu.wait_dma2 semaphore(%arg12 : memref<!tpu.dma_semaphore, #tpu.memory_space<semaphore_mem>>) src(%dma_wait3A_361 : memref<8x640xi32, #tpu.memory_space<hbm>>) dst(%dma_wait3A_354 : memref<8x640xi32, #tpu.memory_space<vmem>>)
      %dma_wait3A_362 = arith.constant 0 : i32
      %dma_wait3A_363 = arith.constant 1280 : i32
      %dma_wait3A_364 = tpu.memref_slice %arg8[%dma_wait3A_362, %dma_wait3A_363] : memref<8x2560xi32, #tpu.memory_space<vmem>> -> memref<8x640xi32, #tpu.memory_space<vmem>>
      %dma_wait3A_365 = arith.constant 0 : i32
      %dma_wait3A_366 = arith.constant 0 : i32
      %dma_wait3A_367 = tpu.memref_slice %arg3[%dma_wait3A_365, %dma_wait3A_366] : memref<1024x100000xi8, #tpu.memory_space<hbm>> -> memref<32x2560xi8, #tpu.memory_space<hbm>>
      %dma_wait3A_368 = tpu.memref_bitcast %dma_wait3A_367 : memref<32x2560xi8, #tpu.memory_space<hbm>> -> memref<8x2560xi32, #tpu.memory_space<hbm>>
      %dma_wait3A_369 = arith.constant 0 : i32
      %dma_wait3A_370 = arith.constant 0 : i32
      %dma_wait3A_371 = tpu.memref_slice %dma_wait3A_368[%dma_wait3A_369, %dma_wait3A_370] : memref<8x2560xi32, #tpu.memory_space<hbm>> -> memref<8x640xi32, #tpu.memory_space<hbm>>
      %dma_wait3A_372 = arith.constant 0 : i32
      %dma_wait3A_373 = arith.constant 1280 : i32
      %dma_wait3A_374 = tpu.memref_slice %arg8[%dma_wait3A_372, %dma_wait3A_373] : memref<8x2560xi32, #tpu.memory_space<vmem>> -> memref<8x640xi32, #tpu.memory_space<vmem>>
      %dma_wait3A_375 = arith.constant 0 : i32
      %dma_wait3A_376 = arith.constant 0 : i32
      %dma_wait3A_377 = tpu.memref_slice %arg3[%dma_wait3A_375, %dma_wait3A_376] : memref<1024x100000xi8, #tpu.memory_space<hbm>> -> memref<32x2560xi8, #tpu.memory_space<hbm>>
      %dma_wait3A_378 = tpu.memref_bitcast %dma_wait3A_377 : memref<32x2560xi8, #tpu.memory_space<hbm>> -> memref<8x2560xi32, #tpu.memory_space<hbm>>
      %dma_wait3A_379 = arith.constant 0 : i32
      %dma_wait3A_380 = arith.constant 0 : i32
      %dma_wait3A_381 = tpu.memref_slice %dma_wait3A_378[%dma_wait3A_379, %dma_wait3A_380] : memref<8x2560xi32, #tpu.memory_space<hbm>> -> memref<8x640xi32, #tpu.memory_space<hbm>>
      tpu.wait_dma2 semaphore(%arg12 : memref<!tpu.dma_semaphore, #tpu.memory_space<semaphore_mem>>) src(%dma_wait3A_381 : memref<8x640xi32, #tpu.memory_space<hbm>>) dst(%dma_wait3A_374 : memref<8x640xi32, #tpu.memory_space<vmem>>)
      %dma_wait3A_382 = arith.constant 0 : i32
      %dma_wait3A_383 = arith.constant 1920 : i32
      %dma_wait3A_384 = tpu.memref_slice %arg8[%dma_wait3A_382, %dma_wait3A_383] : memref<8x2560xi32, #tpu.memory_space<vmem>> -> memref<8x640xi32, #tpu.memory_space<vmem>>
      %dma_wait3A_385 = arith.constant 0 : i32
      %dma_wait3A_386 = arith.constant 0 : i32
      %dma_wait3A_387 = tpu.memref_slice %arg3[%dma_wait3A_385, %dma_wait3A_386] : memref<1024x100000xi8, #tpu.memory_space<hbm>> -> memref<32x2560xi8, #tpu.memory_space<hbm>>
      %dma_wait3A_388 = tpu.memref_bitcast %dma_wait3A_387 : memref<32x2560xi8, #tpu.memory_space<hbm>> -> memref<8x2560xi32, #tpu.memory_space<hbm>>
      %dma_wait3A_389 = arith.constant 0 : i32
      %dma_wait3A_390 = arith.constant 0 : i32
      %dma_wait3A_391 = tpu.memref_slice %dma_wait3A_388[%dma_wait3A_389, %dma_wait3A_390] : memref<8x2560xi32, #tpu.memory_space<hbm>> -> memref<8x640xi32, #tpu.memory_space<hbm>>
      %dma_wait3A_392 = arith.constant 0 : i32
      %dma_wait3A_393 = arith.constant 1920 : i32
      %dma_wait3A_394 = tpu.memref_slice %arg8[%dma_wait3A_392, %dma_wait3A_393] : memref<8x2560xi32, #tpu.memory_space<vmem>> -> memref<8x640xi32, #tpu.memory_space<vmem>>
      %dma_wait3A_395 = arith.constant 0 : i32
      %dma_wait3A_396 = arith.constant 0 : i32
      %dma_wait3A_397 = tpu.memref_slice %arg3[%dma_wait3A_395, %dma_wait3A_396] : memref<1024x100000xi8, #tpu.memory_space<hbm>> -> memref<32x2560xi8, #tpu.memory_space<hbm>>
      %dma_wait3A_398 = tpu.memref_bitcast %dma_wait3A_397 : memref<32x2560xi8, #tpu.memory_space<hbm>> -> memref<8x2560xi32, #tpu.memory_space<hbm>>
      %dma_wait3A_399 = arith.constant 0 : i32
      %dma_wait3A_400 = arith.constant 0 : i32
      %dma_wait3A_401 = tpu.memref_slice %dma_wait3A_398[%dma_wait3A_399, %dma_wait3A_400] : memref<8x2560xi32, #tpu.memory_space<hbm>> -> memref<8x640xi32, #tpu.memory_space<hbm>>
      tpu.wait_dma2 semaphore(%arg12 : memref<!tpu.dma_semaphore, #tpu.memory_space<semaphore_mem>>) src(%dma_wait3A_401 : memref<8x640xi32, #tpu.memory_space<hbm>>) dst(%dma_wait3A_394 : memref<8x640xi32, #tpu.memory_space<vmem>>)
      %ge3A_402 = arith.constant 1 : i32
      %ge3A_403 = arith.cmpi sge, %add3A_314, %ge3A_402 : i32
      %convert_element_type3A_404 = arith.extui %ge3A_403 : i1 to i32
      %cond3A_405 = arith.constant 0 : i32
      %cond3A_406 = arith.cmpi ne, %convert_element_type3A_404, %cond3A_405 : i32
      scf.if %cond3A_406 {
        %dma_wait3A_530 = arith.constant 0 : i32
        %dma_wait3A_531 = arith.constant 0 : i32
        %dma_wait3A_532 = tpu.memref_slice %arg4[%dma_wait3A_530, %dma_wait3A_531] : memref<1024x100000xf32, #tpu.memory_space<hbm>> -> memref<8x2560xf32, #tpu.memory_space<hbm>>
        %dma_wait3A_533 = arith.constant 0 : i32
        %dma_wait3A_534 = arith.constant 0 : i32
        %dma_wait3A_535 = tpu.memref_slice %arg4[%dma_wait3A_533, %dma_wait3A_534] : memref<1024x100000xf32, #tpu.memory_space<hbm>> -> memref<8x2560xf32, #tpu.memory_space<hbm>>
        tpu.wait_dma2 semaphore(%arg14 : memref<!tpu.dma_semaphore, #tpu.memory_space<semaphore_mem>>) src(%arg6 : memref<8x2560xf32, #tpu.memory_space<vmem>>) dst(%dma_wait3A_535 : memref<8x2560xf32, #tpu.memory_space<hbm>>)
      } else {
      }
      %add3A_407 = arith.constant 8 : i32
      %add3A_408 = arith.addi %multiple_of3A, %add3A_407 : i32
      %multiple_of3A_409 = tpu.assume_multiple %add3A_408, 8 : i32
      %mul3A_410 = arith.constant 2560 : i32
      %mul3A_411 = arith.muli %add3A_314, %mul3A_410 : i32
      %multiple_of3A_412 = tpu.assume_multiple %mul3A_411, 128 : i32
      %dma_start3A_413 = tpu.memref_slice %arg2[%multiple_of3A_409, %multiple_of3A_412] : memref<1024x100000xf32, #tpu.memory_space<hbm>> -> memref<8x2560xf32, #tpu.memory_space<hbm>>
      %dma_start3A_414 = tpu.memref_slice %arg2[%multiple_of3A_409, %multiple_of3A_412] : memref<1024x100000xf32, #tpu.memory_space<hbm>> -> memref<8x2560xf32, #tpu.memory_space<hbm>>
      tpu.enqueue_dma source(%dma_start3A_414 : memref<8x2560xf32, #tpu.memory_space<hbm>>) target(%arg6 : memref<8x2560xf32, #tpu.memory_space<vmem>>) target_semaphore(%arg10 : memref<!tpu.dma_semaphore, #tpu.memory_space<semaphore_mem>>)
      %dma_wait3A_415 = arith.constant 0 : i32
      %dma_wait3A_416 = arith.constant 0 : i32
      %dma_wait3A_417 = tpu.memref_slice %arg2[%dma_wait3A_415, %dma_wait3A_416] : memref<1024x100000xf32, #tpu.memory_space<hbm>> -> memref<8x2560xf32, #tpu.memory_space<hbm>>
      %dma_wait3A_418 = arith.constant 0 : i32
      %dma_wait3A_419 = arith.constant 0 : i32
      %dma_wait3A_420 = tpu.memref_slice %arg2[%dma_wait3A_418, %dma_wait3A_419] : memref<1024x100000xf32, #tpu.memory_space<hbm>> -> memref<8x2560xf32, #tpu.memory_space<hbm>>
      tpu.wait_dma2 semaphore(%arg9 : memref<!tpu.dma_semaphore, #tpu.memory_space<semaphore_mem>>) src(%dma_wait3A_420 : memref<8x2560xf32, #tpu.memory_space<hbm>>) dst(%arg5 : memref<8x2560xf32, #tpu.memory_space<vmem>>)
      %scan3A_421 = arith.constant 0 : i32
      %scan3A_422 = arith.constant 0 : i32
      %scan3A_423 = arith.constant 160 : i32
      %scan3A_424 = arith.addi %scan3A_422, %scan3A_423 : i32
      %scan3A_425 = arith.constant 2 : i32
      scf.for %scan3A_530 = %scan3A_422 to %scan3A_424 step %scan3A_425  : i32 {
        %mul3A_531 = arith.constant 16 : i32
        %mul3A_532 = arith.muli %scan3A_530, %mul3A_531 : i32
        %get3A = arith.constant 0 : i32
        %get3A_533 = arith.index_cast %get3A : i32 to index
        %get3A_534 = arith.index_cast %mul3A_532 : i32 to index
        %get3A_535 = tpu.vector_load %arg8[%get3A_533, %get3A_534] {strides = array<i32>} : memref<8x2560xi32, #tpu.memory_space<vmem>>, vector<1x16xi32>,
        %get3A_536 = vector.shape_cast %get3A_535 : vector<1x16xi32> to vector<16xi32>
        %shift_left3A = arith.constant 31 : i32
        %shift_left3A_537 = vector.broadcast %shift_left3A : i32 to vector<16xi32>
        %shift_left3A_538 = arith.shli %get3A_536, %shift_left3A_537 : vector<16xi32>
        %lt3A_539 = arith.constant 0 : i32
        %lt3A_540 = vector.broadcast %lt3A_539 : i32 to vector<16xi32>
        %lt3A_541 = arith.cmpi slt, %shift_left3A_538, %lt3A_540 : vector<16xi32>
        %get3A_542 = arith.constant 0 : i32
        %get3A_543 = arith.index_cast %get3A_542 : i32 to index
        %get3A_544 = arith.index_cast %mul3A_532 : i32 to index
        %get3A_545 = tpu.vector_load %arg5[%get3A_543, %get3A_544] {strides = array<i32>} : memref<8x2560xf32, #tpu.memory_space<vmem>>, vector<1x16xf32>,
        %get3A_546 = vector.shape_cast %get3A_545 : vector<1x16xf32> to vector<16xf32>
        %jit3A = arith.constant 0.000000e+00 : f32
        %broadcast_in_dim3A = vector.broadcast %jit3A : f32 to vector<16xf32>
        %select_n3A = arith.select %lt3A_541, %get3A_546, %broadcast_in_dim3A : vector<16xi1>, vector<16xf32>
        %swap3A = arith.constant 0 : i32
        %swap3A_547 = arith.index_cast %swap3A : i32 to index
        %swap3A_548 = arith.index_cast %mul3A_532 : i32 to index
        %swap3A_549 = tpu.vector_load %arg5[%swap3A_547, %swap3A_548] {strides = array<i32>} : memref<8x2560xf32, #tpu.memory_space<vmem>>, vector<1x16xf32>,
        %swap3A_550 = vector.shape_cast %swap3A_549 : vector<1x16xf32> to vector<16xf32>
        %swap3A_551 = vector.shape_cast %select_n3A : vector<16xf32> to vector<1x16xf32>
        tpu.vector_store %arg5[%swap3A_547, %swap3A_548], %swap3A_551 {strides = array<i32>} : memref<8x2560xf32, #tpu.memory_space<vmem>>, vector<1x16xf32>,
        %shift_left3A_552 = arith.constant 23 : i32
        %shift_left3A_553 = vector.broadcast %shift_left3A_552 : i32 to vector<16xi32>
        %shift_left3A_554 = arith.shli %get3A_536, %shift_left3A_553 : vector<16xi32>
        %lt3A_555 = arith.constant 0 : i32
        %lt3A_556 = vector.broadcast %lt3A_555 : i32 to vector<16xi32>
        %lt3A_557 = arith.cmpi slt, %shift_left3A_554, %lt3A_556 : vector<16xi32>
        %get3A_558 = arith.constant 1 : i32
        %get3A_559 = arith.index_cast %get3A_558 : i32 to index
        %get3A_560 = arith.index_cast %mul3A_532 : i32 to index
        %get3A_561 = tpu.vector_load %arg5[%get3A_559, %get3A_560] {strides = array<i32>} : memref<8x2560xf32, #tpu.memory_space<vmem>>, vector<1x16xf32>,
        %get3A_562 = vector.shape_cast %get3A_561 : vector<1x16xf32> to vector<16xf32>
        %jit3A_563 = arith.constant 0.000000e+00 : f32
        %broadcast_in_dim3A_564 = vector.broadcast %jit3A_563 : f32 to vector<16xf32>
        %select_n3A_565 = arith.select %lt3A_557, %get3A_562, %broadcast_in_dim3A_564 : vector<16xi1>, vector<16xf32>
        %swap3A_566 = arith.constant 1 : i32
        %swap3A_567 = arith.index_cast %swap3A_566 : i32 to index
        %swap3A_568 = arith.index_cast %mul3A_532 : i32 to index
        %swap3A_569 = tpu.vector_load %arg5[%swap3A_567, %swap3A_568] {strides = array<i32>} : memref<8x2560xf32, #tpu.memory_space<vmem>>, vector<1x16xf32>,
        %swap3A_570 = vector.shape_cast %swap3A_569 : vector<1x16xf32> to vector<16xf32>
        %swap3A_571 = vector.shape_cast %select_n3A_565 : vector<16xf32> to vector<1x16xf32>
        tpu.vector_store %arg5[%swap3A_567, %swap3A_568], %swap3A_571 {strides = array<i32>} : memref<8x2560xf32, #tpu.memory_space<vmem>>, vector<1x16xf32>,
        %shift_left3A_572 = arith.constant 15 : i32
        %shift_left3A_573 = vector.broadcast %shift_left3A_572 : i32 to vector<16xi32>
        %shift_left3A_574 = arith.shli %get3A_536, %shift_left3A_573 : vector<16xi32>
        %lt3A_575 = arith.constant 0 : i32
        %lt3A_576 = vector.broadcast %lt3A_575 : i32 to vector<16xi32>
        %lt3A_577 = arith.cmpi slt, %shift_left3A_574, %lt3A_576 : vector<16xi32>
        %get3A_578 = arith.constant 2 : i32
        %get3A_579 = arith.index_cast %get3A_578 : i32 to index
        %get3A_580 = arith.index_cast %mul3A_532 : i32 to index
        %get3A_581 = tpu.vector_load %arg5[%get3A_579, %get3A_580] {strides = array<i32>} : memref<8x2560xf32, #tpu.memory_space<vmem>>, vector<1x16xf32>,
        %get3A_582 = vector.shape_cast %get3A_581 : vector<1x16xf32> to vector<16xf32>
        %jit3A_583 = arith.constant 0.000000e+00 : f32
        %broadcast_in_dim3A_584 = vector.broadcast %jit3A_583 : f32 to vector<16xf32>
        %select_n3A_585 = arith.select %lt3A_577, %get3A_582, %broadcast_in_dim3A_584 : vector<16xi1>, vector<16xf32>
        %swap3A_586 = arith.constant 2 : i32
        %swap3A_587 = arith.index_cast %swap3A_586 : i32 to index
        %swap3A_588 = arith.index_cast %mul3A_532 : i32 to index
        %swap3A_589 = tpu.vector_load %arg5[%swap3A_587, %swap3A_588] {strides = array<i32>} : memref<8x2560xf32, #tpu.memory_space<vmem>>, vector<1x16xf32>,
        %swap3A_590 = vector.shape_cast %swap3A_589 : vector<1x16xf32> to vector<16xf32>
        %swap3A_591 = vector.shape_cast %select_n3A_585 : vector<16xf32> to vector<1x16xf32>
        tpu.vector_store %arg5[%swap3A_587, %swap3A_588], %swap3A_591 {strides = array<i32>} : memref<8x2560xf32, #tpu.memory_space<vmem>>, vector<1x16xf32>,
        %shift_left3A_592 = arith.constant 7 : i32
        %shift_left3A_593 = vector.broadcast %shift_left3A_592 : i32 to vector<16xi32>
        %shift_left3A_594 = arith.shli %get3A_536, %shift_left3A_593 : vector<16xi32>
        %lt3A_595 = arith.constant 0 : i32
        %lt3A_596 = vector.broadcast %lt3A_595 : i32 to vector<16xi32>
        %lt3A_597 = arith.cmpi slt, %shift_left3A_594, %lt3A_596 : vector<16xi32>
        %get3A_598 = arith.constant 3 : i32
        %get3A_599 = arith.index_cast %get3A_598 : i32 to index
        %get3A_600 = arith.index_cast %mul3A_532 : i32 to index
        %get3A_601 = tpu.vector_load %arg5[%get3A_599, %get3A_600] {strides = array<i32>} : memref<8x2560xf32, #tpu.memory_space<vmem>>, vector<1x16xf32>,
        %get3A_602 = vector.shape_cast %get3A_601 : vector<1x16xf32> to vector<16xf32>
        %jit3A_603 = arith.constant 0.000000e+00 : f32
        %broadcast_in_dim3A_604 = vector.broadcast %jit3A_603 : f32 to vector<16xf32>
        %select_n3A_605 = arith.select %lt3A_597, %get3A_602, %broadcast_in_dim3A_604 : vector<16xi1>, vector<16xf32>
        %swap3A_606 = arith.constant 3 : i32
        %swap3A_607 = arith.index_cast %swap3A_606 : i32 to index
        %swap3A_608 = arith.index_cast %mul3A_532 : i32 to index
        %swap3A_609 = tpu.vector_load %arg5[%swap3A_607, %swap3A_608] {strides = array<i32>} : memref<8x2560xf32, #tpu.memory_space<vmem>>, vector<1x16xf32>,
        %swap3A_610 = vector.shape_cast %swap3A_609 : vector<1x16xf32> to vector<16xf32>
        %swap3A_611 = vector.shape_cast %select_n3A_605 : vector<16xf32> to vector<1x16xf32>
        tpu.vector_store %arg5[%swap3A_607, %swap3A_608], %swap3A_611 {strides = array<i32>} : memref<8x2560xf32, #tpu.memory_space<vmem>>, vector<1x16xf32>,
        %get3A_612 = arith.constant 1 : i32
        %get3A_613 = arith.index_cast %get3A_612 : i32 to index
        %get3A_614 = arith.index_cast %mul3A_532 : i32 to index
        %get3A_615 = tpu.vector_load %arg8[%get3A_613, %get3A_614] {strides = array<i32>} : memref<8x2560xi32, #tpu.memory_space<vmem>>, vector<1x16xi32>,
        %get3A_616 = vector.shape_cast %get3A_615 : vector<1x16xi32> to vector<16xi32>
        %shift_left3A_617 = arith.constant 31 : i32
        %shift_left3A_618 = vector.broadcast %shift_left3A_617 : i32 to vector<16xi32>
        %shift_left3A_619 = arith.shli %get3A_616, %shift_left3A_618 : vector<16xi32>
        %lt3A_620 = arith.constant 0 : i32
        %lt3A_621 = vector.broadcast %lt3A_620 : i32 to vector<16xi32>
        %lt3A_622 = arith.cmpi slt, %shift_left3A_619, %lt3A_621 : vector<16xi32>
        %get3A_623 = arith.constant 4 : i32
        %get3A_624 = arith.index_cast %get3A_623 : i32 to index
        %get3A_625 = arith.index_cast %mul3A_532 : i32 to index
        %get3A_626 = tpu.vector_load %arg5[%get3A_624, %get3A_625] {strides = array<i32>} : memref<8x2560xf32, #tpu.memory_space<vmem>>, vector<1x16xf32>,
        %get3A_627 = vector.shape_cast %get3A_626 : vector<1x16xf32> to vector<16xf32>
        %jit3A_628 = arith.constant 0.000000e+00 : f32
        %broadcast_in_dim3A_629 = vector.broadcast %jit3A_628 : f32 to vector<16xf32>
        %select_n3A_630 = arith.select %lt3A_622, %get3A_627, %broadcast_in_dim3A_629 : vector<16xi1>, vector<16xf32>
        %swap3A_631 = arith.constant 4 : i32
        %swap3A_632 = arith.index_cast %swap3A_631 : i32 to index
        %swap3A_633 = arith.index_cast %mul3A_532 : i32 to index
        %swap3A_634 = tpu.vector_load %arg5[%swap3A_632, %swap3A_633] {strides = array<i32>} : memref<8x2560xf32, #tpu.memory_space<vmem>>, vector<1x16xf32>,
        %swap3A_635 = vector.shape_cast %swap3A_634 : vector<1x16xf32> to vector<16xf32>
        %swap3A_636 = vector.shape_cast %select_n3A_630 : vector<16xf32> to vector<1x16xf32>
        tpu.vector_store %arg5[%swap3A_632, %swap3A_633], %swap3A_636 {strides = array<i32>} : memref<8x2560xf32, #tpu.memory_space<vmem>>, vector<1x16xf32>,
        %shift_left3A_637 = arith.constant 23 : i32
        %shift_left3A_638 = vector.broadcast %shift_left3A_637 : i32 to vector<16xi32>
        %shift_left3A_639 = arith.shli %get3A_616, %shift_left3A_638 : vector<16xi32>
        %lt3A_640 = arith.constant 0 : i32
        %lt3A_641 = vector.broadcast %lt3A_640 : i32 to vector<16xi32>
        %lt3A_642 = arith.cmpi slt, %shift_left3A_639, %lt3A_641 : vector<16xi32>
        %get3A_643 = arith.constant 5 : i32
        %get3A_644 = arith.index_cast %get3A_643 : i32 to index
        %get3A_645 = arith.index_cast %mul3A_532 : i32 to index
        %get3A_646 = tpu.vector_load %arg5[%get3A_644, %get3A_645] {strides = array<i32>} : memref<8x2560xf32, #tpu.memory_space<vmem>>, vector<1x16xf32>,
        %get3A_647 = vector.shape_cast %get3A_646 : vector<1x16xf32> to vector<16xf32>
        %jit3A_648 = arith.constant 0.000000e+00 : f32
        %broadcast_in_dim3A_649 = vector.broadcast %jit3A_648 : f32 to vector<16xf32>
        %select_n3A_650 = arith.select %lt3A_642, %get3A_647, %broadcast_in_dim3A_649 : vector<16xi1>, vector<16xf32>
        %swap3A_651 = arith.constant 5 : i32
        %swap3A_652 = arith.index_cast %swap3A_651 : i32 to index
        %swap3A_653 = arith.index_cast %mul3A_532 : i32 to index
        %swap3A_654 = tpu.vector_load %arg5[%swap3A_652, %swap3A_653] {strides = array<i32>} : memref<8x2560xf32, #tpu.memory_space<vmem>>, vector<1x16xf32>,
        %swap3A_655 = vector.shape_cast %swap3A_654 : vector<1x16xf32> to vector<16xf32>
        %swap3A_656 = vector.shape_cast %select_n3A_650 : vector<16xf32> to vector<1x16xf32>
        tpu.vector_store %arg5[%swap3A_652, %swap3A_653], %swap3A_656 {strides = array<i32>} : memref<8x2560xf32, #tpu.memory_space<vmem>>, vector<1x16xf32>,
        %shift_left3A_657 = arith.constant 15 : i32
        %shift_left3A_658 = vector.broadcast %shift_left3A_657 : i32 to vector<16xi32>
        %shift_left3A_659 = arith.shli %get3A_616, %shift_left3A_658 : vector<16xi32>
        %lt3A_660 = arith.constant 0 : i32
        %lt3A_661 = vector.broadcast %lt3A_660 : i32 to vector<16xi32>
        %lt3A_662 = arith.cmpi slt, %shift_left3A_659, %lt3A_661 : vector<16xi32>
        %get3A_663 = arith.constant 6 : i32
        %get3A_664 = arith.index_cast %get3A_663 : i32 to index
        %get3A_665 = arith.index_cast %mul3A_532 : i32 to index
        %get3A_666 = tpu.vector_load %arg5[%get3A_664, %get3A_665] {strides = array<i32>} : memref<8x2560xf32, #tpu.memory_space<vmem>>, vector<1x16xf32>,
        %get3A_667 = vector.shape_cast %get3A_666 : vector<1x16xf32> to vector<16xf32>
        %jit3A_668 = arith.constant 0.000000e+00 : f32
        %broadcast_in_dim3A_669 = vector.broadcast %jit3A_668 : f32 to vector<16xf32>
        %select_n3A_670 = arith.select %lt3A_662, %get3A_667, %broadcast_in_dim3A_669 : vector<16xi1>, vector<16xf32>
        %swap3A_671 = arith.constant 6 : i32
        %swap3A_672 = arith.index_cast %swap3A_671 : i32 to index
        %swap3A_673 = arith.index_cast %mul3A_532 : i32 to index
        %swap3A_674 = tpu.vector_load %arg5[%swap3A_672, %swap3A_673] {strides = array<i32>} : memref<8x2560xf32, #tpu.memory_space<vmem>>, vector<1x16xf32>,
        %swap3A_675 = vector.shape_cast %swap3A_674 : vector<1x16xf32> to vector<16xf32>
        %swap3A_676 = vector.shape_cast %select_n3A_670 : vector<16xf32> to vector<1x16xf32>
        tpu.vector_store %arg5[%swap3A_672, %swap3A_673], %swap3A_676 {strides = array<i32>} : memref<8x2560xf32, #tpu.memory_space<vmem>>, vector<1x16xf32>,
        %shift_left3A_677 = arith.constant 7 : i32
        %shift_left3A_678 = vector.broadcast %shift_left3A_677 : i32 to vector<16xi32>
        %shift_left3A_679 = arith.shli %get3A_616, %shift_left3A_678 : vector<16xi32>
        %lt3A_680 = arith.constant 0 : i32
        %lt3A_681 = vector.broadcast %lt3A_680 : i32 to vector<16xi32>
        %lt3A_682 = arith.cmpi slt, %shift_left3A_679, %lt3A_681 : vector<16xi32>
        %get3A_683 = arith.constant 7 : i32
        %get3A_684 = arith.index_cast %get3A_683 : i32 to index
        %get3A_685 = arith.index_cast %mul3A_532 : i32 to index
        %get3A_686 = tpu.vector_load %arg5[%get3A_684, %get3A_685] {strides = array<i32>} : memref<8x2560xf32, #tpu.memory_space<vmem>>, vector<1x16xf32>,
        %get3A_687 = vector.shape_cast %get3A_686 : vector<1x16xf32> to vector<16xf32>
        %jit3A_688 = arith.constant 0.000000e+00 : f32
        %broadcast_in_dim3A_689 = vector.broadcast %jit3A_688 : f32 to vector<16xf32>
        %select_n3A_690 = arith.select %lt3A_682, %get3A_687, %broadcast_in_dim3A_689 : vector<16xi1>, vector<16xf32>
        %swap3A_691 = arith.constant 7 : i32
        %swap3A_692 = arith.index_cast %swap3A_691 : i32 to index
        %swap3A_693 = arith.index_cast %mul3A_532 : i32 to index
        %swap3A_694 = tpu.vector_load %arg5[%swap3A_692, %swap3A_693] {strides = array<i32>} : memref<8x2560xf32, #tpu.memory_space<vmem>>, vector<1x16xf32>,
        %swap3A_695 = vector.shape_cast %swap3A_694 : vector<1x16xf32> to vector<16xf32>
        %swap3A_696 = vector.shape_cast %select_n3A_690 : vector<16xf32> to vector<1x16xf32>
        tpu.vector_store %arg5[%swap3A_692, %swap3A_693], %swap3A_696 {strides = array<i32>} : memref<8x2560xf32, #tpu.memory_space<vmem>>, vector<1x16xf32>,
        %scan3A_697 = arith.constant 1 : i32
        %scan3A_698 = arith.addi %scan3A_530, %scan3A_697 : i32
        %mul3A_699 = arith.constant 16 : i32
        %mul3A_700 = arith.muli %scan3A_698, %mul3A_699 : i32
        %get3A_701 = arith.constant 0 : i32
        %get3A_702 = arith.index_cast %get3A_701 : i32 to index
        %get3A_703 = arith.index_cast %mul3A_700 : i32 to index
        %get3A_704 = tpu.vector_load %arg8[%get3A_702, %get3A_703] {strides = array<i32>} : memref<8x2560xi32, #tpu.memory_space<vmem>>, vector<1x16xi32>,
        %get3A_705 = vector.shape_cast %get3A_704 : vector<1x16xi32> to vector<16xi32>
        %shift_left3A_706 = arith.constant 31 : i32
        %shift_left3A_707 = vector.broadcast %shift_left3A_706 : i32 to vector<16xi32>
        %shift_left3A_708 = arith.shli %get3A_705, %shift_left3A_707 : vector<16xi32>
        %lt3A_709 = arith.constant 0 : i32
        %lt3A_710 = vector.broadcast %lt3A_709 : i32 to vector<16xi32>
        %lt3A_711 = arith.cmpi slt, %shift_left3A_708, %lt3A_710 : vector<16xi32>
        %get3A_712 = arith.constant 0 : i32
        %get3A_713 = arith.index_cast %get3A_712 : i32 to index
        %get3A_714 = arith.index_cast %mul3A_700 : i32 to index
        %get3A_715 = tpu.vector_load %arg5[%get3A_713, %get3A_714] {strides = array<i32>} : memref<8x2560xf32, #tpu.memory_space<vmem>>, vector<1x16xf32>,
        %get3A_716 = vector.shape_cast %get3A_715 : vector<1x16xf32> to vector<16xf32>
        %jit3A_717 = arith.constant 0.000000e+00 : f32
        %broadcast_in_dim3A_718 = vector.broadcast %jit3A_717 : f32 to vector<16xf32>
        %select_n3A_719 = arith.select %lt3A_711, %get3A_716, %broadcast_in_dim3A_718 : vector<16xi1>, vector<16xf32>
        %swap3A_720 = arith.constant 0 : i32
        %swap3A_721 = arith.index_cast %swap3A_720 : i32 to index
        %swap3A_722 = arith.index_cast %mul3A_700 : i32 to index
        %swap3A_723 = tpu.vector_load %arg5[%swap3A_721, %swap3A_722] {strides = array<i32>} : memref<8x2560xf32, #tpu.memory_space<vmem>>, vector<1x16xf32>,
        %swap3A_724 = vector.shape_cast %swap3A_723 : vector<1x16xf32> to vector<16xf32>
        %swap3A_725 = vector.shape_cast %select_n3A_719 : vector<16xf32> to vector<1x16xf32>
        tpu.vector_store %arg5[%swap3A_721, %swap3A_722], %swap3A_725 {strides = array<i32>} : memref<8x2560xf32, #tpu.memory_space<vmem>>, vector<1x16xf32>,
        %shift_left3A_726 = arith.constant 23 : i32
        %shift_left3A_727 = vector.broadcast %shift_left3A_726 : i32 to vector<16xi32>
        %shift_left3A_728 = arith.shli %get3A_705, %shift_left3A_727 : vector<16xi32>
        %lt3A_729 = arith.constant 0 : i32
        %lt3A_730 = vector.broadcast %lt3A_729 : i32 to vector<16xi32>
        %lt3A_731 = arith.cmpi slt, %shift_left3A_728, %lt3A_730 : vector<16xi32>
        %get3A_732 = arith.constant 1 : i32
        %get3A_733 = arith.index_cast %get3A_732 : i32 to index
        %get3A_734 = arith.index_cast %mul3A_700 : i32 to index
        %get3A_735 = tpu.vector_load %arg5[%get3A_733, %get3A_734] {strides = array<i32>} : memref<8x2560xf32, #tpu.memory_space<vmem>>, vector<1x16xf32>,
        %get3A_736 = vector.shape_cast %get3A_735 : vector<1x16xf32> to vector<16xf32>
        %jit3A_737 = arith.constant 0.000000e+00 : f32
        %broadcast_in_dim3A_738 = vector.broadcast %jit3A_737 : f32 to vector<16xf32>
        %select_n3A_739 = arith.select %lt3A_731, %get3A_736, %broadcast_in_dim3A_738 : vector<16xi1>, vector<16xf32>
        %swap3A_740 = arith.constant 1 : i32
        %swap3A_741 = arith.index_cast %swap3A_740 : i32 to index
        %swap3A_742 = arith.index_cast %mul3A_700 : i32 to index
        %swap3A_743 = tpu.vector_load %arg5[%swap3A_741, %swap3A_742] {strides = array<i32>} : memref<8x2560xf32, #tpu.memory_space<vmem>>, vector<1x16xf32>,
        %swap3A_744 = vector.shape_cast %swap3A_743 : vector<1x16xf32> to vector<16xf32>
        %swap3A_745 = vector.shape_cast %select_n3A_739 : vector<16xf32> to vector<1x16xf32>
        tpu.vector_store %arg5[%swap3A_741, %swap3A_742], %swap3A_745 {strides = array<i32>} : memref<8x2560xf32, #tpu.memory_space<vmem>>, vector<1x16xf32>,
        %shift_left3A_746 = arith.constant 15 : i32
        %shift_left3A_747 = vector.broadcast %shift_left3A_746 : i32 to vector<16xi32>
        %shift_left3A_748 = arith.shli %get3A_705, %shift_left3A_747 : vector<16xi32>
        %lt3A_749 = arith.constant 0 : i32
        %lt3A_750 = vector.broadcast %lt3A_749 : i32 to vector<16xi32>
        %lt3A_751 = arith.cmpi slt, %shift_left3A_748, %lt3A_750 : vector<16xi32>
        %get3A_752 = arith.constant 2 : i32
        %get3A_753 = arith.index_cast %get3A_752 : i32 to index
        %get3A_754 = arith.index_cast %mul3A_700 : i32 to index
        %get3A_755 = tpu.vector_load %arg5[%get3A_753, %get3A_754] {strides = array<i32>} : memref<8x2560xf32, #tpu.memory_space<vmem>>, vector<1x16xf32>,
        %get3A_756 = vector.shape_cast %get3A_755 : vector<1x16xf32> to vector<16xf32>
        %jit3A_757 = arith.constant 0.000000e+00 : f32
        %broadcast_in_dim3A_758 = vector.broadcast %jit3A_757 : f32 to vector<16xf32>
        %select_n3A_759 = arith.select %lt3A_751, %get3A_756, %broadcast_in_dim3A_758 : vector<16xi1>, vector<16xf32>
        %swap3A_760 = arith.constant 2 : i32
        %swap3A_761 = arith.index_cast %swap3A_760 : i32 to index
        %swap3A_762 = arith.index_cast %mul3A_700 : i32 to index
        %swap3A_763 = tpu.vector_load %arg5[%swap3A_761, %swap3A_762] {strides = array<i32>} : memref<8x2560xf32, #tpu.memory_space<vmem>>, vector<1x16xf32>,
        %swap3A_764 = vector.shape_cast %swap3A_763 : vector<1x16xf32> to vector<16xf32>
        %swap3A_765 = vector.shape_cast %select_n3A_759 : vector<16xf32> to vector<1x16xf32>
        tpu.vector_store %arg5[%swap3A_761, %swap3A_762], %swap3A_765 {strides = array<i32>} : memref<8x2560xf32, #tpu.memory_space<vmem>>, vector<1x16xf32>,
        %shift_left3A_766 = arith.constant 7 : i32
        %shift_left3A_767 = vector.broadcast %shift_left3A_766 : i32 to vector<16xi32>
        %shift_left3A_768 = arith.shli %get3A_705, %shift_left3A_767 : vector<16xi32>
        %lt3A_769 = arith.constant 0 : i32
        %lt3A_770 = vector.broadcast %lt3A_769 : i32 to vector<16xi32>
        %lt3A_771 = arith.cmpi slt, %shift_left3A_768, %lt3A_770 : vector<16xi32>
        %get3A_772 = arith.constant 3 : i32
        %get3A_773 = arith.index_cast %get3A_772 : i32 to index
        %get3A_774 = arith.index_cast %mul3A_700 : i32 to index
        %get3A_775 = tpu.vector_load %arg5[%get3A_773, %get3A_774] {strides = array<i32>} : memref<8x2560xf32, #tpu.memory_space<vmem>>, vector<1x16xf32>,
        %get3A_776 = vector.shape_cast %get3A_775 : vector<1x16xf32> to vector<16xf32>
        %jit3A_777 = arith.constant 0.000000e+00 : f32
        %broadcast_in_dim3A_778 = vector.broadcast %jit3A_777 : f32 to vector<16xf32>
        %select_n3A_779 = arith.select %lt3A_771, %get3A_776, %broadcast_in_dim3A_778 : vector<16xi1>, vector<16xf32>
        %swap3A_780 = arith.constant 3 : i32
        %swap3A_781 = arith.index_cast %swap3A_780 : i32 to index
        %swap3A_782 = arith.index_cast %mul3A_700 : i32 to index
        %swap3A_783 = tpu.vector_load %arg5[%swap3A_781, %swap3A_782] {strides = array<i32>} : memref<8x2560xf32, #tpu.memory_space<vmem>>, vector<1x16xf32>,
        %swap3A_784 = vector.shape_cast %swap3A_783 : vector<1x16xf32> to vector<16xf32>
        %swap3A_785 = vector.shape_cast %select_n3A_779 : vector<16xf32> to vector<1x16xf32>
        tpu.vector_store %arg5[%swap3A_781, %swap3A_782], %swap3A_785 {strides = array<i32>} : memref<8x2560xf32, #tpu.memory_space<vmem>>, vector<1x16xf32>,
        %get3A_786 = arith.constant 1 : i32
        %get3A_787 = arith.index_cast %get3A_786 : i32 to index
        %get3A_788 = arith.index_cast %mul3A_700 : i32 to index
        %get3A_789 = tpu.vector_load %arg8[%get3A_787, %get3A_788] {strides = array<i32>} : memref<8x2560xi32, #tpu.memory_space<vmem>>, vector<1x16xi32>,
        %get3A_790 = vector.shape_cast %get3A_789 : vector<1x16xi32> to vector<16xi32>
        %shift_left3A_791 = arith.constant 31 : i32
        %shift_left3A_792 = vector.broadcast %shift_left3A_791 : i32 to vector<16xi32>
        %shift_left3A_793 = arith.shli %get3A_790, %shift_left3A_792 : vector<16xi32>
        %lt3A_794 = arith.constant 0 : i32
        %lt3A_795 = vector.broadcast %lt3A_794 : i32 to vector<16xi32>
        %lt3A_796 = arith.cmpi slt, %shift_left3A_793, %lt3A_795 : vector<16xi32>
        %get3A_797 = arith.constant 4 : i32
        %get3A_798 = arith.index_cast %get3A_797 : i32 to index
        %get3A_799 = arith.index_cast %mul3A_700 : i32 to index
        %get3A_800 = tpu.vector_load %arg5[%get3A_798, %get3A_799] {strides = array<i32>} : memref<8x2560xf32, #tpu.memory_space<vmem>>, vector<1x16xf32>,
        %get3A_801 = vector.shape_cast %get3A_800 : vector<1x16xf32> to vector<16xf32>
        %jit3A_802 = arith.constant 0.000000e+00 : f32
        %broadcast_in_dim3A_803 = vector.broadcast %jit3A_802 : f32 to vector<16xf32>
        %select_n3A_804 = arith.select %lt3A_796, %get3A_801, %broadcast_in_dim3A_803 : vector<16xi1>, vector<16xf32>
        %swap3A_805 = arith.constant 4 : i32
        %swap3A_806 = arith.index_cast %swap3A_805 : i32 to index
        %swap3A_807 = arith.index_cast %mul3A_700 : i32 to index
        %swap3A_808 = tpu.vector_load %arg5[%swap3A_806, %swap3A_807] {strides = array<i32>} : memref<8x2560xf32, #tpu.memory_space<vmem>>, vector<1x16xf32>,
        %swap3A_809 = vector.shape_cast %swap3A_808 : vector<1x16xf32> to vector<16xf32>
        %swap3A_810 = vector.shape_cast %select_n3A_804 : vector<16xf32> to vector<1x16xf32>
        tpu.vector_store %arg5[%swap3A_806, %swap3A_807], %swap3A_810 {strides = array<i32>} : memref<8x2560xf32, #tpu.memory_space<vmem>>, vector<1x16xf32>,
        %shift_left3A_811 = arith.constant 23 : i32
        %shift_left3A_812 = vector.broadcast %shift_left3A_811 : i32 to vector<16xi32>
        %shift_left3A_813 = arith.shli %get3A_790, %shift_left3A_812 : vector<16xi32>
        %lt3A_814 = arith.constant 0 : i32
        %lt3A_815 = vector.broadcast %lt3A_814 : i32 to vector<16xi32>
        %lt3A_816 = arith.cmpi slt, %shift_left3A_813, %lt3A_815 : vector<16xi32>
        %get3A_817 = arith.constant 5 : i32
        %get3A_818 = arith.index_cast %get3A_817 : i32 to index
        %get3A_819 = arith.index_cast %mul3A_700 : i32 to index
        %get3A_820 = tpu.vector_load %arg5[%get3A_818, %get3A_819] {strides = array<i32>} : memref<8x2560xf32, #tpu.memory_space<vmem>>, vector<1x16xf32>,
        %get3A_821 = vector.shape_cast %get3A_820 : vector<1x16xf32> to vector<16xf32>
        %jit3A_822 = arith.constant 0.000000e+00 : f32
        %broadcast_in_dim3A_823 = vector.broadcast %jit3A_822 : f32 to vector<16xf32>
        %select_n3A_824 = arith.select %lt3A_816, %get3A_821, %broadcast_in_dim3A_823 : vector<16xi1>, vector<16xf32>
        %swap3A_825 = arith.constant 5 : i32
        %swap3A_826 = arith.index_cast %swap3A_825 : i32 to index
        %swap3A_827 = arith.index_cast %mul3A_700 : i32 to index
        %swap3A_828 = tpu.vector_load %arg5[%swap3A_826, %swap3A_827] {strides = array<i32>} : memref<8x2560xf32, #tpu.memory_space<vmem>>, vector<1x16xf32>,
        %swap3A_829 = vector.shape_cast %swap3A_828 : vector<1x16xf32> to vector<16xf32>
        %swap3A_830 = vector.shape_cast %select_n3A_824 : vector<16xf32> to vector<1x16xf32>
        tpu.vector_store %arg5[%swap3A_826, %swap3A_827], %swap3A_830 {strides = array<i32>} : memref<8x2560xf32, #tpu.memory_space<vmem>>, vector<1x16xf32>,
        %shift_left3A_831 = arith.constant 15 : i32
        %shift_left3A_832 = vector.broadcast %shift_left3A_831 : i32 to vector<16xi32>
        %shift_left3A_833 = arith.shli %get3A_790, %shift_left3A_832 : vector<16xi32>
        %lt3A_834 = arith.constant 0 : i32
        %lt3A_835 = vector.broadcast %lt3A_834 : i32 to vector<16xi32>
        %lt3A_836 = arith.cmpi slt, %shift_left3A_833, %lt3A_835 : vector<16xi32>
        %get3A_837 = arith.constant 6 : i32
        %get3A_838 = arith.index_cast %get3A_837 : i32 to index
        %get3A_839 = arith.index_cast %mul3A_700 : i32 to index
        %get3A_840 = tpu.vector_load %arg5[%get3A_838, %get3A_839] {strides = array<i32>} : memref<8x2560xf32, #tpu.memory_space<vmem>>, vector<1x16xf32>,
        %get3A_841 = vector.shape_cast %get3A_840 : vector<1x16xf32> to vector<16xf32>
        %jit3A_842 = arith.constant 0.000000e+00 : f32
        %broadcast_in_dim3A_843 = vector.broadcast %jit3A_842 : f32 to vector<16xf32>
        %select_n3A_844 = arith.select %lt3A_836, %get3A_841, %broadcast_in_dim3A_843 : vector<16xi1>, vector<16xf32>
        %swap3A_845 = arith.constant 6 : i32
        %swap3A_846 = arith.index_cast %swap3A_845 : i32 to index
        %swap3A_847 = arith.index_cast %mul3A_700 : i32 to index
        %swap3A_848 = tpu.vector_load %arg5[%swap3A_846, %swap3A_847] {strides = array<i32>} : memref<8x2560xf32, #tpu.memory_space<vmem>>, vector<1x16xf32>,
        %swap3A_849 = vector.shape_cast %swap3A_848 : vector<1x16xf32> to vector<16xf32>
        %swap3A_850 = vector.shape_cast %select_n3A_844 : vector<16xf32> to vector<1x16xf32>
        tpu.vector_store %arg5[%swap3A_846, %swap3A_847], %swap3A_850 {strides = array<i32>} : memref<8x2560xf32, #tpu.memory_space<vmem>>, vector<1x16xf32>,
        %shift_left3A_851 = arith.constant 7 : i32
        %shift_left3A_852 = vector.broadcast %shift_left3A_851 : i32 to vector<16xi32>
        %shift_left3A_853 = arith.shli %get3A_790, %shift_left3A_852 : vector<16xi32>
        %lt3A_854 = arith.constant 0 : i32
        %lt3A_855 = vector.broadcast %lt3A_854 : i32 to vector<16xi32>
        %lt3A_856 = arith.cmpi slt, %shift_left3A_853, %lt3A_855 : vector<16xi32>
        %get3A_857 = arith.constant 7 : i32
        %get3A_858 = arith.index_cast %get3A_857 : i32 to index
        %get3A_859 = arith.index_cast %mul3A_700 : i32 to index
        %get3A_860 = tpu.vector_load %arg5[%get3A_858, %get3A_859] {strides = array<i32>} : memref<8x2560xf32, #tpu.memory_space<vmem>>, vector<1x16xf32>,
        %get3A_861 = vector.shape_cast %get3A_860 : vector<1x16xf32> to vector<16xf32>
        %jit3A_862 = arith.constant 0.000000e+00 : f32
        %broadcast_in_dim3A_863 = vector.broadcast %jit3A_862 : f32 to vector<16xf32>
        %select_n3A_864 = arith.select %lt3A_856, %get3A_861, %broadcast_in_dim3A_863 : vector<16xi1>, vector<16xf32>
        %swap3A_865 = arith.constant 7 : i32
        %swap3A_866 = arith.index_cast %swap3A_865 : i32 to index
        %swap3A_867 = arith.index_cast %mul3A_700 : i32 to index
        %swap3A_868 = tpu.vector_load %arg5[%swap3A_866, %swap3A_867] {strides = array<i32>} : memref<8x2560xf32, #tpu.memory_space<vmem>>, vector<1x16xf32>,
        %swap3A_869 = vector.shape_cast %swap3A_868 : vector<1x16xf32> to vector<16xf32>
        %swap3A_870 = vector.shape_cast %select_n3A_864 : vector<16xf32> to vector<1x16xf32>
        tpu.vector_store %arg5[%swap3A_866, %swap3A_867], %swap3A_870 {strides = array<i32>} : memref<8x2560xf32, #tpu.memory_space<vmem>>, vector<1x16xf32>,
      }
      %scan3A_426 = arith.constant 160 : i32
      %add3A_427 = arith.constant 0 : i32
      %add3A_428 = arith.addi %multiple_of3A, %add3A_427 : i32
      %multiple_of3A_429 = tpu.assume_multiple %add3A_428, 8 : i32
      %mul3A_430 = arith.constant 2560 : i32
      %mul3A_431 = arith.muli %add3A_314, %mul3A_430 : i32
      %multiple_of3A_432 = tpu.assume_multiple %mul3A_431, 128 : i32
      %dma_start3A_433 = tpu.memref_slice %arg4[%multiple_of3A_429, %multiple_of3A_432] : memref<1024x100000xf32, #tpu.memory_space<hbm>> -> memref<8x2560xf32, #tpu.memory_space<hbm>>
      %dma_start3A_434 = tpu.memref_slice %arg4[%multiple_of3A_429, %multiple_of3A_432] : memref<1024x100000xf32, #tpu.memory_space<hbm>> -> memref<8x2560xf32, #tpu.memory_space<hbm>>
      tpu.enqueue_dma source(%arg5 : memref<8x2560xf32, #tpu.memory_space<vmem>>) target(%dma_start3A_434 : memref<8x2560xf32, #tpu.memory_space<hbm>>) target_semaphore(%arg13 : memref<!tpu.dma_semaphore, #tpu.memory_space<semaphore_mem>>)
      %dma_wait3A_435 = arith.constant 0 : i32
      %dma_wait3A_436 = arith.constant 0 : i32
      %dma_wait3A_437 = tpu.memref_slice %arg4[%dma_wait3A_435, %dma_wait3A_436] : memref<1024x100000xf32, #tpu.memory_space<hbm>> -> memref<8x2560xf32, #tpu.memory_space<hbm>>
      %dma_wait3A_438 = arith.constant 0 : i32
      %dma_wait3A_439 = arith.constant 0 : i32
      %dma_wait3A_440 = tpu.memref_slice %arg4[%dma_wait3A_438, %dma_wait3A_439] : memref<1024x100000xf32, #tpu.memory_space<hbm>> -> memref<8x2560xf32, #tpu.memory_space<hbm>>
      tpu.wait_dma2 semaphore(%arg13 : memref<!tpu.dma_semaphore, #tpu.memory_space<semaphore_mem>>) src(%arg5 : memref<8x2560xf32, #tpu.memory_space<vmem>>) dst(%dma_wait3A_440 : memref<8x2560xf32, #tpu.memory_space<hbm>>)
      %add3A_441 = arith.constant 16 : i32
      %add3A_442 = arith.addi %multiple_of3A, %add3A_441 : i32
      %multiple_of3A_443 = tpu.assume_multiple %add3A_442, 8 : i32
      %mul3A_444 = arith.constant 2560 : i32
      %mul3A_445 = arith.muli %add3A_314, %mul3A_444 : i32
      %multiple_of3A_446 = tpu.assume_multiple %mul3A_445, 128 : i32
      %dma_start3A_447 = tpu.memref_slice %arg2[%multiple_of3A_443, %multiple_of3A_446] : memref<1024x100000xf32, #tpu.memory_space<hbm>> -> memref<8x2560xf32, #tpu.memory_space<hbm>>
      %dma_start3A_448 = tpu.memref_slice %arg2[%multiple_of3A_443, %multiple_of3A_446] : memref<1024x100000xf32, #tpu.memory_space<hbm>> -> memref<8x2560xf32, #tpu.memory_space<hbm>>
      tpu.enqueue_dma source(%dma_start3A_448 : memref<8x2560xf32, #tpu.memory_space<hbm>>) target(%arg5 : memref<8x2560xf32, #tpu.memory_space<vmem>>) target_semaphore(%arg9 : memref<!tpu.dma_semaphore, #tpu.memory_space<semaphore_mem>>)
      %dma_wait3A_449 = arith.constant 0 : i32
      %dma_wait3A_450 = arith.constant 0 : i32
      %dma_wait3A_451 = tpu.memref_slice %arg2[%dma_wait3A_449, %dma_wait3A_450] : memref<1024x100000xf32, #tpu.memory_space<hbm>> -> memref<8x2560xf32, #tpu.memory_space<hbm>>
      %dma_wait3A_452 = arith.constant 0 : i32
      %dma_wait3A_453 = arith.constant 0 : i32
      %dma_wait3A_454 = tpu.memref_slice %arg2[%dma_wait3A_452, %dma_wait3A_453] : memref<1024x100000xf32, #tpu.memory_space<hbm>> -> memref<8x2560xf32, #tpu.memory_space<hbm>>
      tpu.wait_dma2 semaphore(%arg10 : memref<!tpu.dma_semaphore, #tpu.memory_space<semaphore_mem>>) src(%dma_wait3A_454 : memref<8x2560xf32, #tpu.memory_space<hbm>>) dst(%arg6 : memref<8x2560xf32, #tpu.memory_space<vmem>>)
      %scan3A_455 = arith.constant 0 : i32
      %scan3A_456 = arith.constant 0 : i32
      %scan3A_457 = arith.constant 160 : i32
      %scan3A_458 = arith.addi %scan3A_456, %scan3A_457 : i32
      %scan3A_459 = arith.constant 2 : i32
      scf.for %scan3A_530 = %scan3A_456 to %scan3A_458 step %scan3A_459  : i32 {
        %mul3A_531 = arith.constant 16 : i32
        %mul3A_532 = arith.muli %scan3A_530, %mul3A_531 : i32
        %get3A = arith.constant 2 : i32
        %get3A_533 = arith.index_cast %get3A : i32 to index
        %get3A_534 = arith.index_cast %mul3A_532 : i32 to index
        %get3A_535 = tpu.vector_load %arg8[%get3A_533, %get3A_534] {strides = array<i32>} : memref<8x2560xi32, #tpu.memory_space<vmem>>, vector<1x16xi32>,
        %get3A_536 = vector.shape_cast %get3A_535 : vector<1x16xi32> to vector<16xi32>
        %shift_left3A = arith.constant 31 : i32
        %shift_left3A_537 = vector.broadcast %shift_left3A : i32 to vector<16xi32>
        %shift_left3A_538 = arith.shli %get3A_536, %shift_left3A_537 : vector<16xi32>
        %lt3A_539 = arith.constant 0 : i32
        %lt3A_540 = vector.broadcast %lt3A_539 : i32 to vector<16xi32>
        %lt3A_541 = arith.cmpi slt, %shift_left3A_538, %lt3A_540 : vector<16xi32>
        %get3A_542 = arith.constant 0 : i32
        %get3A_543 = arith.index_cast %get3A_542 : i32 to index
        %get3A_544 = arith.index_cast %mul3A_532 : i32 to index
        %get3A_545 = tpu.vector_load %arg6[%get3A_543, %get3A_544] {strides = array<i32>} : memref<8x2560xf32, #tpu.memory_space<vmem>>, vector<1x16xf32>,
        %get3A_546 = vector.shape_cast %get3A_545 : vector<1x16xf32> to vector<16xf32>
        %jit3A = arith.constant 0.000000e+00 : f32
        %broadcast_in_dim3A = vector.broadcast %jit3A : f32 to vector<16xf32>
        %select_n3A = arith.select %lt3A_541, %get3A_546, %broadcast_in_dim3A : vector<16xi1>, vector<16xf32>
        %swap3A = arith.constant 0 : i32
        %swap3A_547 = arith.index_cast %swap3A : i32 to index
        %swap3A_548 = arith.index_cast %mul3A_532 : i32 to index
        %swap3A_549 = tpu.vector_load %arg6[%swap3A_547, %swap3A_548] {strides = array<i32>} : memref<8x2560xf32, #tpu.memory_space<vmem>>, vector<1x16xf32>,
        %swap3A_550 = vector.shape_cast %swap3A_549 : vector<1x16xf32> to vector<16xf32>
        %swap3A_551 = vector.shape_cast %select_n3A : vector<16xf32> to vector<1x16xf32>
        tpu.vector_store %arg6[%swap3A_547, %swap3A_548], %swap3A_551 {strides = array<i32>} : memref<8x2560xf32, #tpu.memory_space<vmem>>, vector<1x16xf32>,
        %shift_left3A_552 = arith.constant 23 : i32
        %shift_left3A_553 = vector.broadcast %shift_left3A_552 : i32 to vector<16xi32>
        %shift_left3A_554 = arith.shli %get3A_536, %shift_left3A_553 : vector<16xi32>
        %lt3A_555 = arith.constant 0 : i32
        %lt3A_556 = vector.broadcast %lt3A_555 : i32 to vector<16xi32>
        %lt3A_557 = arith.cmpi slt, %shift_left3A_554, %lt3A_556 : vector<16xi32>
        %get3A_558 = arith.constant 1 : i32
        %get3A_559 = arith.index_cast %get3A_558 : i32 to index
        %get3A_560 = arith.index_cast %mul3A_532 : i32 to index
        %get3A_561 = tpu.vector_load %arg6[%get3A_559, %get3A_560] {strides = array<i32>} : memref<8x2560xf32, #tpu.memory_space<vmem>>, vector<1x16xf32>,
        %get3A_562 = vector.shape_cast %get3A_561 : vector<1x16xf32> to vector<16xf32>
        %jit3A_563 = arith.constant 0.000000e+00 : f32
        %broadcast_in_dim3A_564 = vector.broadcast %jit3A_563 : f32 to vector<16xf32>
        %select_n3A_565 = arith.select %lt3A_557, %get3A_562, %broadcast_in_dim3A_564 : vector<16xi1>, vector<16xf32>
        %swap3A_566 = arith.constant 1 : i32
        %swap3A_567 = arith.index_cast %swap3A_566 : i32 to index
        %swap3A_568 = arith.index_cast %mul3A_532 : i32 to index
        %swap3A_569 = tpu.vector_load %arg6[%swap3A_567, %swap3A_568] {strides = array<i32>} : memref<8x2560xf32, #tpu.memory_space<vmem>>, vector<1x16xf32>,
        %swap3A_570 = vector.shape_cast %swap3A_569 : vector<1x16xf32> to vector<16xf32>
        %swap3A_571 = vector.shape_cast %select_n3A_565 : vector<16xf32> to vector<1x16xf32>
        tpu.vector_store %arg6[%swap3A_567, %swap3A_568], %swap3A_571 {strides = array<i32>} : memref<8x2560xf32, #tpu.memory_space<vmem>>, vector<1x16xf32>,
        %shift_left3A_572 = arith.constant 15 : i32
        %shift_left3A_573 = vector.broadcast %shift_left3A_572 : i32 to vector<16xi32>
        %shift_left3A_574 = arith.shli %get3A_536, %shift_left3A_573 : vector<16xi32>
        %lt3A_575 = arith.constant 0 : i32
        %lt3A_576 = vector.broadcast %lt3A_575 : i32 to vector<16xi32>
        %lt3A_577 = arith.cmpi slt, %shift_left3A_574, %lt3A_576 : vector<16xi32>
        %get3A_578 = arith.constant 2 : i32
        %get3A_579 = arith.index_cast %get3A_578 : i32 to index
        %get3A_580 = arith.index_cast %mul3A_532 : i32 to index
        %get3A_581 = tpu.vector_load %arg6[%get3A_579, %get3A_580] {strides = array<i32>} : memref<8x2560xf32, #tpu.memory_space<vmem>>, vector<1x16xf32>,
        %get3A_582 = vector.shape_cast %get3A_581 : vector<1x16xf32> to vector<16xf32>
        %jit3A_583 = arith.constant 0.000000e+00 : f32
        %broadcast_in_dim3A_584 = vector.broadcast %jit3A_583 : f32 to vector<16xf32>
        %select_n3A_585 = arith.select %lt3A_577, %get3A_582, %broadcast_in_dim3A_584 : vector<16xi1>, vector<16xf32>
        %swap3A_586 = arith.constant 2 : i32
        %swap3A_587 = arith.index_cast %swap3A_586 : i32 to index
        %swap3A_588 = arith.index_cast %mul3A_532 : i32 to index
        %swap3A_589 = tpu.vector_load %arg6[%swap3A_587, %swap3A_588] {strides = array<i32>} : memref<8x2560xf32, #tpu.memory_space<vmem>>, vector<1x16xf32>,
        %swap3A_590 = vector.shape_cast %swap3A_589 : vector<1x16xf32> to vector<16xf32>
        %swap3A_591 = vector.shape_cast %select_n3A_585 : vector<16xf32> to vector<1x16xf32>
        tpu.vector_store %arg6[%swap3A_587, %swap3A_588], %swap3A_591 {strides = array<i32>} : memref<8x2560xf32, #tpu.memory_space<vmem>>, vector<1x16xf32>,
        %shift_left3A_592 = arith.constant 7 : i32
        %shift_left3A_593 = vector.broadcast %shift_left3A_592 : i32 to vector<16xi32>
        %shift_left3A_594 = arith.shli %get3A_536, %shift_left3A_593 : vector<16xi32>
        %lt3A_595 = arith.constant 0 : i32
        %lt3A_596 = vector.broadcast %lt3A_595 : i32 to vector<16xi32>
        %lt3A_597 = arith.cmpi slt, %shift_left3A_594, %lt3A_596 : vector<16xi32>
        %get3A_598 = arith.constant 3 : i32
        %get3A_599 = arith.index_cast %get3A_598 : i32 to index
        %get3A_600 = arith.index_cast %mul3A_532 : i32 to index
        %get3A_601 = tpu.vector_load %arg6[%get3A_599, %get3A_600] {strides = array<i32>} : memref<8x2560xf32, #tpu.memory_space<vmem>>, vector<1x16xf32>,
        %get3A_602 = vector.shape_cast %get3A_601 : vector<1x16xf32> to vector<16xf32>
        %jit3A_603 = arith.constant 0.000000e+00 : f32
        %broadcast_in_dim3A_604 = vector.broadcast %jit3A_603 : f32 to vector<16xf32>
        %select_n3A_605 = arith.select %lt3A_597, %get3A_602, %broadcast_in_dim3A_604 : vector<16xi1>, vector<16xf32>
        %swap3A_606 = arith.constant 3 : i32
        %swap3A_607 = arith.index_cast %swap3A_606 : i32 to index
        %swap3A_608 = arith.index_cast %mul3A_532 : i32 to index
        %swap3A_609 = tpu.vector_load %arg6[%swap3A_607, %swap3A_608] {strides = array<i32>} : memref<8x2560xf32, #tpu.memory_space<vmem>>, vector<1x16xf32>,
        %swap3A_610 = vector.shape_cast %swap3A_609 : vector<1x16xf32> to vector<16xf32>
        %swap3A_611 = vector.shape_cast %select_n3A_605 : vector<16xf32> to vector<1x16xf32>
        tpu.vector_store %arg6[%swap3A_607, %swap3A_608], %swap3A_611 {strides = array<i32>} : memref<8x2560xf32, #tpu.memory_space<vmem>>, vector<1x16xf32>,
        %get3A_612 = arith.constant 3 : i32
        %get3A_613 = arith.index_cast %get3A_612 : i32 to index
        %get3A_614 = arith.index_cast %mul3A_532 : i32 to index
        %get3A_615 = tpu.vector_load %arg8[%get3A_613, %get3A_614] {strides = array<i32>} : memref<8x2560xi32, #tpu.memory_space<vmem>>, vector<1x16xi32>,
        %get3A_616 = vector.shape_cast %get3A_615 : vector<1x16xi32> to vector<16xi32>
        %shift_left3A_617 = arith.constant 31 : i32
        %shift_left3A_618 = vector.broadcast %shift_left3A_617 : i32 to vector<16xi32>
        %shift_left3A_619 = arith.shli %get3A_616, %shift_left3A_618 : vector<16xi32>
        %lt3A_620 = arith.constant 0 : i32
        %lt3A_621 = vector.broadcast %lt3A_620 : i32 to vector<16xi32>
        %lt3A_622 = arith.cmpi slt, %shift_left3A_619, %lt3A_621 : vector<16xi32>
        %get3A_623 = arith.constant 4 : i32
        %get3A_624 = arith.index_cast %get3A_623 : i32 to index
        %get3A_625 = arith.index_cast %mul3A_532 : i32 to index
        %get3A_626 = tpu.vector_load %arg6[%get3A_624, %get3A_625] {strides = array<i32>} : memref<8x2560xf32, #tpu.memory_space<vmem>>, vector<1x16xf32>,
        %get3A_627 = vector.shape_cast %get3A_626 : vector<1x16xf32> to vector<16xf32>
        %jit3A_628 = arith.constant 0.000000e+00 : f32
        %broadcast_in_dim3A_629 = vector.broadcast %jit3A_628 : f32 to vector<16xf32>
        %select_n3A_630 = arith.select %lt3A_622, %get3A_627, %broadcast_in_dim3A_629 : vector<16xi1>, vector<16xf32>
        %swap3A_631 = arith.constant 4 : i32
        %swap3A_632 = arith.index_cast %swap3A_631 : i32 to index
        %swap3A_633 = arith.index_cast %mul3A_532 : i32 to index
        %swap3A_634 = tpu.vector_load %arg6[%swap3A_632, %swap3A_633] {strides = array<i32>} : memref<8x2560xf32, #tpu.memory_space<vmem>>, vector<1x16xf32>,
        %swap3A_635 = vector.shape_cast %swap3A_634 : vector<1x16xf32> to vector<16xf32>
        %swap3A_636 = vector.shape_cast %select_n3A_630 : vector<16xf32> to vector<1x16xf32>
        tpu.vector_store %arg6[%swap3A_632, %swap3A_633], %swap3A_636 {strides = array<i32>} : memref<8x2560xf32, #tpu.memory_space<vmem>>, vector<1x16xf32>,
        %shift_left3A_637 = arith.constant 23 : i32
        %shift_left3A_638 = vector.broadcast %shift_left3A_637 : i32 to vector<16xi32>
        %shift_left3A_639 = arith.shli %get3A_616, %shift_left3A_638 : vector<16xi32>
        %lt3A_640 = arith.constant 0 : i32
        %lt3A_641 = vector.broadcast %lt3A_640 : i32 to vector<16xi32>
        %lt3A_642 = arith.cmpi slt, %shift_left3A_639, %lt3A_641 : vector<16xi32>
        %get3A_643 = arith.constant 5 : i32
        %get3A_644 = arith.index_cast %get3A_643 : i32 to index
        %get3A_645 = arith.index_cast %mul3A_532 : i32 to index
        %get3A_646 = tpu.vector_load %arg6[%get3A_644, %get3A_645] {strides = array<i32>} : memref<8x2560xf32, #tpu.memory_space<vmem>>, vector<1x16xf32>,
        %get3A_647 = vector.shape_cast %get3A_646 : vector<1x16xf32> to vector<16xf32>
        %jit3A_648 = arith.constant 0.000000e+00 : f32
        %broadcast_in_dim3A_649 = vector.broadcast %jit3A_648 : f32 to vector<16xf32>
        %select_n3A_650 = arith.select %lt3A_642, %get3A_647, %broadcast_in_dim3A_649 : vector<16xi1>, vector<16xf32>
        %swap3A_651 = arith.constant 5 : i32
        %swap3A_652 = arith.index_cast %swap3A_651 : i32 to index
        %swap3A_653 = arith.index_cast %mul3A_532 : i32 to index
        %swap3A_654 = tpu.vector_load %arg6[%swap3A_652, %swap3A_653] {strides = array<i32>} : memref<8x2560xf32, #tpu.memory_space<vmem>>, vector<1x16xf32>,
        %swap3A_655 = vector.shape_cast %swap3A_654 : vector<1x16xf32> to vector<16xf32>
        %swap3A_656 = vector.shape_cast %select_n3A_650 : vector<16xf32> to vector<1x16xf32>
        tpu.vector_store %arg6[%swap3A_652, %swap3A_653], %swap3A_656 {strides = array<i32>} : memref<8x2560xf32, #tpu.memory_space<vmem>>, vector<1x16xf32>,
        %shift_left3A_657 = arith.constant 15 : i32
        %shift_left3A_658 = vector.broadcast %shift_left3A_657 : i32 to vector<16xi32>
        %shift_left3A_659 = arith.shli %get3A_616, %shift_left3A_658 : vector<16xi32>
        %lt3A_660 = arith.constant 0 : i32
        %lt3A_661 = vector.broadcast %lt3A_660 : i32 to vector<16xi32>
        %lt3A_662 = arith.cmpi slt, %shift_left3A_659, %lt3A_661 : vector<16xi32>
        %get3A_663 = arith.constant 6 : i32
        %get3A_664 = arith.index_cast %get3A_663 : i32 to index
        %get3A_665 = arith.index_cast %mul3A_532 : i32 to index
        %get3A_666 = tpu.vector_load %arg6[%get3A_664, %get3A_665] {strides = array<i32>} : memref<8x2560xf32, #tpu.memory_space<vmem>>, vector<1x16xf32>,
        %get3A_667 = vector.shape_cast %get3A_666 : vector<1x16xf32> to vector<16xf32>
        %jit3A_668 = arith.constant 0.000000e+00 : f32
        %broadcast_in_dim3A_669 = vector.broadcast %jit3A_668 : f32 to vector<16xf32>
        %select_n3A_670 = arith.select %lt3A_662, %get3A_667, %broadcast_in_dim3A_669 : vector<16xi1>, vector<16xf32>
        %swap3A_671 = arith.constant 6 : i32
        %swap3A_672 = arith.index_cast %swap3A_671 : i32 to index
        %swap3A_673 = arith.index_cast %mul3A_532 : i32 to index
        %swap3A_674 = tpu.vector_load %arg6[%swap3A_672, %swap3A_673] {strides = array<i32>} : memref<8x2560xf32, #tpu.memory_space<vmem>>, vector<1x16xf32>,
        %swap3A_675 = vector.shape_cast %swap3A_674 : vector<1x16xf32> to vector<16xf32>
        %swap3A_676 = vector.shape_cast %select_n3A_670 : vector<16xf32> to vector<1x16xf32>
        tpu.vector_store %arg6[%swap3A_672, %swap3A_673], %swap3A_676 {strides = array<i32>} : memref<8x2560xf32, #tpu.memory_space<vmem>>, vector<1x16xf32>,
        %shift_left3A_677 = arith.constant 7 : i32
        %shift_left3A_678 = vector.broadcast %shift_left3A_677 : i32 to vector<16xi32>
        %shift_left3A_679 = arith.shli %get3A_616, %shift_left3A_678 : vector<16xi32>
        %lt3A_680 = arith.constant 0 : i32
        %lt3A_681 = vector.broadcast %lt3A_680 : i32 to vector<16xi32>
        %lt3A_682 = arith.cmpi slt, %shift_left3A_679, %lt3A_681 : vector<16xi32>
        %get3A_683 = arith.constant 7 : i32
        %get3A_684 = arith.index_cast %get3A_683 : i32 to index
        %get3A_685 = arith.index_cast %mul3A_532 : i32 to index
        %get3A_686 = tpu.vector_load %arg6[%get3A_684, %get3A_685] {strides = array<i32>} : memref<8x2560xf32, #tpu.memory_space<vmem>>, vector<1x16xf32>,
        %get3A_687 = vector.shape_cast %get3A_686 : vector<1x16xf32> to vector<16xf32>
        %jit3A_688 = arith.constant 0.000000e+00 : f32
        %broadcast_in_dim3A_689 = vector.broadcast %jit3A_688 : f32 to vector<16xf32>
        %select_n3A_690 = arith.select %lt3A_682, %get3A_687, %broadcast_in_dim3A_689 : vector<16xi1>, vector<16xf32>
        %swap3A_691 = arith.constant 7 : i32
        %swap3A_692 = arith.index_cast %swap3A_691 : i32 to index
        %swap3A_693 = arith.index_cast %mul3A_532 : i32 to index
        %swap3A_694 = tpu.vector_load %arg6[%swap3A_692, %swap3A_693] {strides = array<i32>} : memref<8x2560xf32, #tpu.memory_space<vmem>>, vector<1x16xf32>,
        %swap3A_695 = vector.shape_cast %swap3A_694 : vector<1x16xf32> to vector<16xf32>
        %swap3A_696 = vector.shape_cast %select_n3A_690 : vector<16xf32> to vector<1x16xf32>
        tpu.vector_store %arg6[%swap3A_692, %swap3A_693], %swap3A_696 {strides = array<i32>} : memref<8x2560xf32, #tpu.memory_space<vmem>>, vector<1x16xf32>,
        %scan3A_697 = arith.constant 1 : i32
        %scan3A_698 = arith.addi %scan3A_530, %scan3A_697 : i32
        %mul3A_699 = arith.constant 16 : i32
        %mul3A_700 = arith.muli %scan3A_698, %mul3A_699 : i32
        %get3A_701 = arith.constant 2 : i32
        %get3A_702 = arith.index_cast %get3A_701 : i32 to index
        %get3A_703 = arith.index_cast %mul3A_700 : i32 to index
        %get3A_704 = tpu.vector_load %arg8[%get3A_702, %get3A_703] {strides = array<i32>} : memref<8x2560xi32, #tpu.memory_space<vmem>>, vector<1x16xi32>,
        %get3A_705 = vector.shape_cast %get3A_704 : vector<1x16xi32> to vector<16xi32>
        %shift_left3A_706 = arith.constant 31 : i32
        %shift_left3A_707 = vector.broadcast %shift_left3A_706 : i32 to vector<16xi32>
        %shift_left3A_708 = arith.shli %get3A_705, %shift_left3A_707 : vector<16xi32>
        %lt3A_709 = arith.constant 0 : i32
        %lt3A_710 = vector.broadcast %lt3A_709 : i32 to vector<16xi32>
        %lt3A_711 = arith.cmpi slt, %shift_left3A_708, %lt3A_710 : vector<16xi32>
        %get3A_712 = arith.constant 0 : i32
        %get3A_713 = arith.index_cast %get3A_712 : i32 to index
        %get3A_714 = arith.index_cast %mul3A_700 : i32 to index
        %get3A_715 = tpu.vector_load %arg6[%get3A_713, %get3A_714] {strides = array<i32>} : memref<8x2560xf32, #tpu.memory_space<vmem>>, vector<1x16xf32>,
        %get3A_716 = vector.shape_cast %get3A_715 : vector<1x16xf32> to vector<16xf32>
        %jit3A_717 = arith.constant 0.000000e+00 : f32
        %broadcast_in_dim3A_718 = vector.broadcast %jit3A_717 : f32 to vector<16xf32>
        %select_n3A_719 = arith.select %lt3A_711, %get3A_716, %broadcast_in_dim3A_718 : vector<16xi1>, vector<16xf32>
        %swap3A_720 = arith.constant 0 : i32
        %swap3A_721 = arith.index_cast %swap3A_720 : i32 to index
        %swap3A_722 = arith.index_cast %mul3A_700 : i32 to index
        %swap3A_723 = tpu.vector_load %arg6[%swap3A_721, %swap3A_722] {strides = array<i32>} : memref<8x2560xf32, #tpu.memory_space<vmem>>, vector<1x16xf32>,
        %swap3A_724 = vector.shape_cast %swap3A_723 : vector<1x16xf32> to vector<16xf32>
        %swap3A_725 = vector.shape_cast %select_n3A_719 : vector<16xf32> to vector<1x16xf32>
        tpu.vector_store %arg6[%swap3A_721, %swap3A_722], %swap3A_725 {strides = array<i32>} : memref<8x2560xf32, #tpu.memory_space<vmem>>, vector<1x16xf32>,
        %shift_left3A_726 = arith.constant 23 : i32
        %shift_left3A_727 = vector.broadcast %shift_left3A_726 : i32 to vector<16xi32>
        %shift_left3A_728 = arith.shli %get3A_705, %shift_left3A_727 : vector<16xi32>
        %lt3A_729 = arith.constant 0 : i32
        %lt3A_730 = vector.broadcast %lt3A_729 : i32 to vector<16xi32>
        %lt3A_731 = arith.cmpi slt, %shift_left3A_728, %lt3A_730 : vector<16xi32>
        %get3A_732 = arith.constant 1 : i32
        %get3A_733 = arith.index_cast %get3A_732 : i32 to index
        %get3A_734 = arith.index_cast %mul3A_700 : i32 to index
        %get3A_735 = tpu.vector_load %arg6[%get3A_733, %get3A_734] {strides = array<i32>} : memref<8x2560xf32, #tpu.memory_space<vmem>>, vector<1x16xf32>,
        %get3A_736 = vector.shape_cast %get3A_735 : vector<1x16xf32> to vector<16xf32>
        %jit3A_737 = arith.constant 0.000000e+00 : f32
        %broadcast_in_dim3A_738 = vector.broadcast %jit3A_737 : f32 to vector<16xf32>
        %select_n3A_739 = arith.select %lt3A_731, %get3A_736, %broadcast_in_dim3A_738 : vector<16xi1>, vector<16xf32>
        %swap3A_740 = arith.constant 1 : i32
        %swap3A_741 = arith.index_cast %swap3A_740 : i32 to index
        %swap3A_742 = arith.index_cast %mul3A_700 : i32 to index
        %swap3A_743 = tpu.vector_load %arg6[%swap3A_741, %swap3A_742] {strides = array<i32>} : memref<8x2560xf32, #tpu.memory_space<vmem>>, vector<1x16xf32>,
        %swap3A_744 = vector.shape_cast %swap3A_743 : vector<1x16xf32> to vector<16xf32>
        %swap3A_745 = vector.shape_cast %select_n3A_739 : vector<16xf32> to vector<1x16xf32>
        tpu.vector_store %arg6[%swap3A_741, %swap3A_742], %swap3A_745 {strides = array<i32>} : memref<8x2560xf32, #tpu.memory_space<vmem>>, vector<1x16xf32>,
        %shift_left3A_746 = arith.constant 15 : i32
        %shift_left3A_747 = vector.broadcast %shift_left3A_746 : i32 to vector<16xi32>
        %shift_left3A_748 = arith.shli %get3A_705, %shift_left3A_747 : vector<16xi32>
        %lt3A_749 = arith.constant 0 : i32
        %lt3A_750 = vector.broadcast %lt3A_749 : i32 to vector<16xi32>
        %lt3A_751 = arith.cmpi slt, %shift_left3A_748, %lt3A_750 : vector<16xi32>
        %get3A_752 = arith.constant 2 : i32
        %get3A_753 = arith.index_cast %get3A_752 : i32 to index
        %get3A_754 = arith.index_cast %mul3A_700 : i32 to index
        %get3A_755 = tpu.vector_load %arg6[%get3A_753, %get3A_754] {strides = array<i32>} : memref<8x2560xf32, #tpu.memory_space<vmem>>, vector<1x16xf32>,
        %get3A_756 = vector.shape_cast %get3A_755 : vector<1x16xf32> to vector<16xf32>
        %jit3A_757 = arith.constant 0.000000e+00 : f32
        %broadcast_in_dim3A_758 = vector.broadcast %jit3A_757 : f32 to vector<16xf32>
        %select_n3A_759 = arith.select %lt3A_751, %get3A_756, %broadcast_in_dim3A_758 : vector<16xi1>, vector<16xf32>
        %swap3A_760 = arith.constant 2 : i32
        %swap3A_761 = arith.index_cast %swap3A_760 : i32 to index
        %swap3A_762 = arith.index_cast %mul3A_700 : i32 to index
        %swap3A_763 = tpu.vector_load %arg6[%swap3A_761, %swap3A_762] {strides = array<i32>} : memref<8x2560xf32, #tpu.memory_space<vmem>>, vector<1x16xf32>,
        %swap3A_764 = vector.shape_cast %swap3A_763 : vector<1x16xf32> to vector<16xf32>
        %swap3A_765 = vector.shape_cast %select_n3A_759 : vector<16xf32> to vector<1x16xf32>
        tpu.vector_store %arg6[%swap3A_761, %swap3A_762], %swap3A_765 {strides = array<i32>} : memref<8x2560xf32, #tpu.memory_space<vmem>>, vector<1x16xf32>,
        %shift_left3A_766 = arith.constant 7 : i32
        %shift_left3A_767 = vector.broadcast %shift_left3A_766 : i32 to vector<16xi32>
        %shift_left3A_768 = arith.shli %get3A_705, %shift_left3A_767 : vector<16xi32>
        %lt3A_769 = arith.constant 0 : i32
        %lt3A_770 = vector.broadcast %lt3A_769 : i32 to vector<16xi32>
        %lt3A_771 = arith.cmpi slt, %shift_left3A_768, %lt3A_770 : vector<16xi32>
        %get3A_772 = arith.constant 3 : i32
        %get3A_773 = arith.index_cast %get3A_772 : i32 to index
        %get3A_774 = arith.index_cast %mul3A_700 : i32 to index
        %get3A_775 = tpu.vector_load %arg6[%get3A_773, %get3A_774] {strides = array<i32>} : memref<8x2560xf32, #tpu.memory_space<vmem>>, vector<1x16xf32>,
        %get3A_776 = vector.shape_cast %get3A_775 : vector<1x16xf32> to vector<16xf32>
        %jit3A_777 = arith.constant 0.000000e+00 : f32
        %broadcast_in_dim3A_778 = vector.broadcast %jit3A_777 : f32 to vector<16xf32>
        %select_n3A_779 = arith.select %lt3A_771, %get3A_776, %broadcast_in_dim3A_778 : vector<16xi1>, vector<16xf32>
        %swap3A_780 = arith.constant 3 : i32
        %swap3A_781 = arith.index_cast %swap3A_780 : i32 to index
        %swap3A_782 = arith.index_cast %mul3A_700 : i32 to index
        %swap3A_783 = tpu.vector_load %arg6[%swap3A_781, %swap3A_782] {strides = array<i32>} : memref<8x2560xf32, #tpu.memory_space<vmem>>, vector<1x16xf32>,
        %swap3A_784 = vector.shape_cast %swap3A_783 : vector<1x16xf32> to vector<16xf32>
        %swap3A_785 = vector.shape_cast %select_n3A_779 : vector<16xf32> to vector<1x16xf32>
        tpu.vector_store %arg6[%swap3A_781, %swap3A_782], %swap3A_785 {strides = array<i32>} : memref<8x2560xf32, #tpu.memory_space<vmem>>, vector<1x16xf32>,
        %get3A_786 = arith.constant 3 : i32
        %get3A_787 = arith.index_cast %get3A_786 : i32 to index
        %get3A_788 = arith.index_cast %mul3A_700 : i32 to index
        %get3A_789 = tpu.vector_load %arg8[%get3A_787, %get3A_788] {strides = array<i32>} : memref<8x2560xi32, #tpu.memory_space<vmem>>, vector<1x16xi32>,
        %get3A_790 = vector.shape_cast %get3A_789 : vector<1x16xi32> to vector<16xi32>
        %shift_left3A_791 = arith.constant 31 : i32
        %shift_left3A_792 = vector.broadcast %shift_left3A_791 : i32 to vector<16xi32>
        %shift_left3A_793 = arith.shli %get3A_790, %shift_left3A_792 : vector<16xi32>
        %lt3A_794 = arith.constant 0 : i32
        %lt3A_795 = vector.broadcast %lt3A_794 : i32 to vector<16xi32>
        %lt3A_796 = arith.cmpi slt, %shift_left3A_793, %lt3A_795 : vector<16xi32>
        %get3A_797 = arith.constant 4 : i32
        %get3A_798 = arith.index_cast %get3A_797 : i32 to index
        %get3A_799 = arith.index_cast %mul3A_700 : i32 to index
        %get3A_800 = tpu.vector_load %arg6[%get3A_798, %get3A_799] {strides = array<i32>} : memref<8x2560xf32, #tpu.memory_space<vmem>>, vector<1x16xf32>,
        %get3A_801 = vector.shape_cast %get3A_800 : vector<1x16xf32> to vector<16xf32>
        %jit3A_802 = arith.constant 0.000000e+00 : f32
        %broadcast_in_dim3A_803 = vector.broadcast %jit3A_802 : f32 to vector<16xf32>
        %select_n3A_804 = arith.select %lt3A_796, %get3A_801, %broadcast_in_dim3A_803 : vector<16xi1>, vector<16xf32>
        %swap3A_805 = arith.constant 4 : i32
        %swap3A_806 = arith.index_cast %swap3A_805 : i32 to index
        %swap3A_807 = arith.index_cast %mul3A_700 : i32 to index
        %swap3A_808 = tpu.vector_load %arg6[%swap3A_806, %swap3A_807] {strides = array<i32>} : memref<8x2560xf32, #tpu.memory_space<vmem>>, vector<1x16xf32>,
        %swap3A_809 = vector.shape_cast %swap3A_808 : vector<1x16xf32> to vector<16xf32>
        %swap3A_810 = vector.shape_cast %select_n3A_804 : vector<16xf32> to vector<1x16xf32>
        tpu.vector_store %arg6[%swap3A_806, %swap3A_807], %swap3A_810 {strides = array<i32>} : memref<8x2560xf32, #tpu.memory_space<vmem>>, vector<1x16xf32>,
        %shift_left3A_811 = arith.constant 23 : i32
        %shift_left3A_812 = vector.broadcast %shift_left3A_811 : i32 to vector<16xi32>
        %shift_left3A_813 = arith.shli %get3A_790, %shift_left3A_812 : vector<16xi32>
        %lt3A_814 = arith.constant 0 : i32
        %lt3A_815 = vector.broadcast %lt3A_814 : i32 to vector<16xi32>
        %lt3A_816 = arith.cmpi slt, %shift_left3A_813, %lt3A_815 : vector<16xi32>
        %get3A_817 = arith.constant 5 : i32
        %get3A_818 = arith.index_cast %get3A_817 : i32 to index
        %get3A_819 = arith.index_cast %mul3A_700 : i32 to index
        %get3A_820 = tpu.vector_load %arg6[%get3A_818, %get3A_819] {strides = array<i32>} : memref<8x2560xf32, #tpu.memory_space<vmem>>, vector<1x16xf32>,
        %get3A_821 = vector.shape_cast %get3A_820 : vector<1x16xf32> to vector<16xf32>
        %jit3A_822 = arith.constant 0.000000e+00 : f32
        %broadcast_in_dim3A_823 = vector.broadcast %jit3A_822 : f32 to vector<16xf32>
        %select_n3A_824 = arith.select %lt3A_816, %get3A_821, %broadcast_in_dim3A_823 : vector<16xi1>, vector<16xf32>
        %swap3A_825 = arith.constant 5 : i32
        %swap3A_826 = arith.index_cast %swap3A_825 : i32 to index
        %swap3A_827 = arith.index_cast %mul3A_700 : i32 to index
        %swap3A_828 = tpu.vector_load %arg6[%swap3A_826, %swap3A_827] {strides = array<i32>} : memref<8x2560xf32, #tpu.memory_space<vmem>>, vector<1x16xf32>,
        %swap3A_829 = vector.shape_cast %swap3A_828 : vector<1x16xf32> to vector<16xf32>
        %swap3A_830 = vector.shape_cast %select_n3A_824 : vector<16xf32> to vector<1x16xf32>
        tpu.vector_store %arg6[%swap3A_826, %swap3A_827], %swap3A_830 {strides = array<i32>} : memref<8x2560xf32, #tpu.memory_space<vmem>>, vector<1x16xf32>,
        %shift_left3A_831 = arith.constant 15 : i32
        %shift_left3A_832 = vector.broadcast %shift_left3A_831 : i32 to vector<16xi32>
        %shift_left3A_833 = arith.shli %get3A_790, %shift_left3A_832 : vector<16xi32>
        %lt3A_834 = arith.constant 0 : i32
        %lt3A_835 = vector.broadcast %lt3A_834 : i32 to vector<16xi32>
        %lt3A_836 = arith.cmpi slt, %shift_left3A_833, %lt3A_835 : vector<16xi32>
        %get3A_837 = arith.constant 6 : i32
        %get3A_838 = arith.index_cast %get3A_837 : i32 to index
        %get3A_839 = arith.index_cast %mul3A_700 : i32 to index
        %get3A_840 = tpu.vector_load %arg6[%get3A_838, %get3A_839] {strides = array<i32>} : memref<8x2560xf32, #tpu.memory_space<vmem>>, vector<1x16xf32>,
        %get3A_841 = vector.shape_cast %get3A_840 : vector<1x16xf32> to vector<16xf32>
        %jit3A_842 = arith.constant 0.000000e+00 : f32
        %broadcast_in_dim3A_843 = vector.broadcast %jit3A_842 : f32 to vector<16xf32>
        %select_n3A_844 = arith.select %lt3A_836, %get3A_841, %broadcast_in_dim3A_843 : vector<16xi1>, vector<16xf32>
        %swap3A_845 = arith.constant 6 : i32
        %swap3A_846 = arith.index_cast %swap3A_845 : i32 to index
        %swap3A_847 = arith.index_cast %mul3A_700 : i32 to index
        %swap3A_848 = tpu.vector_load %arg6[%swap3A_846, %swap3A_847] {strides = array<i32>} : memref<8x2560xf32, #tpu.memory_space<vmem>>, vector<1x16xf32>,
        %swap3A_849 = vector.shape_cast %swap3A_848 : vector<1x16xf32> to vector<16xf32>
        %swap3A_850 = vector.shape_cast %select_n3A_844 : vector<16xf32> to vector<1x16xf32>
        tpu.vector_store %arg6[%swap3A_846, %swap3A_847], %swap3A_850 {strides = array<i32>} : memref<8x2560xf32, #tpu.memory_space<vmem>>, vector<1x16xf32>,
        %shift_left3A_851 = arith.constant 7 : i32
        %shift_left3A_852 = vector.broadcast %shift_left3A_851 : i32 to vector<16xi32>
        %shift_left3A_853 = arith.shli %get3A_790, %shift_left3A_852 : vector<16xi32>
        %lt3A_854 = arith.constant 0 : i32
        %lt3A_855 = vector.broadcast %lt3A_854 : i32 to vector<16xi32>
        %lt3A_856 = arith.cmpi slt, %shift_left3A_853, %lt3A_855 : vector<16xi32>
        %get3A_857 = arith.constant 7 : i32
        %get3A_858 = arith.index_cast %get3A_857 : i32 to index
        %get3A_859 = arith.index_cast %mul3A_700 : i32 to index
        %get3A_860 = tpu.vector_load %arg6[%get3A_858, %get3A_859] {strides = array<i32>} : memref<8x2560xf32, #tpu.memory_space<vmem>>, vector<1x16xf32>,
        %get3A_861 = vector.shape_cast %get3A_860 : vector<1x16xf32> to vector<16xf32>
        %jit3A_862 = arith.constant 0.000000e+00 : f32
        %broadcast_in_dim3A_863 = vector.broadcast %jit3A_862 : f32 to vector<16xf32>
        %select_n3A_864 = arith.select %lt3A_856, %get3A_861, %broadcast_in_dim3A_863 : vector<16xi1>, vector<16xf32>
        %swap3A_865 = arith.constant 7 : i32
        %swap3A_866 = arith.index_cast %swap3A_865 : i32 to index
        %swap3A_867 = arith.index_cast %mul3A_700 : i32 to index
        %swap3A_868 = tpu.vector_load %arg6[%swap3A_866, %swap3A_867] {strides = array<i32>} : memref<8x2560xf32, #tpu.memory_space<vmem>>, vector<1x16xf32>,
        %swap3A_869 = vector.shape_cast %swap3A_868 : vector<1x16xf32> to vector<16xf32>
        %swap3A_870 = vector.shape_cast %select_n3A_864 : vector<16xf32> to vector<1x16xf32>
        tpu.vector_store %arg6[%swap3A_866, %swap3A_867], %swap3A_870 {strides = array<i32>} : memref<8x2560xf32, #tpu.memory_space<vmem>>, vector<1x16xf32>,
      }
      %scan3A_460 = arith.constant 160 : i32
      %add3A_461 = arith.constant 8 : i32
      %add3A_462 = arith.addi %multiple_of3A, %add3A_461 : i32
      %multiple_of3A_463 = tpu.assume_multiple %add3A_462, 8 : i32
      %mul3A_464 = arith.constant 2560 : i32
      %mul3A_465 = arith.muli %add3A_314, %mul3A_464 : i32
      %multiple_of3A_466 = tpu.assume_multiple %mul3A_465, 128 : i32
      %dma_start3A_467 = tpu.memref_slice %arg4[%multiple_of3A_463, %multiple_of3A_466] : memref<1024x100000xf32, #tpu.memory_space<hbm>> -> memref<8x2560xf32, #tpu.memory_space<hbm>>
      %dma_start3A_468 = tpu.memref_slice %arg4[%multiple_of3A_463, %multiple_of3A_466] : memref<1024x100000xf32, #tpu.memory_space<hbm>> -> memref<8x2560xf32, #tpu.memory_space<hbm>>
      tpu.enqueue_dma source(%arg6 : memref<8x2560xf32, #tpu.memory_space<vmem>>) target(%dma_start3A_468 : memref<8x2560xf32, #tpu.memory_space<hbm>>) target_semaphore(%arg14 : memref<!tpu.dma_semaphore, #tpu.memory_space<semaphore_mem>>)
      %dma_wait3A_469 = arith.constant 0 : i32
      %dma_wait3A_470 = arith.constant 0 : i32
      %dma_wait3A_471 = tpu.memref_slice %arg4[%dma_wait3A_469, %dma_wait3A_470] : memref<1024x100000xf32, #tpu.memory_space<hbm>> -> memref<8x2560xf32, #tpu.memory_space<hbm>>
      %dma_wait3A_472 = arith.constant 0 : i32
      %dma_wait3A_473 = arith.constant 0 : i32
      %dma_wait3A_474 = tpu.memref_slice %arg4[%dma_wait3A_472, %dma_wait3A_473] : memref<1024x100000xf32, #tpu.memory_space<hbm>> -> memref<8x2560xf32, #tpu.memory_space<hbm>>
      tpu.wait_dma2 semaphore(%arg14 : memref<!tpu.dma_semaphore, #tpu.memory_space<semaphore_mem>>) src(%arg6 : memref<8x2560xf32, #tpu.memory_space<vmem>>) dst(%dma_wait3A_474 : memref<8x2560xf32, #tpu.memory_space<hbm>>)
      %add3A_475 = arith.constant 24 : i32
      %add3A_476 = arith.addi %multiple_of3A, %add3A_475 : i32
      %multiple_of3A_477 = tpu.assume_multiple %add3A_476, 8 : i32
      %mul3A_478 = arith.constant 2560 : i32
      %mul3A_479 = arith.muli %add3A_314, %mul3A_478 : i32
      %multiple_of3A_480 = tpu.assume_multiple %mul3A_479, 128 : i32
      %dma_start3A_481 = tpu.memref_slice %arg2[%multiple_of3A_477, %multiple_of3A_480] : memref<1024x100000xf32, #tpu.memory_space<hbm>> -> memref<8x2560xf32, #tpu.memory_space<hbm>>
      %dma_start3A_482 = tpu.memref_slice %arg2[%multiple_of3A_477, %multiple_of3A_480] : memref<1024x100000xf32, #tpu.memory_space<hbm>> -> memref<8x2560xf32, #tpu.memory_space<hbm>>
      tpu.enqueue_dma source(%dma_start3A_482 : memref<8x2560xf32, #tpu.memory_space<hbm>>) target(%arg6 : memref<8x2560xf32, #tpu.memory_space<vmem>>) target_semaphore(%arg10 : memref<!tpu.dma_semaphore, #tpu.memory_space<semaphore_mem>>)
      %dma_wait3A_483 = arith.constant 0 : i32
      %dma_wait3A_484 = arith.constant 0 : i32
      %dma_wait3A_485 = tpu.memref_slice %arg2[%dma_wait3A_483, %dma_wait3A_484] : memref<1024x100000xf32, #tpu.memory_space<hbm>> -> memref<8x2560xf32, #tpu.memory_space<hbm>>
      %dma_wait3A_486 = arith.constant 0 : i32
      %dma_wait3A_487 = arith.constant 0 : i32
      %dma_wait3A_488 = tpu.memref_slice %arg2[%dma_wait3A_486, %dma_wait3A_487] : memref<1024x100000xf32, #tpu.memory_space<hbm>> -> memref<8x2560xf32, #tpu.memory_space<hbm>>
      tpu.wait_dma2 semaphore(%arg9 : memref<!tpu.dma_semaphore, #tpu.memory_space<semaphore_mem>>) src(%dma_wait3A_488 : memref<8x2560xf32, #tpu.memory_space<hbm>>) dst(%arg5 : memref<8x2560xf32, #tpu.memory_space<vmem>>)
      %scan3A_489 = arith.constant 0 : i32
      %scan3A_490 = arith.constant 0 : i32
      %scan3A_491 = arith.constant 160 : i32
      %scan3A_492 = arith.addi %scan3A_490, %scan3A_491 : i32
      %scan3A_493 = arith.constant 2 : i32
      scf.for %scan3A_530 = %scan3A_490 to %scan3A_492 step %scan3A_493  : i32 {
        %mul3A_531 = arith.constant 16 : i32
        %mul3A_532 = arith.muli %scan3A_530, %mul3A_531 : i32
        %get3A = arith.constant 4 : i32
        %get3A_533 = arith.index_cast %get3A : i32 to index
        %get3A_534 = arith.index_cast %mul3A_532 : i32 to index
        %get3A_535 = tpu.vector_load %arg8[%get3A_533, %get3A_534] {strides = array<i32>} : memref<8x2560xi32, #tpu.memory_space<vmem>>, vector<1x16xi32>,
        %get3A_536 = vector.shape_cast %get3A_535 : vector<1x16xi32> to vector<16xi32>
        %shift_left3A = arith.constant 31 : i32
        %shift_left3A_537 = vector.broadcast %shift_left3A : i32 to vector<16xi32>
        %shift_left3A_538 = arith.shli %get3A_536, %shift_left3A_537 : vector<16xi32>
        %lt3A_539 = arith.constant 0 : i32
        %lt3A_540 = vector.broadcast %lt3A_539 : i32 to vector<16xi32>
        %lt3A_541 = arith.cmpi slt, %shift_left3A_538, %lt3A_540 : vector<16xi32>
        %get3A_542 = arith.constant 0 : i32
        %get3A_543 = arith.index_cast %get3A_542 : i32 to index
        %get3A_544 = arith.index_cast %mul3A_532 : i32 to index
        %get3A_545 = tpu.vector_load %arg5[%get3A_543, %get3A_544] {strides = array<i32>} : memref<8x2560xf32, #tpu.memory_space<vmem>>, vector<1x16xf32>,
        %get3A_546 = vector.shape_cast %get3A_545 : vector<1x16xf32> to vector<16xf32>
        %jit3A = arith.constant 0.000000e+00 : f32
        %broadcast_in_dim3A = vector.broadcast %jit3A : f32 to vector<16xf32>
        %select_n3A = arith.select %lt3A_541, %get3A_546, %broadcast_in_dim3A : vector<16xi1>, vector<16xf32>
        %swap3A = arith.constant 0 : i32
        %swap3A_547 = arith.index_cast %swap3A : i32 to index
        %swap3A_548 = arith.index_cast %mul3A_532 : i32 to index
        %swap3A_549 = tpu.vector_load %arg5[%swap3A_547, %swap3A_548] {strides = array<i32>} : memref<8x2560xf32, #tpu.memory_space<vmem>>, vector<1x16xf32>,
        %swap3A_550 = vector.shape_cast %swap3A_549 : vector<1x16xf32> to vector<16xf32>
        %swap3A_551 = vector.shape_cast %select_n3A : vector<16xf32> to vector<1x16xf32>
        tpu.vector_store %arg5[%swap3A_547, %swap3A_548], %swap3A_551 {strides = array<i32>} : memref<8x2560xf32, #tpu.memory_space<vmem>>, vector<1x16xf32>,
        %shift_left3A_552 = arith.constant 23 : i32
        %shift_left3A_553 = vector.broadcast %shift_left3A_552 : i32 to vector<16xi32>
        %shift_left3A_554 = arith.shli %get3A_536, %shift_left3A_553 : vector<16xi32>
        %lt3A_555 = arith.constant 0 : i32
        %lt3A_556 = vector.broadcast %lt3A_555 : i32 to vector<16xi32>
        %lt3A_557 = arith.cmpi slt, %shift_left3A_554, %lt3A_556 : vector<16xi32>
        %get3A_558 = arith.constant 1 : i32
        %get3A_559 = arith.index_cast %get3A_558 : i32 to index
        %get3A_560 = arith.index_cast %mul3A_532 : i32 to index
        %get3A_561 = tpu.vector_load %arg5[%get3A_559, %get3A_560] {strides = array<i32>} : memref<8x2560xf32, #tpu.memory_space<vmem>>, vector<1x16xf32>,
        %get3A_562 = vector.shape_cast %get3A_561 : vector<1x16xf32> to vector<16xf32>
        %jit3A_563 = arith.constant 0.000000e+00 : f32
        %broadcast_in_dim3A_564 = vector.broadcast %jit3A_563 : f32 to vector<16xf32>
        %select_n3A_565 = arith.select %lt3A_557, %get3A_562, %broadcast_in_dim3A_564 : vector<16xi1>, vector<16xf32>
        %swap3A_566 = arith.constant 1 : i32
        %swap3A_567 = arith.index_cast %swap3A_566 : i32 to index
        %swap3A_568 = arith.index_cast %mul3A_532 : i32 to index
        %swap3A_569 = tpu.vector_load %arg5[%swap3A_567, %swap3A_568] {strides = array<i32>} : memref<8x2560xf32, #tpu.memory_space<vmem>>, vector<1x16xf32>,
        %swap3A_570 = vector.shape_cast %swap3A_569 : vector<1x16xf32> to vector<16xf32>
        %swap3A_571 = vector.shape_cast %select_n3A_565 : vector<16xf32> to vector<1x16xf32>
        tpu.vector_store %arg5[%swap3A_567, %swap3A_568], %swap3A_571 {strides = array<i32>} : memref<8x2560xf32, #tpu.memory_space<vmem>>, vector<1x16xf32>,
        %shift_left3A_572 = arith.constant 15 : i32
        %shift_left3A_573 = vector.broadcast %shift_left3A_572 : i32 to vector<16xi32>
        %shift_left3A_574 = arith.shli %get3A_536, %shift_left3A_573 : vector<16xi32>
        %lt3A_575 = arith.constant 0 : i32
        %lt3A_576 = vector.broadcast %lt3A_575 : i32 to vector<16xi32>
        %lt3A_577 = arith.cmpi slt, %shift_left3A_574, %lt3A_576 : vector<16xi32>
        %get3A_578 = arith.constant 2 : i32
        %get3A_579 = arith.index_cast %get3A_578 : i32 to index
        %get3A_580 = arith.index_cast %mul3A_532 : i32 to index
        %get3A_581 = tpu.vector_load %arg5[%get3A_579, %get3A_580] {strides = array<i32>} : memref<8x2560xf32, #tpu.memory_space<vmem>>, vector<1x16xf32>,
        %get3A_582 = vector.shape_cast %get3A_581 : vector<1x16xf32> to vector<16xf32>
        %jit3A_583 = arith.constant 0.000000e+00 : f32
        %broadcast_in_dim3A_584 = vector.broadcast %jit3A_583 : f32 to vector<16xf32>
        %select_n3A_585 = arith.select %lt3A_577, %get3A_582, %broadcast_in_dim3A_584 : vector<16xi1>, vector<16xf32>
        %swap3A_586 = arith.constant 2 : i32
        %swap3A_587 = arith.index_cast %swap3A_586 : i32 to index
        %swap3A_588 = arith.index_cast %mul3A_532 : i32 to index
        %swap3A_589 = tpu.vector_load %arg5[%swap3A_587, %swap3A_588] {strides = array<i32>} : memref<8x2560xf32, #tpu.memory_space<vmem>>, vector<1x16xf32>,
        %swap3A_590 = vector.shape_cast %swap3A_589 : vector<1x16xf32> to vector<16xf32>
        %swap3A_591 = vector.shape_cast %select_n3A_585 : vector<16xf32> to vector<1x16xf32>
        tpu.vector_store %arg5[%swap3A_587, %swap3A_588], %swap3A_591 {strides = array<i32>} : memref<8x2560xf32, #tpu.memory_space<vmem>>, vector<1x16xf32>,
        %shift_left3A_592 = arith.constant 7 : i32
        %shift_left3A_593 = vector.broadcast %shift_left3A_592 : i32 to vector<16xi32>
        %shift_left3A_594 = arith.shli %get3A_536, %shift_left3A_593 : vector<16xi32>
        %lt3A_595 = arith.constant 0 : i32
        %lt3A_596 = vector.broadcast %lt3A_595 : i32 to vector<16xi32>
        %lt3A_597 = arith.cmpi slt, %shift_left3A_594, %lt3A_596 : vector<16xi32>
        %get3A_598 = arith.constant 3 : i32
        %get3A_599 = arith.index_cast %get3A_598 : i32 to index
        %get3A_600 = arith.index_cast %mul3A_532 : i32 to index
        %get3A_601 = tpu.vector_load %arg5[%get3A_599, %get3A_600] {strides = array<i32>} : memref<8x2560xf32, #tpu.memory_space<vmem>>, vector<1x16xf32>,
        %get3A_602 = vector.shape_cast %get3A_601 : vector<1x16xf32> to vector<16xf32>
        %jit3A_603 = arith.constant 0.000000e+00 : f32
        %broadcast_in_dim3A_604 = vector.broadcast %jit3A_603 : f32 to vector<16xf32>
        %select_n3A_605 = arith.select %lt3A_597, %get3A_602, %broadcast_in_dim3A_604 : vector<16xi1>, vector<16xf32>
        %swap3A_606 = arith.constant 3 : i32
        %swap3A_607 = arith.index_cast %swap3A_606 : i32 to index
        %swap3A_608 = arith.index_cast %mul3A_532 : i32 to index
        %swap3A_609 = tpu.vector_load %arg5[%swap3A_607, %swap3A_608] {strides = array<i32>} : memref<8x2560xf32, #tpu.memory_space<vmem>>, vector<1x16xf32>,
        %swap3A_610 = vector.shape_cast %swap3A_609 : vector<1x16xf32> to vector<16xf32>
        %swap3A_611 = vector.shape_cast %select_n3A_605 : vector<16xf32> to vector<1x16xf32>
        tpu.vector_store %arg5[%swap3A_607, %swap3A_608], %swap3A_611 {strides = array<i32>} : memref<8x2560xf32, #tpu.memory_space<vmem>>, vector<1x16xf32>,
        %get3A_612 = arith.constant 5 : i32
        %get3A_613 = arith.index_cast %get3A_612 : i32 to index
        %get3A_614 = arith.index_cast %mul3A_532 : i32 to index
        %get3A_615 = tpu.vector_load %arg8[%get3A_613, %get3A_614] {strides = array<i32>} : memref<8x2560xi32, #tpu.memory_space<vmem>>, vector<1x16xi32>,
        %get3A_616 = vector.shape_cast %get3A_615 : vector<1x16xi32> to vector<16xi32>
        %shift_left3A_617 = arith.constant 31 : i32
        %shift_left3A_618 = vector.broadcast %shift_left3A_617 : i32 to vector<16xi32>
        %shift_left3A_619 = arith.shli %get3A_616, %shift_left3A_618 : vector<16xi32>
        %lt3A_620 = arith.constant 0 : i32
        %lt3A_621 = vector.broadcast %lt3A_620 : i32 to vector<16xi32>
        %lt3A_622 = arith.cmpi slt, %shift_left3A_619, %lt3A_621 : vector<16xi32>
        %get3A_623 = arith.constant 4 : i32
        %get3A_624 = arith.index_cast %get3A_623 : i32 to index
        %get3A_625 = arith.index_cast %mul3A_532 : i32 to index
        %get3A_626 = tpu.vector_load %arg5[%get3A_624, %get3A_625] {strides = array<i32>} : memref<8x2560xf32, #tpu.memory_space<vmem>>, vector<1x16xf32>,
        %get3A_627 = vector.shape_cast %get3A_626 : vector<1x16xf32> to vector<16xf32>
        %jit3A_628 = arith.constant 0.000000e+00 : f32
        %broadcast_in_dim3A_629 = vector.broadcast %jit3A_628 : f32 to vector<16xf32>
        %select_n3A_630 = arith.select %lt3A_622, %get3A_627, %broadcast_in_dim3A_629 : vector<16xi1>, vector<16xf32>
        %swap3A_631 = arith.constant 4 : i32
        %swap3A_632 = arith.index_cast %swap3A_631 : i32 to index
        %swap3A_633 = arith.index_cast %mul3A_532 : i32 to index
        %swap3A_634 = tpu.vector_load %arg5[%swap3A_632, %swap3A_633] {strides = array<i32>} : memref<8x2560xf32, #tpu.memory_space<vmem>>, vector<1x16xf32>,
        %swap3A_635 = vector.shape_cast %swap3A_634 : vector<1x16xf32> to vector<16xf32>
        %swap3A_636 = vector.shape_cast %select_n3A_630 : vector<16xf32> to vector<1x16xf32>
        tpu.vector_store %arg5[%swap3A_632, %swap3A_633], %swap3A_636 {strides = array<i32>} : memref<8x2560xf32, #tpu.memory_space<vmem>>, vector<1x16xf32>,
        %shift_left3A_637 = arith.constant 23 : i32
        %shift_left3A_638 = vector.broadcast %shift_left3A_637 : i32 to vector<16xi32>
        %shift_left3A_639 = arith.shli %get3A_616, %shift_left3A_638 : vector<16xi32>
        %lt3A_640 = arith.constant 0 : i32
        %lt3A_641 = vector.broadcast %lt3A_640 : i32 to vector<16xi32>
        %lt3A_642 = arith.cmpi slt, %shift_left3A_639, %lt3A_641 : vector<16xi32>
        %get3A_643 = arith.constant 5 : i32
        %get3A_644 = arith.index_cast %get3A_643 : i32 to index
        %get3A_645 = arith.index_cast %mul3A_532 : i32 to index
        %get3A_646 = tpu.vector_load %arg5[%get3A_644, %get3A_645] {strides = array<i32>} : memref<8x2560xf32, #tpu.memory_space<vmem>>, vector<1x16xf32>,
        %get3A_647 = vector.shape_cast %get3A_646 : vector<1x16xf32> to vector<16xf32>
        %jit3A_648 = arith.constant 0.000000e+00 : f32
        %broadcast_in_dim3A_649 = vector.broadcast %jit3A_648 : f32 to vector<16xf32>
        %select_n3A_650 = arith.select %lt3A_642, %get3A_647, %broadcast_in_dim3A_649 : vector<16xi1>, vector<16xf32>
        %swap3A_651 = arith.constant 5 : i32
        %swap3A_652 = arith.index_cast %swap3A_651 : i32 to index
        %swap3A_653 = arith.index_cast %mul3A_532 : i32 to index
        %swap3A_654 = tpu.vector_load %arg5[%swap3A_652, %swap3A_653] {strides = array<i32>} : memref<8x2560xf32, #tpu.memory_space<vmem>>, vector<1x16xf32>,
        %swap3A_655 = vector.shape_cast %swap3A_654 : vector<1x16xf32> to vector<16xf32>
        %swap3A_656 = vector.shape_cast %select_n3A_650 : vector<16xf32> to vector<1x16xf32>
        tpu.vector_store %arg5[%swap3A_652, %swap3A_653], %swap3A_656 {strides = array<i32>} : memref<8x2560xf32, #tpu.memory_space<vmem>>, vector<1x16xf32>,
        %shift_left3A_657 = arith.constant 15 : i32
        %shift_left3A_658 = vector.broadcast %shift_left3A_657 : i32 to vector<16xi32>
        %shift_left3A_659 = arith.shli %get3A_616, %shift_left3A_658 : vector<16xi32>
        %lt3A_660 = arith.constant 0 : i32
        %lt3A_661 = vector.broadcast %lt3A_660 : i32 to vector<16xi32>
        %lt3A_662 = arith.cmpi slt, %shift_left3A_659, %lt3A_661 : vector<16xi32>
        %get3A_663 = arith.constant 6 : i32
        %get3A_664 = arith.index_cast %get3A_663 : i32 to index
        %get3A_665 = arith.index_cast %mul3A_532 : i32 to index
        %get3A_666 = tpu.vector_load %arg5[%get3A_664, %get3A_665] {strides = array<i32>} : memref<8x2560xf32, #tpu.memory_space<vmem>>, vector<1x16xf32>,
        %get3A_667 = vector.shape_cast %get3A_666 : vector<1x16xf32> to vector<16xf32>
        %jit3A_668 = arith.constant 0.000000e+00 : f32
        %broadcast_in_dim3A_669 = vector.broadcast %jit3A_668 : f32 to vector<16xf32>
        %select_n3A_670 = arith.select %lt3A_662, %get3A_667, %broadcast_in_dim3A_669 : vector<16xi1>, vector<16xf32>
        %swap3A_671 = arith.constant 6 : i32
        %swap3A_672 = arith.index_cast %swap3A_671 : i32 to index
        %swap3A_673 = arith.index_cast %mul3A_532 : i32 to index
        %swap3A_674 = tpu.vector_load %arg5[%swap3A_672, %swap3A_673] {strides = array<i32>} : memref<8x2560xf32, #tpu.memory_space<vmem>>, vector<1x16xf32>,
        %swap3A_675 = vector.shape_cast %swap3A_674 : vector<1x16xf32> to vector<16xf32>
        %swap3A_676 = vector.shape_cast %select_n3A_670 : vector<16xf32> to vector<1x16xf32>
        tpu.vector_store %arg5[%swap3A_672, %swap3A_673], %swap3A_676 {strides = array<i32>} : memref<8x2560xf32, #tpu.memory_space<vmem>>, vector<1x16xf32>,
        %shift_left3A_677 = arith.constant 7 : i32
        %shift_left3A_678 = vector.broadcast %shift_left3A_677 : i32 to vector<16xi32>
        %shift_left3A_679 = arith.shli %get3A_616, %shift_left3A_678 : vector<16xi32>
        %lt3A_680 = arith.constant 0 : i32
        %lt3A_681 = vector.broadcast %lt3A_680 : i32 to vector<16xi32>
        %lt3A_682 = arith.cmpi slt, %shift_left3A_679, %lt3A_681 : vector<16xi32>
        %get3A_683 = arith.constant 7 : i32
        %get3A_684 = arith.index_cast %get3A_683 : i32 to index
        %get3A_685 = arith.index_cast %mul3A_532 : i32 to index
        %get3A_686 = tpu.vector_load %arg5[%get3A_684, %get3A_685] {strides = array<i32>} : memref<8x2560xf32, #tpu.memory_space<vmem>>, vector<1x16xf32>,
        %get3A_687 = vector.shape_cast %get3A_686 : vector<1x16xf32> to vector<16xf32>
        %jit3A_688 = arith.constant 0.000000e+00 : f32
        %broadcast_in_dim3A_689 = vector.broadcast %jit3A_688 : f32 to vector<16xf32>
        %select_n3A_690 = arith.select %lt3A_682, %get3A_687, %broadcast_in_dim3A_689 : vector<16xi1>, vector<16xf32>
        %swap3A_691 = arith.constant 7 : i32
        %swap3A_692 = arith.index_cast %swap3A_691 : i32 to index
        %swap3A_693 = arith.index_cast %mul3A_532 : i32 to index
        %swap3A_694 = tpu.vector_load %arg5[%swap3A_692, %swap3A_693] {strides = array<i32>} : memref<8x2560xf32, #tpu.memory_space<vmem>>, vector<1x16xf32>,
        %swap3A_695 = vector.shape_cast %swap3A_694 : vector<1x16xf32> to vector<16xf32>
        %swap3A_696 = vector.shape_cast %select_n3A_690 : vector<16xf32> to vector<1x16xf32>
        tpu.vector_store %arg5[%swap3A_692, %swap3A_693], %swap3A_696 {strides = array<i32>} : memref<8x2560xf32, #tpu.memory_space<vmem>>, vector<1x16xf32>,
        %scan3A_697 = arith.constant 1 : i32
        %scan3A_698 = arith.addi %scan3A_530, %scan3A_697 : i32
        %mul3A_699 = arith.constant 16 : i32
        %mul3A_700 = arith.muli %scan3A_698, %mul3A_699 : i32
        %get3A_701 = arith.constant 4 : i32
        %get3A_702 = arith.index_cast %get3A_701 : i32 to index
        %get3A_703 = arith.index_cast %mul3A_700 : i32 to index
        %get3A_704 = tpu.vector_load %arg8[%get3A_702, %get3A_703] {strides = array<i32>} : memref<8x2560xi32, #tpu.memory_space<vmem>>, vector<1x16xi32>,
        %get3A_705 = vector.shape_cast %get3A_704 : vector<1x16xi32> to vector<16xi32>
        %shift_left3A_706 = arith.constant 31 : i32
        %shift_left3A_707 = vector.broadcast %shift_left3A_706 : i32 to vector<16xi32>
        %shift_left3A_708 = arith.shli %get3A_705, %shift_left3A_707 : vector<16xi32>
        %lt3A_709 = arith.constant 0 : i32
        %lt3A_710 = vector.broadcast %lt3A_709 : i32 to vector<16xi32>
        %lt3A_711 = arith.cmpi slt, %shift_left3A_708, %lt3A_710 : vector<16xi32>
        %get3A_712 = arith.constant 0 : i32
        %get3A_713 = arith.index_cast %get3A_712 : i32 to index
        %get3A_714 = arith.index_cast %mul3A_700 : i32 to index
        %get3A_715 = tpu.vector_load %arg5[%get3A_713, %get3A_714] {strides = array<i32>} : memref<8x2560xf32, #tpu.memory_space<vmem>>, vector<1x16xf32>,
        %get3A_716 = vector.shape_cast %get3A_715 : vector<1x16xf32> to vector<16xf32>
        %jit3A_717 = arith.constant 0.000000e+00 : f32
        %broadcast_in_dim3A_718 = vector.broadcast %jit3A_717 : f32 to vector<16xf32>
        %select_n3A_719 = arith.select %lt3A_711, %get3A_716, %broadcast_in_dim3A_718 : vector<16xi1>, vector<16xf32>
        %swap3A_720 = arith.constant 0 : i32
        %swap3A_721 = arith.index_cast %swap3A_720 : i32 to index
        %swap3A_722 = arith.index_cast %mul3A_700 : i32 to index
        %swap3A_723 = tpu.vector_load %arg5[%swap3A_721, %swap3A_722] {strides = array<i32>} : memref<8x2560xf32, #tpu.memory_space<vmem>>, vector<1x16xf32>,
        %swap3A_724 = vector.shape_cast %swap3A_723 : vector<1x16xf32> to vector<16xf32>
        %swap3A_725 = vector.shape_cast %select_n3A_719 : vector<16xf32> to vector<1x16xf32>
        tpu.vector_store %arg5[%swap3A_721, %swap3A_722], %swap3A_725 {strides = array<i32>} : memref<8x2560xf32, #tpu.memory_space<vmem>>, vector<1x16xf32>,
        %shift_left3A_726 = arith.constant 23 : i32
        %shift_left3A_727 = vector.broadcast %shift_left3A_726 : i32 to vector<16xi32>
        %shift_left3A_728 = arith.shli %get3A_705, %shift_left3A_727 : vector<16xi32>
        %lt3A_729 = arith.constant 0 : i32
        %lt3A_730 = vector.broadcast %lt3A_729 : i32 to vector<16xi32>
        %lt3A_731 = arith.cmpi slt, %shift_left3A_728, %lt3A_730 : vector<16xi32>
        %get3A_732 = arith.constant 1 : i32
        %get3A_733 = arith.index_cast %get3A_732 : i32 to index
        %get3A_734 = arith.index_cast %mul3A_700 : i32 to index
        %get3A_735 = tpu.vector_load %arg5[%get3A_733, %get3A_734] {strides = array<i32>} : memref<8x2560xf32, #tpu.memory_space<vmem>>, vector<1x16xf32>,
        %get3A_736 = vector.shape_cast %get3A_735 : vector<1x16xf32> to vector<16xf32>
        %jit3A_737 = arith.constant 0.000000e+00 : f32
        %broadcast_in_dim3A_738 = vector.broadcast %jit3A_737 : f32 to vector<16xf32>
        %select_n3A_739 = arith.select %lt3A_731, %get3A_736, %broadcast_in_dim3A_738 : vector<16xi1>, vector<16xf32>
        %swap3A_740 = arith.constant 1 : i32
        %swap3A_741 = arith.index_cast %swap3A_740 : i32 to index
        %swap3A_742 = arith.index_cast %mul3A_700 : i32 to index
        %swap3A_743 = tpu.vector_load %arg5[%swap3A_741, %swap3A_742] {strides = array<i32>} : memref<8x2560xf32, #tpu.memory_space<vmem>>, vector<1x16xf32>,
        %swap3A_744 = vector.shape_cast %swap3A_743 : vector<1x16xf32> to vector<16xf32>
        %swap3A_745 = vector.shape_cast %select_n3A_739 : vector<16xf32> to vector<1x16xf32>
        tpu.vector_store %arg5[%swap3A_741, %swap3A_742], %swap3A_745 {strides = array<i32>} : memref<8x2560xf32, #tpu.memory_space<vmem>>, vector<1x16xf32>,
        %shift_left3A_746 = arith.constant 15 : i32
        %shift_left3A_747 = vector.broadcast %shift_left3A_746 : i32 to vector<16xi32>
        %shift_left3A_748 = arith.shli %get3A_705, %shift_left3A_747 : vector<16xi32>
        %lt3A_749 = arith.constant 0 : i32
        %lt3A_750 = vector.broadcast %lt3A_749 : i32 to vector<16xi32>
        %lt3A_751 = arith.cmpi slt, %shift_left3A_748, %lt3A_750 : vector<16xi32>
        %get3A_752 = arith.constant 2 : i32
        %get3A_753 = arith.index_cast %get3A_752 : i32 to index
        %get3A_754 = arith.index_cast %mul3A_700 : i32 to index
        %get3A_755 = tpu.vector_load %arg5[%get3A_753, %get3A_754] {strides = array<i32>} : memref<8x2560xf32, #tpu.memory_space<vmem>>, vector<1x16xf32>,
        %get3A_756 = vector.shape_cast %get3A_755 : vector<1x16xf32> to vector<16xf32>
        %jit3A_757 = arith.constant 0.000000e+00 : f32
        %broadcast_in_dim3A_758 = vector.broadcast %jit3A_757 : f32 to vector<16xf32>
        %select_n3A_759 = arith.select %lt3A_751, %get3A_756, %broadcast_in_dim3A_758 : vector<16xi1>, vector<16xf32>
        %swap3A_760 = arith.constant 2 : i32
        %swap3A_761 = arith.index_cast %swap3A_760 : i32 to index
        %swap3A_762 = arith.index_cast %mul3A_700 : i32 to index
        %swap3A_763 = tpu.vector_load %arg5[%swap3A_761, %swap3A_762] {strides = array<i32>} : memref<8x2560xf32, #tpu.memory_space<vmem>>, vector<1x16xf32>,
        %swap3A_764 = vector.shape_cast %swap3A_763 : vector<1x16xf32> to vector<16xf32>
        %swap3A_765 = vector.shape_cast %select_n3A_759 : vector<16xf32> to vector<1x16xf32>
        tpu.vector_store %arg5[%swap3A_761, %swap3A_762], %swap3A_765 {strides = array<i32>} : memref<8x2560xf32, #tpu.memory_space<vmem>>, vector<1x16xf32>,
        %shift_left3A_766 = arith.constant 7 : i32
        %shift_left3A_767 = vector.broadcast %shift_left3A_766 : i32 to vector<16xi32>
        %shift_left3A_768 = arith.shli %get3A_705, %shift_left3A_767 : vector<16xi32>
        %lt3A_769 = arith.constant 0 : i32
        %lt3A_770 = vector.broadcast %lt3A_769 : i32 to vector<16xi32>
        %lt3A_771 = arith.cmpi slt, %shift_left3A_768, %lt3A_770 : vector<16xi32>
        %get3A_772 = arith.constant 3 : i32
        %get3A_773 = arith.index_cast %get3A_772 : i32 to index
        %get3A_774 = arith.index_cast %mul3A_700 : i32 to index
        %get3A_775 = tpu.vector_load %arg5[%get3A_773, %get3A_774] {strides = array<i32>} : memref<8x2560xf32, #tpu.memory_space<vmem>>, vector<1x16xf32>,
        %get3A_776 = vector.shape_cast %get3A_775 : vector<1x16xf32> to vector<16xf32>
        %jit3A_777 = arith.constant 0.000000e+00 : f32
        %broadcast_in_dim3A_778 = vector.broadcast %jit3A_777 : f32 to vector<16xf32>
        %select_n3A_779 = arith.select %lt3A_771, %get3A_776, %broadcast_in_dim3A_778 : vector<16xi1>, vector<16xf32>
        %swap3A_780 = arith.constant 3 : i32
        %swap3A_781 = arith.index_cast %swap3A_780 : i32 to index
        %swap3A_782 = arith.index_cast %mul3A_700 : i32 to index
        %swap3A_783 = tpu.vector_load %arg5[%swap3A_781, %swap3A_782] {strides = array<i32>} : memref<8x2560xf32, #tpu.memory_space<vmem>>, vector<1x16xf32>,
        %swap3A_784 = vector.shape_cast %swap3A_783 : vector<1x16xf32> to vector<16xf32>
        %swap3A_785 = vector.shape_cast %select_n3A_779 : vector<16xf32> to vector<1x16xf32>
        tpu.vector_store %arg5[%swap3A_781, %swap3A_782], %swap3A_785 {strides = array<i32>} : memref<8x2560xf32, #tpu.memory_space<vmem>>, vector<1x16xf32>,
        %get3A_786 = arith.constant 5 : i32
        %get3A_787 = arith.index_cast %get3A_786 : i32 to index
        %get3A_788 = arith.index_cast %mul3A_700 : i32 to index
        %get3A_789 = tpu.vector_load %arg8[%get3A_787, %get3A_788] {strides = array<i32>} : memref<8x2560xi32, #tpu.memory_space<vmem>>, vector<1x16xi32>,
        %get3A_790 = vector.shape_cast %get3A_789 : vector<1x16xi32> to vector<16xi32>
        %shift_left3A_791 = arith.constant 31 : i32
        %shift_left3A_792 = vector.broadcast %shift_left3A_791 : i32 to vector<16xi32>
        %shift_left3A_793 = arith.shli %get3A_790, %shift_left3A_792 : vector<16xi32>
        %lt3A_794 = arith.constant 0 : i32
        %lt3A_795 = vector.broadcast %lt3A_794 : i32 to vector<16xi32>
        %lt3A_796 = arith.cmpi slt, %shift_left3A_793, %lt3A_795 : vector<16xi32>
        %get3A_797 = arith.constant 4 : i32
        %get3A_798 = arith.index_cast %get3A_797 : i32 to index
        %get3A_799 = arith.index_cast %mul3A_700 : i32 to index
        %get3A_800 = tpu.vector_load %arg5[%get3A_798, %get3A_799] {strides = array<i32>} : memref<8x2560xf32, #tpu.memory_space<vmem>>, vector<1x16xf32>,
        %get3A_801 = vector.shape_cast %get3A_800 : vector<1x16xf32> to vector<16xf32>
        %jit3A_802 = arith.constant 0.000000e+00 : f32
        %broadcast_in_dim3A_803 = vector.broadcast %jit3A_802 : f32 to vector<16xf32>
        %select_n3A_804 = arith.select %lt3A_796, %get3A_801, %broadcast_in_dim3A_803 : vector<16xi1>, vector<16xf32>
        %swap3A_805 = arith.constant 4 : i32
        %swap3A_806 = arith.index_cast %swap3A_805 : i32 to index
        %swap3A_807 = arith.index_cast %mul3A_700 : i32 to index
        %swap3A_808 = tpu.vector_load %arg5[%swap3A_806, %swap3A_807] {strides = array<i32>} : memref<8x2560xf32, #tpu.memory_space<vmem>>, vector<1x16xf32>,
        %swap3A_809 = vector.shape_cast %swap3A_808 : vector<1x16xf32> to vector<16xf32>
        %swap3A_810 = vector.shape_cast %select_n3A_804 : vector<16xf32> to vector<1x16xf32>
        tpu.vector_store %arg5[%swap3A_806, %swap3A_807], %swap3A_810 {strides = array<i32>} : memref<8x2560xf32, #tpu.memory_space<vmem>>, vector<1x16xf32>,
        %shift_left3A_811 = arith.constant 23 : i32
        %shift_left3A_812 = vector.broadcast %shift_left3A_811 : i32 to vector<16xi32>
        %shift_left3A_813 = arith.shli %get3A_790, %shift_left3A_812 : vector<16xi32>
        %lt3A_814 = arith.constant 0 : i32
        %lt3A_815 = vector.broadcast %lt3A_814 : i32 to vector<16xi32>
        %lt3A_816 = arith.cmpi slt, %shift_left3A_813, %lt3A_815 : vector<16xi32>
        %get3A_817 = arith.constant 5 : i32
        %get3A_818 = arith.index_cast %get3A_817 : i32 to index
        %get3A_819 = arith.index_cast %mul3A_700 : i32 to index
        %get3A_820 = tpu.vector_load %arg5[%get3A_818, %get3A_819] {strides = array<i32>} : memref<8x2560xf32, #tpu.memory_space<vmem>>, vector<1x16xf32>,
        %get3A_821 = vector.shape_cast %get3A_820 : vector<1x16xf32> to vector<16xf32>
        %jit3A_822 = arith.constant 0.000000e+00 : f32
        %broadcast_in_dim3A_823 = vector.broadcast %jit3A_822 : f32 to vector<16xf32>
        %select_n3A_824 = arith.select %lt3A_816, %get3A_821, %broadcast_in_dim3A_823 : vector<16xi1>, vector<16xf32>
        %swap3A_825 = arith.constant 5 : i32
        %swap3A_826 = arith.index_cast %swap3A_825 : i32 to index
        %swap3A_827 = arith.index_cast %mul3A_700 : i32 to index
        %swap3A_828 = tpu.vector_load %arg5[%swap3A_826, %swap3A_827] {strides = array<i32>} : memref<8x2560xf32, #tpu.memory_space<vmem>>, vector<1x16xf32>,
        %swap3A_829 = vector.shape_cast %swap3A_828 : vector<1x16xf32> to vector<16xf32>
        %swap3A_830 = vector.shape_cast %select_n3A_824 : vector<16xf32> to vector<1x16xf32>
        tpu.vector_store %arg5[%swap3A_826, %swap3A_827], %swap3A_830 {strides = array<i32>} : memref<8x2560xf32, #tpu.memory_space<vmem>>, vector<1x16xf32>,
        %shift_left3A_831 = arith.constant 15 : i32
        %shift_left3A_832 = vector.broadcast %shift_left3A_831 : i32 to vector<16xi32>
        %shift_left3A_833 = arith.shli %get3A_790, %shift_left3A_832 : vector<16xi32>
        %lt3A_834 = arith.constant 0 : i32
        %lt3A_835 = vector.broadcast %lt3A_834 : i32 to vector<16xi32>
        %lt3A_836 = arith.cmpi slt, %shift_left3A_833, %lt3A_835 : vector<16xi32>
        %get3A_837 = arith.constant 6 : i32
        %get3A_838 = arith.index_cast %get3A_837 : i32 to index
        %get3A_839 = arith.index_cast %mul3A_700 : i32 to index
        %get3A_840 = tpu.vector_load %arg5[%get3A_838, %get3A_839] {strides = array<i32>} : memref<8x2560xf32, #tpu.memory_space<vmem>>, vector<1x16xf32>,
        %get3A_841 = vector.shape_cast %get3A_840 : vector<1x16xf32> to vector<16xf32>
        %jit3A_842 = arith.constant 0.000000e+00 : f32
        %broadcast_in_dim3A_843 = vector.broadcast %jit3A_842 : f32 to vector<16xf32>
        %select_n3A_844 = arith.select %lt3A_836, %get3A_841, %broadcast_in_dim3A_843 : vector<16xi1>, vector<16xf32>
        %swap3A_845 = arith.constant 6 : i32
        %swap3A_846 = arith.index_cast %swap3A_845 : i32 to index
        %swap3A_847 = arith.index_cast %mul3A_700 : i32 to index
        %swap3A_848 = tpu.vector_load %arg5[%swap3A_846, %swap3A_847] {strides = array<i32>} : memref<8x2560xf32, #tpu.memory_space<vmem>>, vector<1x16xf32>,
        %swap3A_849 = vector.shape_cast %swap3A_848 : vector<1x16xf32> to vector<16xf32>
        %swap3A_850 = vector.shape_cast %select_n3A_844 : vector<16xf32> to vector<1x16xf32>
        tpu.vector_store %arg5[%swap3A_846, %swap3A_847], %swap3A_850 {strides = array<i32>} : memref<8x2560xf32, #tpu.memory_space<vmem>>, vector<1x16xf32>,
        %shift_left3A_851 = arith.constant 7 : i32
        %shift_left3A_852 = vector.broadcast %shift_left3A_851 : i32 to vector<16xi32>
        %shift_left3A_853 = arith.shli %get3A_790, %shift_left3A_852 : vector<16xi32>
        %lt3A_854 = arith.constant 0 : i32
        %lt3A_855 = vector.broadcast %lt3A_854 : i32 to vector<16xi32>
        %lt3A_856 = arith.cmpi slt, %shift_left3A_853, %lt3A_855 : vector<16xi32>
        %get3A_857 = arith.constant 7 : i32
        %get3A_858 = arith.index_cast %get3A_857 : i32 to index
        %get3A_859 = arith.index_cast %mul3A_700 : i32 to index
        %get3A_860 = tpu.vector_load %arg5[%get3A_858, %get3A_859] {strides = array<i32>} : memref<8x2560xf32, #tpu.memory_space<vmem>>, vector<1x16xf32>,
        %get3A_861 = vector.shape_cast %get3A_860 : vector<1x16xf32> to vector<16xf32>
        %jit3A_862 = arith.constant 0.000000e+00 : f32
        %broadcast_in_dim3A_863 = vector.broadcast %jit3A_862 : f32 to vector<16xf32>
        %select_n3A_864 = arith.select %lt3A_856, %get3A_861, %broadcast_in_dim3A_863 : vector<16xi1>, vector<16xf32>
        %swap3A_865 = arith.constant 7 : i32
        %swap3A_866 = arith.index_cast %swap3A_865 : i32 to index
        %swap3A_867 = arith.index_cast %mul3A_700 : i32 to index
        %swap3A_868 = tpu.vector_load %arg5[%swap3A_866, %swap3A_867] {strides = array<i32>} : memref<8x2560xf32, #tpu.memory_space<vmem>>, vector<1x16xf32>,
        %swap3A_869 = vector.shape_cast %swap3A_868 : vector<1x16xf32> to vector<16xf32>
        %swap3A_870 = vector.shape_cast %select_n3A_864 : vector<16xf32> to vector<1x16xf32>
        tpu.vector_store %arg5[%swap3A_866, %swap3A_867], %swap3A_870 {strides = array<i32>} : memref<8x2560xf32, #tpu.memory_space<vmem>>, vector<1x16xf32>,
      }
      %scan3A_494 = arith.constant 160 : i32
      %add3A_495 = arith.constant 16 : i32
      %add3A_496 = arith.addi %multiple_of3A, %add3A_495 : i32
      %multiple_of3A_497 = tpu.assume_multiple %add3A_496, 8 : i32
      %mul3A_498 = arith.constant 2560 : i32
      %mul3A_499 = arith.muli %add3A_314, %mul3A_498 : i32
      %multiple_of3A_500 = tpu.assume_multiple %mul3A_499, 128 : i32
      %dma_start3A_501 = tpu.memref_slice %arg4[%multiple_of3A_497, %multiple_of3A_500] : memref<1024x100000xf32, #tpu.memory_space<hbm>> -> memref<8x2560xf32, #tpu.memory_space<hbm>>
      %dma_start3A_502 = tpu.memref_slice %arg4[%multiple_of3A_497, %multiple_of3A_500] : memref<1024x100000xf32, #tpu.memory_space<hbm>> -> memref<8x2560xf32, #tpu.memory_space<hbm>>
      tpu.enqueue_dma source(%arg5 : memref<8x2560xf32, #tpu.memory_space<vmem>>) target(%dma_start3A_502 : memref<8x2560xf32, #tpu.memory_space<hbm>>) target_semaphore(%arg13 : memref<!tpu.dma_semaphore, #tpu.memory_space<semaphore_mem>>)
      %add3A_503 = arith.constant 1 : i32
      %add3A_504 = arith.addi %add3A_314, %add3A_503 : i32
      %lt3A_505 = arith.constant 38 : i32
      %lt3A_506 = arith.cmpi slt, %add3A_504, %lt3A_505 : i32
      %convert_element_type3A_507 = arith.extui %lt3A_506 : i1 to i32
      %cond3A_508 = arith.constant 0 : i32
      %cond3A_509 = arith.cmpi ne, %convert_element_type3A_507, %cond3A_508 : i32
      scf.if %cond3A_509 {
        %dma_wait3A_530 = arith.constant 0 : i32
        %dma_wait3A_531 = arith.constant 0 : i32
        %dma_wait3A_532 = tpu.memref_slice %arg4[%dma_wait3A_530, %dma_wait3A_531] : memref<1024x100000xf32, #tpu.memory_space<hbm>> -> memref<8x2560xf32, #tpu.memory_space<hbm>>
        %dma_wait3A_533 = arith.constant 0 : i32
        %dma_wait3A_534 = arith.constant 0 : i32
        %dma_wait3A_535 = tpu.memref_slice %arg4[%dma_wait3A_533, %dma_wait3A_534] : memref<1024x100000xf32, #tpu.memory_space<hbm>> -> memref<8x2560xf32, #tpu.memory_space<hbm>>
        tpu.wait_dma2 semaphore(%arg13 : memref<!tpu.dma_semaphore, #tpu.memory_space<semaphore_mem>>) src(%arg5 : memref<8x2560xf32, #tpu.memory_space<vmem>>) dst(%dma_wait3A_535 : memref<8x2560xf32, #tpu.memory_space<hbm>>)
        %add3A_536 = arith.constant 1 : i32
        %add3A_537 = arith.addi %add3A_314, %add3A_536 : i32
        %add3A_538 = arith.constant 0 : i32
        %add3A_539 = arith.addi %multiple_of3A, %add3A_538 : i32
        %multiple_of3A_540 = tpu.assume_multiple %add3A_539, 8 : i32
        %mul3A_541 = arith.constant 2560 : i32
        %mul3A_542 = arith.muli %add3A_537, %mul3A_541 : i32
        %multiple_of3A_543 = tpu.assume_multiple %mul3A_542, 128 : i32
        %dma_start3A_544 = tpu.memref_slice %arg2[%multiple_of3A_540, %multiple_of3A_543] : memref<1024x100000xf32, #tpu.memory_space<hbm>> -> memref<8x2560xf32, #tpu.memory_space<hbm>>
        %dma_start3A_545 = tpu.memref_slice %arg2[%multiple_of3A_540, %multiple_of3A_543] : memref<1024x100000xf32, #tpu.memory_space<hbm>> -> memref<8x2560xf32, #tpu.memory_space<hbm>>
        tpu.enqueue_dma source(%dma_start3A_545 : memref<8x2560xf32, #tpu.memory_space<hbm>>) target(%arg5 : memref<8x2560xf32, #tpu.memory_space<vmem>>) target_semaphore(%arg9 : memref<!tpu.dma_semaphore, #tpu.memory_space<semaphore_mem>>)
      } else {
      }
      %dma_wait3A_510 = arith.constant 0 : i32
      %dma_wait3A_511 = arith.constant 0 : i32
      %dma_wait3A_512 = tpu.memref_slice %arg2[%dma_wait3A_510, %dma_wait3A_511] : memref<1024x100000xf32, #tpu.memory_space<hbm>> -> memref<8x2560xf32, #tpu.memory_space<hbm>>
      %dma_wait3A_513 = arith.constant 0 : i32
      %dma_wait3A_514 = arith.constant 0 : i32
      %dma_wait3A_515 = tpu.memref_slice %arg2[%dma_wait3A_513, %dma_wait3A_514] : memref<1024x100000xf32, #tpu.memory_space<hbm>> -> memref<8x2560xf32, #tpu.memory_space<hbm>>
      tpu.wait_dma2 semaphore(%arg10 : memref<!tpu.dma_semaphore, #tpu.memory_space<semaphore_mem>>) src(%dma_wait3A_515 : memref<8x2560xf32, #tpu.memory_space<hbm>>) dst(%arg6 : memref<8x2560xf32, #tpu.memory_space<vmem>>)
      %scan3A_516 = arith.constant 0 : i32
      %scan3A_517 = arith.constant 0 : i32
      %scan3A_518 = arith.constant 160 : i32
      %scan3A_519 = arith.addi %scan3A_517, %scan3A_518 : i32
      %scan3A_520 = arith.constant 2 : i32
      scf.for %scan3A_530 = %scan3A_517 to %scan3A_519 step %scan3A_520  : i32 {
        %mul3A_531 = arith.constant 16 : i32
        %mul3A_532 = arith.muli %scan3A_530, %mul3A_531 : i32
        %get3A = arith.constant 6 : i32
        %get3A_533 = arith.index_cast %get3A : i32 to index
        %get3A_534 = arith.index_cast %mul3A_532 : i32 to index
        %get3A_535 = tpu.vector_load %arg8[%get3A_533, %get3A_534] {strides = array<i32>} : memref<8x2560xi32, #tpu.memory_space<vmem>>, vector<1x16xi32>,
        %get3A_536 = vector.shape_cast %get3A_535 : vector<1x16xi32> to vector<16xi32>
        %shift_left3A = arith.constant 31 : i32
        %shift_left3A_537 = vector.broadcast %shift_left3A : i32 to vector<16xi32>
        %shift_left3A_538 = arith.shli %get3A_536, %shift_left3A_537 : vector<16xi32>
        %lt3A_539 = arith.constant 0 : i32
        %lt3A_540 = vector.broadcast %lt3A_539 : i32 to vector<16xi32>
        %lt3A_541 = arith.cmpi slt, %shift_left3A_538, %lt3A_540 : vector<16xi32>
        %get3A_542 = arith.constant 0 : i32
        %get3A_543 = arith.index_cast %get3A_542 : i32 to index
        %get3A_544 = arith.index_cast %mul3A_532 : i32 to index
        %get3A_545 = tpu.vector_load %arg6[%get3A_543, %get3A_544] {strides = array<i32>} : memref<8x2560xf32, #tpu.memory_space<vmem>>, vector<1x16xf32>,
        %get3A_546 = vector.shape_cast %get3A_545 : vector<1x16xf32> to vector<16xf32>
        %jit3A = arith.constant 0.000000e+00 : f32
        %broadcast_in_dim3A = vector.broadcast %jit3A : f32 to vector<16xf32>
        %select_n3A = arith.select %lt3A_541, %get3A_546, %broadcast_in_dim3A : vector<16xi1>, vector<16xf32>
        %swap3A = arith.constant 0 : i32
        %swap3A_547 = arith.index_cast %swap3A : i32 to index
        %swap3A_548 = arith.index_cast %mul3A_532 : i32 to index
        %swap3A_549 = tpu.vector_load %arg6[%swap3A_547, %swap3A_548] {strides = array<i32>} : memref<8x2560xf32, #tpu.memory_space<vmem>>, vector<1x16xf32>,
        %swap3A_550 = vector.shape_cast %swap3A_549 : vector<1x16xf32> to vector<16xf32>
        %swap3A_551 = vector.shape_cast %select_n3A : vector<16xf32> to vector<1x16xf32>
        tpu.vector_store %arg6[%swap3A_547, %swap3A_548], %swap3A_551 {strides = array<i32>} : memref<8x2560xf32, #tpu.memory_space<vmem>>, vector<1x16xf32>,
        %shift_left3A_552 = arith.constant 23 : i32
        %shift_left3A_553 = vector.broadcast %shift_left3A_552 : i32 to vector<16xi32>
        %shift_left3A_554 = arith.shli %get3A_536, %shift_left3A_553 : vector<16xi32>
        %lt3A_555 = arith.constant 0 : i32
        %lt3A_556 = vector.broadcast %lt3A_555 : i32 to vector<16xi32>
        %lt3A_557 = arith.cmpi slt, %shift_left3A_554, %lt3A_556 : vector<16xi32>
        %get3A_558 = arith.constant 1 : i32
        %get3A_559 = arith.index_cast %get3A_558 : i32 to index
        %get3A_560 = arith.index_cast %mul3A_532 : i32 to index
        %get3A_561 = tpu.vector_load %arg6[%get3A_559, %get3A_560] {strides = array<i32>} : memref<8x2560xf32, #tpu.memory_space<vmem>>, vector<1x16xf32>,
        %get3A_562 = vector.shape_cast %get3A_561 : vector<1x16xf32> to vector<16xf32>
        %jit3A_563 = arith.constant 0.000000e+00 : f32
        %broadcast_in_dim3A_564 = vector.broadcast %jit3A_563 : f32 to vector<16xf32>
        %select_n3A_565 = arith.select %lt3A_557, %get3A_562, %broadcast_in_dim3A_564 : vector<16xi1>, vector<16xf32>
        %swap3A_566 = arith.constant 1 : i32
        %swap3A_567 = arith.index_cast %swap3A_566 : i32 to index
        %swap3A_568 = arith.index_cast %mul3A_532 : i32 to index
        %swap3A_569 = tpu.vector_load %arg6[%swap3A_567, %swap3A_568] {strides = array<i32>} : memref<8x2560xf32, #tpu.memory_space<vmem>>, vector<1x16xf32>,
        %swap3A_570 = vector.shape_cast %swap3A_569 : vector<1x16xf32> to vector<16xf32>
        %swap3A_571 = vector.shape_cast %select_n3A_565 : vector<16xf32> to vector<1x16xf32>
        tpu.vector_store %arg6[%swap3A_567, %swap3A_568], %swap3A_571 {strides = array<i32>} : memref<8x2560xf32, #tpu.memory_space<vmem>>, vector<1x16xf32>,
        %shift_left3A_572 = arith.constant 15 : i32
        %shift_left3A_573 = vector.broadcast %shift_left3A_572 : i32 to vector<16xi32>
        %shift_left3A_574 = arith.shli %get3A_536, %shift_left3A_573 : vector<16xi32>
        %lt3A_575 = arith.constant 0 : i32
        %lt3A_576 = vector.broadcast %lt3A_575 : i32 to vector<16xi32>
        %lt3A_577 = arith.cmpi slt, %shift_left3A_574, %lt3A_576 : vector<16xi32>
        %get3A_578 = arith.constant 2 : i32
        %get3A_579 = arith.index_cast %get3A_578 : i32 to index
        %get3A_580 = arith.index_cast %mul3A_532 : i32 to index
        %get3A_581 = tpu.vector_load %arg6[%get3A_579, %get3A_580] {strides = array<i32>} : memref<8x2560xf32, #tpu.memory_space<vmem>>, vector<1x16xf32>,
        %get3A_582 = vector.shape_cast %get3A_581 : vector<1x16xf32> to vector<16xf32>
        %jit3A_583 = arith.constant 0.000000e+00 : f32
        %broadcast_in_dim3A_584 = vector.broadcast %jit3A_583 : f32 to vector<16xf32>
        %select_n3A_585 = arith.select %lt3A_577, %get3A_582, %broadcast_in_dim3A_584 : vector<16xi1>, vector<16xf32>
        %swap3A_586 = arith.constant 2 : i32
        %swap3A_587 = arith.index_cast %swap3A_586 : i32 to index
        %swap3A_588 = arith.index_cast %mul3A_532 : i32 to index
        %swap3A_589 = tpu.vector_load %arg6[%swap3A_587, %swap3A_588] {strides = array<i32>} : memref<8x2560xf32, #tpu.memory_space<vmem>>, vector<1x16xf32>,
        %swap3A_590 = vector.shape_cast %swap3A_589 : vector<1x16xf32> to vector<16xf32>
        %swap3A_591 = vector.shape_cast %select_n3A_585 : vector<16xf32> to vector<1x16xf32>
        tpu.vector_store %arg6[%swap3A_587, %swap3A_588], %swap3A_591 {strides = array<i32>} : memref<8x2560xf32, #tpu.memory_space<vmem>>, vector<1x16xf32>,
        %shift_left3A_592 = arith.constant 7 : i32
        %shift_left3A_593 = vector.broadcast %shift_left3A_592 : i32 to vector<16xi32>
        %shift_left3A_594 = arith.shli %get3A_536, %shift_left3A_593 : vector<16xi32>
        %lt3A_595 = arith.constant 0 : i32
        %lt3A_596 = vector.broadcast %lt3A_595 : i32 to vector<16xi32>
        %lt3A_597 = arith.cmpi slt, %shift_left3A_594, %lt3A_596 : vector<16xi32>
        %get3A_598 = arith.constant 3 : i32
        %get3A_599 = arith.index_cast %get3A_598 : i32 to index
        %get3A_600 = arith.index_cast %mul3A_532 : i32 to index
        %get3A_601 = tpu.vector_load %arg6[%get3A_599, %get3A_600] {strides = array<i32>} : memref<8x2560xf32, #tpu.memory_space<vmem>>, vector<1x16xf32>,
        %get3A_602 = vector.shape_cast %get3A_601 : vector<1x16xf32> to vector<16xf32>
        %jit3A_603 = arith.constant 0.000000e+00 : f32
        %broadcast_in_dim3A_604 = vector.broadcast %jit3A_603 : f32 to vector<16xf32>
        %select_n3A_605 = arith.select %lt3A_597, %get3A_602, %broadcast_in_dim3A_604 : vector<16xi1>, vector<16xf32>
        %swap3A_606 = arith.constant 3 : i32
        %swap3A_607 = arith.index_cast %swap3A_606 : i32 to index
        %swap3A_608 = arith.index_cast %mul3A_532 : i32 to index
        %swap3A_609 = tpu.vector_load %arg6[%swap3A_607, %swap3A_608] {strides = array<i32>} : memref<8x2560xf32, #tpu.memory_space<vmem>>, vector<1x16xf32>,
        %swap3A_610 = vector.shape_cast %swap3A_609 : vector<1x16xf32> to vector<16xf32>
        %swap3A_611 = vector.shape_cast %select_n3A_605 : vector<16xf32> to vector<1x16xf32>
        tpu.vector_store %arg6[%swap3A_607, %swap3A_608], %swap3A_611 {strides = array<i32>} : memref<8x2560xf32, #tpu.memory_space<vmem>>, vector<1x16xf32>,
        %get3A_612 = arith.constant 7 : i32
        %get3A_613 = arith.index_cast %get3A_612 : i32 to index
        %get3A_614 = arith.index_cast %mul3A_532 : i32 to index
        %get3A_615 = tpu.vector_load %arg8[%get3A_613, %get3A_614] {strides = array<i32>} : memref<8x2560xi32, #tpu.memory_space<vmem>>, vector<1x16xi32>,
        %get3A_616 = vector.shape_cast %get3A_615 : vector<1x16xi32> to vector<16xi32>
        %shift_left3A_617 = arith.constant 31 : i32
        %shift_left3A_618 = vector.broadcast %shift_left3A_617 : i32 to vector<16xi32>
        %shift_left3A_619 = arith.shli %get3A_616, %shift_left3A_618 : vector<16xi32>
        %lt3A_620 = arith.constant 0 : i32
        %lt3A_621 = vector.broadcast %lt3A_620 : i32 to vector<16xi32>
        %lt3A_622 = arith.cmpi slt, %shift_left3A_619, %lt3A_621 : vector<16xi32>
        %get3A_623 = arith.constant 4 : i32
        %get3A_624 = arith.index_cast %get3A_623 : i32 to index
        %get3A_625 = arith.index_cast %mul3A_532 : i32 to index
        %get3A_626 = tpu.vector_load %arg6[%get3A_624, %get3A_625] {strides = array<i32>} : memref<8x2560xf32, #tpu.memory_space<vmem>>, vector<1x16xf32>,
        %get3A_627 = vector.shape_cast %get3A_626 : vector<1x16xf32> to vector<16xf32>
        %jit3A_628 = arith.constant 0.000000e+00 : f32
        %broadcast_in_dim3A_629 = vector.broadcast %jit3A_628 : f32 to vector<16xf32>
        %select_n3A_630 = arith.select %lt3A_622, %get3A_627, %broadcast_in_dim3A_629 : vector<16xi1>, vector<16xf32>
        %swap3A_631 = arith.constant 4 : i32
        %swap3A_632 = arith.index_cast %swap3A_631 : i32 to index
        %swap3A_633 = arith.index_cast %mul3A_532 : i32 to index
        %swap3A_634 = tpu.vector_load %arg6[%swap3A_632, %swap3A_633] {strides = array<i32>} : memref<8x2560xf32, #tpu.memory_space<vmem>>, vector<1x16xf32>,
        %swap3A_635 = vector.shape_cast %swap3A_634 : vector<1x16xf32> to vector<16xf32>
        %swap3A_636 = vector.shape_cast %select_n3A_630 : vector<16xf32> to vector<1x16xf32>
        tpu.vector_store %arg6[%swap3A_632, %swap3A_633], %swap3A_636 {strides = array<i32>} : memref<8x2560xf32, #tpu.memory_space<vmem>>, vector<1x16xf32>,
        %shift_left3A_637 = arith.constant 23 : i32
        %shift_left3A_638 = vector.broadcast %shift_left3A_637 : i32 to vector<16xi32>
        %shift_left3A_639 = arith.shli %get3A_616, %shift_left3A_638 : vector<16xi32>
        %lt3A_640 = arith.constant 0 : i32
        %lt3A_641 = vector.broadcast %lt3A_640 : i32 to vector<16xi32>
        %lt3A_642 = arith.cmpi slt, %shift_left3A_639, %lt3A_641 : vector<16xi32>
        %get3A_643 = arith.constant 5 : i32
        %get3A_644 = arith.index_cast %get3A_643 : i32 to index
        %get3A_645 = arith.index_cast %mul3A_532 : i32 to index
        %get3A_646 = tpu.vector_load %arg6[%get3A_644, %get3A_645] {strides = array<i32>} : memref<8x2560xf32, #tpu.memory_space<vmem>>, vector<1x16xf32>,
        %get3A_647 = vector.shape_cast %get3A_646 : vector<1x16xf32> to vector<16xf32>
        %jit3A_648 = arith.constant 0.000000e+00 : f32
        %broadcast_in_dim3A_649 = vector.broadcast %jit3A_648 : f32 to vector<16xf32>
        %select_n3A_650 = arith.select %lt3A_642, %get3A_647, %broadcast_in_dim3A_649 : vector<16xi1>, vector<16xf32>
        %swap3A_651 = arith.constant 5 : i32
        %swap3A_652 = arith.index_cast %swap3A_651 : i32 to index
        %swap3A_653 = arith.index_cast %mul3A_532 : i32 to index
        %swap3A_654 = tpu.vector_load %arg6[%swap3A_652, %swap3A_653] {strides = array<i32>} : memref<8x2560xf32, #tpu.memory_space<vmem>>, vector<1x16xf32>,
        %swap3A_655 = vector.shape_cast %swap3A_654 : vector<1x16xf32> to vector<16xf32>
        %swap3A_656 = vector.shape_cast %select_n3A_650 : vector<16xf32> to vector<1x16xf32>
        tpu.vector_store %arg6[%swap3A_652, %swap3A_653], %swap3A_656 {strides = array<i32>} : memref<8x2560xf32, #tpu.memory_space<vmem>>, vector<1x16xf32>,
        %shift_left3A_657 = arith.constant 15 : i32
        %shift_left3A_658 = vector.broadcast %shift_left3A_657 : i32 to vector<16xi32>
        %shift_left3A_659 = arith.shli %get3A_616, %shift_left3A_658 : vector<16xi32>
        %lt3A_660 = arith.constant 0 : i32
        %lt3A_661 = vector.broadcast %lt3A_660 : i32 to vector<16xi32>
        %lt3A_662 = arith.cmpi slt, %shift_left3A_659, %lt3A_661 : vector<16xi32>
        %get3A_663 = arith.constant 6 : i32
        %get3A_664 = arith.index_cast %get3A_663 : i32 to index
        %get3A_665 = arith.index_cast %mul3A_532 : i32 to index
        %get3A_666 = tpu.vector_load %arg6[%get3A_664, %get3A_665] {strides = array<i32>} : memref<8x2560xf32, #tpu.memory_space<vmem>>, vector<1x16xf32>,
        %get3A_667 = vector.shape_cast %get3A_666 : vector<1x16xf32> to vector<16xf32>
        %jit3A_668 = arith.constant 0.000000e+00 : f32
        %broadcast_in_dim3A_669 = vector.broadcast %jit3A_668 : f32 to vector<16xf32>
        %select_n3A_670 = arith.select %lt3A_662, %get3A_667, %broadcast_in_dim3A_669 : vector<16xi1>, vector<16xf32>
        %swap3A_671 = arith.constant 6 : i32
        %swap3A_672 = arith.index_cast %swap3A_671 : i32 to index
        %swap3A_673 = arith.index_cast %mul3A_532 : i32 to index
        %swap3A_674 = tpu.vector_load %arg6[%swap3A_672, %swap3A_673] {strides = array<i32>} : memref<8x2560xf32, #tpu.memory_space<vmem>>, vector<1x16xf32>,
        %swap3A_675 = vector.shape_cast %swap3A_674 : vector<1x16xf32> to vector<16xf32>
        %swap3A_676 = vector.shape_cast %select_n3A_670 : vector<16xf32> to vector<1x16xf32>
        tpu.vector_store %arg6[%swap3A_672, %swap3A_673], %swap3A_676 {strides = array<i32>} : memref<8x2560xf32, #tpu.memory_space<vmem>>, vector<1x16xf32>,
        %shift_left3A_677 = arith.constant 7 : i32
        %shift_left3A_678 = vector.broadcast %shift_left3A_677 : i32 to vector<16xi32>
        %shift_left3A_679 = arith.shli %get3A_616, %shift_left3A_678 : vector<16xi32>
        %lt3A_680 = arith.constant 0 : i32
        %lt3A_681 = vector.broadcast %lt3A_680 : i32 to vector<16xi32>
        %lt3A_682 = arith.cmpi slt, %shift_left3A_679, %lt3A_681 : vector<16xi32>
        %get3A_683 = arith.constant 7 : i32
        %get3A_684 = arith.index_cast %get3A_683 : i32 to index
        %get3A_685 = arith.index_cast %mul3A_532 : i32 to index
        %get3A_686 = tpu.vector_load %arg6[%get3A_684, %get3A_685] {strides = array<i32>} : memref<8x2560xf32, #tpu.memory_space<vmem>>, vector<1x16xf32>,
        %get3A_687 = vector.shape_cast %get3A_686 : vector<1x16xf32> to vector<16xf32>
        %jit3A_688 = arith.constant 0.000000e+00 : f32
        %broadcast_in_dim3A_689 = vector.broadcast %jit3A_688 : f32 to vector<16xf32>
        %select_n3A_690 = arith.select %lt3A_682, %get3A_687, %broadcast_in_dim3A_689 : vector<16xi1>, vector<16xf32>
        %swap3A_691 = arith.constant 7 : i32
        %swap3A_692 = arith.index_cast %swap3A_691 : i32 to index
        %swap3A_693 = arith.index_cast %mul3A_532 : i32 to index
        %swap3A_694 = tpu.vector_load %arg6[%swap3A_692, %swap3A_693] {strides = array<i32>} : memref<8x2560xf32, #tpu.memory_space<vmem>>, vector<1x16xf32>,
        %swap3A_695 = vector.shape_cast %swap3A_694 : vector<1x16xf32> to vector<16xf32>
        %swap3A_696 = vector.shape_cast %select_n3A_690 : vector<16xf32> to vector<1x16xf32>
        tpu.vector_store %arg6[%swap3A_692, %swap3A_693], %swap3A_696 {strides = array<i32>} : memref<8x2560xf32, #tpu.memory_space<vmem>>, vector<1x16xf32>,
        %scan3A_697 = arith.constant 1 : i32
        %scan3A_698 = arith.addi %scan3A_530, %scan3A_697 : i32
        %mul3A_699 = arith.constant 16 : i32
        %mul3A_700 = arith.muli %scan3A_698, %mul3A_699 : i32
        %get3A_701 = arith.constant 6 : i32
        %get3A_702 = arith.index_cast %get3A_701 : i32 to index
        %get3A_703 = arith.index_cast %mul3A_700 : i32 to index
        %get3A_704 = tpu.vector_load %arg8[%get3A_702, %get3A_703] {strides = array<i32>} : memref<8x2560xi32, #tpu.memory_space<vmem>>, vector<1x16xi32>,
        %get3A_705 = vector.shape_cast %get3A_704 : vector<1x16xi32> to vector<16xi32>
        %shift_left3A_706 = arith.constant 31 : i32
        %shift_left3A_707 = vector.broadcast %shift_left3A_706 : i32 to vector<16xi32>
        %shift_left3A_708 = arith.shli %get3A_705, %shift_left3A_707 : vector<16xi32>
        %lt3A_709 = arith.constant 0 : i32
        %lt3A_710 = vector.broadcast %lt3A_709 : i32 to vector<16xi32>
        %lt3A_711 = arith.cmpi slt, %shift_left3A_708, %lt3A_710 : vector<16xi32>
        %get3A_712 = arith.constant 0 : i32
        %get3A_713 = arith.index_cast %get3A_712 : i32 to index
        %get3A_714 = arith.index_cast %mul3A_700 : i32 to index
        %get3A_715 = tpu.vector_load %arg6[%get3A_713, %get3A_714] {strides = array<i32>} : memref<8x2560xf32, #tpu.memory_space<vmem>>, vector<1x16xf32>,
        %get3A_716 = vector.shape_cast %get3A_715 : vector<1x16xf32> to vector<16xf32>
        %jit3A_717 = arith.constant 0.000000e+00 : f32
        %broadcast_in_dim3A_718 = vector.broadcast %jit3A_717 : f32 to vector<16xf32>
        %select_n3A_719 = arith.select %lt3A_711, %get3A_716, %broadcast_in_dim3A_718 : vector<16xi1>, vector<16xf32>
        %swap3A_720 = arith.constant 0 : i32
        %swap3A_721 = arith.index_cast %swap3A_720 : i32 to index
        %swap3A_722 = arith.index_cast %mul3A_700 : i32 to index
        %swap3A_723 = tpu.vector_load %arg6[%swap3A_721, %swap3A_722] {strides = array<i32>} : memref<8x2560xf32, #tpu.memory_space<vmem>>, vector<1x16xf32>,
        %swap3A_724 = vector.shape_cast %swap3A_723 : vector<1x16xf32> to vector<16xf32>
        %swap3A_725 = vector.shape_cast %select_n3A_719 : vector<16xf32> to vector<1x16xf32>
        tpu.vector_store %arg6[%swap3A_721, %swap3A_722], %swap3A_725 {strides = array<i32>} : memref<8x2560xf32, #tpu.memory_space<vmem>>, vector<1x16xf32>,
        %shift_left3A_726 = arith.constant 23 : i32
        %shift_left3A_727 = vector.broadcast %shift_left3A_726 : i32 to vector<16xi32>
        %shift_left3A_728 = arith.shli %get3A_705, %shift_left3A_727 : vector<16xi32>
        %lt3A_729 = arith.constant 0 : i32
        %lt3A_730 = vector.broadcast %lt3A_729 : i32 to vector<16xi32>
        %lt3A_731 = arith.cmpi slt, %shift_left3A_728, %lt3A_730 : vector<16xi32>
        %get3A_732 = arith.constant 1 : i32
        %get3A_733 = arith.index_cast %get3A_732 : i32 to index
        %get3A_734 = arith.index_cast %mul3A_700 : i32 to index
        %get3A_735 = tpu.vector_load %arg6[%get3A_733, %get3A_734] {strides = array<i32>} : memref<8x2560xf32, #tpu.memory_space<vmem>>, vector<1x16xf32>,
        %get3A_736 = vector.shape_cast %get3A_735 : vector<1x16xf32> to vector<16xf32>
        %jit3A_737 = arith.constant 0.000000e+00 : f32
        %broadcast_in_dim3A_738 = vector.broadcast %jit3A_737 : f32 to vector<16xf32>
        %select_n3A_739 = arith.select %lt3A_731, %get3A_736, %broadcast_in_dim3A_738 : vector<16xi1>, vector<16xf32>
        %swap3A_740 = arith.constant 1 : i32
        %swap3A_741 = arith.index_cast %swap3A_740 : i32 to index
        %swap3A_742 = arith.index_cast %mul3A_700 : i32 to index
        %swap3A_743 = tpu.vector_load %arg6[%swap3A_741, %swap3A_742] {strides = array<i32>} : memref<8x2560xf32, #tpu.memory_space<vmem>>, vector<1x16xf32>,
        %swap3A_744 = vector.shape_cast %swap3A_743 : vector<1x16xf32> to vector<16xf32>
        %swap3A_745 = vector.shape_cast %select_n3A_739 : vector<16xf32> to vector<1x16xf32>
        tpu.vector_store %arg6[%swap3A_741, %swap3A_742], %swap3A_745 {strides = array<i32>} : memref<8x2560xf32, #tpu.memory_space<vmem>>, vector<1x16xf32>,
        %shift_left3A_746 = arith.constant 15 : i32
        %shift_left3A_747 = vector.broadcast %shift_left3A_746 : i32 to vector<16xi32>
        %shift_left3A_748 = arith.shli %get3A_705, %shift_left3A_747 : vector<16xi32>
        %lt3A_749 = arith.constant 0 : i32
        %lt3A_750 = vector.broadcast %lt3A_749 : i32 to vector<16xi32>
        %lt3A_751 = arith.cmpi slt, %shift_left3A_748, %lt3A_750 : vector<16xi32>
        %get3A_752 = arith.constant 2 : i32
        %get3A_753 = arith.index_cast %get3A_752 : i32 to index
        %get3A_754 = arith.index_cast %mul3A_700 : i32 to index
        %get3A_755 = tpu.vector_load %arg6[%get3A_753, %get3A_754] {strides = array<i32>} : memref<8x2560xf32, #tpu.memory_space<vmem>>, vector<1x16xf32>,
        %get3A_756 = vector.shape_cast %get3A_755 : vector<1x16xf32> to vector<16xf32>
        %jit3A_757 = arith.constant 0.000000e+00 : f32
        %broadcast_in_dim3A_758 = vector.broadcast %jit3A_757 : f32 to vector<16xf32>
        %select_n3A_759 = arith.select %lt3A_751, %get3A_756, %broadcast_in_dim3A_758 : vector<16xi1>, vector<16xf32>
        %swap3A_760 = arith.constant 2 : i32
        %swap3A_761 = arith.index_cast %swap3A_760 : i32 to index
        %swap3A_762 = arith.index_cast %mul3A_700 : i32 to index
        %swap3A_763 = tpu.vector_load %arg6[%swap3A_761, %swap3A_762] {strides = array<i32>} : memref<8x2560xf32, #tpu.memory_space<vmem>>, vector<1x16xf32>,
        %swap3A_764 = vector.shape_cast %swap3A_763 : vector<1x16xf32> to vector<16xf32>
        %swap3A_765 = vector.shape_cast %select_n3A_759 : vector<16xf32> to vector<1x16xf32>
        tpu.vector_store %arg6[%swap3A_761, %swap3A_762], %swap3A_765 {strides = array<i32>} : memref<8x2560xf32, #tpu.memory_space<vmem>>, vector<1x16xf32>,
        %shift_left3A_766 = arith.constant 7 : i32
        %shift_left3A_767 = vector.broadcast %shift_left3A_766 : i32 to vector<16xi32>
        %shift_left3A_768 = arith.shli %get3A_705, %shift_left3A_767 : vector<16xi32>
        %lt3A_769 = arith.constant 0 : i32
        %lt3A_770 = vector.broadcast %lt3A_769 : i32 to vector<16xi32>
        %lt3A_771 = arith.cmpi slt, %shift_left3A_768, %lt3A_770 : vector<16xi32>
        %get3A_772 = arith.constant 3 : i32
        %get3A_773 = arith.index_cast %get3A_772 : i32 to index
        %get3A_774 = arith.index_cast %mul3A_700 : i32 to index
        %get3A_775 = tpu.vector_load %arg6[%get3A_773, %get3A_774] {strides = array<i32>} : memref<8x2560xf32, #tpu.memory_space<vmem>>, vector<1x16xf32>,
        %get3A_776 = vector.shape_cast %get3A_775 : vector<1x16xf32> to vector<16xf32>
        %jit3A_777 = arith.constant 0.000000e+00 : f32
        %broadcast_in_dim3A_778 = vector.broadcast %jit3A_777 : f32 to vector<16xf32>
        %select_n3A_779 = arith.select %lt3A_771, %get3A_776, %broadcast_in_dim3A_778 : vector<16xi1>, vector<16xf32>
        %swap3A_780 = arith.constant 3 : i32
        %swap3A_781 = arith.index_cast %swap3A_780 : i32 to index
        %swap3A_782 = arith.index_cast %mul3A_700 : i32 to index
        %swap3A_783 = tpu.vector_load %arg6[%swap3A_781, %swap3A_782] {strides = array<i32>} : memref<8x2560xf32, #tpu.memory_space<vmem>>, vector<1x16xf32>,
        %swap3A_784 = vector.shape_cast %swap3A_783 : vector<1x16xf32> to vector<16xf32>
        %swap3A_785 = vector.shape_cast %select_n3A_779 : vector<16xf32> to vector<1x16xf32>
        tpu.vector_store %arg6[%swap3A_781, %swap3A_782], %swap3A_785 {strides = array<i32>} : memref<8x2560xf32, #tpu.memory_space<vmem>>, vector<1x16xf32>,
        %get3A_786 = arith.constant 7 : i32
        %get3A_787 = arith.index_cast %get3A_786 : i32 to index
        %get3A_788 = arith.index_cast %mul3A_700 : i32 to index
        %get3A_789 = tpu.vector_load %arg8[%get3A_787, %get3A_788] {strides = array<i32>} : memref<8x2560xi32, #tpu.memory_space<vmem>>, vector<1x16xi32>,
        %get3A_790 = vector.shape_cast %get3A_789 : vector<1x16xi32> to vector<16xi32>
        %shift_left3A_791 = arith.constant 31 : i32
        %shift_left3A_792 = vector.broadcast %shift_left3A_791 : i32 to vector<16xi32>
        %shift_left3A_793 = arith.shli %get3A_790, %shift_left3A_792 : vector<16xi32>
        %lt3A_794 = arith.constant 0 : i32
        %lt3A_795 = vector.broadcast %lt3A_794 : i32 to vector<16xi32>
        %lt3A_796 = arith.cmpi slt, %shift_left3A_793, %lt3A_795 : vector<16xi32>
        %get3A_797 = arith.constant 4 : i32
        %get3A_798 = arith.index_cast %get3A_797 : i32 to index
        %get3A_799 = arith.index_cast %mul3A_700 : i32 to index
        %get3A_800 = tpu.vector_load %arg6[%get3A_798, %get3A_799] {strides = array<i32>} : memref<8x2560xf32, #tpu.memory_space<vmem>>, vector<1x16xf32>,
        %get3A_801 = vector.shape_cast %get3A_800 : vector<1x16xf32> to vector<16xf32>
        %jit3A_802 = arith.constant 0.000000e+00 : f32
        %broadcast_in_dim3A_803 = vector.broadcast %jit3A_802 : f32 to vector<16xf32>
        %select_n3A_804 = arith.select %lt3A_796, %get3A_801, %broadcast_in_dim3A_803 : vector<16xi1>, vector<16xf32>
        %swap3A_805 = arith.constant 4 : i32
        %swap3A_806 = arith.index_cast %swap3A_805 : i32 to index
        %swap3A_807 = arith.index_cast %mul3A_700 : i32 to index
        %swap3A_808 = tpu.vector_load %arg6[%swap3A_806, %swap3A_807] {strides = array<i32>} : memref<8x2560xf32, #tpu.memory_space<vmem>>, vector<1x16xf32>,
        %swap3A_809 = vector.shape_cast %swap3A_808 : vector<1x16xf32> to vector<16xf32>
        %swap3A_810 = vector.shape_cast %select_n3A_804 : vector<16xf32> to vector<1x16xf32>
        tpu.vector_store %arg6[%swap3A_806, %swap3A_807], %swap3A_810 {strides = array<i32>} : memref<8x2560xf32, #tpu.memory_space<vmem>>, vector<1x16xf32>,
        %shift_left3A_811 = arith.constant 23 : i32
        %shift_left3A_812 = vector.broadcast %shift_left3A_811 : i32 to vector<16xi32>
        %shift_left3A_813 = arith.shli %get3A_790, %shift_left3A_812 : vector<16xi32>
        %lt3A_814 = arith.constant 0 : i32
        %lt3A_815 = vector.broadcast %lt3A_814 : i32 to vector<16xi32>
        %lt3A_816 = arith.cmpi slt, %shift_left3A_813, %lt3A_815 : vector<16xi32>
        %get3A_817 = arith.constant 5 : i32
        %get3A_818 = arith.index_cast %get3A_817 : i32 to index
        %get3A_819 = arith.index_cast %mul3A_700 : i32 to index
        %get3A_820 = tpu.vector_load %arg6[%get3A_818, %get3A_819] {strides = array<i32>} : memref<8x2560xf32, #tpu.memory_space<vmem>>, vector<1x16xf32>,
        %get3A_821 = vector.shape_cast %get3A_820 : vector<1x16xf32> to vector<16xf32>
        %jit3A_822 = arith.constant 0.000000e+00 : f32
        %broadcast_in_dim3A_823 = vector.broadcast %jit3A_822 : f32 to vector<16xf32>
        %select_n3A_824 = arith.select %lt3A_816, %get3A_821, %broadcast_in_dim3A_823 : vector<16xi1>, vector<16xf32>
        %swap3A_825 = arith.constant 5 : i32
        %swap3A_826 = arith.index_cast %swap3A_825 : i32 to index
        %swap3A_827 = arith.index_cast %mul3A_700 : i32 to index
        %swap3A_828 = tpu.vector_load %arg6[%swap3A_826, %swap3A_827] {strides = array<i32>} : memref<8x2560xf32, #tpu.memory_space<vmem>>, vector<1x16xf32>,
        %swap3A_829 = vector.shape_cast %swap3A_828 : vector<1x16xf32> to vector<16xf32>
        %swap3A_830 = vector.shape_cast %select_n3A_824 : vector<16xf32> to vector<1x16xf32>
        tpu.vector_store %arg6[%swap3A_826, %swap3A_827], %swap3A_830 {strides = array<i32>} : memref<8x2560xf32, #tpu.memory_space<vmem>>, vector<1x16xf32>,
        %shift_left3A_831 = arith.constant 15 : i32
        %shift_left3A_832 = vector.broadcast %shift_left3A_831 : i32 to vector<16xi32>
        %shift_left3A_833 = arith.shli %get3A_790, %shift_left3A_832 : vector<16xi32>
        %lt3A_834 = arith.constant 0 : i32
        %lt3A_835 = vector.broadcast %lt3A_834 : i32 to vector<16xi32>
        %lt3A_836 = arith.cmpi slt, %shift_left3A_833, %lt3A_835 : vector<16xi32>
        %get3A_837 = arith.constant 6 : i32
        %get3A_838 = arith.index_cast %get3A_837 : i32 to index
        %get3A_839 = arith.index_cast %mul3A_700 : i32 to index
        %get3A_840 = tpu.vector_load %arg6[%get3A_838, %get3A_839] {strides = array<i32>} : memref<8x2560xf32, #tpu.memory_space<vmem>>, vector<1x16xf32>,
        %get3A_841 = vector.shape_cast %get3A_840 : vector<1x16xf32> to vector<16xf32>
        %jit3A_842 = arith.constant 0.000000e+00 : f32
        %broadcast_in_dim3A_843 = vector.broadcast %jit3A_842 : f32 to vector<16xf32>
        %select_n3A_844 = arith.select %lt3A_836, %get3A_841, %broadcast_in_dim3A_843 : vector<16xi1>, vector<16xf32>
        %swap3A_845 = arith.constant 6 : i32
        %swap3A_846 = arith.index_cast %swap3A_845 : i32 to index
        %swap3A_847 = arith.index_cast %mul3A_700 : i32 to index
        %swap3A_848 = tpu.vector_load %arg6[%swap3A_846, %swap3A_847] {strides = array<i32>} : memref<8x2560xf32, #tpu.memory_space<vmem>>, vector<1x16xf32>,
        %swap3A_849 = vector.shape_cast %swap3A_848 : vector<1x16xf32> to vector<16xf32>
        %swap3A_850 = vector.shape_cast %select_n3A_844 : vector<16xf32> to vector<1x16xf32>
        tpu.vector_store %arg6[%swap3A_846, %swap3A_847], %swap3A_850 {strides = array<i32>} : memref<8x2560xf32, #tpu.memory_space<vmem>>, vector<1x16xf32>,
        %shift_left3A_851 = arith.constant 7 : i32
        %shift_left3A_852 = vector.broadcast %shift_left3A_851 : i32 to vector<16xi32>
        %shift_left3A_853 = arith.shli %get3A_790, %shift_left3A_852 : vector<16xi32>
        %lt3A_854 = arith.constant 0 : i32
        %lt3A_855 = vector.broadcast %lt3A_854 : i32 to vector<16xi32>
        %lt3A_856 = arith.cmpi slt, %shift_left3A_853, %lt3A_855 : vector<16xi32>
        %get3A_857 = arith.constant 7 : i32
        %get3A_858 = arith.index_cast %get3A_857 : i32 to index
        %get3A_859 = arith.index_cast %mul3A_700 : i32 to index
        %get3A_860 = tpu.vector_load %arg6[%get3A_858, %get3A_859] {strides = array<i32>} : memref<8x2560xf32, #tpu.memory_space<vmem>>, vector<1x16xf32>,
        %get3A_861 = vector.shape_cast %get3A_860 : vector<1x16xf32> to vector<16xf32>
        %jit3A_862 = arith.constant 0.000000e+00 : f32
        %broadcast_in_dim3A_863 = vector.broadcast %jit3A_862 : f32 to vector<16xf32>
        %select_n3A_864 = arith.select %lt3A_856, %get3A_861, %broadcast_in_dim3A_863 : vector<16xi1>, vector<16xf32>
        %swap3A_865 = arith.constant 7 : i32
        %swap3A_866 = arith.index_cast %swap3A_865 : i32 to index
        %swap3A_867 = arith.index_cast %mul3A_700 : i32 to index
        %swap3A_868 = tpu.vector_load %arg6[%swap3A_866, %swap3A_867] {strides = array<i32>} : memref<8x2560xf32, #tpu.memory_space<vmem>>, vector<1x16xf32>,
        %swap3A_869 = vector.shape_cast %swap3A_868 : vector<1x16xf32> to vector<16xf32>
        %swap3A_870 = vector.shape_cast %select_n3A_864 : vector<16xf32> to vector<1x16xf32>
        tpu.vector_store %arg6[%swap3A_866, %swap3A_867], %swap3A_870 {strides = array<i32>} : memref<8x2560xf32, #tpu.memory_space<vmem>>, vector<1x16xf32>,
      }
      %scan3A_521 = arith.constant 160 : i32
      %add3A_522 = arith.constant 24 : i32
      %add3A_523 = arith.addi %multiple_of3A, %add3A_522 : i32
      %multiple_of3A_524 = tpu.assume_multiple %add3A_523, 8 : i32
      %mul3A_525 = arith.constant 2560 : i32
      %mul3A_526 = arith.muli %add3A_314, %mul3A_525 : i32
      %multiple_of3A_527 = tpu.assume_multiple %mul3A_526, 128 : i32
      %dma_start3A_528 = tpu.memref_slice %arg4[%multiple_of3A_524, %multiple_of3A_527] : memref<1024x100000xf32, #tpu.memory_space<hbm>> -> memref<8x2560xf32, #tpu.memory_space<hbm>>
      %dma_start3A_529 = tpu.memref_slice %arg4[%multiple_of3A_524, %multiple_of3A_527] : memref<1024x100000xf32, #tpu.memory_space<hbm>> -> memref<8x2560xf32, #tpu.memory_space<hbm>>
      tpu.enqueue_dma source(%arg6 : memref<8x2560xf32, #tpu.memory_space<vmem>>) target(%dma_start3A_529 : memref<8x2560xf32, #tpu.memory_space<hbm>>) target_semaphore(%arg14 : memref<!tpu.dma_semaphore, #tpu.memory_space<semaphore_mem>>)
    }
    %scan3A_87 = arith.constant 19 : i32
    %dma_wait3A = arith.constant 0 : i32
    %dma_wait3A_88 = arith.constant 0 : i32
    %dma_wait3A_89 = tpu.memref_slice %arg4[%dma_wait3A, %dma_wait3A_88] : memref<1024x100000xf32, #tpu.memory_space<hbm>> -> memref<8x2560xf32, #tpu.memory_space<hbm>>
    %dma_wait3A_90 = arith.constant 0 : i32
    %dma_wait3A_91 = arith.constant 0 : i32
    %dma_wait3A_92 = tpu.memref_slice %arg4[%dma_wait3A_90, %dma_wait3A_91] : memref<1024x100000xf32, #tpu.memory_space<hbm>> -> memref<8x2560xf32, #tpu.memory_space<hbm>>
    tpu.wait_dma2 semaphore(%arg13 : memref<!tpu.dma_semaphore, #tpu.memory_space<semaphore_mem>>) src(%arg5 : memref<8x2560xf32, #tpu.memory_space<vmem>>) dst(%dma_wait3A_92 : memref<8x2560xf32, #tpu.memory_space<hbm>>)
    %dma_wait3A_93 = arith.constant 0 : i32
    %dma_wait3A_94 = arith.constant 0 : i32
    %dma_wait3A_95 = tpu.memref_slice %arg4[%dma_wait3A_93, %dma_wait3A_94] : memref<1024x100000xf32, #tpu.memory_space<hbm>> -> memref<8x2560xf32, #tpu.memory_space<hbm>>
    %dma_wait3A_96 = arith.constant 0 : i32
    %dma_wait3A_97 = arith.constant 0 : i32
    %dma_wait3A_98 = tpu.memref_slice %arg4[%dma_wait3A_96, %dma_wait3A_97] : memref<1024x100000xf32, #tpu.memory_space<hbm>> -> memref<8x2560xf32, #tpu.memory_space<hbm>>
    tpu.wait_dma2 semaphore(%arg14 : memref<!tpu.dma_semaphore, #tpu.memory_space<semaphore_mem>>) src(%arg6 : memref<8x2560xf32, #tpu.memory_space<vmem>>) dst(%dma_wait3A_98 : memref<8x2560xf32, #tpu.memory_space<hbm>>)
    return
  }
}

module attributes {stable_mosaic.version = 14 : i64} {
  func.func @_tc_tail_body(%arg0: i32, %arg1: i32, %arg2: memref<1024x100000xf32, #tpu.memory_space<any>>, %arg3: memref<128x2560xf32, #tpu.memory_space<vmem>>, %arg4: memref<128x2560xi32, #tpu.memory_space<vmem>>, %arg5: memref<128x2560xf32, #tpu.memory_space<vmem>>) attributes {dimension_semantics = [#tpu.dimension_semantics<arbitrary>, #tpu.dimension_semantics<arbitrary>], iteration_bounds = array<i64: 8, 2>, scalar_prefetch = 0 : i64, scratch_operands = 0 : i64, tpu.core_type = #tpu.core_type<tc>, window_params = [{}, {transform_indices = @transform_1, window_bounds = array<i64: 128, 2560>}, {transform_indices = @transform_2, window_bounds = array<i64: 128, 2560>}, {transform_indices = @transform_3, window_bounds = array<i64: 128, 2560>}]} {
    %get3A = arith.constant 0 : index
    %get3A_0 = arith.constant 0 : index
    %get3A_1 = vector.load %arg4[%get3A, %get3A_0] : memref<128x2560xi32, #tpu.memory_space<vmem>>, vector<128x2560xi32>
    %get3A_2 = arith.constant dense<0> : vector<128x2560xi32>
    %get3A_3 = arith.cmpi ne, %get3A_1, %get3A_2 : vector<128x2560xi32>
    %get3A_4 = arith.constant 0 : index
    %get3A_5 = arith.constant 0 : index
    %get3A_6 = vector.load %arg3[%get3A_4, %get3A_5] : memref<128x2560xf32, #tpu.memory_space<vmem>>, vector<128x2560xf32>
    %jit3A = arith.constant 0.000000e+00 : f32
    %broadcast_in_dim3A = vector.broadcast %jit3A : f32 to vector<128x2560xf32>
    %select_n3A = arith.select %get3A_3, %get3A_6, %broadcast_in_dim3A : vector<128x2560xi1>, vector<128x2560xf32>
    %swap3A = arith.constant 0 : index
    %swap3A_7 = arith.constant 0 : index
    %swap3A_8 = vector.load %arg5[%swap3A, %swap3A_7] : memref<128x2560xf32, #tpu.memory_space<vmem>>, vector<128x2560xf32>
    tpu.vector_store %arg5[%swap3A, %swap3A_7], %select_n3A {strides = array<i32>} : memref<128x2560xf32, #tpu.memory_space<vmem>>, vector<128x2560xf32>,
    return
  }
  func.func @transform_1(%arg0: i32, %arg1: i32) -> (i32, i32) {
    %add3A = arith.constant 38 : i32
    %add3A_0 = arith.addi %add3A, %arg1 : i32
    %c0_i32 = arith.constant 0 : i32
    return %arg0, %add3A_0 : i32, i32
  }
  func.func @transform_2(%arg0: i32, %arg1: i32) -> (i32, i32) {
    %add3A = arith.constant 38 : i32
    %add3A_0 = arith.addi %add3A, %arg1 : i32
    %c0_i32 = arith.constant 0 : i32
    return %arg0, %add3A_0 : i32, i32
  }
  func.func @transform_3(%arg0: i32, %arg1: i32) -> (i32, i32) {
    %add3A = arith.constant 38 : i32
    %add3A_0 = arith.addi %add3A, %arg1 : i32
    %c0_i32 = arith.constant 0 : i32
    return %arg0, %add3A_0 : i32, i32
  }
}

</mosaic_0001>

<sc_bundles>
// kernel: kernel.4.cloned.1.call-start
scs
__scs_entry_jumppad:
0x0: {  	(pc) =	sbr.rel $0x88, $3  }
0x1: {  	(tag) =	ssettag $0x0;
	lr =	simm.s32 $0x1  }
0x2: {  	[smem:$0x3F9F] =	sst lr;
	_ =	strace $0xD0000000  }
0x3: {  	_ = 	snop  }
0x4: {  	_ = 	snop  }
0x5: {  	_ = 	snop  }
0x6: {  	_ = 	snop  }
0x7: {  	_ = 	snop  }
__scs_overlays_trampoline_lowered:
0x8: {  	[smem:$0x3FAE] =	sst s0  }
0x9: {  	[smem:$0x3FAF] =	sst s1  }
0xa: {  	[smem:$0x3FB0] =	sst s2  }
0xb: {  	[smem:$0x3FB1] =	sst s3  }
0xc: {  	[smem:$0x3FB2] =	sst s4  }
0xd: {  	[smem:$0x3FB3] =	sst s5  }
0xe: {  	[smem:$0x3FB4] =	sst s6  }
0xf: {  	[smem:$0x3FB5] =	sst s7  }
0x10: {  	[smem:$0x3FB6] =	sst s8  }
0x11: {  	[smem:$0x3FB7] =	sst s9;
	s0 =	simm.s32 @!p0 $0x0  }
0x12: {  	s1 =	sld [smem:$0x3F9D];
	s0 =	simm.s32 @p0 $0x1  }
0x13: {  	[smem:$0x3FB8] =	sst s0;
	s0 =	simm.s32 @!p1 $0x0  }
0x14: {  	s2 =	sld [smem:$0x3F9C];
	s0 =	simm.s32 @p1 $0x1  }
0x15: {  	[smem:$0x3FB9] =	sst s0;
	s0 =	simm.s32 @!p2 $0x0  }
0x16: {  	s3 =	sld [smem:$0x3FDB];
	s0 =	simm.s32 @p2 $0x1  }
0x17: {  	s4 =	simm.s32 $0x1BF5;
	[smem:$0x3FBB] =	sst s0  }
0x18: {  	s0 =	sld [smem:$0x3F9E];
	_ =	swait.ge [sflag:s4], $0x0  }
0x19: {  	s7 =	sld [smem:$0x3F9F]  }
0x1a: {  	s8 =	sadd.s32 $0xFFFFE003, lr  }
0x1b: {  	s9 =	sadd.s32 $0xFFFFFEF7, lr;
	s5 =	simm.s32 $0xFFFFFFFF;
	p2 =	slt.u32 s8, $0xFFFFF086  }
0x1c: {  	p1 =	slt.u32 s9, $0xF7A;
	s5 =	simm.s32 @!p2 $0x0  }
0x1d: {  	s5 =	simm.s32 @p1 $0x1;
	p0 =	seq.s32 s7, s2  }
0x1e: {  	s7 =	smul.u32 @!p0 $0xF7A, s2;
	p2 =	seq.s32 @!p0 s5, $0x0  }
0x1f: {  	s9 =	smul.u32 $0xF7A, s1;
	s8 =	simm.s32 @!p0 $0x1BF5;
	p2 =	por !p2, p0  }
0x20: {  	[sflag:s8] =	ssyncset.s32 @!p0 $0xFFFFF086;
	s6 =	sadd.s32 @!p0 s3, s7;
	s7 =	simm.s32 @!p0 $0x108  }
0x21: {  	s3 =	sadd.s32 s3, s9;
	s6 =	sadd.s32 @!p0 $0x88, s6;
	s7 =	simm.s32 @p2 $0x1082  }
0x22: {  	[simem:s7], [sflag:s8] =	dma.local @!p0 [hbm:s6], $0xF7A  }
0x23: {  	s9 =	sor.u32 $0xD0000000, s2;
	s6 =	simm.s32 $0x108;
	_ =	swait.ge @!p0 [sflag:s8], $0x0  }
0x24: {  	s3 =	sadd.s32 $0x88, s3;
	s6 =	simm.s32 @!p1 $0x1082;
	[sflag:s4] =	ssyncset.s32 $0xFFFFF086  }
0x25: {  	[simem:s6], [sflag:s4] =	dma.local [hbm:s3], $0xF7A  }
0x26: {  	[smem:$0x3F9F] =	sst s1;
	(tag) =	ssettag s2;
	_ =	strace s9  }
0x27: {  	s1 =	sld [smem:$0x3FAF]  }
0x28: {  	s2 =	sld [smem:$0x3FB0]  }
0x29: {  	s4 =	sld [smem:$0x3FB2]  }
0x2a: {  	p0 =	seq.s32 s5, $0x0;
	s5 =	sld [smem:$0x3FB3]  }
0x2b: {  	s6 =	sld [smem:$0x3FB4]  }
0x2c: {  	s7 =	sld [smem:$0x3FB5]  }
0x2d: {  	s3 =	simm.s32 $0x108;
	s8 =	sld [smem:$0x3FB6]  }
0x2e: {  	s3 =	simm.s32 @!p0 $0x1082;
	s9 =	sld [smem:$0x3FB7]  }
0x2f: {  	lr =	sadd.s32 s0, s3;
	s0 =	sld [smem:$0x3FAE]  }
0x30: {  	s3 =	sld [smem:$0x3FB1]  }
0x31: {  	[smem:$0x3FBA] =	sst s10  }
0x32: {  	s10 =	sld [smem:$0x3FB8];
	_ =	sdelay $0x3  }
0x33: {  	p0 =	seq.s32 s10, $0x1;
	s10 =	sld [smem:$0x3FBA];
	_ =	sdelay $0x3  }
0x34: {  	[smem:$0x3FBA] =	sst s10  }
0x35: {  	s10 =	sld [smem:$0x3FB9];
	_ =	sdelay $0x3  }
0x36: {  	p1 =	seq.s32 s10, $0x1;
	s10 =	sld [smem:$0x3FBA];
	_ =	sdelay $0x3  }
0x37: {  	[smem:$0x3FBA] =	sst s10  }
0x38: {  	s10 =	sld [smem:$0x3FBB]  }
0x39: {  	_ = 	snop;
	(pc) =	sbr.ind lr, $3  }
0x3a: {  	_ = 	snop  }
0x3b: {  	_ = 	snop  }
0x3c: {  	p2 =	seq.s32 s10, $0x1;
	s10 =	sld [smem:$0x3FBA]  }
0x3d: {  	_ =	shalt  }
0x3e: {  	_ =	shalt  }
0x3f: {  	_ =	shalt  }
0x40: {  	_ =	shalt  }
0x41: {  	_ =	shalt  }
0x42: {  	_ =	shalt  }
0x43: {  	_ =	shalt  }
0x44: {  	_ =	shalt  }
0x45: {  	_ =	shalt  }
0x46: {  	_ =	shalt  }
0x47: {  	_ =	shalt  }
0x48: {  	_ =	shalt  }
0x49: {  	_ =	shalt  }
0x4a: {  	_ =	shalt  }
0x4b: {  	_ =	shalt  }
0x4c: {  	_ =	shalt  }
0x4d: {  	_ =	shalt  }
0x4e: {  	_ =	shalt  }
0x4f: {  	_ =	shalt  }
0x50: {  	_ =	shalt  }
0x51: {  	_ =	shalt  }
0x52: {  	_ =	shalt  }
0x53: {  	_ =	shalt  }
0x54: {  	_ =	shalt  }
0x55: {  	_ =	shalt  }
0x56: {  	_ =	shalt  }
0x57: {  	_ =	shalt  }
0x58: {  	_ =	shalt  }
0x59: {  	_ =	shalt  }
0x5a: {  	_ =	shalt  }
0x5b: {  	_ =	shalt  }
0x5c: {  	_ =	shalt  }
0x5d: {  	_ =	shalt  }
0x5e: {  	_ =	shalt  }
0x5f: {  	_ =	shalt  }
0x60: {  	_ =	shalt  }
0x61: {  	_ =	shalt  }
0x62: {  	_ =	shalt  }
0x63: {  	_ =	shalt  }
0x64: {  	_ =	shalt  }
0x65: {  	_ =	shalt  }
0x66: {  	_ =	shalt  }
0x67: {  	_ =	shalt  }
0x68: {  	_ =	shalt  }
0x69: {  	_ =	shalt  }
0x6a: {  	_ =	shalt  }
0x6b: {  	_ =	shalt  }
0x6c: {  	_ =	shalt  }
0x6d: {  	_ =	shalt  }
0x6e: {  	_ =	shalt  }
0x6f: {  	_ =	shalt  }
0x70: {  	_ =	shalt  }
0x71: {  	_ =	shalt  }
0x72: {  	_ =	shalt  }
0x73: {  	_ =	shalt  }
0x74: {  	_ =	shalt  }
0x75: {  	_ =	shalt  }
0x76: {  	_ =	shalt  }
0x77: {  	_ =	shalt  }
0x78: {  	_ =	shalt  }
0x79: {  	_ =	shalt  }
0x7a: {  	_ =	shalt  }
0x7b: {  	_ =	shalt  }
0x7c: {  	_ =	shalt  }
0x7d: {  	_ =	shalt  }
0x7e: {  	_ =	shalt  }
0x7f: {  	_ =	shalt  }
0x80: {  	_ =	shalt  }
0x81: {  	_ =	shalt  }
0x82: {  	_ =	shalt  }
0x83: {  	_ =	shalt  }
0x84: {  	_ =	shalt  }
0x85: {  	_ =	shalt  }
0x86: {  	_ =	shalt  }
0x87: {  	_ =	shalt  }
.Lfunc_end0:
.L_simem_size_0:
called_computation_lowered:
.L_overlay_start_0:
0x88: {  	s2 =	sld [smem:$0x3FD9]  }
0x89: {  	s3 =	sld [smem:$0x3FFE];
	_ =	sdelay $0x1  }
0x8a: {  	s1 =	srdreg.scid  }
0x8b: {  	s0 =	sand.u32 $0x1, s1  }
0x8c: {  	s16 =	sshll.u32 s0, $0xA;
	s2 =	sadd.s32 s3, s2  }
0x8d: {  	s2 =	sadd.s32 s2, s16  }
0x8e: {  	[smem:$0x3FC6] =	sst s2  }
0x8f: {  	_ = 	snop  }
0x90: {  	(tm) =	ssettm $0x1  }
0x91: {  	s17 =	sld [smem:$0x3FFB];
	_ =	sdelay $0x3  }
0x92: {  	_ =	strace s17  }
0x93: {  	s2 =	sld [smem:$0x3FFC];
	_ =	sdelay $0x3  }
0x94: {  	_ =	strace s2  }
0x95: {  	s2 =	sld [smem:$0x3FFD];
	_ =	sdelay $0x3  }
0x96: {  	_ =	strace s2  }
0x97: {  	_ =	strace $0x8FFFFFFF  }
0x98: {  	s18 =	sld [smem:$0x3FDB];
	_ =	sdelay $0x1  }
0x99: {  	s19 =	simm.s32 $_scs_section_size  }
0x9a: {  	s4 =	simm.s32 $_size__tile_overlayer_lowered;
	s5 =	simm.s32 $_tile_overlayer_lowered  }
0x9b: {  	s22 =	simm.s32 $0x1BFF;
	s21 =	sshll.u32 s5, $0x1;
	s2 =	sadd.s32 s19, s18  }
0x9c: {  	s6 =	simm.s32 $0x0;
	s20 =	sshll.u32 s4, $0x1;
	s4 =	sadd.s32 s21, s2  }
0x9d: {  	[timem:s6], [sflag:s22] =	dma.local [hbm:s4], s20  }
0x9e: {  	_ =	swait.ge [sflag:s22], s20  }
0x9f: {  	s3 =	ssub.s32 $0x0, s20;
	[sflag:s22] =	ssyncset.done $0x0  }
0xa0: {  	[sflag:s22] =	ssyncadd.s32 s3;
	_ =	sdelay $0x1  }
0xa1: {  	s23 =	simm.s32 $0x1B8B  }
0xa2: {  	_ =	swait.ge [sflag:s23], $0x1  }
0xa3: {  	[sflag:s23] =	ssyncset.done $0x0  }
0xa4: {  	s25 =	simm.s32 $0x1B8E;
	s24 =	sld [smem:$0x3FFE];
	[sflag:s23] =	ssyncadd.s32 $0xFFFFFFFF  }
0xa5: {  	s26 =	simm.s32 $execute0_lowered;
	[smem:$0x3FD2] =	sst s25  }
0xa6: {  	s4 =	sshll.u32 s26, $0x1;
	_ =	strace $0x80000046;
	[dreg:$0x1] =	wrdreg $0xFFFFFFFF  }
0xa7: {  	s28 =	simm.s32 $_size_execute0_lowered;
	s2 =	sadd.s32 s2, s4;
	[dreg:$0x0] =	wrdreg $0x0  }
0xa8: {  	s4 =	sshll.u32 s28, $0x1;
	[dreg:$0x2] =	wrdreg s2  }
0xa9: {  	[dreg:$0x3] =	wrdreg s4  }
0xaa: {  	[dreg:$0x4] =	wrdreg $0xC0  }
0xab: {  	_ =	task [dreg:s6], $0x5FFFF  }
0xac: {  	[dreg:$0x1] =	wrdreg $0xFFFFFFFF  }
0xad: {  	[dreg:$0x0] =	wrdreg $0x60  }
0xae: {  	[dreg:$0x2] =	wrdreg s24  }
0xaf: {  	[dreg:$0x3] =	wrdreg $0x9  }
0xb0: {  	_ =	task.clear_ibuf [dreg:s6], $0x4FFFF;
	_ =	strace $0x90000046  }
0xb1: {  	s29 =	simm.s32 $0x9;
	_ =	strace $0x80000048  }
0xb2: {  	_ =	swait.ge [sflag:s29], $0x1  }
0xb3: {  	[sflag:s29] =	ssyncadd.s32 $0xFFFFFFFF  }
0xb4: {  	_ =	strace $0x90000048  }
0xb5: {  	_ =	sfence  }
0xb6: {  	s30 =	sld [smem:$0x0];
	_ =	sdelay $0x2  }
0xb7: {  	s31 =	sshll.u32 s1, $0xD;
	s1 =	sshrl.u32 s1, $0x2  }
0xb8: {  	s3 =	sand.u32 $0x4000, s31;
	s1 =	sadd.s32 s1, s30  }
0xb9: {  	s0 =	sor.u32 s3, s0;
	s1 =	sshll.u32 s1, $0x11  }
0xba: {  	s0 =	sor.u32 s1, s0  }
0xbb: {  	s0 =	sadd.s32 $0x8F2B, s0  }
0xbc: {  	[sflag:s0] =	ssyncadd.remote.s32 $0x1  }
0xbd: {  	_ =	sfence.sel $0xFFFF  }
0xbe: {  	[dreg:$0x0] =	wrdreg $0xFFFFFFFF;
	(pc) =	sbr.abs _section_cstart, $3  }
0xbf: {  	[dreg:$0x1] =	wrdreg $0xFFFFFFFF  }
0xc0: {  	_ =	task.clear_ibuf [dreg:s6], $0x2FFFF;
	_ =	strace $0x9FFFFFFF  }
0xc1: {  	(tm) =	ssettm $0x7FFFFFFF  }
tec
execute0_lowered:
.L_overlay_start_1:
0x0: {  	(tag) =	ssettag $0x1  }
0x1: {  	s0 =	rddreg [dreg:$0x0];
	s1 =	srdreg.scid  }
0x2: {  	s2 =	stileid.u32;
	s31 =	simm.s32 $0x0;
	s1 =	sand.u32 $0x1, s1  }
0x3: {  	s2 =	sshll.u32 s2, $0x3;
	s3 =	sshll.u32 s1, $0x2;
	s1 =	ssub.s32 $0x2, s1  }
0x4: {  	[smem:$0x7FF] =	sst s31;
	s2 =	sor.u32 s3, s2;
	s21 =	sshrl.u32 s1, $0x1  }
0x5: {  	s4 =	sadd.s32 $0x600, s0;
	s3 =	smul.u32 $0xC3800, s2;
	s22 =	ssub.s32 s1, s21  }
0x6: {  	s5 =	sadd.s32 $0xF45A00, s0;
	s6 =	sadd.s32 $0x1253A00, s0;
	s0 =	smax.u32 s22, $0x1  }
0x7: {  	_ =	strace $0x80000047;
	s24 =	sadd.s32 $0x2800, s3;
	[dreg:$0x10] =	wrdreg s0  }
0x8: {  	s25 =	sadd.s32 $0x3C00, s3;
	[dreg:$0x3] =	wrdreg s24  }
0x9: {  	s29 =	sadd.s32 $0x6400, s3;
	[dreg:$0x4] =	wrdreg s25  }
0xa: {  	s30 =	sadd.s32 $0x7800, s3;
	[dreg:$0x9] =	wrdreg s29  }
0xb: {  	s9 =	sadd.s32 $0x8C00, s3;
	[dreg:$0xa] =	wrdreg s30  }
0xc: {  	s10 =	sadd.s32 $0xC3800, s3;
	[dreg:$0xb] =	wrdreg s9  }
0xd: {  	s11 =	sadd.s32 $0x187000, s3;
	[dreg:$0xc] =	wrdreg s10  }
0xe: {  	s12 =	sadd.s32 $0x24A800, s3;
	[dreg:$0xd] =	wrdreg s11  }
0xf: {  	s23 =	sshrl.u32 s3, $0x5;
	s13 =	sor.u32 $0x1400, s3;
	[dreg:$0xe] =	wrdreg s12  }
0x10: {  	s28 =	sshrl.u32 s3, $0x3;
	s7 =	sadd.s32 s5, s23;
	[dreg:$0xf] =	wrdreg s13  }
0x11: {  	s1 =	sshrl.u32 s24, $0x5;
	s8 =	sadd.s32 $0xA0, s7;
	[dreg:$0x2] =	wrdreg s7  }
0x12: {  	s26 =	sadd.s32 s5, s1;
	s1 =	sadd.s32 s4, s28;
	[dreg:$0x5] =	wrdreg s8  }
0x13: {  	s14 =	sadd.s32 $0x20, s7;
	[dreg:$0x8] =	wrdreg s1  }
0x14: {  	s15 =	sadd.s32 $0x40, s7;
	[dreg:$0x11] =	wrdreg s14  }
0x15: {  	s16 =	sadd.s32 $0x60, s7;
	[dreg:$0x12] =	wrdreg s15  }
0x16: {  	s17 =	sadd.s32 $0x80, s7;
	[dreg:$0x13] =	wrdreg s16  }
0x17: {  	s18 =	sadd.s32 $0xC0, s7;
	[dreg:$0x14] =	wrdreg s17  }
0x18: {  	s19 =	sadd.s32 $0xE0, s7;
	[dreg:$0x15] =	wrdreg s18  }
0x19: {  	s20 =	sadd.s32 $0x100, s7;
	[dreg:$0x16] =	wrdreg s19  }
0x1a: {  	s21 =	sadd.s32 $0x120, s7;
	[dreg:$0x17] =	wrdreg s20  }
0x1b: {  	s2 =	sshrl.u32 s25, $0x5;
	[dreg:$0x18] =	wrdreg s21  }
0x1c: {  	s2 =	sadd.s32 s5, s2;
	[dreg:$0x6] =	wrdreg s26  }
0x1d: {  	s22 =	sadd.s32 $0x20, s26;
	[dreg:$0x7] =	wrdreg s2  }
0x1e: {  	s23 =	sadd.s32 $0x40, s26;
	[dreg:$0x19] =	wrdreg s22  }
0x1f: {  	s24 =	sadd.s32 $0x60, s26;
	[dreg:$0x1a] =	wrdreg s23  }
0x20: {  	s10 =	simm.s32 $0x3;
	s25 =	sadd.s32 $0x80, s26;
	[dreg:$0x1b] =	wrdreg s24  }
0x21: {  	s13 =	simm.s32 $0x5000;
	s26 =	sadd.s32 $0x20, s2;
	[dreg:$0x1c] =	wrdreg s25  }
0x22: {  	s11 =	simm.s32 $0x6;
	s28 =	sadd.s32 $0x40, s2;
	[dreg:$0x1d] =	wrdreg s26  }
0x23: {  	s12 =	simm.s32 $0x4;
	s29 =	sadd.s32 $0x60, s2;
	[dreg:$0x1e] =	wrdreg s28  }
0x24: {  	s30 =	sadd.s32 $0x80, s2;
	s21 =	simm.s32 $0x1;
	[dreg:$0x1f] =	wrdreg s29  }
0x25: {  	s1 =	simm.s32 $0x0;
	[smem:$0x7FD] =	sst s30;
	s24 =	simm.s32 $0x100  }
0x26: {  	s25 =	simm.s32 $0x30E00;
	s22 =	simm.s32 $0x5;
	s23 =	simm.s32 $0x2  }
.LBB2_1:
0x27: {  	[smem:$0x7FC] =	sst s1  }
0x28: {  	s0 =	rddreg [dreg:$0x2]  }
0x29: {  	s16 =	simm.s32 $0xA000;
	s17 =	rddreg [dreg:$0x11]  }
0x2a: {  	[tilespmem:s16], [sflag:$0x3] =	stream.strided.gather [hbm4b:s0+s24], $0x400, s25, s24, $0x38;
	[tilespmem:$0x14000] =	vst v63  }
0x2b: {  	s18 =	simm.s32 $0xA400;
	s19 =	rddreg [dreg:$0x12]  }
0x2c: {  	[tilespmem:s18], [sflag:$0x3] =	stream.strided.gather [hbm4b:s17+s24], $0x400, s25, s24, $0x38;
	[tilespmem:$0x14000] =	vst v63  }
0x2d: {  	s20 =	simm.s32 $0xA800;
	s26 =	rddreg [dreg:$0x13]  }
0x2e: {  	[tilespmem:s20], [sflag:$0x3] =	stream.strided.gather [hbm4b:s19+s24], $0x400, s25, s24, $0x38;
	[tilespmem:$0x14000] =	vst v63  }
0x2f: {  	s28 =	simm.s32 $0xAC00;
	s29 =	rddreg [dreg:$0x14]  }
0x30: {  	[tilespmem:s28], [sflag:$0x3] =	stream.strided.gather [hbm4b:s26+s24], $0x400, s25, s24, $0x38;
	[tilespmem:$0x14000] =	vst v63  }
0x31: {  	s30 =	simm.s32 $0xB000;
	s1 =	rddreg [dreg:$0x5]  }
0x32: {  	[tilespmem:s30], [sflag:$0x3] =	stream.strided.gather [hbm4b:s29+s24], $0x400, s25, s24, $0x38;
	[tilespmem:$0x14000] =	vst v63  }
0x33: {  	s2 =	simm.s32 $0xB400;
	s7 =	rddreg [dreg:$0x15]  }
0x34: {  	[tilespmem:s2], [sflag:$0x3] =	stream.strided.gather [hbm4b:s1+s24], $0x400, s25, s24, $0x38;
	[tilespmem:$0x14000] =	vst v63  }
0x35: {  	s8 =	simm.s32 $0xB800;
	s9 =	rddreg [dreg:$0x16]  }
0x36: {  	[tilespmem:s8], [sflag:$0x3] =	stream.strided.gather [hbm4b:s7+s24], $0x400, s25, s24, $0x38;
	[tilespmem:$0x14000] =	vst v63  }
0x37: {  	s14 =	simm.s32 $0xBC00;
	s15 =	rddreg [dreg:$0x17]  }
0x38: {  	[tilespmem:s14], [sflag:$0x3] =	stream.strided.gather [hbm4b:s9+s24], $0x400, s25, s24, $0x38;
	[tilespmem:$0x14000] =	vst v63  }
0x39: {  	s16 =	simm.s32 $0xC000;
	s17 =	rddreg [dreg:$0x18]  }
0x3a: {  	[tilespmem:s16], [sflag:$0x3] =	stream.strided.gather [hbm4b:s15+s24], $0x400, s25, s24, $0x38;
	[tilespmem:$0x14000] =	vst v63  }
0x3b: {  	s18 =	simm.s32 $0xC400;
	s19 =	rddreg [dreg:$0x6]  }
0x3c: {  	[tilespmem:s18], [sflag:$0x3] =	stream.strided.gather [hbm4b:s17+s24], $0x400, s25, s24, $0x38;
	[tilespmem:$0x14000] =	vst v63  }
0x3d: {  	s20 =	simm.s32 $0xC800;
	s26 =	rddreg [dreg:$0x19]  }
0x3e: {  	[tilespmem:s20], [sflag:$0x3] =	stream.strided.gather [hbm4b:s19+s24], $0x400, s25, s24, $0x38;
	[tilespmem:$0x14000] =	vst v63  }
0x3f: {  	s28 =	simm.s32 $0xCC00;
	s29 =	rddreg [dreg:$0x1a]  }
0x40: {  	[tilespmem:s28], [sflag:$0x3] =	stream.strided.gather [hbm4b:s26+s24], $0x400, s25, s24, $0x38;
	[tilespmem:$0x14000] =	vst v63  }
0x41: {  	s30 =	simm.s32 $0xD000;
	s2 =	rddreg [dreg:$0x1b]  }
0x42: {  	[tilespmem:s30], [sflag:$0x3] =	stream.strided.gather [hbm4b:s29+s24], $0x400, s25, s24, $0x38;
	[tilespmem:$0x14000] =	vst v63  }
0x43: {  	s7 =	simm.s32 $0xD400;
	s8 =	rddreg [dreg:$0x1c]  }
0x44: {  	[tilespmem:s7], [sflag:$0x3] =	stream.strided.gather [hbm4b:s2+s24], $0x400, s25, s24, $0x38;
	[tilespmem:$0x14000] =	vst v63  }
0x45: {  	s9 =	simm.s32 $0xD800;
	s14 =	rddreg [dreg:$0x7]  }
0x46: {  	[tilespmem:s9], [sflag:$0x3] =	stream.strided.gather [hbm4b:s8+s24], $0x400, s25, s24, $0x38;
	[tilespmem:$0x14000] =	vst v63  }
0x47: {  	s15 =	simm.s32 $0xDC00;
	s16 =	rddreg [dreg:$0x1d]  }
0x48: {  	[tilespmem:s15], [sflag:$0x3] =	stream.strided.gather [hbm4b:s14+s24], $0x400, s25, s24, $0x38;
	[tilespmem:$0x14000] =	vst v63  }
0x49: {  	s17 =	simm.s32 $0xE000;
	s18 =	rddreg [dreg:$0x1e]  }
0x4a: {  	[tilespmem:s17], [sflag:$0x3] =	stream.strided.gather [hbm4b:s16+s24], $0x400, s25, s24, $0x38;
	[tilespmem:$0x14000] =	vst v63  }
0x4b: {  	s19 =	simm.s32 $0xE400;
	s20 =	rddreg [dreg:$0x1f]  }
0x4c: {  	[tilespmem:s19], [sflag:$0x3] =	stream.strided.gather [hbm4b:s18+s24], $0x400, s25, s24, $0x38;
	[tilespmem:$0x14000] =	vst v63  }
0x4d: {  	s26 =	simm.s32 $0xE800;
	s28 =	sld [smem:$0x7FD]  }
0x4e: {  	[tilespmem:s26], [sflag:$0x3] =	stream.strided.gather [hbm4b:s20+s24], $0x400, s25, s24, $0x38;
	[tilespmem:$0x14000] =	vst v63  }
0x4f: {  	s29 =	simm.s32 $0xEC00  }
0x50: {  	[tilespmem:s29], [sflag:$0x3] =	stream.strided.gather [hbm4b:s28+s24], $0x400, s25, s24, $0x38;
	[tilespmem:$0x14000] =	vst v63  }
0x51: {  	s30 =	rddreg [dreg:$0x8];
	s7 =	simm.s32 $0x0  }
0x52: {  	[tilespmem:s31], [sflag:$0x1] =	stream.linear.gather [hbm4b:s30+s31], $0x5000, $0x38;
	[tilespmem:$0x14000] =	vst v63  }
.LBB2_2:
0x53: {  	s30 =	smul.u32 $0xA000, s7;
	_ =	sdelay $0x1  }
0x54: {  	s26 =	sadd.s32 $0x5000, s30  }
0x55: {  	s29 =	sadd.s32 s3, s26  }
0x56: {  	s0 =	sshrl.u32 s29, $0x5  }
0x57: {  	s1 =	simm.s32 $0xF000;
	s0 =	sadd.s32 s5, s0  }
0x58: {  	[tilespmem:s1], [sflag:$0x4] =	stream.strided.gather [hbm4b:s0+s24], $0x400, s25, s24, $0x38;
	[tilespmem:$0x14000] =	vst v63  }
0x59: {  	s2 =	simm.s32 $0xF400;
	s16 =	sadd.s32 $0x20, s0  }
0x5a: {  	[tilespmem:s2], [sflag:$0x4] =	stream.strided.gather [hbm4b:s16+s24], $0x400, s25, s24, $0x38;
	[tilespmem:$0x14000] =	vst v63  }
0x5b: {  	s18 =	simm.s32 $0xF800;
	s17 =	sadd.s32 $0x40, s0  }
0x5c: {  	[tilespmem:s18], [sflag:$0x4] =	stream.strided.gather [hbm4b:s17+s24], $0x400, s25, s24, $0x38;
	[tilespmem:$0x14000] =	vst v63  }
0x5d: {  	s20 =	simm.s32 $0xFC00;
	s19 =	sadd.s32 $0x60, s0  }
0x5e: {  	[tilespmem:s20], [sflag:$0x4] =	stream.strided.gather [hbm4b:s19+s24], $0x400, s25, s24, $0x38;
	[tilespmem:$0x14000] =	vst v63  }
0x5f: {  	s8 =	simm.s32 $0x10000;
	s9 =	rddreg [dreg:$0x9];
	s0 =	sadd.s32 $0x80, s0  }
0x60: {  	[tilespmem:s8], [sflag:$0x4] =	stream.strided.gather [hbm4b:s0+s24], $0x400, s25, s24, $0x38;
	[tilespmem:$0x14000] =	vst v63  }
0x61: {  	s0 =	sadd.s32 s30, s9  }
0x62: {  	s0 =	sshrl.u32 s0, $0x5  }
0x63: {  	s14 =	simm.s32 $0x10400;
	s0 =	sadd.s32 s5, s0  }
0x64: {  	[tilespmem:s14], [sflag:$0x4] =	stream.strided.gather [hbm4b:s0+s24], $0x400, s25, s24, $0x38;
	[tilespmem:$0x14000] =	vst v63  }
0x65: {  	s16 =	simm.s32 $0x10800;
	s15 =	sadd.s32 $0x20, s0  }
0x66: {  	[tilespmem:s16], [sflag:$0x4] =	stream.strided.gather [hbm4b:s15+s24], $0x400, s25, s24, $0x38;
	[tilespmem:$0x14000] =	vst v63  }
0x67: {  	s18 =	simm.s32 $0x10C00;
	s17 =	sadd.s32 $0x40, s0  }
0x68: {  	[tilespmem:s18], [sflag:$0x4] =	stream.strided.gather [hbm4b:s17+s24], $0x400, s25, s24, $0x38;
	[tilespmem:$0x14000] =	vst v63  }
0x69: {  	s20 =	simm.s32 $0x11000;
	s19 =	sadd.s32 $0x60, s0  }
0x6a: {  	[tilespmem:s20], [sflag:$0x4] =	stream.strided.gather [hbm4b:s19+s24], $0x400, s25, s24, $0x38;
	[tilespmem:$0x14000] =	vst v63  }
0x6b: {  	s2 =	simm.s32 $0x11400;
	s8 =	rddreg [dreg:$0xa];
	s0 =	sadd.s32 $0x80, s0  }
0x6c: {  	[tilespmem:s2], [sflag:$0x4] =	stream.strided.gather [hbm4b:s0+s24], $0x400, s25, s24, $0x38;
	[tilespmem:$0x14000] =	vst v63  }
0x6d: {  	s0 =	sadd.s32 s30, s8  }
0x6e: {  	s0 =	sshrl.u32 s0, $0x5  }
0x6f: {  	s9 =	simm.s32 $0x11800;
	s0 =	sadd.s32 s5, s0  }
0x70: {  	[tilespmem:s9], [sflag:$0x4] =	stream.strided.gather [hbm4b:s0+s24], $0x400, s25, s24, $0x38;
	[tilespmem:$0x14000] =	vst v63  }
0x71: {  	s15 =	simm.s32 $0x11C00;
	s14 =	sadd.s32 $0x20, s0  }
0x72: {  	[tilespmem:s15], [sflag:$0x4] =	stream.strided.gather [hbm4b:s14+s24], $0x400, s25, s24, $0x38;
	[tilespmem:$0x14000] =	vst v63  }
0x73: {  	s17 =	simm.s32 $0x12000;
	s16 =	sadd.s32 $0x40, s0  }
0x74: {  	[tilespmem:s17], [sflag:$0x4] =	stream.strided.gather [hbm4b:s16+s24], $0x400, s25, s24, $0x38;
	[tilespmem:$0x14000] =	vst v63  }
0x75: {  	s19 =	simm.s32 $0x12400;
	s18 =	sadd.s32 $0x60, s0  }
0x76: {  	[tilespmem:s19], [sflag:$0x4] =	stream.strided.gather [hbm4b:s18+s24], $0x400, s25, s24, $0x38;
	[tilespmem:$0x14000] =	vst v63  }
0x77: {  	s20 =	simm.s32 $0x12800;
	s2 =	rddreg [dreg:$0xb];
	s0 =	sadd.s32 $0x80, s0  }
0x78: {  	[tilespmem:s20], [sflag:$0x4] =	stream.strided.gather [hbm4b:s0+s24], $0x400, s25, s24, $0x38;
	[tilespmem:$0x14000] =	vst v63  }
0x79: {  	s0 =	sadd.s32 s30, s2  }
0x7a: {  	s0 =	sshrl.u32 s0, $0x5  }
0x7b: {  	s8 =	simm.s32 $0x12C00;
	s0 =	sadd.s32 s5, s0  }
0x7c: {  	[tilespmem:s8], [sflag:$0x4] =	stream.strided.gather [hbm4b:s0+s24], $0x400, s25, s24, $0x38;
	[tilespmem:$0x14000] =	vst v63  }
0x7d: {  	s14 =	simm.s32 $0x13000;
	s9 =	sadd.s32 $0x20, s0  }
0x7e: {  	[tilespmem:s14], [sflag:$0x4] =	stream.strided.gather [hbm4b:s9+s24], $0x400, s25, s24, $0x38;
	[tilespmem:$0x14000] =	vst v63  }
0x7f: {  	s16 =	simm.s32 $0x13400;
	s15 =	sadd.s32 $0x40, s0  }
0x80: {  	[tilespmem:s16], [sflag:$0x4] =	stream.strided.gather [hbm4b:s15+s24], $0x400, s25, s24, $0x38;
	[tilespmem:$0x14000] =	vst v63  }
0x81: {  	s18 =	simm.s32 $0x13800;
	s17 =	sadd.s32 $0x60, s0  }
0x82: {  	[tilespmem:s18], [sflag:$0x4] =	stream.strided.gather [hbm4b:s17+s24], $0x400, s25, s24, $0x38;
	[tilespmem:$0x14000] =	vst v63  }
0x83: {  	s19 =	simm.s32 $0x13C00;
	s0 =	sadd.s32 $0x80, s0  }
0x84: {  	[tilespmem:s19], [sflag:$0x4] =	stream.strided.gather [hbm4b:s0+s24], $0x400, s25, s24, $0x38;
	[tilespmem:$0x14000] =	vst v63  }
0x85: {  	_ =	swait.ge [sflag:s10], $0x1400  }
0x86: {  	[sflag:s10] =	ssyncset.done $0x0  }
0x87: {  	[sflag:s10] =	ssyncadd.s32 $0xFFFFEC00  }
0x88: {  	_ =	swait.ge [sflag:s10], $0x1400  }
0x89: {  	[sflag:s10] =	ssyncset.done $0x0  }
0x8a: {  	[sflag:s10] =	ssyncadd.s32 $0xFFFFEC00  }
0x8b: {  	_ =	swait.ge [sflag:s10], $0x1400  }
0x8c: {  	[sflag:s10] =	ssyncset.done $0x0  }
0x8d: {  	[sflag:s10] =	ssyncadd.s32 $0xFFFFEC00  }
0x8e: {  	_ =	swait.ge [sflag:s10], $0x1400  }
0x8f: {  	p0 =	seq.s32 s7, $0x0;
	[sflag:s10] =	ssyncset.done $0x0  }
0x90: {  	s0 =	simm.s32 @!p0 $0x6;
	[sflag:s10] =	ssyncadd.s32 $0xFFFFEC00  }
0x91: {  	_ =	swait.ge @!p0 [sflag:s0], $0x5000  }
0x92: {  	s20 =	rddreg [dreg:$0xc]  }
0x93: {  	s1 =	sadd.s32 s20, s30  }
0x94: {  	[sflag:s0] =	ssyncset.done @!p0 $0x0;
	s31 =	sshrl.u32 s1, $0x3  }
0x95: {  	s8 =	simm.s32 $0x0;
	[sflag:s0] =	ssyncadd.s32 @!p0 $0xFFFFB000;
	s2 =	sadd.s32 s4, s31  }
0x96: {  	[tilespmem:s13], [sflag:$0x2] =	stream.linear.gather [hbm4b:s2+s8], $0x5000, $0x38;
	[tilespmem:$0x14000] =	vst v63  }
0x97: {  	_ =	swait.ge [sflag:s21], $0x5000  }
0x98: {  	s9 =	sand.u32 $0x60, s8;
	s14 =	sand.u32 $0x7C00, s8;
	[sflag:s21] =	ssyncset.done $0x0  }
0x99: {  	s0 =	sor.u32 s9, s14;
	[sflag:s21] =	ssyncadd.s32 $0xFFFFB000  }
0x9a: {  	v0 =	vld [tilespmem:s0+$0xA080]  }
0x9b: {  	v1 =	vld [tilespmem:s0+$0xA000]  }
0x9c: {  	v2 =	vld [tilespmem:s0+$0x200]  }
0x9d: {  	v4 =	vld [tilespmem:s0+$0x100]  }
0x9e: {  	v3 =	vld [tilespmem:s0+$0x180]  }
0x9f: {  	v5 =	vld [tilespmem:s0+$0x280];
	v6 =	vand.u32 $0x1, v0  }
0xa0: {  	v7 =	vld [tilespmem:s0+$0x0];
	v9 =	vand.u32 $0x10000, v1;
	vm0 =	veq.s32 v6, $0x0  }
0xa1: {  	v8 =	vld [tilespmem:s0+$0x80];
	v53 =	vand.u32 $0x1000000, v1;
	vm1 =	veq.s32 v9, $0x0;
	v2 =	vsel vm0, $0x0, v2  }
0xa2: {  	v54 =	vand.u32 $0x100, v0;
	vm0 =	veq.s32 v53, $0x0;
	v4 =	vsel vm1, $0x0, v4;
	[tilespmem:s0+$0x200] =	vst v2  }
0xa3: {  	v2 =	vsel vm0, $0x0, v3;
	v3 =	vand.u32 $0x1, v1;
	vm0 =	veq.s32 v54, $0x0;
	[tilespmem:s0+$0x100] =	vst v4  }
0xa4: {  	s1 =	sand.u32 $0x3, s8;
	v1 =	vand.u32 $0x100, v1;
	[tilespmem:s0+$0x180] =	vst v2;
	vm1 =	veq.s32 v3, $0x0;
	v2 =	vsel vm0, $0x0, v5  }
0xa5: {  	s1 =	sshll.u32 s1, $0x5;
	vm0 =	veq.s32 v1, $0x0;
	v3 =	vsel vm1, $0x0, v7;
	[tilespmem:s0+$0x280] =	vst v2  }
0xa6: {  	s1 =	sadd.s32 $0x0, s1;
	v1 =	vsel vm0, $0x0, v8;
	[tilespmem:s0+$0x0] =	vst v3  }
0xa7: {  	s15 =	sor.u32 $0x300, s1;
	[tilespmem:s0+$0x80] =	vst v1  }
0xa8: {  	v1 =	vld [tilespmem:s15+$0x0];
	_ =	sdelay $0x2  }
0xa9: {  	v2 =	vand.u32 $0x10000, v0  }
0xaa: {  	vm0 =	veq.s32 v2, $0x0  }
0xab: {  	v1 =	vsel vm0, $0x0, v1  }
0xac: {  	s16 =	sor.u32 $0x380, s1;
	[tilespmem:s15+$0x0] =	vst v1  }
0xad: {  	v1 =	vld [tilespmem:s16+$0x0];
	_ =	sdelay $0x2  }
0xae: {  	v0 =	vand.u32 $0x1000000, v0  }
0xaf: {  	vm0 =	veq.s32 v0, $0x0  }
0xb0: {  	v0 =	vsel vm0, $0x0, v1  }
0xb1: {  	[tilespmem:s16+$0x0] =	vst v0  }
0xb2: {  	v0 =	vld [tilespmem:s0+$0xA090]  }
0xb3: {  	v1 =	vld [tilespmem:s0+$0xA010]  }
0xb4: {  	v2 =	vld [tilespmem:s0+$0x210]  }
0xb5: {  	v3 =	vld [tilespmem:s0+$0x290]  }
0xb6: {  	v55 =	vld [tilespmem:s0+$0x90]  }
0xb7: {  	v56 =	vld [tilespmem:s0+$0x10];
	v57 =	vand.u32 $0x1, v0  }
0xb8: {  	v60 =	vld [tilespmem:s0+$0x110];
	v58 =	vand.u32 $0x100, v0;
	v61 =	vand.u32 $0x100, v1;
	vm0 =	veq.s32 v57, $0x0  }
0xb9: {  	v59 =	vld [tilespmem:s0+$0x190];
	v62 =	vand.u32 $0x1, v1;
	vm1 =	veq.s32 v58, $0x0;
	v2 =	vsel vm0, $0x0, v2  }
0xba: {  	v63 =	vand.u32 $0x1000000, v1;
	vm0 =	veq.s32 v61, $0x0;
	v3 =	vsel vm1, $0x0, v3;
	[tilespmem:s0+$0x210] =	vst v2  }
0xbb: {  	v1 =	vand.u32 $0x10000, v1;
	v2 =	vsel vm0, $0x0, v55;
	vm0 =	veq.s32 v62, $0x0;
	[tilespmem:s0+$0x290] =	vst v3  }
0xbc: {  	vm1 =	veq.s32 v1, $0x0;
	v3 =	vsel vm0, $0x0, v56;
	[tilespmem:s0+$0x90] =	vst v2  }
0xbd: {  	vm0 =	veq.s32 v63, $0x0;
	v2 =	vsel vm1, $0x0, v60;
	[tilespmem:s0+$0x10] =	vst v3  }
0xbe: {  	s17 =	sadd.s32 $0x10, s1;
	v1 =	vsel vm0, $0x0, v59;
	[tilespmem:s0+$0x110] =	vst v2  }
0xbf: {  	s8 =	sor.u32 $0x300, s17;
	[tilespmem:s0+$0x190] =	vst v1  }
0xc0: {  	v1 =	vld [tilespmem:s8+$0x0];
	_ =	sdelay $0x2  }
0xc1: {  	v2 =	vand.u32 $0x10000, v0  }
0xc2: {  	vm0 =	veq.s32 v2, $0x0  }
0xc3: {  	v1 =	vsel vm0, $0x0, v1  }
0xc4: {  	s2 =	sor.u32 $0x380, s17;
	v0 =	vand.u32 $0x1000000, v0;
	s0 =	simm.s32 $0x1;
	[tilespmem:s8+$0x0] =	vst v1  }
0xc5: {  	s9 =	simm.s32 $0x20;
	s14 =	simm.s32 $0x100;
	s18 =	sand.u32 $0x3, s0;
	vm0 =	veq.s32 v0, $0x0;
	v0 =	vld [tilespmem:s2+$0x0]  }
0xc6: {  	s9 =	sand.u32 $0x60, s9;
	s19 =	sand.u32 $0x7C00, s14;
	s15 =	sshll.u32 s18, $0x5  }
0xc7: {  	s28 =	sshll.u32 s7, $0x1;
	s9 =	sor.u32 s9, s19;
	s20 =	sadd.s32 $0x100, s15  }
0xc8: {  	s1 =	simm.s32 $0x2;
	s15 =	simm.s32 $0x40;
	s8 =	sadd.s32 $0x10, s20  }
.LBB2_3:
0xc9: {  	s1 =	sadd.s32 $0x2, s1;
	s14 =	sadd.s32 $0x100, s14;
	s0 =	sadd.s32 $0x1, s0  }
0xca: {  	s16 =	sand.u32 $0x3, s0;
	p0 =	slt.u32 s1, $0x9E;
	v0 =	vsel vm0, $0x0, v0  }
0xcb: {  	s16 =	sshll.u32 s16, $0x5;
	[tilespmem:s2+$0x0] =	vst v0  }
0xcc: {  	s17 =	sadd.s32 s16, s14  }
0xcd: {  	s16 =	sadd.s32 $0x10, s17;
	v0 =	vld [tilespmem:s9+$0x280]  }
0xce: {  	v1 =	vld [tilespmem:s9+$0xA080]  }
0xcf: {  	v2 =	vld [tilespmem:s9+$0xA000]  }
0xd0: {  	v3 =	vld [tilespmem:s9+$0x200]  }
0xd1: {  	v4 =	vld [tilespmem:s9+$0x180]  }
0xd2: {  	v5 =	vld [tilespmem:s9+$0x100]  }
0xd3: {  	v6 =	vld [tilespmem:s9+$0x0];
	v7 =	vand.u32 $0x1, v1;
	v8 =	vand.u32 $0x100, v1;
	v9 =	vand.u32 $0x10000, v1  }
0xd4: {  	v10 =	vand.u32 $0x1, v2;
	v11 =	vld [tilespmem:s9+$0x80];
	v12 =	vand.u32 $0x10000, v2;
	vm0 =	veq.s32 v7, $0x0  }
0xd5: {  	v7 =	vand.u32 $0x1000000, v2;
	vm1 =	veq.s32 v10, $0x0;
	v3 =	vsel vm0, $0x0, v3  }
0xd6: {  	s18 =	sand.u32 $0x7C00, s14;
	s2 =	sand.u32 $0x60, s15;
	v2 =	vand.u32 $0x100, v2;
	vm0 =	veq.s32 v12, $0x0;
	vm2 =	veq.s32 v7, $0x0;
	[tilespmem:s9+$0x200] =	vst v3  }
0xd7: {  	s2 =	sor.u32 s2, s18;
	v4 =	vsel vm2, $0x0, v4;
	v3 =	vsel vm0, $0x0, v5;
	vm0 =	veq.s32 v8, $0x0  }
0xd8: {  	v5 =	vsel vm1, $0x0, v6;
	vm1 =	veq.s32 v2, $0x0;
	[tilespmem:s9+$0x180] =	vst v4;
	v0 =	vsel vm0, $0x0, v0  }
0xd9: {  	v1 =	vand.u32 $0x1000000, v1;
	v2 =	vsel vm1, $0x0, v11;
	[tilespmem:s9+$0x100] =	vst v3  }
0xda: {  	[tilespmem:s9+$0x280] =	vst v0  }
0xdb: {  	[tilespmem:s9+$0x0] =	vst v5  }
0xdc: {  	s18 =	sor.u32 $0x300, s20;
	[tilespmem:s9+$0x80] =	vst v2  }
0xdd: {  	v0 =	vld [tilespmem:s18+$0x0];
	_ =	sdelay $0x3  }
0xde: {  	vm0 =	veq.s32 v9, $0x0  }
0xdf: {  	v0 =	vsel vm0, $0x0, v0  }
0xe0: {  	[tilespmem:s18+$0x0] =	vst v0;
	s18 =	sor.u32 $0x380, s20;
	s20 =	smov.u32 s17  }
0xe1: {  	v0 =	vld [tilespmem:s18+$0x0];
	_ =	sdelay $0x3  }
0xe2: {  	vm0 =	veq.s32 v1, $0x0  }
0xe3: {  	v0 =	vsel vm0, $0x0, v0  }
0xe4: {  	[tilespmem:s18+$0x0] =	vst v0  }
0xe5: {  	v0 =	vld [tilespmem:s9+$0x290]  }
0xe6: {  	v1 =	vld [tilespmem:s9+$0xA090]  }
0xe7: {  	v2 =	vld [tilespmem:s9+$0xA010]  }
0xe8: {  	v3 =	vld [tilespmem:s9+$0x210]  }
0xe9: {  	v4 =	vld [tilespmem:s9+$0x90]  }
0xea: {  	v5 =	vld [tilespmem:s9+$0x110]  }
0xeb: {  	v6 =	vld [tilespmem:s9+$0x10];
	v7 =	vand.u32 $0x1, v1;
	v8 =	vand.u32 $0x100, v1;
	v9 =	vand.u32 $0x10000, v1  }
0xec: {  	v10 =	vand.u32 $0x100, v2;
	v11 =	vld [tilespmem:s9+$0x190];
	vm0 =	veq.s32 v7, $0x0;
	vm1 =	veq.s32 v8, $0x0  }
0xed: {  	vm2 =	veq.s32 v10, $0x0;
	v3 =	vsel vm0, $0x0, v3;
	v0 =	vsel vm1, $0x0, v0  }
0xee: {  	v7 =	vand.u32 $0x1, v2;
	v8 =	vand.u32 $0x10000, v2;
	v4 =	vsel vm2, $0x0, v4;
	[tilespmem:s9+$0x210] =	vst v3  }
0xef: {  	v2 =	vand.u32 $0x1000000, v2;
	vm0 =	veq.s32 v7, $0x0;
	vm1 =	veq.s32 v8, $0x0;
	[tilespmem:s9+$0x290] =	vst v0  }
0xf0: {  	v3 =	vsel vm1, $0x0, v5;
	v0 =	vsel vm0, $0x0, v6;
	[tilespmem:s9+$0x90] =	vst v4;
	vm0 =	veq.s32 v2, $0x0  }
0xf1: {  	v1 =	vand.u32 $0x1000000, v1;
	[tilespmem:s9+$0x10] =	vst v0;
	v0 =	vsel vm0, $0x0, v11  }
0xf2: {  	vm0 =	veq.s32 v1, $0x0;
	[tilespmem:s9+$0x190] =	vst v0  }
0xf3: {  	s17 =	sor.u32 $0x300, s8;
	[tilespmem:s9+$0x110] =	vst v3;
	s9 =	smov.u32 s2  }
0xf4: {  	v0 =	vld [tilespmem:s17+$0x0];
	_ =	sdelay $0x3  }
0xf5: {  	vm1 =	veq.s32 v9, $0x0  }
0xf6: {  	v0 =	vsel vm1, $0x0, v0  }
.Ltmp0:
0xf7: {  	s2 =	sor.u32 $0x380, s8;
	s8 =	smov.u32 s16;
	[tilespmem:s17+$0x0] =	vst v0;
	(pc) =	sbr.rel @p0 .LBB2_3-.Ltmp0, $2  }
0xf8: {  	v0 =	vld [tilespmem:s2+$0x0];
	_ =	sdelay $0x2  }
0xf9: {  	s15 =	sadd.s32 $0x20, s15  }
0xfa: {  	_ = 	snop  }
0xfb: {  	v0 =	vsel vm0, $0x0, v0  }
0xfc: {  	[tilespmem:s2+$0x0] =	vst v0  }
0xfd: {  	v0 =	vld [tilespmem:s9+$0xA080]  }
0xfe: {  	v1 =	vld [tilespmem:s9+$0xA000]  }
0xff: {  	v2 =	vld [tilespmem:s9+$0x200]  }
0x100: {  	v4 =	vld [tilespmem:s9+$0x100]  }
0x101: {  	v3 =	vld [tilespmem:s9+$0x180]  }
0x102: {  	v5 =	vld [tilespmem:s9+$0x280];
	v6 =	vand.u32 $0x1, v0  }
0x103: {  	v7 =	vld [tilespmem:s9+$0x0];
	v9 =	vand.u32 $0x10000, v1;
	vm0 =	veq.s32 v6, $0x0  }
0x104: {  	v8 =	vld [tilespmem:s9+$0x80];
	v6 =	vand.u32 $0x1000000, v1;
	vm1 =	veq.s32 v9, $0x0;
	v2 =	vsel vm0, $0x0, v2  }
0x105: {  	vm0 =	veq.s32 v6, $0x0;
	v6 =	vand.u32 $0x100, v0;
	v4 =	vsel vm1, $0x0, v4;
	[tilespmem:s9+$0x200] =	vst v2  }
0x106: {  	v2 =	vsel vm0, $0x0, v3;
	v3 =	vand.u32 $0x1, v1;
	vm0 =	veq.s32 v6, $0x0;
	[tilespmem:s9+$0x100] =	vst v4  }
0x107: {  	v1 =	vand.u32 $0x100, v1;
	[tilespmem:s9+$0x180] =	vst v2;
	vm1 =	veq.s32 v3, $0x0;
	v2 =	vsel vm0, $0x0, v5  }
0x108: {  	vm0 =	veq.s32 v1, $0x0;
	v3 =	vsel vm1, $0x0, v7;
	[tilespmem:s9+$0x280] =	vst v2  }
0x109: {  	v1 =	vsel vm0, $0x0, v8;
	[tilespmem:s9+$0x0] =	vst v3  }
0x10a: {  	s0 =	sor.u32 $0x300, s20;
	[tilespmem:s9+$0x80] =	vst v1  }
0x10b: {  	v1 =	vld [tilespmem:s0+$0x0];
	_ =	sdelay $0x2  }
0x10c: {  	v2 =	vand.u32 $0x10000, v0  }
0x10d: {  	vm0 =	veq.s32 v2, $0x0  }
0x10e: {  	v1 =	vsel vm0, $0x0, v1  }
0x10f: {  	s16 =	sor.u32 $0x380, s20;
	[tilespmem:s0+$0x0] =	vst v1  }
0x110: {  	v1 =	vld [tilespmem:s16+$0x0];
	_ =	sdelay $0x2  }
0x111: {  	v0 =	vand.u32 $0x1000000, v0  }
0x112: {  	vm0 =	veq.s32 v0, $0x0  }
0x113: {  	v0 =	vsel vm0, $0x0, v1  }
0x114: {  	[tilespmem:s16+$0x0] =	vst v0  }
0x115: {  	v0 =	vld [tilespmem:s9+$0xA090]  }
0x116: {  	v1 =	vld [tilespmem:s9+$0xA010]  }
0x117: {  	v2 =	vld [tilespmem:s9+$0x210]  }
0x118: {  	v3 =	vld [tilespmem:s9+$0x290]  }
0x119: {  	v4 =	vld [tilespmem:s9+$0x90]  }
0x11a: {  	v5 =	vld [tilespmem:s9+$0x10];
	v6 =	vand.u32 $0x1, v0  }
0x11b: {  	v62 =	vld [tilespmem:s9+$0x190];
	v7 =	vand.u32 $0x100, v0;
	vm0 =	veq.s32 v6, $0x0  }
0x11c: {  	v63 =	vand.u32 $0x100, v1;
	v6 =	vld [tilespmem:s9+$0x110];
	vm1 =	veq.s32 v7, $0x0;
	v2 =	vsel vm0, $0x0, v2  }
0x11d: {  	v7 =	vand.u32 $0x1, v1;
	vm0 =	veq.s32 v63, $0x0;
	v3 =	vsel vm1, $0x0, v3;
	[tilespmem:s9+$0x210] =	vst v2  }
0x11e: {  	v2 =	vsel vm0, $0x0, v4;
	vm0 =	veq.s32 v7, $0x0;
	v4 =	vand.u32 $0x1000000, v1;
	[tilespmem:s9+$0x290] =	vst v3  }
0x11f: {  	v1 =	vand.u32 $0x10000, v1;
	v3 =	vsel vm0, $0x0, v5;
	[tilespmem:s9+$0x90] =	vst v2;
	vm0 =	veq.s32 v4, $0x0  }
0x120: {  	vm1 =	veq.s32 v1, $0x0;
	[tilespmem:s9+$0x10] =	vst v3;
	v1 =	vsel vm0, $0x0, v62  }
0x121: {  	v2 =	vsel vm1, $0x0, v6;
	[tilespmem:s9+$0x190] =	vst v1  }
0x122: {  	s17 =	sor.u32 $0x300, s8;
	[tilespmem:s9+$0x110] =	vst v2  }
0x123: {  	v1 =	vld [tilespmem:s17+$0x0];
	_ =	sdelay $0x2  }
0x124: {  	v2 =	vand.u32 $0x10000, v0  }
0x125: {  	vm0 =	veq.s32 v2, $0x0  }
0x126: {  	v1 =	vsel vm0, $0x0, v1  }
0x127: {  	s18 =	sor.u32 $0x380, s8;
	[tilespmem:s17+$0x0] =	vst v1  }
0x128: {  	v1 =	vld [tilespmem:s18+$0x0];
	_ =	sdelay $0x2  }
0x129: {  	v0 =	vand.u32 $0x1000000, v0  }
0x12a: {  	s1 =	sadd.s32 s3, s30;
	vm0 =	veq.s32 v0, $0x0  }
0x12b: {  	s1 =	sshrl.u32 s1, $0x3;
	v0 =	vsel vm0, $0x0, v1  }
0x12c: {  	s19 =	sadd.s32 s6, s1;
	s9 =	simm.s32 $0x0;
	[tilespmem:s18+$0x0] =	vst v0  }
0x12d: {  	[hbm4b:s19+s9] =	stream.linear.scatter [tilespmem:s9], [sflag:$0x5], $0x5000, $0x38;
	[tilespmem:$0x14000] =	vst v63  }
0x12e: {  	_ =	swait.ge [sflag:s22], $0x5000  }
0x12f: {  	s20 =	rddreg [dreg:$0xd]  }
0x130: {  	s0 =	sadd.s32 s20, s30  }
0x131: {  	[sflag:s22] =	ssyncset.done $0x0;
	s8 =	sshrl.u32 s0, $0x3  }
0x132: {  	[sflag:s22] =	ssyncadd.s32 $0xFFFFB000;
	s0 =	sadd.s32 s4, s8  }
0x133: {  	[tilespmem:s9], [sflag:$0x1] =	stream.linear.gather [hbm4b:s0+s9], $0x5000, $0x38;
	[tilespmem:$0x14000] =	vst v63  }
0x134: {  	_ =	swait.ge [sflag:s23], $0x5000  }
0x135: {  	s1 =	sand.u32 $0x60, s9;
	s17 =	sand.u32 $0x7C00, s9;
	[sflag:s23] =	ssyncset.done $0x0  }
0x136: {  	s18 =	sor.u32 s1, s17;
	[sflag:s23] =	ssyncadd.s32 $0xFFFFB000  }
0x137: {  	s14 =	sadd.s32 $0x5000, s17;
	v0 =	vld [tilespmem:s18+$0xA100]  }
0x138: {  	s15 =	sor.u32 s1, s14  }
0x139: {  	v1 =	vld [tilespmem:s15+$0x0]  }
0x13a: {  	v2 =	vld [tilespmem:s15+$0x80];
	_ =	sdelay $0x1  }
0x13b: {  	v3 =	vand.u32 $0x1, v0  }
0x13c: {  	v4 =	vand.u32 $0x100, v0;
	vm0 =	veq.s32 v3, $0x0  }
0x13d: {  	vm1 =	veq.s32 v4, $0x0;
	v1 =	vsel vm0, $0x0, v1  }
0x13e: {  	v2 =	vsel vm1, $0x0, v2;
	[tilespmem:s15+$0x0] =	vst v1  }
0x13f: {  	[tilespmem:s15+$0x80] =	vst v2  }
0x140: {  	v1 =	vld [tilespmem:s18+$0x5100]  }
0x141: {  	v2 =	vld [tilespmem:s18+$0x5180];
	_ =	sdelay $0x1  }
0x142: {  	v3 =	vand.u32 $0x10000, v0  }
0x143: {  	v0 =	vand.u32 $0x1000000, v0;
	vm0 =	veq.s32 v3, $0x0  }
0x144: {  	v1 =	vsel vm0, $0x0, v1;
	vm0 =	veq.s32 v0, $0x0  }
0x145: {  	[tilespmem:s18+$0x5100] =	vst v1;
	v0 =	vsel vm0, $0x0, v2;
	v1 =	vld [tilespmem:s18+$0xA180]  }
0x146: {  	[tilespmem:s18+$0x5180] =	vst v0  }
0x147: {  	v0 =	vld [tilespmem:s15+$0x280]  }
0x148: {  	v2 =	vld [tilespmem:s15+$0x200];
	_ =	sdelay $0x1  }
0x149: {  	v3 =	vand.u32 $0x100, v1  }
0x14a: {  	s19 =	sand.u32 $0x3, s9;
	v4 =	vand.u32 $0x1, v1;
	vm0 =	veq.s32 v3, $0x0  }
0x14b: {  	s2 =	sshll.u32 s19, $0x5;
	vm1 =	veq.s32 v4, $0x0;
	v0 =	vsel vm0, $0x0, v0  }
0x14c: {  	s16 =	sadd.s32 $0x0, s2;
	v2 =	vsel vm1, $0x0, v2;
	[tilespmem:s15+$0x280] =	vst v0  }
0x14d: {  	s2 =	sor.u32 $0x300, s16;
	[tilespmem:s15+$0x200] =	vst v2  }
0x14e: {  	v0 =	vld [tilespmem:s2+$0x5000];
	_ =	sdelay $0x2  }
0x14f: {  	v2 =	vand.u32 $0x10000, v1  }
0x150: {  	vm0 =	veq.s32 v2, $0x0  }
0x151: {  	v0 =	vsel vm0, $0x0, v0  }
0x152: {  	s20 =	sor.u32 $0x380, s16;
	[tilespmem:s2+$0x5000] =	vst v0  }
0x153: {  	v0 =	vld [tilespmem:s20+$0x5000];
	_ =	sdelay $0x2  }
0x154: {  	v1 =	vand.u32 $0x1000000, v1  }
0x155: {  	vm0 =	veq.s32 v1, $0x0  }
0x156: {  	s0 =	sor.u32 $0x10, s1;
	v0 =	vsel vm0, $0x0, v0  }
0x157: {  	s1 =	sor.u32 s17, s0;
	[tilespmem:s20+$0x5000] =	vst v0  }
0x158: {  	v0 =	vld [tilespmem:s1+$0xA100]  }
0x159: {  	s2 =	sor.u32 s0, s14  }
0x15a: {  	v1 =	vld [tilespmem:s2+$0x0]  }
0x15b: {  	v2 =	vld [tilespmem:s2+$0x80];
	_ =	sdelay $0x1  }
0x15c: {  	v3 =	vand.u32 $0x1, v0  }
0x15d: {  	v4 =	vand.u32 $0x100, v0;
	vm0 =	veq.s32 v3, $0x0  }
0x15e: {  	vm1 =	veq.s32 v4, $0x0;
	v1 =	vsel vm0, $0x0, v1  }
0x15f: {  	v2 =	vsel vm1, $0x0, v2;
	[tilespmem:s2+$0x0] =	vst v1  }
0x160: {  	[tilespmem:s2+$0x80] =	vst v2  }
0x161: {  	v1 =	vld [tilespmem:s1+$0x5100]  }
0x162: {  	v2 =	vld [tilespmem:s1+$0x5180];
	_ =	sdelay $0x1  }
0x163: {  	v3 =	vand.u32 $0x10000, v0;
	v4 =	vld [tilespmem:s1+$0xA180]  }
0x164: {  	v0 =	vand.u32 $0x1000000, v0;
	vm0 =	veq.s32 v3, $0x0  }
0x165: {  	v1 =	vsel vm0, $0x0, v1;
	vm0 =	veq.s32 v0, $0x0  }
0x166: {  	[tilespmem:s1+$0x5100] =	vst v1;
	v0 =	vsel vm0, $0x0, v2  }
0x167: {  	[tilespmem:s1+$0x5180] =	vst v0  }
0x168: {  	v2 =	vand.u32 $0x100, v4;
	v0 =	vand.u32 $0x1, v4;
	v3 =	vld [tilespmem:s2+$0x200]  }
0x169: {  	v1 =	vand.u32 $0x10000, v4;
	vm0 =	veq.s32 v0, $0x0;
	v0 =	vand.u32 $0x1000000, v4;
	v4 =	vld [tilespmem:s2+$0x280]  }
0x16a: {  	s14 =	sadd.s32 $0x10, s16  }
0x16b: {  	s0 =	simm.s32 $0x20;
	s20 =	simm.s32 $0x0;
	s1 =	simm.s32 $0x0  }
.LBB2_5:
0x16c: {  	s20 =	sadd.s32 $0x2, s20;
	s9 =	sadd.s32 $0x100, s9;
	s1 =	sadd.s32 $0x1, s1  }
0x16d: {  	p0 =	slt.u32 s20, $0x9E;
	v3 =	vsel vm0, $0x0, v3;
	vm0 =	veq.s32 v2, $0x0  }
0x16e: {  	s18 =	sor.u32 $0x300, s14;
	[tilespmem:s2+$0x200] =	vst v3;
	v2 =	vsel vm0, $0x0, v4  }
0x16f: {  	[tilespmem:s2+$0x280] =	vst v2  }
0x170: {  	v2 =	vld [tilespmem:s18+$0x5000]  }
0x171: {  	s15 =	sand.u32 $0x7C00, s9;
	s2 =	sand.u32 $0x60, s0  }
0x172: {  	s19 =	sor.u32 s2, s15  }
0x173: {  	s16 =	sadd.s32 $0x5000, s15;
	vm0 =	veq.s32 v1, $0x0  }
0x174: {  	s17 =	sor.u32 s2, s16  }
0x175: {  	s14 =	sor.u32 $0x380, s14;
	v1 =	vsel vm0, $0x0, v2  }
0x176: {  	[tilespmem:s18+$0x5000] =	vst v1  }
0x177: {  	v1 =	vld [tilespmem:s14+$0x5000];
	_ =	sdelay $0x2  }
0x178: {  	vm0 =	veq.s32 v0, $0x0;
	_ =	sdelay $0x1  }
0x179: {  	v0 =	vsel vm0, $0x0, v1  }
0x17a: {  	[tilespmem:s14+$0x5000] =	vst v0  }
0x17b: {  	v0 =	vld [tilespmem:s19+$0xA100]  }
0x17c: {  	v1 =	vld [tilespmem:s17+$0x80]  }
0x17d: {  	v2 =	vld [tilespmem:s17+$0x0];
	_ =	sdelay $0x2  }
0x17e: {  	v3 =	vand.u32 $0x1, v0;
	v4 =	vand.u32 $0x100, v0;
	v5 =	vand.u32 $0x10000, v0  }
0x17f: {  	v0 =	vand.u32 $0x1000000, v0;
	vm0 =	veq.s32 v3, $0x0;
	vm1 =	veq.s32 v4, $0x0  }
0x180: {  	v2 =	vsel vm0, $0x0, v2;
	v1 =	vsel vm1, $0x0, v1  }
0x181: {  	[tilespmem:s17+$0x0] =	vst v2  }
0x182: {  	[tilespmem:s17+$0x80] =	vst v1  }
0x183: {  	v1 =	vld [tilespmem:s19+$0x5100]  }
0x184: {  	v2 =	vld [tilespmem:s19+$0x5180];
	_ =	sdelay $0x2  }
0x185: {  	vm0 =	veq.s32 v5, $0x0  }
0x186: {  	v1 =	vsel vm0, $0x0, v1;
	vm0 =	veq.s32 v0, $0x0  }
0x187: {  	[tilespmem:s19+$0x5100] =	vst v1;
	v0 =	vsel vm0, $0x0, v2;
	v1 =	vld [tilespmem:s19+$0xA180]  }
0x188: {  	[tilespmem:s19+$0x5180] =	vst v0  }
0x189: {  	v0 =	vld [tilespmem:s17+$0x280]  }
0x18a: {  	v2 =	vld [tilespmem:s17+$0x200];
	_ =	sdelay $0x1  }
0x18b: {  	v3 =	vand.u32 $0x100, v1;
	v4 =	vand.u32 $0x10000, v1;
	v5 =	vand.u32 $0x1000000, v1  }
0x18c: {  	s14 =	sand.u32 $0x3, s1;
	v1 =	vand.u32 $0x1, v1;
	vm0 =	veq.s32 v3, $0x0  }
0x18d: {  	s14 =	sshll.u32 s14, $0x5;
	vm1 =	veq.s32 v1, $0x0;
	v0 =	vsel vm0, $0x0, v0  }
0x18e: {  	s18 =	sadd.s32 s14, s9;
	v1 =	vsel vm1, $0x0, v2;
	[tilespmem:s17+$0x280] =	vst v0  }
0x18f: {  	s14 =	sadd.s32 $0x10, s18;
	[tilespmem:s17+$0x200] =	vst v1;
	s17 =	sor.u32 $0x300, s18  }
0x190: {  	v0 =	vld [tilespmem:s17+$0x5000];
	_ =	sdelay $0x3  }
0x191: {  	vm0 =	veq.s32 v4, $0x0  }
0x192: {  	v0 =	vsel vm0, $0x0, v0  }
0x193: {  	[tilespmem:s17+$0x5000] =	vst v0;
	s17 =	sor.u32 $0x380, s18  }
0x194: {  	v0 =	vld [tilespmem:s17+$0x5000];
	_ =	sdelay $0x3  }
0x195: {  	vm0 =	veq.s32 v5, $0x0  }
0x196: {  	s2 =	sor.u32 $0x10, s2;
	v0 =	vsel vm0, $0x0, v0  }
0x197: {  	s15 =	sor.u32 s15, s2;
	[tilespmem:s17+$0x5000] =	vst v0  }
0x198: {  	s2 =	sor.u32 s2, s16;
	v0 =	vld [tilespmem:s15+$0xA100]  }
0x199: {  	v1 =	vld [tilespmem:s2+$0x80]  }
0x19a: {  	v2 =	vld [tilespmem:s2+$0x0];
	_ =	sdelay $0x2  }
0x19b: {  	v3 =	vand.u32 $0x1, v0;
	v4 =	vand.u32 $0x100, v0;
	v5 =	vand.u32 $0x10000, v0  }
0x19c: {  	v0 =	vand.u32 $0x1000000, v0;
	vm0 =	veq.s32 v3, $0x0;
	vm1 =	veq.s32 v4, $0x0  }
0x19d: {  	v2 =	vsel vm0, $0x0, v2;
	v1 =	vsel vm1, $0x0, v1  }
0x19e: {  	[tilespmem:s2+$0x0] =	vst v2  }
0x19f: {  	[tilespmem:s2+$0x80] =	vst v1  }
0x1a0: {  	v1 =	vld [tilespmem:s15+$0x5100]  }
0x1a1: {  	v2 =	vld [tilespmem:s15+$0x5180]  }
0x1a2: {  	v4 =	vld [tilespmem:s15+$0xA180];
	_ =	sdelay $0x1  }
0x1a3: {  	vm0 =	veq.s32 v5, $0x0  }
0x1a4: {  	v1 =	vsel vm0, $0x0, v1;
	vm0 =	veq.s32 v0, $0x0  }
0x1a5: {  	[tilespmem:s15+$0x5100] =	vst v1;
	v0 =	vsel vm0, $0x0, v2  }
.Ltmp1:
0x1a6: {  	[tilespmem:s15+$0x5180] =	vst v0;
	v0 =	vand.u32 $0x1, v4;
	v2 =	vand.u32 $0x100, v4;
	v1 =	vand.u32 $0x10000, v4;
	(pc) =	sbr.rel @p0 .LBB2_5-.Ltmp1, $3  }
0x1a7: {  	vm0 =	veq.s32 v0, $0x0;
	v3 =	vld [tilespmem:s2+$0x200];
	v0 =	vand.u32 $0x1000000, v4  }
0x1a8: {  	v4 =	vld [tilespmem:s2+$0x280];
	_ =	sdelay $0x1  }
0x1a9: {  	s0 =	sadd.s32 $0x20, s0  }
0x1aa: {  	_ = 	snop  }
0x1ab: {  	v3 =	vsel vm0, $0x0, v3;
	vm0 =	veq.s32 v2, $0x0  }
0x1ac: {  	[tilespmem:s2+$0x200] =	vst v3;
	v2 =	vsel vm0, $0x0, v4  }
0x1ad: {  	s0 =	sor.u32 $0x300, s14;
	[tilespmem:s2+$0x280] =	vst v2  }
0x1ae: {  	v2 =	vld [tilespmem:s0+$0x5000];
	_ =	sdelay $0x3  }
0x1af: {  	vm0 =	veq.s32 v1, $0x0  }
0x1b0: {  	v1 =	vsel vm0, $0x0, v2  }
0x1b1: {  	s1 =	sor.u32 $0x380, s14;
	[tilespmem:s0+$0x5000] =	vst v1  }
0x1b2: {  	v1 =	vld [tilespmem:s1+$0x5000];
	_ =	sdelay $0x3  }
0x1b3: {  	vm0 =	veq.s32 v0, $0x0  }
0x1b4: {  	v0 =	vsel vm0, $0x0, v1  }
0x1b5: {  	s19 =	sadd.s32 s6, s31;
	s20 =	simm.s32 $0x0;
	[tilespmem:s1+$0x5000] =	vst v0  }
0x1b6: {  	[hbm4b:s19+s20] =	stream.linear.scatter [tilespmem:s13], [sflag:$0x6], $0x5000, $0x38;
	[tilespmem:$0x14000] =	vst v63  }
0x1b7: {  	_ =	swait.ge [sflag:s11], $0x5000  }
0x1b8: {  	s2 =	rddreg [dreg:$0xe]  }
0x1b9: {  	s0 =	sadd.s32 s2, s30  }
0x1ba: {  	[sflag:s11] =	ssyncset.done $0x0;
	s30 =	sshrl.u32 s0, $0x3  }
0x1bb: {  	[sflag:s11] =	ssyncadd.s32 $0xFFFFB000;
	s0 =	sadd.s32 s4, s30  }
0x1bc: {  	[tilespmem:s13], [sflag:$0x2] =	stream.linear.gather [hbm4b:s0+s20], $0x5000, $0x38;
	[tilespmem:$0x14000] =	vst v63  }
0x1bd: {  	_ =	swait.ge [sflag:s21], $0x5000  }
0x1be: {  	s9 =	sand.u32 $0x60, s20;
	s14 =	sand.u32 $0x7C00, s20;
	[sflag:s21] =	ssyncset.done $0x0  }
0x1bf: {  	s0 =	sor.u32 s9, s14;
	[sflag:s21] =	ssyncadd.s32 $0xFFFFB000  }
0x1c0: {  	v0 =	vld [tilespmem:s0+$0xA280]  }
0x1c1: {  	v1 =	vld [tilespmem:s0+$0xA200]  }
0x1c2: {  	v2 =	vld [tilespmem:s0+$0x200]  }
0x1c3: {  	v52 =	vld [tilespmem:s0+$0x100]  }
0x1c4: {  	v3 =	vld [tilespmem:s0+$0x180]  }
0x1c5: {  	v5 =	vld [tilespmem:s0+$0x280];
	v6 =	vand.u32 $0x1, v0  }
0x1c6: {  	v7 =	vld [tilespmem:s0+$0x0];
	v9 =	vand.u32 $0x10000, v1;
	vm0 =	veq.s32 v6, $0x0  }
0x1c7: {  	v8 =	vld [tilespmem:s0+$0x80];
	v53 =	vand.u32 $0x1000000, v1;
	vm1 =	veq.s32 v9, $0x0;
	v2 =	vsel vm0, $0x0, v2  }
0x1c8: {  	v54 =	vand.u32 $0x100, v0;
	vm0 =	veq.s32 v53, $0x0;
	v4 =	vsel vm1, $0x0, v52;
	[tilespmem:s0+$0x200] =	vst v2  }
0x1c9: {  	v2 =	vsel vm0, $0x0, v3;
	v3 =	vand.u32 $0x1, v1;
	vm0 =	veq.s32 v54, $0x0;
	[tilespmem:s0+$0x100] =	vst v4  }
0x1ca: {  	s1 =	sand.u32 $0x3, s20;
	v1 =	vand.u32 $0x100, v1;
	[tilespmem:s0+$0x180] =	vst v2;
	vm1 =	veq.s32 v3, $0x0;
	v2 =	vsel vm0, $0x0, v5  }
0x1cb: {  	s1 =	sshll.u32 s1, $0x5;
	vm0 =	veq.s32 v1, $0x0;
	v3 =	vsel vm1, $0x0, v7;
	[tilespmem:s0+$0x280] =	vst v2  }
0x1cc: {  	s1 =	sadd.s32 $0x0, s1;
	v1 =	vsel vm0, $0x0, v8;
	[tilespmem:s0+$0x0] =	vst v3  }
0x1cd: {  	s15 =	sor.u32 $0x300, s1;
	[tilespmem:s0+$0x80] =	vst v1  }
0x1ce: {  	v1 =	vld [tilespmem:s15+$0x0];
	_ =	sdelay $0x2  }
0x1cf: {  	v2 =	vand.u32 $0x10000, v0  }
0x1d0: {  	vm0 =	veq.s32 v2, $0x0  }
0x1d1: {  	v1 =	vsel vm0, $0x0, v1  }
0x1d2: {  	s16 =	sor.u32 $0x380, s1;
	[tilespmem:s15+$0x0] =	vst v1  }
0x1d3: {  	v1 =	vld [tilespmem:s16+$0x0];
	_ =	sdelay $0x2  }
0x1d4: {  	v0 =	vand.u32 $0x1000000, v0  }
0x1d5: {  	vm0 =	veq.s32 v0, $0x0  }
0x1d6: {  	v0 =	vsel vm0, $0x0, v1  }
0x1d7: {  	[tilespmem:s16+$0x0] =	vst v0  }
0x1d8: {  	v0 =	vld [tilespmem:s0+$0xA290]  }
0x1d9: {  	v1 =	vld [tilespmem:s0+$0xA210]  }
0x1da: {  	v2 =	vld [tilespmem:s0+$0x210]  }
0x1db: {  	v3 =	vld [tilespmem:s0+$0x290]  }
0x1dc: {  	v55 =	vld [tilespmem:s0+$0x90]  }
0x1dd: {  	v56 =	vld [tilespmem:s0+$0x10];
	v57 =	vand.u32 $0x1, v0  }
0x1de: {  	v60 =	vld [tilespmem:s0+$0x110];
	v58 =	vand.u32 $0x100, v0;
	v61 =	vand.u32 $0x100, v1;
	vm0 =	veq.s32 v57, $0x0  }
0x1df: {  	v59 =	vld [tilespmem:s0+$0x190];
	v62 =	vand.u32 $0x1, v1;
	vm1 =	veq.s32 v58, $0x0;
	v2 =	vsel vm0, $0x0, v2  }
0x1e0: {  	v63 =	vand.u32 $0x1000000, v1;
	vm0 =	veq.s32 v61, $0x0;
	v3 =	vsel vm1, $0x0, v3;
	[tilespmem:s0+$0x210] =	vst v2  }
0x1e1: {  	v1 =	vand.u32 $0x10000, v1;
	v2 =	vsel vm0, $0x0, v55;
	vm0 =	veq.s32 v62, $0x0;
	[tilespmem:s0+$0x290] =	vst v3  }
0x1e2: {  	vm1 =	veq.s32 v1, $0x0;
	v3 =	vsel vm0, $0x0, v56;
	[tilespmem:s0+$0x90] =	vst v2  }
0x1e3: {  	vm0 =	veq.s32 v63, $0x0;
	v2 =	vsel vm1, $0x0, v60;
	[tilespmem:s0+$0x10] =	vst v3  }
0x1e4: {  	s17 =	sadd.s32 $0x10, s1;
	v1 =	vsel vm0, $0x0, v59;
	[tilespmem:s0+$0x110] =	vst v2  }
0x1e5: {  	s9 =	sor.u32 $0x300, s17;
	[tilespmem:s0+$0x190] =	vst v1  }
0x1e6: {  	v1 =	vld [tilespmem:s9+$0x0];
	_ =	sdelay $0x2  }
0x1e7: {  	v2 =	vand.u32 $0x10000, v0  }
0x1e8: {  	vm0 =	veq.s32 v2, $0x0  }
0x1e9: {  	v1 =	vsel vm0, $0x0, v1  }
0x1ea: {  	s2 =	sor.u32 $0x380, s17;
	v0 =	vand.u32 $0x1000000, v0;
	s0 =	simm.s32 $0x1;
	[tilespmem:s9+$0x0] =	vst v1  }
0x1eb: {  	s1 =	simm.s32 $0x2;
	s18 =	sand.u32 $0x3, s0;
	vm0 =	veq.s32 v0, $0x0;
	v0 =	vld [tilespmem:s2+$0x0]  }
0x1ec: {  	s14 =	simm.s32 $0x100;
	s15 =	simm.s32 $0x20;
	s16 =	sshll.u32 s18, $0x5  }
0x1ed: {  	s19 =	sand.u32 $0x7C00, s14;
	s15 =	sand.u32 $0x60, s15;
	s20 =	sadd.s32 $0x100, s16  }
0x1ee: {  	s31 =	sor.u32 s15, s19;
	s15 =	simm.s32 $0x40;
	s9 =	sadd.s32 $0x10, s20  }
.LBB2_7:
0x1ef: {  	s1 =	sadd.s32 $0x2, s1;
	s14 =	sadd.s32 $0x100, s14;
	s0 =	sadd.s32 $0x1, s0  }
0x1f0: {  	s16 =	sand.u32 $0x3, s0;
	p0 =	slt.u32 s1, $0x9E;
	v0 =	vsel vm0, $0x0, v0  }
0x1f1: {  	s16 =	sshll.u32 s16, $0x5;
	[tilespmem:s2+$0x0] =	vst v0  }
0x1f2: {  	s17 =	sadd.s32 s16, s14  }
0x1f3: {  	s16 =	sadd.s32 $0x10, s17;
	v0 =	vld [tilespmem:s31+$0x280]  }
0x1f4: {  	v1 =	vld [tilespmem:s31+$0xA280]  }
0x1f5: {  	v2 =	vld [tilespmem:s31+$0xA200]  }
0x1f6: {  	v3 =	vld [tilespmem:s31+$0x200]  }
0x1f7: {  	v4 =	vld [tilespmem:s31+$0x180]  }
0x1f8: {  	v5 =	vld [tilespmem:s31+$0x100]  }
0x1f9: {  	v6 =	vld [tilespmem:s31+$0x0];
	v7 =	vand.u32 $0x1, v1;
	v8 =	vand.u32 $0x100, v1;
	v9 =	vand.u32 $0x10000, v1  }
0x1fa: {  	v10 =	vand.u32 $0x1, v2;
	v11 =	vld [tilespmem:s31+$0x80];
	v12 =	vand.u32 $0x10000, v2;
	vm0 =	veq.s32 v7, $0x0  }
0x1fb: {  	v7 =	vand.u32 $0x1000000, v2;
	vm1 =	veq.s32 v10, $0x0;
	v3 =	vsel vm0, $0x0, v3  }
0x1fc: {  	s18 =	sand.u32 $0x7C00, s14;
	s2 =	sand.u32 $0x60, s15;
	v2 =	vand.u32 $0x100, v2;
	vm0 =	veq.s32 v12, $0x0;
	vm2 =	veq.s32 v7, $0x0;
	[tilespmem:s31+$0x200] =	vst v3  }
0x1fd: {  	s2 =	sor.u32 s2, s18;
	v4 =	vsel vm2, $0x0, v4;
	v3 =	vsel vm0, $0x0, v5;
	vm0 =	veq.s32 v8, $0x0  }
0x1fe: {  	v5 =	vsel vm1, $0x0, v6;
	vm1 =	veq.s32 v2, $0x0;
	[tilespmem:s31+$0x180] =	vst v4;
	v0 =	vsel vm0, $0x0, v0  }
0x1ff: {  	v1 =	vand.u32 $0x1000000, v1;
	v2 =	vsel vm1, $0x0, v11;
	[tilespmem:s31+$0x100] =	vst v3  }
0x200: {  	[tilespmem:s31+$0x280] =	vst v0  }
0x201: {  	[tilespmem:s31+$0x0] =	vst v5  }
0x202: {  	s18 =	sor.u32 $0x300, s20;
	[tilespmem:s31+$0x80] =	vst v2  }
0x203: {  	v0 =	vld [tilespmem:s18+$0x0];
	_ =	sdelay $0x3  }
0x204: {  	vm0 =	veq.s32 v9, $0x0  }
0x205: {  	v0 =	vsel vm0, $0x0, v0  }
0x206: {  	[tilespmem:s18+$0x0] =	vst v0;
	s18 =	sor.u32 $0x380, s20;
	s20 =	smov.u32 s17  }
0x207: {  	v0 =	vld [tilespmem:s18+$0x0];
	_ =	sdelay $0x3  }
0x208: {  	vm0 =	veq.s32 v1, $0x0  }
0x209: {  	v0 =	vsel vm0, $0x0, v0  }
0x20a: {  	[tilespmem:s18+$0x0] =	vst v0  }
0x20b: {  	v0 =	vld [tilespmem:s31+$0x290]  }
0x20c: {  	v1 =	vld [tilespmem:s31+$0xA290]  }
0x20d: {  	v2 =	vld [tilespmem:s31+$0xA210]  }
0x20e: {  	v3 =	vld [tilespmem:s31+$0x210]  }
0x20f: {  	v4 =	vld [tilespmem:s31+$0x90]  }
0x210: {  	v5 =	vld [tilespmem:s31+$0x110]  }
0x211: {  	v6 =	vld [tilespmem:s31+$0x10];
	v7 =	vand.u32 $0x1, v1;
	v8 =	vand.u32 $0x100, v1;
	v9 =	vand.u32 $0x10000, v1  }
0x212: {  	v10 =	vand.u32 $0x100, v2;
	v11 =	vld [tilespmem:s31+$0x190];
	vm0 =	veq.s32 v7, $0x0;
	vm1 =	veq.s32 v8, $0x0  }
0x213: {  	vm2 =	veq.s32 v10, $0x0;
	v3 =	vsel vm0, $0x0, v3;
	v0 =	vsel vm1, $0x0, v0  }
0x214: {  	v7 =	vand.u32 $0x1, v2;
	v8 =	vand.u32 $0x10000, v2;
	v4 =	vsel vm2, $0x0, v4;
	[tilespmem:s31+$0x210] =	vst v3  }
0x215: {  	v2 =	vand.u32 $0x1000000, v2;
	vm0 =	veq.s32 v7, $0x0;
	vm1 =	veq.s32 v8, $0x0;
	[tilespmem:s31+$0x290] =	vst v0  }
0x216: {  	v3 =	vsel vm1, $0x0, v5;
	v0 =	vsel vm0, $0x0, v6;
	[tilespmem:s31+$0x90] =	vst v4;
	vm0 =	veq.s32 v2, $0x0  }
0x217: {  	v1 =	vand.u32 $0x1000000, v1;
	[tilespmem:s31+$0x10] =	vst v0;
	v0 =	vsel vm0, $0x0, v11  }
0x218: {  	vm0 =	veq.s32 v1, $0x0;
	[tilespmem:s31+$0x190] =	vst v0  }
0x219: {  	s17 =	sor.u32 $0x300, s9;
	[tilespmem:s31+$0x110] =	vst v3;
	s31 =	smov.u32 s2  }
0x21a: {  	v0 =	vld [tilespmem:s17+$0x0];
	_ =	sdelay $0x3  }
0x21b: {  	vm1 =	veq.s32 v9, $0x0  }
0x21c: {  	v0 =	vsel vm1, $0x0, v0  }
.Ltmp2:
0x21d: {  	s2 =	sor.u32 $0x380, s9;
	s9 =	smov.u32 s16;
	[tilespmem:s17+$0x0] =	vst v0;
	(pc) =	sbr.rel @p0 .LBB2_7-.Ltmp2, $2  }
0x21e: {  	v0 =	vld [tilespmem:s2+$0x0];
	_ =	sdelay $0x2  }
0x21f: {  	s15 =	sadd.s32 $0x20, s15  }
0x220: {  	_ = 	snop  }
0x221: {  	v0 =	vsel vm0, $0x0, v0  }
0x222: {  	[tilespmem:s2+$0x0] =	vst v0  }
0x223: {  	v0 =	vld [tilespmem:s31+$0xA280]  }
0x224: {  	v1 =	vld [tilespmem:s31+$0xA200]  }
0x225: {  	v2 =	vld [tilespmem:s31+$0x200]  }
0x226: {  	v4 =	vld [tilespmem:s31+$0x100]  }
0x227: {  	v3 =	vld [tilespmem:s31+$0x180]  }
0x228: {  	v5 =	vld [tilespmem:s31+$0x280];
	v6 =	vand.u32 $0x1, v0  }
0x229: {  	v7 =	vld [tilespmem:s31+$0x0];
	v9 =	vand.u32 $0x10000, v1;
	vm0 =	veq.s32 v6, $0x0  }
0x22a: {  	v8 =	vld [tilespmem:s31+$0x80];
	v43 =	vand.u32 $0x1000000, v1;
	vm1 =	veq.s32 v9, $0x0;
	v2 =	vsel vm0, $0x0, v2  }
0x22b: {  	v44 =	vand.u32 $0x100, v0;
	vm0 =	veq.s32 v43, $0x0;
	v4 =	vsel vm1, $0x0, v4;
	[tilespmem:s31+$0x200] =	vst v2  }
0x22c: {  	v2 =	vsel vm0, $0x0, v3;
	v3 =	vand.u32 $0x1, v1;
	vm0 =	veq.s32 v44, $0x0;
	[tilespmem:s31+$0x100] =	vst v4  }
0x22d: {  	v1 =	vand.u32 $0x100, v1;
	[tilespmem:s31+$0x180] =	vst v2;
	vm1 =	veq.s32 v3, $0x0;
	v2 =	vsel vm0, $0x0, v5  }
0x22e: {  	vm0 =	veq.s32 v1, $0x0;
	v3 =	vsel vm1, $0x0, v7;
	[tilespmem:s31+$0x280] =	vst v2  }
0x22f: {  	v1 =	vsel vm0, $0x0, v8;
	[tilespmem:s31+$0x0] =	vst v3  }
0x230: {  	s0 =	sor.u32 $0x300, s20;
	[tilespmem:s31+$0x80] =	vst v1  }
0x231: {  	v1 =	vld [tilespmem:s0+$0x0];
	_ =	sdelay $0x2  }
0x232: {  	v2 =	vand.u32 $0x10000, v0  }
0x233: {  	vm0 =	veq.s32 v2, $0x0  }
0x234: {  	v1 =	vsel vm0, $0x0, v1  }
0x235: {  	s1 =	sor.u32 $0x380, s20;
	[tilespmem:s0+$0x0] =	vst v1  }
0x236: {  	v1 =	vld [tilespmem:s1+$0x0];
	_ =	sdelay $0x2  }
0x237: {  	v0 =	vand.u32 $0x1000000, v0  }
0x238: {  	vm0 =	veq.s32 v0, $0x0  }
0x239: {  	v0 =	vsel vm0, $0x0, v1  }
0x23a: {  	[tilespmem:s1+$0x0] =	vst v0  }
0x23b: {  	v0 =	vld [tilespmem:s31+$0xA290]  }
0x23c: {  	v1 =	vld [tilespmem:s31+$0xA210]  }
0x23d: {  	v2 =	vld [tilespmem:s31+$0x210]  }
0x23e: {  	v3 =	vld [tilespmem:s31+$0x290]  }
0x23f: {  	v45 =	vld [tilespmem:s31+$0x90]  }
0x240: {  	v46 =	vld [tilespmem:s31+$0x10];
	v47 =	vand.u32 $0x1, v0  }
0x241: {  	v50 =	vld [tilespmem:s31+$0x110];
	v48 =	vand.u32 $0x100, v0;
	v51 =	vand.u32 $0x100, v1;
	vm0 =	veq.s32 v47, $0x0  }
0x242: {  	v49 =	vld [tilespmem:s31+$0x190];
	v52 =	vand.u32 $0x1, v1;
	vm1 =	veq.s32 v48, $0x0;
	v2 =	vsel vm0, $0x0, v2  }
0x243: {  	v53 =	vand.u32 $0x1000000, v1;
	vm0 =	veq.s32 v51, $0x0;
	v3 =	vsel vm1, $0x0, v3;
	[tilespmem:s31+$0x210] =	vst v2  }
0x244: {  	v1 =	vand.u32 $0x10000, v1;
	v2 =	vsel vm0, $0x0, v45;
	vm0 =	veq.s32 v52, $0x0;
	[tilespmem:s31+$0x290] =	vst v3  }
0x245: {  	vm1 =	veq.s32 v1, $0x0;
	v3 =	vsel vm0, $0x0, v46;
	[tilespmem:s31+$0x90] =	vst v2  }
0x246: {  	vm0 =	veq.s32 v53, $0x0;
	v2 =	vsel vm1, $0x0, v50;
	[tilespmem:s31+$0x10] =	vst v3  }
0x247: {  	v1 =	vsel vm0, $0x0, v49;
	[tilespmem:s31+$0x110] =	vst v2  }
0x248: {  	s2 =	sor.u32 $0x300, s9;
	[tilespmem:s31+$0x190] =	vst v1  }
0x249: {  	v1 =	vld [tilespmem:s2+$0x0];
	_ =	sdelay $0x2  }
0x24a: {  	v2 =	vand.u32 $0x10000, v0  }
0x24b: {  	vm0 =	veq.s32 v2, $0x0  }
0x24c: {  	v1 =	vsel vm0, $0x0, v1  }
0x24d: {  	s14 =	sor.u32 $0x380, s9;
	[tilespmem:s2+$0x0] =	vst v1  }
0x24e: {  	v1 =	vld [tilespmem:s14+$0x0];
	_ =	sdelay $0x2  }
0x24f: {  	v0 =	vand.u32 $0x1000000, v0  }
0x250: {  	vm0 =	veq.s32 v0, $0x0  }
0x251: {  	v0 =	vsel vm0, $0x0, v1  }
0x252: {  	s15 =	sadd.s32 s6, s8;
	s8 =	simm.s32 $0x0;
	[tilespmem:s14+$0x0] =	vst v0  }
0x253: {  	[hbm4b:s15+s8] =	stream.linear.scatter [tilespmem:s8], [sflag:$0x5], $0x5000, $0x38;
	[tilespmem:$0x14000] =	vst v63  }
0x254: {  	_ =	swait.ge [sflag:s22], $0x5000  }
0x255: {  	s29 =	sshrl.u32 s29, $0x3;
	[sflag:s22] =	ssyncset.done $0x0  }
0x256: {  	s16 =	sadd.s32 s4, s29;
	s17 =	sand.u32 $0x3, s8;
	[sflag:s22] =	ssyncadd.s32 $0xFFFFB000  }
0x257: {  	[tilespmem:s8], [sflag:$0x1] =	stream.linear.gather [hbm4b:s16+s8], $0x5000, $0x38;
	[tilespmem:$0x14000] =	vst v63  }
0x258: {  	s0 =	sshll.u32 s17, $0x5;
	_ =	swait.ge [sflag:s23], $0x5000  }
0x259: {  	s1 =	sadd.s32 $0x0, s0;
	[sflag:s23] =	ssyncset.done $0x0  }
0x25a: {  	s18 =	sor.u32 $0x300, s1;
	[sflag:s23] =	ssyncadd.s32 $0xFFFFB000  }
0x25b: {  	s19 =	sand.u32 $0x60, s8;
	s20 =	sand.u32 $0x7C00, s8;
	v0 =	vld [tilespmem:s18+$0xA000]  }
0x25c: {  	s0 =	sor.u32 s19, s20  }
0x25d: {  	v1 =	vld [tilespmem:s0+$0x5000]  }
0x25e: {  	v2 =	vld [tilespmem:s0+$0x5100]  }
0x25f: {  	v3 =	vld [tilespmem:s0+$0x5180]  }
0x260: {  	v54 =	vld [tilespmem:s0+$0x5080];
	v55 =	vand.u32 $0x1, v0  }
0x261: {  	v56 =	vand.u32 $0x10000, v0;
	vm0 =	veq.s32 v55, $0x0  }
0x262: {  	v57 =	vand.u32 $0x1000000, v0;
	v1 =	vsel vm0, $0x0, v1;
	vm0 =	veq.s32 v56, $0x0  }
0x263: {  	v0 =	vand.u32 $0x100, v0;
	[tilespmem:s0+$0x5000] =	vst v1;
	v1 =	vsel vm0, $0x0, v2;
	vm0 =	veq.s32 v57, $0x0  }
0x264: {  	vm1 =	veq.s32 v0, $0x0;
	[tilespmem:s0+$0x5100] =	vst v1;
	v0 =	vsel vm0, $0x0, v3  }
0x265: {  	v1 =	vsel vm1, $0x0, v54;
	[tilespmem:s0+$0x5180] =	vst v0  }
0x266: {  	s31 =	sor.u32 $0x380, s1;
	[tilespmem:s0+$0x5080] =	vst v1  }
0x267: {  	v0 =	vld [tilespmem:s31+$0xA000];
	_ =	sdelay $0x1  }
0x268: {  	v1 =	vld [tilespmem:s0+$0x5200]  }
0x269: {  	v2 =	vld [tilespmem:s0+$0x5280];
	_ =	sdelay $0x1  }
0x26a: {  	v3 =	vand.u32 $0x1, v0  }
0x26b: {  	v58 =	vand.u32 $0x100, v0;
	vm0 =	veq.s32 v3, $0x0  }
0x26c: {  	vm1 =	veq.s32 v58, $0x0;
	v1 =	vsel vm0, $0x0, v1  }
0x26d: {  	v2 =	vsel vm1, $0x0, v2;
	[tilespmem:s0+$0x5200] =	vst v1  }
0x26e: {  	[tilespmem:s0+$0x5280] =	vst v2  }
0x26f: {  	v1 =	vld [tilespmem:s18+$0x5000];
	_ =	sdelay $0x2  }
0x270: {  	v2 =	vand.u32 $0x10000, v0  }
0x271: {  	vm0 =	veq.s32 v2, $0x0  }
0x272: {  	v1 =	vsel vm0, $0x0, v1  }
0x273: {  	[tilespmem:s18+$0x5000] =	vst v1  }
0x274: {  	v1 =	vld [tilespmem:s31+$0x5000];
	_ =	sdelay $0x2  }
0x275: {  	v0 =	vand.u32 $0x1000000, v0  }
0x276: {  	vm0 =	veq.s32 v0, $0x0  }
0x277: {  	s1 =	sadd.s32 $0x10, s1;
	v0 =	vsel vm0, $0x0, v1  }
0x278: {  	s15 =	sor.u32 $0x300, s1;
	[tilespmem:s31+$0x5000] =	vst v0  }
0x279: {  	v0 =	vld [tilespmem:s15+$0xA000];
	_ =	sdelay $0x1  }
0x27a: {  	v1 =	vld [tilespmem:s0+$0x5010]  }
0x27b: {  	v2 =	vld [tilespmem:s0+$0x5190]  }
0x27c: {  	v3 =	vld [tilespmem:s0+$0x5090]  }
0x27d: {  	v59 =	vld [tilespmem:s0+$0x5110];
	v60 =	vand.u32 $0x1, v0  }
0x27e: {  	v61 =	vand.u32 $0x1000000, v0;
	vm0 =	veq.s32 v60, $0x0  }
0x27f: {  	v62 =	vand.u32 $0x100, v0;
	v1 =	vsel vm0, $0x0, v1;
	vm0 =	veq.s32 v61, $0x0  }
0x280: {  	v0 =	vand.u32 $0x10000, v0;
	vm1 =	veq.s32 v62, $0x0;
	[tilespmem:s0+$0x5010] =	vst v1;
	v1 =	vsel vm0, $0x0, v2  }
0x281: {  	vm0 =	veq.s32 v0, $0x0;
	v0 =	vsel vm1, $0x0, v3;
	[tilespmem:s0+$0x5190] =	vst v1  }
0x282: {  	v1 =	vsel vm0, $0x0, v59;
	[tilespmem:s0+$0x5090] =	vst v0  }
0x283: {  	s2 =	sor.u32 $0x380, s1;
	[tilespmem:s0+$0x5110] =	vst v1  }
0x284: {  	v0 =	vld [tilespmem:s2+$0xA000];
	_ =	sdelay $0x1  }
0x285: {  	v1 =	vld [tilespmem:s0+$0x5210]  }
0x286: {  	v2 =	vld [tilespmem:s0+$0x5290];
	_ =	sdelay $0x1  }
0x287: {  	v3 =	vand.u32 $0x1, v0  }
0x288: {  	v63 =	vand.u32 $0x100, v0;
	vm0 =	veq.s32 v3, $0x0  }
0x289: {  	vm1 =	veq.s32 v63, $0x0;
	v1 =	vsel vm0, $0x0, v1  }
0x28a: {  	v2 =	vsel vm1, $0x0, v2;
	[tilespmem:s0+$0x5210] =	vst v1  }
0x28b: {  	v1 =	vand.u32 $0x10000, v0;
	[tilespmem:s0+$0x5290] =	vst v2  }
0x28c: {  	vm0 =	veq.s32 v1, $0x0;
	v1 =	vld [tilespmem:s15+$0x5000];
	_ =	sdelay $0x2  }
0x28d: {  	s9 =	simm.s32 $0x0;
	s1 =	simm.s32 $0x20;
	s0 =	simm.s32 $0x0;
	v0 =	vand.u32 $0x1000000, v0  }
.LBB2_9:
0x28e: {  	s0 =	sadd.s32 $0x2, s0;
	s8 =	sadd.s32 $0x100, s8;
	s9 =	sadd.s32 $0x1, s9  }
0x28f: {  	p0 =	slt.u32 s0, $0x9E;
	v1 =	vsel vm0, $0x0, v1  }
0x290: {  	[tilespmem:s15+$0x5000] =	vst v1  }
0x291: {  	v1 =	vld [tilespmem:s2+$0x5000];
	_ =	sdelay $0x2  }
0x292: {  	s14 =	sand.u32 $0x3, s9  }
0x293: {  	vm0 =	veq.s32 v0, $0x0;
	s14 =	sshll.u32 s14, $0x5  }
0x294: {  	s17 =	sadd.s32 s14, s8;
	v0 =	vsel vm0, $0x0, v1  }
0x295: {  	s16 =	sand.u32 $0x7C00, s8;
	s14 =	sand.u32 $0x60, s1;
	s15 =	sor.u32 $0x300, s17;
	[tilespmem:s2+$0x5000] =	vst v0  }
0x296: {  	s14 =	sor.u32 s14, s16;
	s16 =	sadd.s32 $0x10, s17;
	v0 =	vld [tilespmem:s15+$0xA000]  }
0x297: {  	v1 =	vld [tilespmem:s14+$0x5080]  }
0x298: {  	v2 =	vld [tilespmem:s14+$0x5000]  }
0x299: {  	v3 =	vld [tilespmem:s14+$0x5100]  }
0x29a: {  	v4 =	vld [tilespmem:s14+$0x5180]  }
0x29b: {  	v5 =	vand.u32 $0x1, v0;
	v6 =	vand.u32 $0x100, v0;
	v7 =	vand.u32 $0x10000, v0  }
0x29c: {  	v0 =	vand.u32 $0x1000000, v0;
	vm0 =	veq.s32 v5, $0x0;
	vm1 =	veq.s32 v6, $0x0  }
0x29d: {  	v2 =	vsel vm0, $0x0, v2;
	v1 =	vsel vm1, $0x0, v1;
	vm0 =	veq.s32 v7, $0x0  }
0x29e: {  	[tilespmem:s14+$0x5000] =	vst v2;
	v2 =	vsel vm0, $0x0, v3;
	vm0 =	veq.s32 v0, $0x0  }
0x29f: {  	[tilespmem:s14+$0x5100] =	vst v2;
	v0 =	vsel vm0, $0x0, v4  }
0x2a0: {  	[tilespmem:s14+$0x5180] =	vst v0  }
0x2a1: {  	s2 =	sor.u32 $0x380, s17;
	[tilespmem:s14+$0x5080] =	vst v1  }
0x2a2: {  	v0 =	vld [tilespmem:s2+$0xA000]  }
0x2a3: {  	v1 =	vld [tilespmem:s14+$0x5280]  }
0x2a4: {  	v2 =	vld [tilespmem:s14+$0x5200];
	_ =	sdelay $0x2  }
0x2a5: {  	v3 =	vand.u32 $0x1, v0;
	v4 =	vand.u32 $0x100, v0;
	v5 =	vand.u32 $0x10000, v0  }
0x2a6: {  	v0 =	vand.u32 $0x1000000, v0;
	vm0 =	veq.s32 v3, $0x0;
	vm1 =	veq.s32 v4, $0x0  }
0x2a7: {  	v2 =	vsel vm0, $0x0, v2;
	v1 =	vsel vm1, $0x0, v1  }
0x2a8: {  	[tilespmem:s14+$0x5200] =	vst v2  }
0x2a9: {  	[tilespmem:s14+$0x5280] =	vst v1  }
0x2aa: {  	v1 =	vld [tilespmem:s15+$0x5000];
	_ =	sdelay $0x3  }
0x2ab: {  	vm0 =	veq.s32 v5, $0x0  }
0x2ac: {  	v1 =	vsel vm0, $0x0, v1  }
0x2ad: {  	[tilespmem:s15+$0x5000] =	vst v1  }
0x2ae: {  	v1 =	vld [tilespmem:s2+$0x5000];
	_ =	sdelay $0x3  }
0x2af: {  	vm0 =	veq.s32 v0, $0x0  }
0x2b0: {  	v0 =	vsel vm0, $0x0, v1  }
0x2b1: {  	[tilespmem:s2+$0x5000] =	vst v0  }
0x2b2: {  	s15 =	sor.u32 $0x300, s16;
	v0 =	vld [tilespmem:s14+$0x5190]  }
0x2b3: {  	v1 =	vld [tilespmem:s15+$0xA000]  }
0x2b4: {  	v2 =	vld [tilespmem:s14+$0x5010]  }
0x2b5: {  	v3 =	vld [tilespmem:s14+$0x5090]  }
0x2b6: {  	v4 =	vld [tilespmem:s14+$0x5110];
	_ =	sdelay $0x1  }
0x2b7: {  	v5 =	vand.u32 $0x1, v1;
	v6 =	vand.u32 $0x100, v1;
	v7 =	vand.u32 $0x10000, v1  }
0x2b8: {  	v1 =	vand.u32 $0x1000000, v1;
	vm0 =	veq.s32 v5, $0x0;
	vm1 =	veq.s32 v6, $0x0  }
0x2b9: {  	vm2 =	veq.s32 v1, $0x0;
	v2 =	vsel vm0, $0x0, v2;
	vm0 =	veq.s32 v7, $0x0  }
0x2ba: {  	v1 =	vsel vm1, $0x0, v3;
	v0 =	vsel vm2, $0x0, v0;
	[tilespmem:s14+$0x5010] =	vst v2;
	v2 =	vsel vm0, $0x0, v4  }
0x2bb: {  	[tilespmem:s14+$0x5190] =	vst v0  }
0x2bc: {  	[tilespmem:s14+$0x5090] =	vst v1  }
0x2bd: {  	s2 =	sor.u32 $0x380, s16;
	[tilespmem:s14+$0x5110] =	vst v2  }
0x2be: {  	v0 =	vld [tilespmem:s2+$0xA000]  }
0x2bf: {  	v1 =	vld [tilespmem:s14+$0x5290]  }
0x2c0: {  	v2 =	vld [tilespmem:s14+$0x5210];
	_ =	sdelay $0x2  }
0x2c1: {  	v3 =	vand.u32 $0x1, v0;
	v4 =	vand.u32 $0x100, v0;
	v5 =	vand.u32 $0x10000, v0  }
0x2c2: {  	vm1 =	veq.s32 v3, $0x0;
	vm2 =	veq.s32 v4, $0x0;
	vm0 =	veq.s32 v5, $0x0  }
0x2c3: {  	v0 =	vand.u32 $0x1000000, v0;
	v2 =	vsel vm1, $0x0, v2;
	v1 =	vsel vm2, $0x0, v1  }
0x2c4: {  	[tilespmem:s14+$0x5210] =	vst v2  }
.Ltmp3:
0x2c5: {  	[tilespmem:s14+$0x5290] =	vst v1;
	(pc) =	sbr.rel @p0 .LBB2_9-.Ltmp3, $2  }
0x2c6: {  	v1 =	vld [tilespmem:s15+$0x5000];
	_ =	sdelay $0x2  }
0x2c7: {  	s1 =	sadd.s32 $0x20, s1  }
0x2c8: {  	_ = 	snop  }
0x2c9: {  	v1 =	vsel vm0, $0x0, v1  }
0x2ca: {  	[tilespmem:s15+$0x5000] =	vst v1  }
0x2cb: {  	v1 =	vld [tilespmem:s2+$0x5000];
	_ =	sdelay $0x1  }
0x2cc: {  	p0 =	seq.s32 s7, $0x12  }
.Ltmp4:
0x2cd: {  	_ = 	snop;
	(pc) =	sbr.rel @p0 .LBB2_12-.Ltmp4, $4  }
0x2ce: {  	vm15 =	veq.s32 v0, $0x0  }
0x2cf: {  	v0 =	vsel vm15, $0x0, v1  }
0x2d0: {  	s0 =	sadd.s32 s6, s30;
	s31 =	simm.s32 $0x0;
	s28 =	sadd.s32 $0x2, s28;
	[tilespmem:s2+$0x5000] =	vst v0  }
0x2d1: {  	[hbm4b:s0+s31] =	stream.linear.scatter [tilespmem:s13], [sflag:$0x6], $0x5000, $0x38;
	[tilespmem:$0x14000] =	vst v63  }
0x2d2: {  	s0 =	smul.u32 $0x5000, s28;
	_ =	sdelay $0x1  }
0x2d3: {  	s1 =	sadd.s32 s3, s0  }
0x2d4: {  	s1 =	sshrl.u32 s1, $0x5  }
0x2d5: {  	s2 =	simm.s32 $0xA000;
	s1 =	sadd.s32 s5, s1  }
0x2d6: {  	[tilespmem:s2], [sflag:$0x3] =	stream.strided.gather [hbm4b:s1+s24], $0x400, s25, s24, $0x38;
	[tilespmem:$0x14000] =	vst v63  }
0x2d7: {  	s8 =	simm.s32 $0xA400;
	s17 =	sadd.s32 $0x20, s1  }
0x2d8: {  	[tilespmem:s8], [sflag:$0x3] =	stream.strided.gather [hbm4b:s17+s24], $0x400, s25, s24, $0x38;
	[tilespmem:$0x14000] =	vst v63  }
0x2d9: {  	s19 =	simm.s32 $0xA800;
	s18 =	sadd.s32 $0x40, s1  }
0x2da: {  	[tilespmem:s19], [sflag:$0x3] =	stream.strided.gather [hbm4b:s18+s24], $0x400, s25, s24, $0x38;
	[tilespmem:$0x14000] =	vst v63  }
0x2db: {  	s30 =	simm.s32 $0xAC00;
	s20 =	sadd.s32 $0x60, s1  }
0x2dc: {  	[tilespmem:s30], [sflag:$0x3] =	stream.strided.gather [hbm4b:s20+s24], $0x400, s25, s24, $0x38;
	[tilespmem:$0x14000] =	vst v63  }
0x2dd: {  	s9 =	simm.s32 $0xB000;
	s14 =	rddreg [dreg:$0xf];
	s1 =	sadd.s32 $0x80, s1  }
0x2de: {  	[tilespmem:s9], [sflag:$0x3] =	stream.strided.gather [hbm4b:s1+s24], $0x400, s25, s24, $0x38;
	[tilespmem:$0x14000] =	vst v63  }
0x2df: {  	s1 =	sadd.s32 s0, s14  }
0x2e0: {  	s1 =	sshrl.u32 s1, $0x5  }
0x2e1: {  	s15 =	simm.s32 $0xB400;
	s1 =	sadd.s32 s5, s1  }
0x2e2: {  	[tilespmem:s15], [sflag:$0x3] =	stream.strided.gather [hbm4b:s1+s24], $0x400, s25, s24, $0x38;
	[tilespmem:$0x14000] =	vst v63  }
0x2e3: {  	s17 =	simm.s32 $0xB800;
	s16 =	sadd.s32 $0x20, s1  }
0x2e4: {  	[tilespmem:s17], [sflag:$0x3] =	stream.strided.gather [hbm4b:s16+s24], $0x400, s25, s24, $0x38;
	[tilespmem:$0x14000] =	vst v63  }
0x2e5: {  	s19 =	simm.s32 $0xBC00;
	s18 =	sadd.s32 $0x40, s1  }
0x2e6: {  	[tilespmem:s19], [sflag:$0x3] =	stream.strided.gather [hbm4b:s18+s24], $0x400, s25, s24, $0x38;
	[tilespmem:$0x14000] =	vst v63  }
0x2e7: {  	s30 =	simm.s32 $0xC000;
	s20 =	sadd.s32 $0x60, s1  }
0x2e8: {  	[tilespmem:s30], [sflag:$0x3] =	stream.strided.gather [hbm4b:s20+s24], $0x400, s25, s24, $0x38;
	[tilespmem:$0x14000] =	vst v63  }
0x2e9: {  	s9 =	simm.s32 $0xC400;
	s14 =	rddreg [dreg:$0x3];
	s1 =	sadd.s32 $0x80, s1  }
0x2ea: {  	[tilespmem:s9], [sflag:$0x3] =	stream.strided.gather [hbm4b:s1+s24], $0x400, s25, s24, $0x38;
	[tilespmem:$0x14000] =	vst v63  }
0x2eb: {  	s1 =	sadd.s32 s0, s14  }
0x2ec: {  	s1 =	sshrl.u32 s1, $0x5  }
0x2ed: {  	s15 =	simm.s32 $0xC800;
	s1 =	sadd.s32 s5, s1  }
0x2ee: {  	[tilespmem:s15], [sflag:$0x3] =	stream.strided.gather [hbm4b:s1+s24], $0x400, s25, s24, $0x38;
	[tilespmem:$0x14000] =	vst v63  }
0x2ef: {  	s17 =	simm.s32 $0xCC00;
	s16 =	sadd.s32 $0x20, s1  }
0x2f0: {  	[tilespmem:s17], [sflag:$0x3] =	stream.strided.gather [hbm4b:s16+s24], $0x400, s25, s24, $0x38;
	[tilespmem:$0x14000] =	vst v63  }
0x2f1: {  	s19 =	simm.s32 $0xD000;
	s9 =	rddreg [dreg:$0x4];
	s18 =	sadd.s32 $0x40, s1  }
0x2f2: {  	[tilespmem:s19], [sflag:$0x3] =	stream.strided.gather [hbm4b:s18+s24], $0x400, s25, s24, $0x38;
	[tilespmem:$0x14000] =	vst v63  }
0x2f3: {  	s30 =	simm.s32 $0xD400;
	s0 =	sadd.s32 s0, s9;
	s20 =	sadd.s32 $0x60, s1  }
0x2f4: {  	[tilespmem:s30], [sflag:$0x3] =	stream.strided.gather [hbm4b:s20+s24], $0x400, s25, s24, $0x38;
	[tilespmem:$0x14000] =	vst v63  }
0x2f5: {  	s8 =	simm.s32 $0xD800;
	s0 =	sshrl.u32 s0, $0x5;
	s1 =	sadd.s32 $0x80, s1  }
0x2f6: {  	[tilespmem:s8], [sflag:$0x3] =	stream.strided.gather [hbm4b:s1+s24], $0x400, s25, s24, $0x38;
	[tilespmem:$0x14000] =	vst v63  }
0x2f7: {  	s14 =	simm.s32 $0xDC00;
	s0 =	sadd.s32 s5, s0  }
0x2f8: {  	[tilespmem:s14], [sflag:$0x3] =	stream.strided.gather [hbm4b:s0+s24], $0x400, s25, s24, $0x38;
	[tilespmem:$0x14000] =	vst v63  }
0x2f9: {  	s15 =	sadd.s32 $0x20, s0;
	s16 =	simm.s32 $0xE000  }
0x2fa: {  	[tilespmem:s16], [sflag:$0x3] =	stream.strided.gather [hbm4b:s15+s24], $0x400, s25, s24, $0x38;
	[tilespmem:$0x14000] =	vst v63  }
0x2fb: {  	s17 =	sadd.s32 $0x40, s0;
	s18 =	simm.s32 $0xE400  }
0x2fc: {  	[tilespmem:s18], [sflag:$0x3] =	stream.strided.gather [hbm4b:s17+s24], $0x400, s25, s24, $0x38;
	[tilespmem:$0x14000] =	vst v63  }
0x2fd: {  	s19 =	sadd.s32 $0x60, s0;
	s20 =	simm.s32 $0xE800  }
0x2fe: {  	[tilespmem:s20], [sflag:$0x3] =	stream.strided.gather [hbm4b:s19+s24], $0x400, s25, s24, $0x38;
	[tilespmem:$0x14000] =	vst v63  }
0x2ff: {  	s30 =	simm.s32 $0xEC00;
	s0 =	sadd.s32 $0x80, s0  }
0x300: {  	[tilespmem:s30], [sflag:$0x3] =	stream.strided.gather [hbm4b:s0+s24], $0x400, s25, s24, $0x38;
	[tilespmem:$0x14000] =	vst v63  }
.LBB2_12:
0x301: {  	_ =	swait.ge [sflag:s12], $0x1400  }
0x302: {  	[sflag:s12] =	ssyncset.done $0x0  }
0x303: {  	[sflag:s12] =	ssyncadd.s32 $0xFFFFEC00  }
0x304: {  	_ =	swait.ge [sflag:s12], $0x1400  }
0x305: {  	[sflag:s12] =	ssyncset.done $0x0  }
0x306: {  	[sflag:s12] =	ssyncadd.s32 $0xFFFFEC00  }
0x307: {  	_ =	swait.ge [sflag:s12], $0x1400  }
0x308: {  	[sflag:s12] =	ssyncset.done $0x0  }
0x309: {  	[sflag:s12] =	ssyncadd.s32 $0xFFFFEC00  }
0x30a: {  	_ =	swait.ge [sflag:s12], $0x1400  }
0x30b: {  	[sflag:s12] =	ssyncset.done $0x0  }
0x30c: {  	[sflag:s12] =	ssyncadd.s32 $0xFFFFEC00  }
0x30d: {  	_ =	swait.ge [sflag:s11], $0x5000  }
0x30e: {  	s0 =	rddreg [dreg:$0xc]  }
0x30f: {  	s0 =	sadd.s32 s0, s26  }
0x310: {  	[sflag:s11] =	ssyncset.done $0x0;
	s30 =	sshrl.u32 s0, $0x3  }
0x311: {  	s1 =	simm.s32 $0x0;
	[sflag:s11] =	ssyncadd.s32 $0xFFFFB000;
	s0 =	sadd.s32 s4, s30  }
0x312: {  	[tilespmem:s13], [sflag:$0x2] =	stream.linear.gather [hbm4b:s0+s1], $0x5000, $0x38;
	[tilespmem:$0x14000] =	vst v63  }
0x313: {  	_ =	swait.ge [sflag:s21], $0x5000  }
0x314: {  	s14 =	sand.u32 $0x60, s1;
	s2 =	sand.u32 $0x7C00, s1;
	[sflag:s21] =	ssyncset.done $0x0  }
0x315: {  	s0 =	sor.u32 s14, s2;
	[sflag:s21] =	ssyncadd.s32 $0xFFFFB000  }
0x316: {  	v0 =	vld [tilespmem:s0+$0xF080]  }
0x317: {  	v1 =	vld [tilespmem:s0+$0xF000]  }
0x318: {  	v2 =	vld [tilespmem:s0+$0x200]  }
0x319: {  	v4 =	vld [tilespmem:s0+$0x100]  }
0x31a: {  	v3 =	vld [tilespmem:s0+$0x180]  }
0x31b: {  	v5 =	vld [tilespmem:s0+$0x280];
	v6 =	vand.u32 $0x1, v0  }
0x31c: {  	v7 =	vld [tilespmem:s0+$0x0];
	v9 =	vand.u32 $0x10000, v1;
	vm0 =	veq.s32 v6, $0x0  }
0x31d: {  	v8 =	vld [tilespmem:s0+$0x80];
	v53 =	vand.u32 $0x1000000, v1;
	vm1 =	veq.s32 v9, $0x0;
	v2 =	vsel vm0, $0x0, v2  }
0x31e: {  	v54 =	vand.u32 $0x100, v0;
	vm0 =	veq.s32 v53, $0x0;
	v4 =	vsel vm1, $0x0, v4;
	[tilespmem:s0+$0x200] =	vst v2  }
0x31f: {  	v2 =	vsel vm0, $0x0, v3;
	v3 =	vand.u32 $0x1, v1;
	vm0 =	veq.s32 v54, $0x0;
	[tilespmem:s0+$0x100] =	vst v4  }
0x320: {  	s1 =	sand.u32 $0x3, s1;
	v1 =	vand.u32 $0x100, v1;
	[tilespmem:s0+$0x180] =	vst v2;
	vm1 =	veq.s32 v3, $0x0;
	v2 =	vsel vm0, $0x0, v5  }
0x321: {  	s1 =	sshll.u32 s1, $0x5;
	vm0 =	veq.s32 v1, $0x0;
	v3 =	vsel vm1, $0x0, v7;
	[tilespmem:s0+$0x280] =	vst v2  }
0x322: {  	s1 =	sadd.s32 $0x0, s1;
	v1 =	vsel vm0, $0x0, v8;
	[tilespmem:s0+$0x0] =	vst v3  }
0x323: {  	s15 =	sor.u32 $0x300, s1;
	[tilespmem:s0+$0x80] =	vst v1  }
0x324: {  	v1 =	vld [tilespmem:s15+$0x0];
	_ =	sdelay $0x2  }
0x325: {  	v2 =	vand.u32 $0x10000, v0  }
0x326: {  	vm0 =	veq.s32 v2, $0x0  }
0x327: {  	v1 =	vsel vm0, $0x0, v1  }
0x328: {  	s16 =	sor.u32 $0x380, s1;
	[tilespmem:s15+$0x0] =	vst v1  }
0x329: {  	v1 =	vld [tilespmem:s16+$0x0];
	_ =	sdelay $0x2  }
0x32a: {  	v0 =	vand.u32 $0x1000000, v0  }
0x32b: {  	vm0 =	veq.s32 v0, $0x0  }
0x32c: {  	v0 =	vsel vm0, $0x0, v1  }
0x32d: {  	[tilespmem:s16+$0x0] =	vst v0  }
0x32e: {  	v0 =	vld [tilespmem:s0+$0xF090]  }
0x32f: {  	v1 =	vld [tilespmem:s0+$0xF010]  }
0x330: {  	v2 =	vld [tilespmem:s0+$0x210]  }
0x331: {  	v3 =	vld [tilespmem:s0+$0x290]  }
0x332: {  	v55 =	vld [tilespmem:s0+$0x90]  }
0x333: {  	v56 =	vld [tilespmem:s0+$0x10];
	v57 =	vand.u32 $0x1, v0  }
0x334: {  	v60 =	vld [tilespmem:s0+$0x110];
	v58 =	vand.u32 $0x100, v0;
	v61 =	vand.u32 $0x100, v1;
	vm0 =	veq.s32 v57, $0x0  }
0x335: {  	v59 =	vld [tilespmem:s0+$0x190];
	v62 =	vand.u32 $0x1, v1;
	vm1 =	veq.s32 v58, $0x0;
	v2 =	vsel vm0, $0x0, v2  }
0x336: {  	v63 =	vand.u32 $0x1000000, v1;
	vm0 =	veq.s32 v61, $0x0;
	v3 =	vsel vm1, $0x0, v3;
	[tilespmem:s0+$0x210] =	vst v2  }
0x337: {  	v1 =	vand.u32 $0x10000, v1;
	v2 =	vsel vm0, $0x0, v55;
	vm0 =	veq.s32 v62, $0x0;
	[tilespmem:s0+$0x290] =	vst v3  }
0x338: {  	vm1 =	veq.s32 v1, $0x0;
	v3 =	vsel vm0, $0x0, v56;
	[tilespmem:s0+$0x90] =	vst v2  }
0x339: {  	vm0 =	veq.s32 v63, $0x0;
	v2 =	vsel vm1, $0x0, v60;
	[tilespmem:s0+$0x10] =	vst v3  }
0x33a: {  	s17 =	sadd.s32 $0x10, s1;
	v1 =	vsel vm0, $0x0, v59;
	[tilespmem:s0+$0x110] =	vst v2  }
0x33b: {  	s8 =	sor.u32 $0x300, s17;
	[tilespmem:s0+$0x190] =	vst v1  }
0x33c: {  	v1 =	vld [tilespmem:s8+$0x0];
	_ =	sdelay $0x2  }
0x33d: {  	v2 =	vand.u32 $0x10000, v0  }
0x33e: {  	vm0 =	veq.s32 v2, $0x0  }
0x33f: {  	v1 =	vsel vm0, $0x0, v1  }
0x340: {  	s2 =	sor.u32 $0x380, s17;
	v0 =	vand.u32 $0x1000000, v0;
	s0 =	simm.s32 $0x1;
	[tilespmem:s8+$0x0] =	vst v1  }
0x341: {  	s9 =	simm.s32 $0x20;
	s14 =	simm.s32 $0x100;
	s18 =	sand.u32 $0x3, s0;
	vm0 =	veq.s32 v0, $0x0;
	v0 =	vld [tilespmem:s2+$0x0]  }
0x342: {  	s9 =	sand.u32 $0x60, s9;
	s19 =	sand.u32 $0x7C00, s14;
	s15 =	sshll.u32 s18, $0x5  }
0x343: {  	s9 =	sor.u32 s9, s19;
	s20 =	sadd.s32 $0x100, s15  }
0x344: {  	s1 =	simm.s32 $0x2;
	s15 =	simm.s32 $0x40;
	s8 =	sadd.s32 $0x10, s20  }
.LBB2_13:
0x345: {  	s1 =	sadd.s32 $0x2, s1;
	s14 =	sadd.s32 $0x100, s14;
	s0 =	sadd.s32 $0x1, s0  }
0x346: {  	s16 =	sand.u32 $0x3, s0;
	p1 =	slt.u32 s1, $0x9E;
	v0 =	vsel vm0, $0x0, v0  }
0x347: {  	s16 =	sshll.u32 s16, $0x5;
	[tilespmem:s2+$0x0] =	vst v0  }
0x348: {  	s17 =	sadd.s32 s16, s14  }
0x349: {  	s16 =	sadd.s32 $0x10, s17;
	v0 =	vld [tilespmem:s9+$0x280]  }
0x34a: {  	v1 =	vld [tilespmem:s9+$0xF080]  }
0x34b: {  	v2 =	vld [tilespmem:s9+$0xF000]  }
0x34c: {  	v3 =	vld [tilespmem:s9+$0x200]  }
0x34d: {  	v4 =	vld [tilespmem:s9+$0x180]  }
0x34e: {  	v5 =	vld [tilespmem:s9+$0x100]  }
0x34f: {  	v6 =	vld [tilespmem:s9+$0x0];
	v7 =	vand.u32 $0x1, v1;
	v8 =	vand.u32 $0x100, v1;
	v9 =	vand.u32 $0x10000, v1  }
0x350: {  	v10 =	vand.u32 $0x1, v2;
	v11 =	vld [tilespmem:s9+$0x80];
	v12 =	vand.u32 $0x10000, v2;
	vm0 =	veq.s32 v7, $0x0  }
0x351: {  	v7 =	vand.u32 $0x1000000, v2;
	vm1 =	veq.s32 v10, $0x0;
	v3 =	vsel vm0, $0x0, v3  }
0x352: {  	s18 =	sand.u32 $0x7C00, s14;
	s2 =	sand.u32 $0x60, s15;
	v2 =	vand.u32 $0x100, v2;
	vm0 =	veq.s32 v12, $0x0;
	vm2 =	veq.s32 v7, $0x0;
	[tilespmem:s9+$0x200] =	vst v3  }
0x353: {  	s2 =	sor.u32 s2, s18;
	v4 =	vsel vm2, $0x0, v4;
	v3 =	vsel vm0, $0x0, v5;
	vm0 =	veq.s32 v8, $0x0  }
0x354: {  	v5 =	vsel vm1, $0x0, v6;
	vm1 =	veq.s32 v2, $0x0;
	[tilespmem:s9+$0x180] =	vst v4;
	v0 =	vsel vm0, $0x0, v0  }
0x355: {  	v1 =	vand.u32 $0x1000000, v1;
	v2 =	vsel vm1, $0x0, v11;
	[tilespmem:s9+$0x100] =	vst v3  }
0x356: {  	[tilespmem:s9+$0x280] =	vst v0  }
0x357: {  	[tilespmem:s9+$0x0] =	vst v5  }
0x358: {  	s18 =	sor.u32 $0x300, s20;
	[tilespmem:s9+$0x80] =	vst v2  }
0x359: {  	v0 =	vld [tilespmem:s18+$0x0];
	_ =	sdelay $0x3  }
0x35a: {  	vm0 =	veq.s32 v9, $0x0  }
0x35b: {  	v0 =	vsel vm0, $0x0, v0  }
0x35c: {  	[tilespmem:s18+$0x0] =	vst v0;
	s18 =	sor.u32 $0x380, s20;
	s20 =	smov.u32 s17  }
0x35d: {  	v0 =	vld [tilespmem:s18+$0x0];
	_ =	sdelay $0x3  }
0x35e: {  	vm0 =	veq.s32 v1, $0x0  }
0x35f: {  	v0 =	vsel vm0, $0x0, v0  }
0x360: {  	[tilespmem:s18+$0x0] =	vst v0  }
0x361: {  	v0 =	vld [tilespmem:s9+$0x290]  }
0x362: {  	v1 =	vld [tilespmem:s9+$0xF090]  }
0x363: {  	v2 =	vld [tilespmem:s9+$0xF010]  }
0x364: {  	v3 =	vld [tilespmem:s9+$0x210]  }
0x365: {  	v4 =	vld [tilespmem:s9+$0x90]  }
0x366: {  	v5 =	vld [tilespmem:s9+$0x110]  }
0x367: {  	v6 =	vld [tilespmem:s9+$0x10];
	v7 =	vand.u32 $0x1, v1;
	v8 =	vand.u32 $0x100, v1;
	v9 =	vand.u32 $0x10000, v1  }
0x368: {  	v10 =	vand.u32 $0x100, v2;
	v11 =	vld [tilespmem:s9+$0x190];
	vm0 =	veq.s32 v7, $0x0;
	vm1 =	veq.s32 v8, $0x0  }
0x369: {  	vm2 =	veq.s32 v10, $0x0;
	v3 =	vsel vm0, $0x0, v3;
	v0 =	vsel vm1, $0x0, v0  }
0x36a: {  	v7 =	vand.u32 $0x1, v2;
	v8 =	vand.u32 $0x10000, v2;
	v4 =	vsel vm2, $0x0, v4;
	[tilespmem:s9+$0x210] =	vst v3  }
0x36b: {  	v2 =	vand.u32 $0x1000000, v2;
	vm0 =	veq.s32 v7, $0x0;
	vm1 =	veq.s32 v8, $0x0;
	[tilespmem:s9+$0x290] =	vst v0  }
0x36c: {  	v3 =	vsel vm1, $0x0, v5;
	v0 =	vsel vm0, $0x0, v6;
	[tilespmem:s9+$0x90] =	vst v4;
	vm0 =	veq.s32 v2, $0x0  }
0x36d: {  	v1 =	vand.u32 $0x1000000, v1;
	[tilespmem:s9+$0x10] =	vst v0;
	v0 =	vsel vm0, $0x0, v11  }
0x36e: {  	vm0 =	veq.s32 v1, $0x0;
	[tilespmem:s9+$0x190] =	vst v0  }
0x36f: {  	s17 =	sor.u32 $0x300, s8;
	[tilespmem:s9+$0x110] =	vst v3;
	s9 =	smov.u32 s2  }
0x370: {  	v0 =	vld [tilespmem:s17+$0x0];
	_ =	sdelay $0x3  }
0x371: {  	vm1 =	veq.s32 v9, $0x0  }
0x372: {  	v0 =	vsel vm1, $0x0, v0  }
.Ltmp5:
0x373: {  	s2 =	sor.u32 $0x380, s8;
	s8 =	smov.u32 s16;
	[tilespmem:s17+$0x0] =	vst v0;
	(pc) =	sbr.rel @p1 .LBB2_13-.Ltmp5, $2  }
0x374: {  	v0 =	vld [tilespmem:s2+$0x0];
	_ =	sdelay $0x2  }
0x375: {  	s15 =	sadd.s32 $0x20, s15  }
0x376: {  	_ = 	snop  }
0x377: {  	v0 =	vsel vm0, $0x0, v0  }
0x378: {  	[tilespmem:s2+$0x0] =	vst v0  }
0x379: {  	v0 =	vld [tilespmem:s9+$0xF080]  }
0x37a: {  	v1 =	vld [tilespmem:s9+$0xF000]  }
0x37b: {  	v2 =	vld [tilespmem:s9+$0x200]  }
0x37c: {  	v4 =	vld [tilespmem:s9+$0x100]  }
0x37d: {  	v3 =	vld [tilespmem:s9+$0x180]  }
0x37e: {  	v5 =	vld [tilespmem:s9+$0x280];
	v6 =	vand.u32 $0x1, v0  }
0x37f: {  	v7 =	vld [tilespmem:s9+$0x0];
	v9 =	vand.u32 $0x10000, v1;
	vm0 =	veq.s32 v6, $0x0  }
0x380: {  	v8 =	vld [tilespmem:s9+$0x80];
	v6 =	vand.u32 $0x1000000, v1;
	vm1 =	veq.s32 v9, $0x0;
	v2 =	vsel vm0, $0x0, v2  }
0x381: {  	vm0 =	veq.s32 v6, $0x0;
	v6 =	vand.u32 $0x100, v0;
	v4 =	vsel vm1, $0x0, v4;
	[tilespmem:s9+$0x200] =	vst v2  }
0x382: {  	v2 =	vsel vm0, $0x0, v3;
	v3 =	vand.u32 $0x1, v1;
	vm0 =	veq.s32 v6, $0x0;
	[tilespmem:s9+$0x100] =	vst v4  }
0x383: {  	v1 =	vand.u32 $0x100, v1;
	[tilespmem:s9+$0x180] =	vst v2;
	vm1 =	veq.s32 v3, $0x0;
	v2 =	vsel vm0, $0x0, v5  }
0x384: {  	vm0 =	veq.s32 v1, $0x0;
	v3 =	vsel vm1, $0x0, v7;
	[tilespmem:s9+$0x280] =	vst v2  }
0x385: {  	v1 =	vsel vm0, $0x0, v8;
	[tilespmem:s9+$0x0] =	vst v3  }
0x386: {  	s0 =	sor.u32 $0x300, s20;
	[tilespmem:s9+$0x80] =	vst v1  }
0x387: {  	v1 =	vld [tilespmem:s0+$0x0];
	_ =	sdelay $0x2  }
0x388: {  	v2 =	vand.u32 $0x10000, v0  }
0x389: {  	vm0 =	veq.s32 v2, $0x0  }
0x38a: {  	v1 =	vsel vm0, $0x0, v1  }
0x38b: {  	s2 =	sor.u32 $0x380, s20;
	[tilespmem:s0+$0x0] =	vst v1  }
0x38c: {  	v1 =	vld [tilespmem:s2+$0x0];
	_ =	sdelay $0x2  }
0x38d: {  	v0 =	vand.u32 $0x1000000, v0  }
0x38e: {  	vm0 =	veq.s32 v0, $0x0  }
0x38f: {  	v0 =	vsel vm0, $0x0, v1  }
0x390: {  	[tilespmem:s2+$0x0] =	vst v0  }
0x391: {  	v0 =	vld [tilespmem:s9+$0xF090]  }
0x392: {  	v1 =	vld [tilespmem:s9+$0xF010]  }
0x393: {  	v2 =	vld [tilespmem:s9+$0x210]  }
0x394: {  	v3 =	vld [tilespmem:s9+$0x290]  }
0x395: {  	v4 =	vld [tilespmem:s9+$0x90]  }
0x396: {  	v5 =	vld [tilespmem:s9+$0x10];
	v6 =	vand.u32 $0x1, v0  }
0x397: {  	v62 =	vld [tilespmem:s9+$0x190];
	v7 =	vand.u32 $0x100, v0;
	vm0 =	veq.s32 v6, $0x0  }
0x398: {  	v63 =	vand.u32 $0x100, v1;
	v6 =	vld [tilespmem:s9+$0x110];
	vm1 =	veq.s32 v7, $0x0;
	v2 =	vsel vm0, $0x0, v2  }
0x399: {  	v7 =	vand.u32 $0x1, v1;
	vm0 =	veq.s32 v63, $0x0;
	v3 =	vsel vm1, $0x0, v3;
	[tilespmem:s9+$0x210] =	vst v2  }
0x39a: {  	v2 =	vsel vm0, $0x0, v4;
	vm0 =	veq.s32 v7, $0x0;
	v4 =	vand.u32 $0x1000000, v1;
	[tilespmem:s9+$0x290] =	vst v3  }
0x39b: {  	v1 =	vand.u32 $0x10000, v1;
	v3 =	vsel vm0, $0x0, v5;
	[tilespmem:s9+$0x90] =	vst v2;
	vm0 =	veq.s32 v4, $0x0  }
0x39c: {  	vm1 =	veq.s32 v1, $0x0;
	[tilespmem:s9+$0x10] =	vst v3;
	v1 =	vsel vm0, $0x0, v62  }
0x39d: {  	v2 =	vsel vm1, $0x0, v6;
	[tilespmem:s9+$0x190] =	vst v1  }
0x39e: {  	s14 =	sor.u32 $0x300, s8;
	[tilespmem:s9+$0x110] =	vst v2  }
0x39f: {  	v1 =	vld [tilespmem:s14+$0x0];
	_ =	sdelay $0x2  }
0x3a0: {  	v2 =	vand.u32 $0x10000, v0  }
0x3a1: {  	vm0 =	veq.s32 v2, $0x0  }
0x3a2: {  	v1 =	vsel vm0, $0x0, v1  }
0x3a3: {  	s15 =	sor.u32 $0x380, s8;
	[tilespmem:s14+$0x0] =	vst v1  }
0x3a4: {  	v1 =	vld [tilespmem:s15+$0x0];
	_ =	sdelay $0x2  }
0x3a5: {  	v0 =	vand.u32 $0x1000000, v0  }
0x3a6: {  	vm0 =	veq.s32 v0, $0x0  }
0x3a7: {  	v0 =	vsel vm0, $0x0, v1  }
0x3a8: {  	s16 =	sadd.s32 s6, s29;
	s9 =	simm.s32 $0x0;
	[tilespmem:s15+$0x0] =	vst v0  }
0x3a9: {  	[hbm4b:s16+s9] =	stream.linear.scatter [tilespmem:s9], [sflag:$0x5], $0x5000, $0x38;
	[tilespmem:$0x14000] =	vst v63  }
0x3aa: {  	_ =	swait.ge [sflag:s22], $0x5000  }
0x3ab: {  	s17 =	rddreg [dreg:$0xd]  }
0x3ac: {  	s0 =	sadd.s32 s17, s26  }
0x3ad: {  	[sflag:s22] =	ssyncset.done $0x0;
	s8 =	sshrl.u32 s0, $0x3  }
0x3ae: {  	[sflag:s22] =	ssyncadd.s32 $0xFFFFB000;
	s0 =	sadd.s32 s4, s8  }
0x3af: {  	[tilespmem:s9], [sflag:$0x1] =	stream.linear.gather [hbm4b:s0+s9], $0x5000, $0x38;
	[tilespmem:$0x14000] =	vst v63  }
0x3b0: {  	_ =	swait.ge [sflag:s23], $0x5000  }
0x3b1: {  	s18 =	sand.u32 $0x60, s9;
	s1 =	sand.u32 $0x7C00, s9;
	[sflag:s23] =	ssyncset.done $0x0  }
0x3b2: {  	s19 =	sor.u32 s18, s1;
	[sflag:s23] =	ssyncadd.s32 $0xFFFFB000  }
0x3b3: {  	s14 =	sadd.s32 $0x5000, s1;
	v0 =	vld [tilespmem:s19+$0xF100]  }
0x3b4: {  	s15 =	sor.u32 s18, s14  }
0x3b5: {  	v1 =	vld [tilespmem:s15+$0x0]  }
0x3b6: {  	v2 =	vld [tilespmem:s15+$0x80];
	_ =	sdelay $0x1  }
0x3b7: {  	v3 =	vand.u32 $0x1, v0  }
0x3b8: {  	v4 =	vand.u32 $0x100, v0;
	vm0 =	veq.s32 v3, $0x0  }
0x3b9: {  	vm1 =	veq.s32 v4, $0x0;
	v1 =	vsel vm0, $0x0, v1  }
0x3ba: {  	v2 =	vsel vm1, $0x0, v2;
	[tilespmem:s15+$0x0] =	vst v1  }
0x3bb: {  	[tilespmem:s15+$0x80] =	vst v2  }
0x3bc: {  	v1 =	vld [tilespmem:s19+$0x5100]  }
0x3bd: {  	v2 =	vld [tilespmem:s19+$0x5180];
	_ =	sdelay $0x1  }
0x3be: {  	v3 =	vand.u32 $0x10000, v0  }
0x3bf: {  	v0 =	vand.u32 $0x1000000, v0;
	vm0 =	veq.s32 v3, $0x0  }
0x3c0: {  	v1 =	vsel vm0, $0x0, v1;
	vm0 =	veq.s32 v0, $0x0  }
0x3c1: {  	[tilespmem:s19+$0x5100] =	vst v1;
	v0 =	vsel vm0, $0x0, v2;
	v1 =	vld [tilespmem:s19+$0xF180]  }
0x3c2: {  	[tilespmem:s19+$0x5180] =	vst v0  }
0x3c3: {  	v0 =	vld [tilespmem:s15+$0x280]  }
0x3c4: {  	v2 =	vld [tilespmem:s15+$0x200];
	_ =	sdelay $0x1  }
0x3c5: {  	v3 =	vand.u32 $0x100, v1  }
0x3c6: {  	s20 =	sand.u32 $0x3, s9;
	v4 =	vand.u32 $0x1, v1;
	vm0 =	veq.s32 v3, $0x0  }
0x3c7: {  	s2 =	sshll.u32 s20, $0x5;
	vm1 =	veq.s32 v4, $0x0;
	v0 =	vsel vm0, $0x0, v0  }
0x3c8: {  	s16 =	sadd.s32 $0x0, s2;
	v2 =	vsel vm1, $0x0, v2;
	[tilespmem:s15+$0x280] =	vst v0  }
0x3c9: {  	s2 =	sor.u32 $0x300, s16;
	[tilespmem:s15+$0x200] =	vst v2  }
0x3ca: {  	v0 =	vld [tilespmem:s2+$0x5000];
	_ =	sdelay $0x2  }
0x3cb: {  	v2 =	vand.u32 $0x10000, v1  }
0x3cc: {  	vm0 =	veq.s32 v2, $0x0  }
0x3cd: {  	v0 =	vsel vm0, $0x0, v0  }
0x3ce: {  	s29 =	sor.u32 $0x380, s16;
	[tilespmem:s2+$0x5000] =	vst v0  }
0x3cf: {  	v0 =	vld [tilespmem:s29+$0x5000];
	_ =	sdelay $0x2  }
0x3d0: {  	v1 =	vand.u32 $0x1000000, v1  }
0x3d1: {  	vm0 =	veq.s32 v1, $0x0  }
0x3d2: {  	s0 =	sor.u32 $0x10, s18;
	v0 =	vsel vm0, $0x0, v0  }
0x3d3: {  	s1 =	sor.u32 s1, s0;
	[tilespmem:s29+$0x5000] =	vst v0  }
0x3d4: {  	v0 =	vld [tilespmem:s1+$0xF100]  }
0x3d5: {  	s2 =	sor.u32 s0, s14  }
0x3d6: {  	v1 =	vld [tilespmem:s2+$0x0]  }
0x3d7: {  	v2 =	vld [tilespmem:s2+$0x80];
	_ =	sdelay $0x1  }
0x3d8: {  	v3 =	vand.u32 $0x1, v0  }
0x3d9: {  	v4 =	vand.u32 $0x100, v0;
	vm0 =	veq.s32 v3, $0x0  }
0x3da: {  	vm1 =	veq.s32 v4, $0x0;
	v1 =	vsel vm0, $0x0, v1  }
0x3db: {  	v2 =	vsel vm1, $0x0, v2;
	[tilespmem:s2+$0x0] =	vst v1  }
0x3dc: {  	[tilespmem:s2+$0x80] =	vst v2  }
0x3dd: {  	v1 =	vld [tilespmem:s1+$0x5100]  }
0x3de: {  	v2 =	vld [tilespmem:s1+$0x5180];
	_ =	sdelay $0x1  }
0x3df: {  	v3 =	vand.u32 $0x10000, v0;
	v4 =	vld [tilespmem:s1+$0xF180]  }
0x3e0: {  	v0 =	vand.u32 $0x1000000, v0;
	vm0 =	veq.s32 v3, $0x0  }
0x3e1: {  	v1 =	vsel vm0, $0x0, v1;
	vm0 =	veq.s32 v0, $0x0  }
0x3e2: {  	[tilespmem:s1+$0x5100] =	vst v1;
	v0 =	vsel vm0, $0x0, v2  }
0x3e3: {  	[tilespmem:s1+$0x5180] =	vst v0  }
0x3e4: {  	v2 =	vand.u32 $0x100, v4;
	v0 =	vand.u32 $0x1, v4;
	v3 =	vld [tilespmem:s2+$0x200]  }
0x3e5: {  	v1 =	vand.u32 $0x10000, v4;
	vm0 =	veq.s32 v0, $0x0;
	v0 =	vand.u32 $0x1000000, v4;
	v4 =	vld [tilespmem:s2+$0x280]  }
0x3e6: {  	s20 =	simm.s32 $0x0  }
0x3e7: {  	s14 =	sadd.s32 $0x10, s16;
	s0 =	simm.s32 $0x20;
	s1 =	simm.s32 $0x0  }
.LBB2_15:
0x3e8: {  	s20 =	sadd.s32 $0x2, s20;
	s9 =	sadd.s32 $0x100, s9;
	s1 =	sadd.s32 $0x1, s1  }
0x3e9: {  	p1 =	slt.u32 s20, $0x9E;
	v3 =	vsel vm0, $0x0, v3;
	vm0 =	veq.s32 v2, $0x0  }
0x3ea: {  	s18 =	sor.u32 $0x300, s14;
	[tilespmem:s2+$0x200] =	vst v3;
	v2 =	vsel vm0, $0x0, v4  }
0x3eb: {  	[tilespmem:s2+$0x280] =	vst v2  }
0x3ec: {  	v2 =	vld [tilespmem:s18+$0x5000]  }
0x3ed: {  	s15 =	sand.u32 $0x7C00, s9;
	s2 =	sand.u32 $0x60, s0  }
0x3ee: {  	s19 =	sor.u32 s2, s15  }
0x3ef: {  	s16 =	sadd.s32 $0x5000, s15;
	vm0 =	veq.s32 v1, $0x0  }
0x3f0: {  	s17 =	sor.u32 s2, s16  }
0x3f1: {  	s14 =	sor.u32 $0x380, s14;
	v1 =	vsel vm0, $0x0, v2  }
0x3f2: {  	[tilespmem:s18+$0x5000] =	vst v1  }
0x3f3: {  	v1 =	vld [tilespmem:s14+$0x5000];
	_ =	sdelay $0x2  }
0x3f4: {  	vm0 =	veq.s32 v0, $0x0;
	_ =	sdelay $0x1  }
0x3f5: {  	v0 =	vsel vm0, $0x0, v1  }
0x3f6: {  	[tilespmem:s14+$0x5000] =	vst v0  }
0x3f7: {  	v0 =	vld [tilespmem:s19+$0xF100]  }
0x3f8: {  	v1 =	vld [tilespmem:s17+$0x80]  }
0x3f9: {  	v2 =	vld [tilespmem:s17+$0x0];
	_ =	sdelay $0x2  }
0x3fa: {  	v3 =	vand.u32 $0x1, v0;
	v4 =	vand.u32 $0x100, v0;
	v5 =	vand.u32 $0x10000, v0  }
0x3fb: {  	v0 =	vand.u32 $0x1000000, v0;
	vm0 =	veq.s32 v3, $0x0;
	vm1 =	veq.s32 v4, $0x0  }
0x3fc: {  	v2 =	vsel vm0, $0x0, v2;
	v1 =	vsel vm1, $0x0, v1  }
0x3fd: {  	[tilespmem:s17+$0x0] =	vst v2  }
0x3fe: {  	[tilespmem:s17+$0x80] =	vst v1  }
0x3ff: {  	v1 =	vld [tilespmem:s19+$0x5100]  }
0x400: {  	v2 =	vld [tilespmem:s19+$0x5180];
	_ =	sdelay $0x2  }
0x401: {  	vm0 =	veq.s32 v5, $0x0  }
0x402: {  	v1 =	vsel vm0, $0x0, v1;
	vm0 =	veq.s32 v0, $0x0  }
0x403: {  	[tilespmem:s19+$0x5100] =	vst v1;
	v0 =	vsel vm0, $0x0, v2;
	v1 =	vld [tilespmem:s19+$0xF180]  }
0x404: {  	[tilespmem:s19+$0x5180] =	vst v0  }
0x405: {  	v0 =	vld [tilespmem:s17+$0x280]  }
0x406: {  	v2 =	vld [tilespmem:s17+$0x200];
	_ =	sdelay $0x1  }
0x407: {  	v3 =	vand.u32 $0x100, v1;
	v4 =	vand.u32 $0x10000, v1;
	v5 =	vand.u32 $0x1000000, v1  }
0x408: {  	s14 =	sand.u32 $0x3, s1;
	v1 =	vand.u32 $0x1, v1;
	vm0 =	veq.s32 v3, $0x0  }
0x409: {  	s14 =	sshll.u32 s14, $0x5;
	vm1 =	veq.s32 v1, $0x0;
	v0 =	vsel vm0, $0x0, v0  }
0x40a: {  	s18 =	sadd.s32 s14, s9;
	v1 =	vsel vm1, $0x0, v2;
	[tilespmem:s17+$0x280] =	vst v0  }
0x40b: {  	s14 =	sadd.s32 $0x10, s18;
	[tilespmem:s17+$0x200] =	vst v1;
	s17 =	sor.u32 $0x300, s18  }
0x40c: {  	v0 =	vld [tilespmem:s17+$0x5000];
	_ =	sdelay $0x3  }
0x40d: {  	vm0 =	veq.s32 v4, $0x0  }
0x40e: {  	v0 =	vsel vm0, $0x0, v0  }
0x40f: {  	[tilespmem:s17+$0x5000] =	vst v0;
	s17 =	sor.u32 $0x380, s18  }
0x410: {  	v0 =	vld [tilespmem:s17+$0x5000];
	_ =	sdelay $0x3  }
0x411: {  	vm0 =	veq.s32 v5, $0x0  }
0x412: {  	s2 =	sor.u32 $0x10, s2;
	v0 =	vsel vm0, $0x0, v0  }
0x413: {  	s15 =	sor.u32 s15, s2;
	[tilespmem:s17+$0x5000] =	vst v0  }
0x414: {  	s2 =	sor.u32 s2, s16;
	v0 =	vld [tilespmem:s15+$0xF100]  }
0x415: {  	v1 =	vld [tilespmem:s2+$0x80]  }
0x416: {  	v2 =	vld [tilespmem:s2+$0x0];
	_ =	sdelay $0x2  }
0x417: {  	v3 =	vand.u32 $0x1, v0;
	v4 =	vand.u32 $0x100, v0;
	v5 =	vand.u32 $0x10000, v0  }
0x418: {  	v0 =	vand.u32 $0x1000000, v0;
	vm0 =	veq.s32 v3, $0x0;
	vm1 =	veq.s32 v4, $0x0  }
0x419: {  	v2 =	vsel vm0, $0x0, v2;
	v1 =	vsel vm1, $0x0, v1  }
0x41a: {  	[tilespmem:s2+$0x0] =	vst v2  }
0x41b: {  	[tilespmem:s2+$0x80] =	vst v1  }
0x41c: {  	v1 =	vld [tilespmem:s15+$0x5100]  }
0x41d: {  	v2 =	vld [tilespmem:s15+$0x5180]  }
0x41e: {  	v4 =	vld [tilespmem:s15+$0xF180];
	_ =	sdelay $0x1  }
0x41f: {  	vm0 =	veq.s32 v5, $0x0  }
0x420: {  	v1 =	vsel vm0, $0x0, v1;
	vm0 =	veq.s32 v0, $0x0  }
0x421: {  	[tilespmem:s15+$0x5100] =	vst v1;
	v0 =	vsel vm0, $0x0, v2  }
.Ltmp6:
0x422: {  	[tilespmem:s15+$0x5180] =	vst v0;
	v0 =	vand.u32 $0x1, v4;
	v2 =	vand.u32 $0x100, v4;
	v1 =	vand.u32 $0x10000, v4;
	(pc) =	sbr.rel @p1 .LBB2_15-.Ltmp6, $3  }
0x423: {  	vm0 =	veq.s32 v0, $0x0;
	v3 =	vld [tilespmem:s2+$0x200];
	v0 =	vand.u32 $0x1000000, v4  }
0x424: {  	v4 =	vld [tilespmem:s2+$0x280];
	_ =	sdelay $0x1  }
0x425: {  	s0 =	sadd.s32 $0x20, s0  }
0x426: {  	_ = 	snop  }
0x427: {  	v3 =	vsel vm0, $0x0, v3;
	vm0 =	veq.s32 v2, $0x0  }
0x428: {  	[tilespmem:s2+$0x200] =	vst v3;
	v2 =	vsel vm0, $0x0, v4  }
0x429: {  	s0 =	sor.u32 $0x300, s14;
	[tilespmem:s2+$0x280] =	vst v2  }
0x42a: {  	v2 =	vld [tilespmem:s0+$0x5000];
	_ =	sdelay $0x3  }
0x42b: {  	vm0 =	veq.s32 v1, $0x0  }
0x42c: {  	v1 =	vsel vm0, $0x0, v2  }
0x42d: {  	s1 =	sor.u32 $0x380, s14;
	[tilespmem:s0+$0x5000] =	vst v1  }
0x42e: {  	v1 =	vld [tilespmem:s1+$0x5000];
	_ =	sdelay $0x3  }
0x42f: {  	vm0 =	veq.s32 v0, $0x0  }
0x430: {  	v0 =	vsel vm0, $0x0, v1  }
0x431: {  	s9 =	simm.s32 $0x0;
	s2 =	sadd.s32 s6, s30;
	[tilespmem:s1+$0x5000] =	vst v0  }
0x432: {  	[hbm4b:s2+s9] =	stream.linear.scatter [tilespmem:s13], [sflag:$0x6], $0x5000, $0x38;
	[tilespmem:$0x14000] =	vst v63  }
0x433: {  	_ =	swait.ge [sflag:s11], $0x5000  }
0x434: {  	s14 =	rddreg [dreg:$0xe]  }
0x435: {  	s0 =	sadd.s32 s14, s26  }
0x436: {  	[sflag:s11] =	ssyncset.done $0x0;
	s26 =	sshrl.u32 s0, $0x3  }
0x437: {  	[sflag:s11] =	ssyncadd.s32 $0xFFFFB000;
	s0 =	sadd.s32 s4, s26  }
0x438: {  	[tilespmem:s13], [sflag:$0x2] =	stream.linear.gather [hbm4b:s0+s9], $0x5000, $0x38;
	[tilespmem:$0x14000] =	vst v63  }
0x439: {  	_ =	swait.ge [sflag:s21], $0x5000  }
0x43a: {  	s15 =	sand.u32 $0x60, s9;
	s16 =	sand.u32 $0x7C00, s9;
	[sflag:s21] =	ssyncset.done $0x0  }
0x43b: {  	s0 =	sor.u32 s15, s16;
	[sflag:s21] =	ssyncadd.s32 $0xFFFFB000  }
0x43c: {  	v0 =	vld [tilespmem:s0+$0xF280]  }
0x43d: {  	v1 =	vld [tilespmem:s0+$0xF200]  }
0x43e: {  	v2 =	vld [tilespmem:s0+$0x200]  }
0x43f: {  	v52 =	vld [tilespmem:s0+$0x100]  }
0x440: {  	v3 =	vld [tilespmem:s0+$0x180]  }
0x441: {  	v5 =	vld [tilespmem:s0+$0x280];
	v6 =	vand.u32 $0x1, v0  }
0x442: {  	v7 =	vld [tilespmem:s0+$0x0];
	v9 =	vand.u32 $0x10000, v1;
	vm0 =	veq.s32 v6, $0x0  }
0x443: {  	v8 =	vld [tilespmem:s0+$0x80];
	v53 =	vand.u32 $0x1000000, v1;
	vm1 =	veq.s32 v9, $0x0;
	v2 =	vsel vm0, $0x0, v2  }
0x444: {  	v54 =	vand.u32 $0x100, v0;
	vm0 =	veq.s32 v53, $0x0;
	v4 =	vsel vm1, $0x0, v52;
	[tilespmem:s0+$0x200] =	vst v2  }
0x445: {  	v2 =	vsel vm0, $0x0, v3;
	v3 =	vand.u32 $0x1, v1;
	vm0 =	veq.s32 v54, $0x0;
	[tilespmem:s0+$0x100] =	vst v4  }
0x446: {  	s1 =	sand.u32 $0x3, s9;
	v1 =	vand.u32 $0x100, v1;
	[tilespmem:s0+$0x180] =	vst v2;
	vm1 =	veq.s32 v3, $0x0;
	v2 =	vsel vm0, $0x0, v5  }
0x447: {  	s1 =	sshll.u32 s1, $0x5;
	vm0 =	veq.s32 v1, $0x0;
	v3 =	vsel vm1, $0x0, v7;
	[tilespmem:s0+$0x280] =	vst v2  }
0x448: {  	s1 =	sadd.s32 $0x0, s1;
	v1 =	vsel vm0, $0x0, v8;
	[tilespmem:s0+$0x0] =	vst v3  }
0x449: {  	s17 =	sor.u32 $0x300, s1;
	[tilespmem:s0+$0x80] =	vst v1  }
0x44a: {  	v1 =	vld [tilespmem:s17+$0x0];
	_ =	sdelay $0x2  }
0x44b: {  	v2 =	vand.u32 $0x10000, v0  }
0x44c: {  	vm0 =	veq.s32 v2, $0x0  }
0x44d: {  	v1 =	vsel vm0, $0x0, v1  }
0x44e: {  	s18 =	sor.u32 $0x380, s1;
	[tilespmem:s17+$0x0] =	vst v1  }
0x44f: {  	v1 =	vld [tilespmem:s18+$0x0];
	_ =	sdelay $0x2  }
0x450: {  	v0 =	vand.u32 $0x1000000, v0  }
0x451: {  	vm0 =	veq.s32 v0, $0x0  }
0x452: {  	v0 =	vsel vm0, $0x0, v1  }
0x453: {  	[tilespmem:s18+$0x0] =	vst v0  }
0x454: {  	v0 =	vld [tilespmem:s0+$0xF290]  }
0x455: {  	v1 =	vld [tilespmem:s0+$0xF210]  }
0x456: {  	v2 =	vld [tilespmem:s0+$0x210]  }
0x457: {  	v3 =	vld [tilespmem:s0+$0x290]  }
0x458: {  	v55 =	vld [tilespmem:s0+$0x90]  }
0x459: {  	v56 =	vld [tilespmem:s0+$0x10];
	v57 =	vand.u32 $0x1, v0  }
0x45a: {  	v60 =	vld [tilespmem:s0+$0x110];
	v58 =	vand.u32 $0x100, v0;
	v61 =	vand.u32 $0x100, v1;
	vm0 =	veq.s32 v57, $0x0  }
0x45b: {  	v59 =	vld [tilespmem:s0+$0x190];
	v62 =	vand.u32 $0x1, v1;
	vm1 =	veq.s32 v58, $0x0;
	v2 =	vsel vm0, $0x0, v2  }
0x45c: {  	v63 =	vand.u32 $0x1000000, v1;
	vm0 =	veq.s32 v61, $0x0;
	v3 =	vsel vm1, $0x0, v3;
	[tilespmem:s0+$0x210] =	vst v2  }
0x45d: {  	v1 =	vand.u32 $0x10000, v1;
	v2 =	vsel vm0, $0x0, v55;
	vm0 =	veq.s32 v62, $0x0;
	[tilespmem:s0+$0x290] =	vst v3  }
0x45e: {  	vm1 =	veq.s32 v1, $0x0;
	v3 =	vsel vm0, $0x0, v56;
	[tilespmem:s0+$0x90] =	vst v2  }
0x45f: {  	vm0 =	veq.s32 v63, $0x0;
	v2 =	vsel vm1, $0x0, v60;
	[tilespmem:s0+$0x10] =	vst v3  }
0x460: {  	s19 =	sadd.s32 $0x10, s1;
	v1 =	vsel vm0, $0x0, v59;
	[tilespmem:s0+$0x110] =	vst v2  }
0x461: {  	s9 =	sor.u32 $0x300, s19;
	[tilespmem:s0+$0x190] =	vst v1  }
0x462: {  	v1 =	vld [tilespmem:s9+$0x0];
	_ =	sdelay $0x2  }
0x463: {  	v2 =	vand.u32 $0x10000, v0  }
0x464: {  	vm0 =	veq.s32 v2, $0x0  }
0x465: {  	v1 =	vsel vm0, $0x0, v1  }
0x466: {  	s2 =	sor.u32 $0x380, s19;
	v0 =	vand.u32 $0x1000000, v0;
	s0 =	simm.s32 $0x1;
	[tilespmem:s9+$0x0] =	vst v1  }
0x467: {  	s1 =	simm.s32 $0x2;
	s20 =	sand.u32 $0x3, s0;
	vm0 =	veq.s32 v0, $0x0;
	v0 =	vld [tilespmem:s2+$0x0]  }
0x468: {  	s14 =	simm.s32 $0x100;
	s15 =	simm.s32 $0x20;
	s16 =	sshll.u32 s20, $0x5  }
0x469: {  	s30 =	sand.u32 $0x7C00, s14;
	s15 =	sand.u32 $0x60, s15;
	s20 =	sadd.s32 $0x100, s16  }
0x46a: {  	s29 =	sor.u32 s15, s30;
	s15 =	simm.s32 $0x40;
	s9 =	sadd.s32 $0x10, s20  }
.LBB2_17:
0x46b: {  	s1 =	sadd.s32 $0x2, s1;
	s14 =	sadd.s32 $0x100, s14;
	s0 =	sadd.s32 $0x1, s0  }
0x46c: {  	s16 =	sand.u32 $0x3, s0;
	p1 =	slt.u32 s1, $0x9E;
	v0 =	vsel vm0, $0x0, v0  }
0x46d: {  	s16 =	sshll.u32 s16, $0x5;
	[tilespmem:s2+$0x0] =	vst v0  }
0x46e: {  	s17 =	sadd.s32 s16, s14  }
0x46f: {  	s16 =	sadd.s32 $0x10, s17;
	v0 =	vld [tilespmem:s29+$0x280]  }
0x470: {  	v1 =	vld [tilespmem:s29+$0xF280]  }
0x471: {  	v2 =	vld [tilespmem:s29+$0xF200]  }
0x472: {  	v3 =	vld [tilespmem:s29+$0x200]  }
0x473: {  	v4 =	vld [tilespmem:s29+$0x180]  }
0x474: {  	v5 =	vld [tilespmem:s29+$0x100]  }
0x475: {  	v6 =	vld [tilespmem:s29+$0x0];
	v7 =	vand.u32 $0x1, v1;
	v8 =	vand.u32 $0x100, v1;
	v9 =	vand.u32 $0x10000, v1  }
0x476: {  	v10 =	vand.u32 $0x1, v2;
	v11 =	vld [tilespmem:s29+$0x80];
	v12 =	vand.u32 $0x10000, v2;
	vm0 =	veq.s32 v7, $0x0  }
0x477: {  	v7 =	vand.u32 $0x1000000, v2;
	vm1 =	veq.s32 v10, $0x0;
	v3 =	vsel vm0, $0x0, v3  }
0x478: {  	s18 =	sand.u32 $0x7C00, s14;
	s2 =	sand.u32 $0x60, s15;
	v2 =	vand.u32 $0x100, v2;
	vm0 =	veq.s32 v12, $0x0;
	vm2 =	veq.s32 v7, $0x0;
	[tilespmem:s29+$0x200] =	vst v3  }
0x479: {  	s2 =	sor.u32 s2, s18;
	v4 =	vsel vm2, $0x0, v4;
	v3 =	vsel vm0, $0x0, v5;
	vm0 =	veq.s32 v8, $0x0  }
0x47a: {  	v5 =	vsel vm1, $0x0, v6;
	vm1 =	veq.s32 v2, $0x0;
	[tilespmem:s29+$0x180] =	vst v4;
	v0 =	vsel vm0, $0x0, v0  }
0x47b: {  	v1 =	vand.u32 $0x1000000, v1;
	v2 =	vsel vm1, $0x0, v11;
	[tilespmem:s29+$0x100] =	vst v3  }
0x47c: {  	[tilespmem:s29+$0x280] =	vst v0  }
0x47d: {  	[tilespmem:s29+$0x0] =	vst v5  }
0x47e: {  	s18 =	sor.u32 $0x300, s20;
	[tilespmem:s29+$0x80] =	vst v2  }
0x47f: {  	v0 =	vld [tilespmem:s18+$0x0];
	_ =	sdelay $0x3  }
0x480: {  	vm0 =	veq.s32 v9, $0x0  }
0x481: {  	v0 =	vsel vm0, $0x0, v0  }
0x482: {  	[tilespmem:s18+$0x0] =	vst v0;
	s18 =	sor.u32 $0x380, s20;
	s20 =	smov.u32 s17  }
0x483: {  	v0 =	vld [tilespmem:s18+$0x0];
	_ =	sdelay $0x3  }
0x484: {  	vm0 =	veq.s32 v1, $0x0  }
0x485: {  	v0 =	vsel vm0, $0x0, v0  }
0x486: {  	[tilespmem:s18+$0x0] =	vst v0  }
0x487: {  	v0 =	vld [tilespmem:s29+$0x290]  }
0x488: {  	v1 =	vld [tilespmem:s29+$0xF290]  }
0x489: {  	v2 =	vld [tilespmem:s29+$0xF210]  }
0x48a: {  	v3 =	vld [tilespmem:s29+$0x210]  }
0x48b: {  	v4 =	vld [tilespmem:s29+$0x90]  }
0x48c: {  	v5 =	vld [tilespmem:s29+$0x110]  }
0x48d: {  	v6 =	vld [tilespmem:s29+$0x10];
	v7 =	vand.u32 $0x1, v1;
	v8 =	vand.u32 $0x100, v1;
	v9 =	vand.u32 $0x10000, v1  }
0x48e: {  	v10 =	vand.u32 $0x100, v2;
	v11 =	vld [tilespmem:s29+$0x190];
	vm0 =	veq.s32 v7, $0x0;
	vm1 =	veq.s32 v8, $0x0  }
0x48f: {  	vm2 =	veq.s32 v10, $0x0;
	v3 =	vsel vm0, $0x0, v3;
	v0 =	vsel vm1, $0x0, v0  }
0x490: {  	v7 =	vand.u32 $0x1, v2;
	v8 =	vand.u32 $0x10000, v2;
	v4 =	vsel vm2, $0x0, v4;
	[tilespmem:s29+$0x210] =	vst v3  }
0x491: {  	v2 =	vand.u32 $0x1000000, v2;
	vm0 =	veq.s32 v7, $0x0;
	vm1 =	veq.s32 v8, $0x0;
	[tilespmem:s29+$0x290] =	vst v0  }
0x492: {  	v3 =	vsel vm1, $0x0, v5;
	v0 =	vsel vm0, $0x0, v6;
	[tilespmem:s29+$0x90] =	vst v4;
	vm0 =	veq.s32 v2, $0x0  }
0x493: {  	v1 =	vand.u32 $0x1000000, v1;
	[tilespmem:s29+$0x10] =	vst v0;
	v0 =	vsel vm0, $0x0, v11  }
0x494: {  	vm0 =	veq.s32 v1, $0x0;
	[tilespmem:s29+$0x190] =	vst v0  }
0x495: {  	s17 =	sor.u32 $0x300, s9;
	[tilespmem:s29+$0x110] =	vst v3;
	s29 =	smov.u32 s2  }
0x496: {  	v0 =	vld [tilespmem:s17+$0x0];
	_ =	sdelay $0x3  }
0x497: {  	vm1 =	veq.s32 v9, $0x0  }
0x498: {  	v0 =	vsel vm1, $0x0, v0  }
.Ltmp7:
0x499: {  	s2 =	sor.u32 $0x380, s9;
	s9 =	smov.u32 s16;
	[tilespmem:s17+$0x0] =	vst v0;
	(pc) =	sbr.rel @p1 .LBB2_17-.Ltmp7, $2  }
0x49a: {  	v0 =	vld [tilespmem:s2+$0x0];
	_ =	sdelay $0x2  }
0x49b: {  	s15 =	sadd.s32 $0x20, s15  }
0x49c: {  	_ = 	snop  }
0x49d: {  	v0 =	vsel vm0, $0x0, v0  }
0x49e: {  	[tilespmem:s2+$0x0] =	vst v0  }
0x49f: {  	v0 =	vld [tilespmem:s29+$0xF280]  }
0x4a0: {  	v1 =	vld [tilespmem:s29+$0xF200]  }
0x4a1: {  	v2 =	vld [tilespmem:s29+$0x200]  }
0x4a2: {  	v4 =	vld [tilespmem:s29+$0x100]  }
0x4a3: {  	v3 =	vld [tilespmem:s29+$0x180]  }
0x4a4: {  	v5 =	vld [tilespmem:s29+$0x280];
	v6 =	vand.u32 $0x1, v0  }
0x4a5: {  	v7 =	vld [tilespmem:s29+$0x0];
	v9 =	vand.u32 $0x10000, v1;
	vm0 =	veq.s32 v6, $0x0  }
0x4a6: {  	v8 =	vld [tilespmem:s29+$0x80];
	v43 =	vand.u32 $0x1000000, v1;
	vm1 =	veq.s32 v9, $0x0;
	v2 =	vsel vm0, $0x0, v2  }
0x4a7: {  	v44 =	vand.u32 $0x100, v0;
	vm0 =	veq.s32 v43, $0x0;
	v4 =	vsel vm1, $0x0, v4;
	[tilespmem:s29+$0x200] =	vst v2  }
0x4a8: {  	v2 =	vsel vm0, $0x0, v3;
	v3 =	vand.u32 $0x1, v1;
	vm0 =	veq.s32 v44, $0x0;
	[tilespmem:s29+$0x100] =	vst v4  }
0x4a9: {  	v1 =	vand.u32 $0x100, v1;
	[tilespmem:s29+$0x180] =	vst v2;
	vm1 =	veq.s32 v3, $0x0;
	v2 =	vsel vm0, $0x0, v5  }
0x4aa: {  	vm0 =	veq.s32 v1, $0x0;
	v3 =	vsel vm1, $0x0, v7;
	[tilespmem:s29+$0x280] =	vst v2  }
0x4ab: {  	v1 =	vsel vm0, $0x0, v8;
	[tilespmem:s29+$0x0] =	vst v3  }
0x4ac: {  	s0 =	sor.u32 $0x300, s20;
	[tilespmem:s29+$0x80] =	vst v1  }
0x4ad: {  	v1 =	vld [tilespmem:s0+$0x0];
	_ =	sdelay $0x2  }
0x4ae: {  	v2 =	vand.u32 $0x10000, v0  }
0x4af: {  	vm0 =	veq.s32 v2, $0x0  }
0x4b0: {  	v1 =	vsel vm0, $0x0, v1  }
0x4b1: {  	s14 =	sor.u32 $0x380, s20;
	[tilespmem:s0+$0x0] =	vst v1  }
0x4b2: {  	v1 =	vld [tilespmem:s14+$0x0];
	_ =	sdelay $0x2  }
0x4b3: {  	v0 =	vand.u32 $0x1000000, v0  }
0x4b4: {  	vm0 =	veq.s32 v0, $0x0  }
0x4b5: {  	v0 =	vsel vm0, $0x0, v1  }
0x4b6: {  	[tilespmem:s14+$0x0] =	vst v0  }
0x4b7: {  	v0 =	vld [tilespmem:s29+$0xF290]  }
0x4b8: {  	v1 =	vld [tilespmem:s29+$0xF210]  }
0x4b9: {  	v2 =	vld [tilespmem:s29+$0x210]  }
0x4ba: {  	v3 =	vld [tilespmem:s29+$0x290]  }
0x4bb: {  	v45 =	vld [tilespmem:s29+$0x90]  }
0x4bc: {  	v46 =	vld [tilespmem:s29+$0x10];
	v47 =	vand.u32 $0x1, v0  }
0x4bd: {  	v50 =	vld [tilespmem:s29+$0x110];
	v48 =	vand.u32 $0x100, v0;
	v51 =	vand.u32 $0x100, v1;
	vm0 =	veq.s32 v47, $0x0  }
0x4be: {  	v49 =	vld [tilespmem:s29+$0x190];
	v52 =	vand.u32 $0x1, v1;
	vm1 =	veq.s32 v48, $0x0;
	v2 =	vsel vm0, $0x0, v2  }
0x4bf: {  	v53 =	vand.u32 $0x1000000, v1;
	vm0 =	veq.s32 v51, $0x0;
	v3 =	vsel vm1, $0x0, v3;
	[tilespmem:s29+$0x210] =	vst v2  }
0x4c0: {  	v1 =	vand.u32 $0x10000, v1;
	v2 =	vsel vm0, $0x0, v45;
	vm0 =	veq.s32 v52, $0x0;
	[tilespmem:s29+$0x290] =	vst v3  }
0x4c1: {  	vm1 =	veq.s32 v1, $0x0;
	v3 =	vsel vm0, $0x0, v46;
	[tilespmem:s29+$0x90] =	vst v2  }
0x4c2: {  	vm0 =	veq.s32 v53, $0x0;
	v2 =	vsel vm1, $0x0, v50;
	[tilespmem:s29+$0x10] =	vst v3  }
0x4c3: {  	v1 =	vsel vm0, $0x0, v49;
	[tilespmem:s29+$0x110] =	vst v2  }
0x4c4: {  	s15 =	sor.u32 $0x300, s9;
	[tilespmem:s29+$0x190] =	vst v1  }
0x4c5: {  	v1 =	vld [tilespmem:s15+$0x0];
	_ =	sdelay $0x2  }
0x4c6: {  	v2 =	vand.u32 $0x10000, v0  }
0x4c7: {  	vm0 =	veq.s32 v2, $0x0  }
0x4c8: {  	v1 =	vsel vm0, $0x0, v1  }
0x4c9: {  	s16 =	sor.u32 $0x380, s9;
	[tilespmem:s15+$0x0] =	vst v1  }
0x4ca: {  	v1 =	vld [tilespmem:s16+$0x0];
	_ =	sdelay $0x2  }
0x4cb: {  	v0 =	vand.u32 $0x1000000, v0  }
0x4cc: {  	vm0 =	veq.s32 v0, $0x0  }
0x4cd: {  	v0 =	vsel vm0, $0x0, v1  }
0x4ce: {  	s17 =	sadd.s32 s6, s8;
	s1 =	simm.s32 @!p0 $0x5;
	s0 =	smul.u32 @!p0 $0x5000, s28;
	[tilespmem:s16+$0x0] =	vst v0  }
0x4cf: {  	[hbm4b:s17+s31] =	stream.linear.scatter [tilespmem:s31], [sflag:$0x5], $0x5000, $0x38;
	[tilespmem:$0x14000] =	vst v63  }
0x4d0: {  	s8 =	simm.s32 $0x0;
	s0 =	sadd.s32 @!p0 s3, s0;
	_ =	swait.ge @!p0 [sflag:s1], $0x5000  }
0x4d1: {  	s18 =	sand.u32 $0x3, s8;
	s0 =	sshrl.u32 @!p0 s0, $0x3;
	[sflag:s1] =	ssyncset.done @!p0 $0x0  }
0x4d2: {  	s0 =	sadd.s32 @!p0 s4, s0;
	[sflag:s1] =	ssyncadd.s32 @!p0 $0xFFFFB000;
	s1 =	simm.s32 @!p0 $0x0  }
0x4d3: {  	[tilespmem:s1], [sflag:$0x1] =	stream.linear.gather @!p0 [hbm4b:s0+s1], $0x5000, $0x38;
	[tilespmem:$0x14000] =	vst v63  }
0x4d4: {  	s0 =	sshll.u32 s18, $0x5;
	_ =	swait.ge [sflag:s23], $0x5000  }
0x4d5: {  	s19 =	sadd.s32 $0x0, s0;
	[sflag:s23] =	ssyncset.done $0x0  }
0x4d6: {  	s20 =	sor.u32 $0x300, s19;
	[sflag:s23] =	ssyncadd.s32 $0xFFFFB000  }
0x4d7: {  	s28 =	sand.u32 $0x60, s8;
	s29 =	sand.u32 $0x7C00, s8;
	v0 =	vld [tilespmem:s20+$0xF000]  }
0x4d8: {  	s0 =	sor.u32 s28, s29  }
0x4d9: {  	v1 =	vld [tilespmem:s0+$0x5000]  }
0x4da: {  	v2 =	vld [tilespmem:s0+$0x5100]  }
0x4db: {  	v3 =	vld [tilespmem:s0+$0x5180]  }
0x4dc: {  	v54 =	vld [tilespmem:s0+$0x5080];
	v55 =	vand.u32 $0x1, v0  }
0x4dd: {  	v56 =	vand.u32 $0x10000, v0;
	vm0 =	veq.s32 v55, $0x0  }
0x4de: {  	v57 =	vand.u32 $0x1000000, v0;
	v1 =	vsel vm0, $0x0, v1;
	vm0 =	veq.s32 v56, $0x0  }
0x4df: {  	v0 =	vand.u32 $0x100, v0;
	[tilespmem:s0+$0x5000] =	vst v1;
	v1 =	vsel vm0, $0x0, v2;
	vm0 =	veq.s32 v57, $0x0  }
0x4e0: {  	vm1 =	veq.s32 v0, $0x0;
	[tilespmem:s0+$0x5100] =	vst v1;
	v0 =	vsel vm0, $0x0, v3  }
0x4e1: {  	v1 =	vsel vm1, $0x0, v54;
	[tilespmem:s0+$0x5180] =	vst v0  }
0x4e2: {  	s30 =	sor.u32 $0x380, s19;
	[tilespmem:s0+$0x5080] =	vst v1  }
0x4e3: {  	v0 =	vld [tilespmem:s30+$0xF000];
	_ =	sdelay $0x1  }
0x4e4: {  	v1 =	vld [tilespmem:s0+$0x5200]  }
0x4e5: {  	v2 =	vld [tilespmem:s0+$0x5280];
	_ =	sdelay $0x1  }
0x4e6: {  	v3 =	vand.u32 $0x1, v0  }
0x4e7: {  	v58 =	vand.u32 $0x100, v0;
	vm0 =	veq.s32 v3, $0x0  }
0x4e8: {  	vm1 =	veq.s32 v58, $0x0;
	v1 =	vsel vm0, $0x0, v1  }
0x4e9: {  	v2 =	vsel vm1, $0x0, v2;
	[tilespmem:s0+$0x5200] =	vst v1  }
0x4ea: {  	[tilespmem:s0+$0x5280] =	vst v2  }
0x4eb: {  	v1 =	vld [tilespmem:s20+$0x5000];
	_ =	sdelay $0x2  }
0x4ec: {  	v2 =	vand.u32 $0x10000, v0  }
0x4ed: {  	vm0 =	veq.s32 v2, $0x0  }
0x4ee: {  	v1 =	vsel vm0, $0x0, v1  }
0x4ef: {  	[tilespmem:s20+$0x5000] =	vst v1  }
0x4f0: {  	v1 =	vld [tilespmem:s30+$0x5000];
	_ =	sdelay $0x2  }
0x4f1: {  	v0 =	vand.u32 $0x1000000, v0  }
0x4f2: {  	vm0 =	veq.s32 v0, $0x0  }
0x4f3: {  	s1 =	sadd.s32 $0x10, s19;
	v0 =	vsel vm0, $0x0, v1  }
0x4f4: {  	s15 =	sor.u32 $0x300, s1;
	[tilespmem:s30+$0x5000] =	vst v0  }
0x4f5: {  	v0 =	vld [tilespmem:s15+$0xF000];
	_ =	sdelay $0x1  }
0x4f6: {  	v1 =	vld [tilespmem:s0+$0x5010]  }
0x4f7: {  	v2 =	vld [tilespmem:s0+$0x5190]  }
0x4f8: {  	v3 =	vld [tilespmem:s0+$0x5090]  }
0x4f9: {  	v59 =	vld [tilespmem:s0+$0x5110];
	v60 =	vand.u32 $0x1, v0  }
0x4fa: {  	v61 =	vand.u32 $0x1000000, v0;
	vm0 =	veq.s32 v60, $0x0  }
0x4fb: {  	v62 =	vand.u32 $0x100, v0;
	v1 =	vsel vm0, $0x0, v1;
	vm0 =	veq.s32 v61, $0x0  }
0x4fc: {  	v0 =	vand.u32 $0x10000, v0;
	vm1 =	veq.s32 v62, $0x0;
	[tilespmem:s0+$0x5010] =	vst v1;
	v1 =	vsel vm0, $0x0, v2  }
0x4fd: {  	vm0 =	veq.s32 v0, $0x0;
	v0 =	vsel vm1, $0x0, v3;
	[tilespmem:s0+$0x5190] =	vst v1  }
0x4fe: {  	v1 =	vsel vm0, $0x0, v59;
	[tilespmem:s0+$0x5090] =	vst v0  }
0x4ff: {  	s2 =	sor.u32 $0x380, s1;
	[tilespmem:s0+$0x5110] =	vst v1  }
0x500: {  	v0 =	vld [tilespmem:s2+$0xF000];
	_ =	sdelay $0x1  }
0x501: {  	v1 =	vld [tilespmem:s0+$0x5210]  }
0x502: {  	v2 =	vld [tilespmem:s0+$0x5290];
	_ =	sdelay $0x1  }
0x503: {  	v3 =	vand.u32 $0x1, v0  }
0x504: {  	v63 =	vand.u32 $0x100, v0;
	vm0 =	veq.s32 v3, $0x0  }
0x505: {  	vm1 =	veq.s32 v63, $0x0;
	v1 =	vsel vm0, $0x0, v1  }
0x506: {  	v2 =	vsel vm1, $0x0, v2;
	[tilespmem:s0+$0x5210] =	vst v1  }
0x507: {  	v1 =	vand.u32 $0x10000, v0;
	[tilespmem:s0+$0x5290] =	vst v2  }
0x508: {  	vm0 =	veq.s32 v1, $0x0;
	v1 =	vld [tilespmem:s15+$0x5000];
	_ =	sdelay $0x2  }
0x509: {  	s9 =	simm.s32 $0x0;
	s1 =	simm.s32 $0x20;
	s0 =	simm.s32 $0x0;
	v0 =	vand.u32 $0x1000000, v0  }
.LBB2_19:
0x50a: {  	s0 =	sadd.s32 $0x2, s0;
	s8 =	sadd.s32 $0x100, s8;
	s9 =	sadd.s32 $0x1, s9  }
0x50b: {  	p0 =	slt.u32 s0, $0x9E;
	v1 =	vsel vm0, $0x0, v1  }
0x50c: {  	[tilespmem:s15+$0x5000] =	vst v1  }
0x50d: {  	v1 =	vld [tilespmem:s2+$0x5000];
	_ =	sdelay $0x2  }
0x50e: {  	s14 =	sand.u32 $0x3, s9  }
0x50f: {  	vm0 =	veq.s32 v0, $0x0;
	s14 =	sshll.u32 s14, $0x5  }
0x510: {  	s17 =	sadd.s32 s14, s8;
	v0 =	vsel vm0, $0x0, v1  }
0x511: {  	s16 =	sand.u32 $0x7C00, s8;
	s14 =	sand.u32 $0x60, s1;
	s15 =	sor.u32 $0x300, s17;
	[tilespmem:s2+$0x5000] =	vst v0  }
0x512: {  	s14 =	sor.u32 s14, s16;
	s16 =	sadd.s32 $0x10, s17;
	v0 =	vld [tilespmem:s15+$0xF000]  }
0x513: {  	v1 =	vld [tilespmem:s14+$0x5080]  }
0x514: {  	v2 =	vld [tilespmem:s14+$0x5000]  }
0x515: {  	v3 =	vld [tilespmem:s14+$0x5100]  }
0x516: {  	v4 =	vld [tilespmem:s14+$0x5180]  }
0x517: {  	v5 =	vand.u32 $0x1, v0;
	v6 =	vand.u32 $0x100, v0;
	v7 =	vand.u32 $0x10000, v0  }
0x518: {  	v0 =	vand.u32 $0x1000000, v0;
	vm0 =	veq.s32 v5, $0x0;
	vm1 =	veq.s32 v6, $0x0  }
0x519: {  	v2 =	vsel vm0, $0x0, v2;
	v1 =	vsel vm1, $0x0, v1;
	vm0 =	veq.s32 v7, $0x0  }
0x51a: {  	[tilespmem:s14+$0x5000] =	vst v2;
	v2 =	vsel vm0, $0x0, v3;
	vm0 =	veq.s32 v0, $0x0  }
0x51b: {  	[tilespmem:s14+$0x5100] =	vst v2;
	v0 =	vsel vm0, $0x0, v4  }
0x51c: {  	[tilespmem:s14+$0x5180] =	vst v0  }
0x51d: {  	s2 =	sor.u32 $0x380, s17;
	[tilespmem:s14+$0x5080] =	vst v1  }
0x51e: {  	v0 =	vld [tilespmem:s2+$0xF000]  }
0x51f: {  	v1 =	vld [tilespmem:s14+$0x5280]  }
0x520: {  	v2 =	vld [tilespmem:s14+$0x5200];
	_ =	sdelay $0x2  }
0x521: {  	v3 =	vand.u32 $0x1, v0;
	v4 =	vand.u32 $0x100, v0;
	v5 =	vand.u32 $0x10000, v0  }
0x522: {  	v0 =	vand.u32 $0x1000000, v0;
	vm0 =	veq.s32 v3, $0x0;
	vm1 =	veq.s32 v4, $0x0  }
0x523: {  	v2 =	vsel vm0, $0x0, v2;
	v1 =	vsel vm1, $0x0, v1  }
0x524: {  	[tilespmem:s14+$0x5200] =	vst v2  }
0x525: {  	[tilespmem:s14+$0x5280] =	vst v1  }
0x526: {  	v1 =	vld [tilespmem:s15+$0x5000];
	_ =	sdelay $0x3  }
0x527: {  	vm0 =	veq.s32 v5, $0x0  }
0x528: {  	v1 =	vsel vm0, $0x0, v1  }
0x529: {  	[tilespmem:s15+$0x5000] =	vst v1  }
0x52a: {  	v1 =	vld [tilespmem:s2+$0x5000];
	_ =	sdelay $0x3  }
0x52b: {  	vm0 =	veq.s32 v0, $0x0  }
0x52c: {  	v0 =	vsel vm0, $0x0, v1  }
0x52d: {  	[tilespmem:s2+$0x5000] =	vst v0  }
0x52e: {  	s15 =	sor.u32 $0x300, s16;
	v0 =	vld [tilespmem:s14+$0x5190]  }
0x52f: {  	v1 =	vld [tilespmem:s15+$0xF000]  }
0x530: {  	v2 =	vld [tilespmem:s14+$0x5010]  }
0x531: {  	v3 =	vld [tilespmem:s14+$0x5090]  }
0x532: {  	v4 =	vld [tilespmem:s14+$0x5110];
	_ =	sdelay $0x1  }
0x533: {  	v5 =	vand.u32 $0x1, v1;
	v6 =	vand.u32 $0x100, v1;
	v7 =	vand.u32 $0x10000, v1  }
0x534: {  	v1 =	vand.u32 $0x1000000, v1;
	vm0 =	veq.s32 v5, $0x0;
	vm1 =	veq.s32 v6, $0x0  }
0x535: {  	vm2 =	veq.s32 v1, $0x0;
	v2 =	vsel vm0, $0x0, v2;
	vm0 =	veq.s32 v7, $0x0  }
0x536: {  	v1 =	vsel vm1, $0x0, v3;
	v0 =	vsel vm2, $0x0, v0;
	[tilespmem:s14+$0x5010] =	vst v2;
	v2 =	vsel vm0, $0x0, v4  }
0x537: {  	[tilespmem:s14+$0x5190] =	vst v0  }
0x538: {  	[tilespmem:s14+$0x5090] =	vst v1  }
0x539: {  	s2 =	sor.u32 $0x380, s16;
	[tilespmem:s14+$0x5110] =	vst v2  }
0x53a: {  	v0 =	vld [tilespmem:s2+$0xF000]  }
0x53b: {  	v1 =	vld [tilespmem:s14+$0x5290]  }
0x53c: {  	v2 =	vld [tilespmem:s14+$0x5210];
	_ =	sdelay $0x2  }
0x53d: {  	v3 =	vand.u32 $0x1, v0;
	v4 =	vand.u32 $0x100, v0;
	v5 =	vand.u32 $0x10000, v0  }
0x53e: {  	vm1 =	veq.s32 v3, $0x0;
	vm2 =	veq.s32 v4, $0x0;
	vm0 =	veq.s32 v5, $0x0  }
0x53f: {  	v0 =	vand.u32 $0x1000000, v0;
	v2 =	vsel vm1, $0x0, v2;
	v1 =	vsel vm2, $0x0, v1  }
0x540: {  	[tilespmem:s14+$0x5210] =	vst v2  }
.Ltmp8:
0x541: {  	[tilespmem:s14+$0x5290] =	vst v1;
	(pc) =	sbr.rel @p0 .LBB2_19-.Ltmp8, $2  }
0x542: {  	v1 =	vld [tilespmem:s15+$0x5000];
	_ =	sdelay $0x2  }
0x543: {  	s1 =	sadd.s32 $0x20, s1  }
0x544: {  	_ = 	snop  }
0x545: {  	v1 =	vsel vm0, $0x0, v1  }
0x546: {  	[tilespmem:s15+$0x5000] =	vst v1  }
0x547: {  	v1 =	vld [tilespmem:s2+$0x5000]  }
0x548: {  	s7 =	sadd.s32 $0x1, s7  }
0x549: {  	p0 =	sne.s32 s7, $0x13  }
.Ltmp9:
0x54a: {  	_ = 	snop;
	(pc) =	sbr.rel @p0 .LBB2_2-.Ltmp9, $4  }
0x54b: {  	vm15 =	veq.s32 v0, $0x0  }
0x54c: {  	v0 =	vsel vm15, $0x0, v1  }
0x54d: {  	s0 =	sadd.s32 s6, s26;
	[tilespmem:s2+$0x5000] =	vst v0  }
0x54e: {  	[hbm4b:s0+s31] =	stream.linear.scatter [tilespmem:s13], [sflag:$0x6], $0x5000, $0x38;
	[tilespmem:$0x14000] =	vst v63  }
0x54f: {  	_ =	swait.ge [sflag:s22], $0x5000  }
0x550: {  	[sflag:s22] =	ssyncset.done $0x0  }
0x551: {  	[sflag:s22] =	ssyncadd.s32 $0xFFFFB000  }
0x552: {  	_ =	swait.ge [sflag:s11], $0x5000  }
0x553: {  	s1 =	sld [smem:$0x7FC];
	_ =	sdelay $0x2  }
0x554: {  	s0 =	rddreg [dreg:$0x10];
	s1 =	sadd.s32 $0x1, s1  }
0x555: {  	p0 =	sne.s32 s1, s0  }
.Ltmp10:
0x556: {  	_ = 	snop;
	(pc) =	sbr.rel @p0 .LBB2_1-.Ltmp10, $3  }
0x557: {  	_ =	sdelay $0x1  }
0x558: {  	[sflag:s11] =	ssyncset.done $0x0  }
0x559: {  	[sflag:s11] =	ssyncadd.s32 $0xFFFFB000  }
0x55a: {  	_ =	sfence.sel $0x180000  }
0x55b: {  	[bflag:$0x0] =	sbarrier.arrive $0xFFFF  }
0x55c: {  	_ =	strace $0x90000047  }
0x55d: {  	s0 =	stileid.u32;
	[bflag:$0x2] =	sbarrier.arrive $0xFFFF  }
0x55e: {  	p0 =	sne.s32 s0, $0x0;
	s0 =	rddreg [dreg:$0x1]  }
0x55f: {  	s0 =	sadd.s32 @!p0 $0x100000, s0  }
0x560: {  	[sflag:s0] =	ssyncadd.tile.s32 @!p0 $0x1;
	_ =	shalt  }
.Lfunc_end2:
_tile_overlayer_lowered:
.L_overlay_start_2:
0x561: {  	(tag) =	ssettag $0x2  }
0x562: {  	s0 =	rddreg [dreg:$0x0];
	s2 =	stileid.u32  }
0x563: {  	s1 =	rddreg [dreg:$0x1];
	p0 =	sne.s32 s2, $0x0  }
0x564: {  	s3 =	rddreg [dreg:$0x2];
	[bflag:$0x3] =	sbarrier.arrive $0xFFFF;
	s2 =	simm.s32 @!p0 $0x1C07  }
0x565: {  	[timem:s3], [sflag:s2] =	dma.local @!p0 [hbm:s0], s1  }
0x566: {  	s0 =	simm.s32 @!p0 $0x7  }
0x567: {  	_ =	swait.ge @!p0 [sflag:s0], s1  }
0x568: {  	s1 =	ssub.s32 @!p0 $0x0, s1;
	[sflag:s0] =	ssyncset.done @!p0 $0x0  }
0x569: {  	[sflag:s0] =	ssyncadd.s32 @!p0 s1  }
0x56a: {  	[bflag:$0x3] =	sbarrier.arrive $0xFFFF  }
0x56b: {  	_ =	shalt  }

</sc_bundles>
